<compile_context>
chip_gen: v7x
topology: tpu7x:2x2x1
jax: 0.10.2.dev20260603
libtpu: 0.0.44.dev20260713+nightly
codegen_flags: <defaults>
</compile_context>

<pallas_src>
import jax
import jax.numpy as jnp
from jax import lax
from jax.experimental import pallas as pl
from jax.experimental.pallas import tpu as pltpu
from jax.experimental.pallas import tpu_sc as plsc

_N = 10000
_D = 128
_H = 256
_C = 40
_E = 320000
_NP = 10240
_K = 128
_NCHT = _E // _K
_WCH = 80
_TCH = _NCHT - 31 * _WCH
_BCH = 40
_BN_EPS = 1e-5
_RPS = _NP // 16


def _sc_mesh():
    return plsc.VectorSubcoreMesh(
        core_axis_name="c", subcore_axis_name="s", num_cores=2, num_subcores=16
    )




def _deg_body(edges_hbm, tail_hbm, zeros_hbm, degs_hbm, acc, didx_all, vones,
              dsem):
    c = lax.axis_index("c")
    s = lax.axis_index("s")
    pltpu.sync_copy(zeros_hbm.at[pl.ds(s * _RPS, _RPS)], acc.at[pl.ds(s * _RPS, _RPS)])
    for i in range(_K // 16):
        vones[pl.ds(i * 16, 16)] = jnp.ones((16,), jnp.float32)
    plsc.subcore_barrier()
    w = c * 16 + s
    base = w * _WCH

    def scatter_ones(g0, g1):
        def fire(g, c2):
            pltpu.async_copy(vones, acc.at[didx_all.at[g]], dsem, add=True)
            return c2

        lax.fori_loop(g0, g1, fire, 0)

        def drain(g, c2):
            pltpu.make_async_copy(vones, acc.at[didx_all.at[g0]], dsem).wait()
            return c2

        lax.fori_loop(g0, g1, drain, 0)

    def batch(bi, carry):
        pltpu.sync_copy(edges_hbm.at[1, pl.ds(base + bi * _BCH, _BCH)], didx_all)
        scatter_ones(0, _BCH)
        return carry

    lax.fori_loop(0, jnp.where(w == 31, 0, _WCH // _BCH), batch, 0)

    @pl.when(w == 31)
    def _tail():
        pltpu.sync_copy(edges_hbm.at[1, pl.ds(base, 16)], didx_all.at[pl.ds(0, 16)])
        scatter_ones(0, 16)
        pltpu.sync_copy(tail_hbm.at[1], didx_all.at[pl.ds(0, 4)])
        scatter_ones(0, 4)

    plsc.subcore_barrier()
    pltpu.sync_copy(acc.at[pl.ds(s * _RPS, _RPS)], degs_hbm.at[c, pl.ds(s * _RPS, _RPS)])


def _run_deg(edges_r, tail_r):
    k = pl.kernel(
        _deg_body,
        out_type=jax.ShapeDtypeStruct((2, _NP), jnp.float32),
        mesh=_sc_mesh(),
        scratch_types=[
            pltpu.VMEM_SHARED((_NP,), jnp.float32),
            pltpu.VMEM((_BCH, _K), jnp.int32),
            pltpu.VMEM((_K,), jnp.float32),
            pltpu.SemaphoreType.DMA,
        ],
    )
    return k(edges_r, tail_r, jnp.zeros((_NP,), jnp.float32))




def _agg_body(hb_hbm, edges_hbm, tail_hbm, out_hbm, acc, sidx_all, didx_all,
              row0, row1, row2, row3, sem0, sem1, sem2, sem3):
    c = lax.axis_index("c")
    s = lax.axis_index("s")
    pltpu.sync_copy(
        hb_hbm.at[pl.ds(s * _RPS, _RPS)], acc.at[pl.ds(s * _RPS, _RPS)]
    )
    plsc.subcore_barrier()
    rows = (row0, row1, row2, row3)
    sems = (sem0, sem1, sem2, sem3)
    w = c * 16 + s
    base = w * _WCH

    def src_at(j):
        return sidx_all.at[j >> 1, pl.ds((j & 1) * 64, 64)]

    def dst_at(j):
        return didx_all.at[j >> 1, pl.ds((j & 1) * 64, 64)]

    def pipe(n):
        for b in range(4):
            pltpu.async_copy(hb_hbm.at[src_at(b)], rows[b], sems[b])

        def body(i, c2):
            for b in range(4):
                j = 4 * i + b
                pltpu.make_async_copy(
                    hb_hbm.at[src_at(j)], rows[b], sems[b]
                ).wait()
                pltpu.sync_copy(rows[b], acc.at[dst_at(j)], add=True)

                @pl.when(j + 4 < n)
                def _issue():
                    pltpu.async_copy(hb_hbm.at[src_at(j + 4)], rows[b], sems[b])

            return c2

        lax.fori_loop(0, n // 4, body, 0)

    def batch(bi, carry):
        cb = base + bi * _BCH
        pltpu.sync_copy(edges_hbm.at[0, pl.ds(cb, _BCH)], sidx_all)
        pltpu.sync_copy(edges_hbm.at[1, pl.ds(cb, _BCH)], didx_all)
        pipe(2 * _BCH)
        return carry

    lax.fori_loop(0, jnp.where(w == 31, 0, _WCH // _BCH), batch, 0)

    @pl.when(w == 31)
    def _tail():
        pltpu.sync_copy(edges_hbm.at[0, pl.ds(base, 16)], sidx_all.at[pl.ds(0, 16)])
        pltpu.sync_copy(edges_hbm.at[1, pl.ds(base, 16)], didx_all.at[pl.ds(0, 16)])
        pipe(32)
        pltpu.sync_copy(tail_hbm.at[0], sidx_all.at[pl.ds(0, 4)])
        pltpu.sync_copy(tail_hbm.at[1], didx_all.at[pl.ds(0, 4)])
        pipe(8)

    plsc.subcore_barrier()
    pltpu.sync_copy(
        acc.at[pl.ds(s * _RPS, _RPS)], out_hbm.at[c, pl.ds(s * _RPS, _RPS)]
    )


def _run_agg(table, edges_r, tail_r):
    k = pl.kernel(
        _agg_body,
        out_type=jax.ShapeDtypeStruct((2, _NP, 128), jnp.float32),
        mesh=_sc_mesh(),
        scratch_types=[
            pltpu.VMEM_SHARED((_NP, 128), jnp.float32),
            pltpu.VMEM((_BCH, _K), jnp.int32),
            pltpu.VMEM((_BCH, _K), jnp.int32),
            pltpu.VMEM((64, 128), jnp.float32),
            pltpu.VMEM((64, 128), jnp.float32),
            pltpu.VMEM((64, 128), jnp.float32),
            pltpu.VMEM((64, 128), jnp.float32),
            pltpu.SemaphoreType.DMA,
            pltpu.SemaphoreType.DMA,
            pltpu.SemaphoreType.DMA,
            pltpu.SemaphoreType.DMA,
        ],
    )
    return k(table, edges_r, tail_r)



_BN = 1024


def _tca_body(x_ref, degs_ref, out_ref, dinv_ref):
    deg = 1.0 + degs_ref[0, :] + degs_ref[1, :]
    dinv = lax.rsqrt(deg)
    out_ref[...] = x_ref[...] * dinv[:, None]
    dinv_ref[...] = dinv[:, None]


def _run_tca(xp, degs):
    return pl.pallas_call(
        _tca_body,
        grid=(_NP // _BN,),
        in_specs=[
            pl.BlockSpec((_BN, _D), lambda i: (i, 0)),
            pl.BlockSpec((2, _BN), lambda i: (0, i)),
        ],
        out_specs=[
            pl.BlockSpec((_BN, _D), lambda i: (i, 0)),
            pl.BlockSpec((_BN, 1), lambda i: (i, 0)),
        ],
        out_shape=[
            jax.ShapeDtypeStruct((_NP, _D), jnp.float32),
            jax.ShapeDtypeStruct((_NP, 1), jnp.float32),
        ],
    )(xp, degs)


def _tcb_body(p_ref, xh_ref, dinv_ref, a_ref, bv_ref, w1_ref, w2_ref, out_ref):
    dinv = dinv_ref[...]
    u = (p_ref[0] + p_ref[1] - xh_ref[...]) * dinv
    h = jnp.dot(u, w1_ref[...], preferred_element_type=jnp.float32)
    h = jnp.maximum(h * a_ref[...] + bv_ref[...], 0.0)
    y = jnp.dot(h, w2_ref[...], preferred_element_type=jnp.float32)
    out_ref[...] = y * dinv


def _run_tcb(p, xhat, dinv, a_r, bv_r, W1, w2p):
    return pl.pallas_call(
        _tcb_body,
        grid=(_NP // _BN,),
        in_specs=[
            pl.BlockSpec((2, _BN, _D), lambda i: (0, i, 0)),
            pl.BlockSpec((_BN, _D), lambda i: (i, 0)),
            pl.BlockSpec((_BN, 1), lambda i: (i, 0)),
            pl.BlockSpec((1, _H), lambda i: (0, 0)),
            pl.BlockSpec((1, _H), lambda i: (0, 0)),
            pl.BlockSpec((_D, _H), lambda i: (0, 0)),
            pl.BlockSpec((_H, 128), lambda i: (0, 0)),
        ],
        out_specs=pl.BlockSpec((_BN, 128), lambda i: (i, 0)),
        out_shape=jax.ShapeDtypeStruct((_NP, 128), jnp.float32),
    )(p, xhat, dinv, a_r, bv_r, W1, w2p)


_BN3 = 2000


def _tcc_body(t_ref, yh_ref, dinv_ref, b2_ref, out_ref):
    dinv = dinv_ref[...]
    t = t_ref[...]
    o = (t[0] + t[1] - yh_ref[...])[:, : _C]
    o = o * dinv + b2_ref[...]
    m = jnp.max(o, axis=1, keepdims=True)
    l = o - m
    lse = jnp.log(jnp.sum(jnp.exp(l), axis=1, keepdims=True))
    out_ref[...] = l - lse


def _run_tcc(q, yhat, dinv, b2_r):
    return pl.pallas_call(
        _tcc_body,
        grid=(_N // _BN3,),
        in_specs=[
            pl.BlockSpec((2, _BN3, 128), lambda i: (0, i, 0)),
            pl.BlockSpec((_BN3, 128), lambda i: (i, 0)),
            pl.BlockSpec((_BN3, 1), lambda i: (i, 0)),
            pl.BlockSpec((1, _C), lambda i: (0, 0)),
        ],
        out_specs=pl.BlockSpec((_BN3, _C), lambda i: (i, 0)),
        out_shape=jax.ShapeDtypeStruct((_N, _C), jnp.float32),
    )(q, yhat, dinv, b2_r)




def kernel(x, edge_index, W1, b1, gamma1, beta1, rm1, rv1, W2, b2):
    edges_r = edge_index.reshape(2, _NCHT, _K)
    tail_r = edge_index[:, (_NCHT - 4) * _K:].reshape(2, 4, _K)
    xp = jnp.concatenate([x, jnp.zeros((_NP - _N, _D), jnp.float32)])

    degs = _run_deg(edges_r, tail_r)

    xhat, dinv = _run_tca(xp, degs)
    p = _run_agg(xhat, edges_r, tail_r)

    a = gamma1 * lax.rsqrt(rv1 + _BN_EPS)
    bv = (b1 - rm1) * a + beta1
    w2p = jnp.pad(W2, ((0, 0), (0, 128 - _C)))
    yhat = _run_tcb(p, xhat, dinv, a.reshape(1, _H), bv.reshape(1, _H), W1, w2p)
    q = _run_agg(yhat, edges_r, tail_r)

    return _run_tcc(q, yhat, dinv, b2.reshape(1, _C))

# --- scband reference (transcript-rebuilt; emitter-appended) ---
"""Pipeline reference for scband-improved-gnnclassifier-7533372637467 (READ-ONLY COPY).

The authoritative reference and input builder live on the scoring server;
editing this copy changes nothing except your own understanding.
"""

import jax, jax.numpy as jnp
import numpy as np

N = 10000
E = 320000
D = 128
H = 256
C = 40
BN_EPS = 1e-5


def setup_inputs(seed: int = 0) -> dict:
    key = jax.random.key(seed)
    ks = jax.random.split(key, 6)
    x = jax.random.normal(ks[0], (N, D), dtype=jnp.float32)
    edge_index = jax.random.randint(ks[1], (2, E), 0, N, dtype=jnp.int32)
    # GCNConv layer 1: linear weight (no bias in lin) + separate bias after aggregation
    W1 = jax.random.normal(ks[2], (D, H), dtype=jnp.float32) * 0.05
    b1 = jnp.zeros((H,), dtype=jnp.float32)
    # BatchNorm1d params (eval mode: running stats at init values)
    gamma1 = jnp.ones((H,), dtype=jnp.float32)
    beta1 = jnp.zeros((H,), dtype=jnp.float32)
    rm1 = jnp.zeros((H,), dtype=jnp.float32)
    rv1 = jnp.ones((H,), dtype=jnp.float32)
    # GCNConv layer 2
    W2 = jax.random.normal(ks[3], (H, C), dtype=jnp.float32) * 0.05
    b2 = jnp.zeros((C,), dtype=jnp.float32)
    return {"x": x, "edge_index": edge_index, "W1": W1, "b1": b1,
            "gamma1": gamma1, "beta1": beta1, "rm1": rm1, "rv1": rv1,
            "W2": W2, "b2": b2}


def _gcn_conv(x, src, dst, W, b):
    # PyG GCNConv: add self-loops, symmetric normalization, sum aggregation
    h = x @ W
    loop = jnp.arange(N, dtype=src.dtype)
    s = jnp.concatenate([src, loop])
    d = jnp.concatenate([dst, loop])
    deg = jnp.zeros((N,), dtype=h.dtype).at[d].add(1.0)
    dinv = jnp.where(deg > 0, 1.0 / jnp.sqrt(deg), 0.0)
    norm = dinv[s] * dinv[d]
    msg = h[s] * norm[:, None]
    out = jnp.zeros((N, h.shape[1]), dtype=h.dtype).at[d].add(msg)
    return out + b


def reference(x, edge_index, W1, b1, gamma1, beta1, rm1, rv1, W2, b2):
    src, dst = edge_index[0], edge_index[1]
    # layer 1: GCNConv -> BatchNorm (eval) -> relu -> dropout (no-op in eval)
    h = _gcn_conv(x, src, dst, W1, b1)
    h = (h - rm1) / jnp.sqrt(rv1 + BN_EPS) * gamma1 + beta1
    h = jax.nn.relu(h)
    # layer 2 (output layer)
    out = _gcn_conv(h, src, dst, W2, b2)
    return jax.nn.log_softmax(out, axis=1)

if __name__ == "__main__":
    import jax
    _d = setup_inputs()
    print(jax.jit(kernel)(*tuple(_d.values())))

</pallas_src>

<mosaic_0001>
#map = affine_map<(d0, d1) -> (0, 0)>
#map1 = affine_map<(d0, d1) -> (0, 0, 0)>
module attributes {stable_mosaic.version = 14 : i64} {
  func.func @_agg_body(%arg0: i32, %arg1: i32, %arg2: memref<10240x128xf32, #tpu.memory_space<hbm>>, %arg3: memref<2x2500x128xi32, #tpu.memory_space<hbm>>, %arg4: memref<2x4x128xi32, #tpu.memory_space<hbm>>, %arg5: memref<2x10240x128xf32, #tpu.memory_space<hbm>>, %arg6: memref<10240x128xf32, #tpu.memory_space<vmem_shared>>, %arg7: memref<40x128xi32, #tpu.memory_space<vmem>>, %arg8: memref<40x128xi32, #tpu.memory_space<vmem>>, %arg9: memref<64x128xf32, #tpu.memory_space<vmem>>, %arg10: memref<64x128xf32, #tpu.memory_space<vmem>>, %arg11: memref<64x128xf32, #tpu.memory_space<vmem>>, %arg12: memref<64x128xf32, #tpu.memory_space<vmem>>, %arg13: memref<!tpu.dma_semaphore, #tpu.memory_space<semaphore_mem>>, %arg14: memref<!tpu.dma_semaphore, #tpu.memory_space<semaphore_mem>>, %arg15: memref<!tpu.dma_semaphore, #tpu.memory_space<semaphore_mem>>, %arg16: memref<!tpu.dma_semaphore, #tpu.memory_space<semaphore_mem>>) attributes {dimension_semantics = [#tpu.dimension_semantics<core_parallel>, #tpu.dimension_semantics<subcore_parallel>], iteration_bounds = array<i64: 2, 16>, scalar_prefetch = 0 : i64, scratch_operands = 11 : i64, tpu.core_type = #tpu.core_type<sc_vector_subcore>, window_params = [{transform_indices = #map}, {transform_indices = #map1}, {transform_indices = #map1}, {transform_indices = #map1}]} {
    %mul3A = arith.constant 640 : i32
    %mul3A_0 = arith.muli %arg1, %mul3A : i32
    %mul3A_1 = arith.constant 640 : i32
    %mul3A_2 = arith.muli %arg1, %mul3A_1 : i32
    "tpu.region"() ({
      %run_scoped3A = tpu.sem_alloc : memref<!tpu.dma_semaphore, #tpu.memory_space<semaphore_mem>>
      %dma_start3A = arith.constant 0 : i32
      %dma_start3A_26 = tpu.memref_slice %arg6[%mul3A_2, %dma_start3A] : memref<10240x128xf32, #tpu.memory_space<vmem_shared>> -> memref<640x128xf32, #tpu.memory_space<vmem_shared>>
      %dma_start3A_27 = arith.constant 0 : i32
      %dma_start3A_28 = tpu.memref_slice %arg2[%mul3A_0, %dma_start3A_27] : memref<10240x128xf32, #tpu.memory_space<hbm>> -> memref<640x128xf32, #tpu.memory_space<hbm>>
      tpu.enqueue_dma source(%dma_start3A_28 : memref<640x128xf32, #tpu.memory_space<hbm>>) target(%dma_start3A_26 : memref<640x128xf32, #tpu.memory_space<vmem_shared>>) target_semaphore(%run_scoped3A : memref<!tpu.dma_semaphore, #tpu.memory_space<semaphore_mem>>)
      %dma_wait3A = arith.constant 0 : i32
      %dma_wait3A_29 = tpu.memref_slice %arg6[%mul3A_2, %dma_wait3A] : memref<10240x128xf32, #tpu.memory_space<vmem_shared>> -> memref<640x128xf32, #tpu.memory_space<vmem_shared>>
      %dma_wait3A_30 = arith.constant 0 : i32
      %dma_wait3A_31 = tpu.memref_slice %arg2[%mul3A_0, %dma_wait3A_30] : memref<10240x128xf32, #tpu.memory_space<hbm>> -> memref<640x128xf32, #tpu.memory_space<hbm>>
      tpu.wait_dma2 semaphore(%run_scoped3A : memref<!tpu.dma_semaphore, #tpu.memory_space<semaphore_mem>>) src(%dma_wait3A_31 : memref<640x128xf32, #tpu.memory_space<hbm>>) dst(%dma_wait3A_29 : memref<640x128xf32, #tpu.memory_space<vmem_shared>>)
      tpu.yield
    }) : () -> ()
    %barrier3A = arith.constant 0 : index
    tpu.barrier barrier_id(%barrier3A)
    %mul3A_3 = arith.constant 16 : i32
    %mul3A_4 = arith.muli %arg0, %mul3A_3 : i32
    %add3A = arith.addi %mul3A_4, %arg1 : i32
    %mul3A_5 = arith.constant 80 : i32
    %mul3A_6 = arith.muli %add3A, %mul3A_5 : i32
    %eq3A = arith.constant 31 : i32
    %eq3A_7 = arith.cmpi eq, %add3A, %eq3A : i32
    %jit3A = arith.constant 0 : i32
    %jit3A_8 = arith.constant 2 : i32
    %select_n3A = arith.select %eq3A_7, %jit3A, %jit3A_8 : i32
    %while3A = arith.constant 0 : i32
    %while3A_9 = arith.constant 0 : i32
    %while3A_10 = arith.subi %select_n3A, %while3A_9 : i32
    %while3A_11 = arith.addi %while3A_9, %while3A_10 : i32
    %while3A_12 = arith.constant 1 : i32
    %while3A_13 = arith.divsi %while3A_10, %while3A_12 : i32
    %while3A_14 = arith.muli %while3A_13, %while3A_12 : i32
    %while3A_15 = arith.addi %while3A_9, %while3A_14 : i32
    %while3A_16 = arith.constant 1 : i32
    scf.for %while3A_26 = %while3A_9 to %while3A_15 step %while3A_16  : i32 {
      %mul3A_27 = arith.constant 40 : i32
      %mul3A_28 = arith.muli %while3A_26, %mul3A_27 : i32
      %add3A_29 = arith.addi %mul3A_6, %mul3A_28 : i32
      %run_scoped3A = arith.constant 0 : i32
      "tpu.region"() ({
        %run_scoped3A_63 = tpu.sem_alloc : memref<!tpu.dma_semaphore, #tpu.memory_space<semaphore_mem>>
        %dma_start3A_64 = arith.constant 0 : i32
        %dma_start3A_65 = tpu.memref_slice %arg3[%run_scoped3A, %add3A_29, %dma_start3A_64] : memref<2x2500x128xi32, #tpu.memory_space<hbm>> -> memref<1x40x128xi32, #tpu.memory_space<hbm>>
        %dma_start3A_66 = tpu.memref_squeeze %dma_start3A_65 : memref<1x40x128xi32, #tpu.memory_space<hbm>> -> memref<40x128xi32, #tpu.memory_space<hbm>>
        %dma_start3A_67 = arith.constant 0 : i32
        %dma_start3A_68 = tpu.memref_slice %arg3[%run_scoped3A, %add3A_29, %dma_start3A_67] : memref<2x2500x128xi32, #tpu.memory_space<hbm>> -> memref<1x40x128xi32, #tpu.memory_space<hbm>>
        %dma_start3A_69 = tpu.memref_squeeze %dma_start3A_68 : memref<1x40x128xi32, #tpu.memory_space<hbm>> -> memref<40x128xi32, #tpu.memory_space<hbm>>
        tpu.enqueue_dma source(%dma_start3A_69 : memref<40x128xi32, #tpu.memory_space<hbm>>) target(%arg7 : memref<40x128xi32, #tpu.memory_space<vmem>>) target_semaphore(%run_scoped3A_63 : memref<!tpu.dma_semaphore, #tpu.memory_space<semaphore_mem>>)
        %dma_wait3A = arith.constant 0 : i32
        %dma_wait3A_70 = tpu.memref_slice %arg3[%run_scoped3A, %add3A_29, %dma_wait3A] : memref<2x2500x128xi32, #tpu.memory_space<hbm>> -> memref<1x40x128xi32, #tpu.memory_space<hbm>>
        %dma_wait3A_71 = tpu.memref_squeeze %dma_wait3A_70 : memref<1x40x128xi32, #tpu.memory_space<hbm>> -> memref<40x128xi32, #tpu.memory_space<hbm>>
        %dma_wait3A_72 = arith.constant 0 : i32
        %dma_wait3A_73 = tpu.memref_slice %arg3[%run_scoped3A, %add3A_29, %dma_wait3A_72] : memref<2x2500x128xi32, #tpu.memory_space<hbm>> -> memref<1x40x128xi32, #tpu.memory_space<hbm>>
        %dma_wait3A_74 = tpu.memref_squeeze %dma_wait3A_73 : memref<1x40x128xi32, #tpu.memory_space<hbm>> -> memref<40x128xi32, #tpu.memory_space<hbm>>
        tpu.wait_dma2 semaphore(%run_scoped3A_63 : memref<!tpu.dma_semaphore, #tpu.memory_space<semaphore_mem>>) src(%dma_wait3A_74 : memref<40x128xi32, #tpu.memory_space<hbm>>) dst(%arg7 : memref<40x128xi32, #tpu.memory_space<vmem>>)
        tpu.yield
      }) : () -> ()
      %run_scoped3A_30 = arith.constant 1 : i32
      "tpu.region"() ({
        %run_scoped3A_63 = tpu.sem_alloc : memref<!tpu.dma_semaphore, #tpu.memory_space<semaphore_mem>>
        %dma_start3A_64 = arith.constant 0 : i32
        %dma_start3A_65 = tpu.memref_slice %arg3[%run_scoped3A_30, %add3A_29, %dma_start3A_64] : memref<2x2500x128xi32, #tpu.memory_space<hbm>> -> memref<1x40x128xi32, #tpu.memory_space<hbm>>
        %dma_start3A_66 = tpu.memref_squeeze %dma_start3A_65 : memref<1x40x128xi32, #tpu.memory_space<hbm>> -> memref<40x128xi32, #tpu.memory_space<hbm>>
        %dma_start3A_67 = arith.constant 0 : i32
        %dma_start3A_68 = tpu.memref_slice %arg3[%run_scoped3A_30, %add3A_29, %dma_start3A_67] : memref<2x2500x128xi32, #tpu.memory_space<hbm>> -> memref<1x40x128xi32, #tpu.memory_space<hbm>>
        %dma_start3A_69 = tpu.memref_squeeze %dma_start3A_68 : memref<1x40x128xi32, #tpu.memory_space<hbm>> -> memref<40x128xi32, #tpu.memory_space<hbm>>
        tpu.enqueue_dma source(%dma_start3A_69 : memref<40x128xi32, #tpu.memory_space<hbm>>) target(%arg8 : memref<40x128xi32, #tpu.memory_space<vmem>>) target_semaphore(%run_scoped3A_63 : memref<!tpu.dma_semaphore, #tpu.memory_space<semaphore_mem>>)
        %dma_wait3A = arith.constant 0 : i32
        %dma_wait3A_70 = tpu.memref_slice %arg3[%run_scoped3A_30, %add3A_29, %dma_wait3A] : memref<2x2500x128xi32, #tpu.memory_space<hbm>> -> memref<1x40x128xi32, #tpu.memory_space<hbm>>
        %dma_wait3A_71 = tpu.memref_squeeze %dma_wait3A_70 : memref<1x40x128xi32, #tpu.memory_space<hbm>> -> memref<40x128xi32, #tpu.memory_space<hbm>>
        %dma_wait3A_72 = arith.constant 0 : i32
        %dma_wait3A_73 = tpu.memref_slice %arg3[%run_scoped3A_30, %add3A_29, %dma_wait3A_72] : memref<2x2500x128xi32, #tpu.memory_space<hbm>> -> memref<1x40x128xi32, #tpu.memory_space<hbm>>
        %dma_wait3A_74 = tpu.memref_squeeze %dma_wait3A_73 : memref<1x40x128xi32, #tpu.memory_space<hbm>> -> memref<40x128xi32, #tpu.memory_space<hbm>>
        tpu.wait_dma2 semaphore(%run_scoped3A_63 : memref<!tpu.dma_semaphore, #tpu.memory_space<semaphore_mem>>) src(%dma_wait3A_74 : memref<40x128xi32, #tpu.memory_space<hbm>>) dst(%arg8 : memref<40x128xi32, #tpu.memory_space<vmem>>)
        tpu.yield
      }) : () -> ()
      %dma_start3A = arith.constant 0 : i32
      %dma_start3A_31 = arith.constant 0 : i32
      %dma_start3A_32 = tpu.memref_slice %arg7[%dma_start3A, %dma_start3A_31] : memref<40x128xi32, #tpu.memory_space<vmem>> -> memref<1x64xi32, #tpu.memory_space<vmem>>
      %dma_start3A_33 = tpu.memref_squeeze %dma_start3A_32 : memref<1x64xi32, #tpu.memory_space<vmem>> -> memref<64xi32, #tpu.memory_space<vmem>>
      %dma_start3A_34 = arith.constant 0 : i32
      %dma_start3A_35 = arith.constant 0 : i32
      %dma_start3A_36 = tpu.memref_slice %arg2[%dma_start3A_34, %dma_start3A_35] : memref<10240x128xf32, #tpu.memory_space<hbm>> -> memref<10240x128xf32, #tpu.memory_space<hbm>>
      tpu.enqueue_indirect_dma source(%dma_start3A_36 : memref<10240x128xf32, #tpu.memory_space<hbm>>) target(%arg9 : memref<64x128xf32, #tpu.memory_space<vmem>>) offsets(%dma_start3A_33 : memref<64xi32, #tpu.memory_space<vmem>>) semaphore(%arg13 : memref<!tpu.dma_semaphore, #tpu.memory_space<semaphore_mem>>)
      %dma_start3A_37 = arith.constant 0 : i32
      %dma_start3A_38 = arith.constant 64 : i32
      %dma_start3A_39 = tpu.memref_slice %arg7[%dma_start3A_37, %dma_start3A_38] : memref<40x128xi32, #tpu.memory_space<vmem>> -> memref<1x64xi32, #tpu.memory_space<vmem>>
      %dma_start3A_40 = tpu.memref_squeeze %dma_start3A_39 : memref<1x64xi32, #tpu.memory_space<vmem>> -> memref<64xi32, #tpu.memory_space<vmem>>
      %dma_start3A_41 = arith.constant 0 : i32
      %dma_start3A_42 = arith.constant 0 : i32
      %dma_start3A_43 = tpu.memref_slice %arg2[%dma_start3A_41, %dma_start3A_42] : memref<10240x128xf32, #tpu.memory_space<hbm>> -> memref<10240x128xf32, #tpu.memory_space<hbm>>
      tpu.enqueue_indirect_dma source(%dma_start3A_43 : memref<10240x128xf32, #tpu.memory_space<hbm>>) target(%arg10 : memref<64x128xf32, #tpu.memory_space<vmem>>) offsets(%dma_start3A_40 : memref<64xi32, #tpu.memory_space<vmem>>) semaphore(%arg14 : memref<!tpu.dma_semaphore, #tpu.memory_space<semaphore_mem>>)
      %dma_start3A_44 = arith.constant 1 : i32
      %dma_start3A_45 = arith.constant 0 : i32
      %dma_start3A_46 = tpu.memref_slice %arg7[%dma_start3A_44, %dma_start3A_45] : memref<40x128xi32, #tpu.memory_space<vmem>> -> memref<1x64xi32, #tpu.memory_space<vmem>>
      %dma_start3A_47 = tpu.memref_squeeze %dma_start3A_46 : memref<1x64xi32, #tpu.memory_space<vmem>> -> memref<64xi32, #tpu.memory_space<vmem>>
      %dma_start3A_48 = arith.constant 0 : i32
      %dma_start3A_49 = arith.constant 0 : i32
      %dma_start3A_50 = tpu.memref_slice %arg2[%dma_start3A_48, %dma_start3A_49] : memref<10240x128xf32, #tpu.memory_space<hbm>> -> memref<10240x128xf32, #tpu.memory_space<hbm>>
      tpu.enqueue_indirect_dma source(%dma_start3A_50 : memref<10240x128xf32, #tpu.memory_space<hbm>>) target(%arg11 : memref<64x128xf32, #tpu.memory_space<vmem>>) offsets(%dma_start3A_47 : memref<64xi32, #tpu.memory_space<vmem>>) semaphore(%arg15 : memref<!tpu.dma_semaphore, #tpu.memory_space<semaphore_mem>>)
      %dma_start3A_51 = arith.constant 1 : i32
      %dma_start3A_52 = arith.constant 64 : i32
      %dma_start3A_53 = tpu.memref_slice %arg7[%dma_start3A_51, %dma_start3A_52] : memref<40x128xi32, #tpu.memory_space<vmem>> -> memref<1x64xi32, #tpu.memory_space<vmem>>
      %dma_start3A_54 = tpu.memref_squeeze %dma_start3A_53 : memref<1x64xi32, #tpu.memory_space<vmem>> -> memref<64xi32, #tpu.memory_space<vmem>>
      %dma_start3A_55 = arith.constant 0 : i32
      %dma_start3A_56 = arith.constant 0 : i32
      %dma_start3A_57 = tpu.memref_slice %arg2[%dma_start3A_55, %dma_start3A_56] : memref<10240x128xf32, #tpu.memory_space<hbm>> -> memref<10240x128xf32, #tpu.memory_space<hbm>>
      tpu.enqueue_indirect_dma source(%dma_start3A_57 : memref<10240x128xf32, #tpu.memory_space<hbm>>) target(%arg12 : memref<64x128xf32, #tpu.memory_space<vmem>>) offsets(%dma_start3A_54 : memref<64xi32, #tpu.memory_space<vmem>>) semaphore(%arg16 : memref<!tpu.dma_semaphore, #tpu.memory_space<semaphore_mem>>)
      %scan3A = arith.constant 0 : i32
      %scan3A_58 = arith.constant 0 : i32
      %scan3A_59 = arith.constant 20 : i32
      %scan3A_60 = arith.addi %scan3A_58, %scan3A_59 : i32
      %scan3A_61 = arith.constant 1 : i32
      scf.for %scan3A_63 = %scan3A_58 to %scan3A_60 step %scan3A_61  : i32 {
        %mul3A_64 = arith.constant 4 : i32
        %mul3A_65 = arith.muli %mul3A_64, %scan3A_63 : i32
        %add3A_66 = arith.constant 0 : i32
        %add3A_67 = arith.addi %mul3A_65, %add3A_66 : i32
        %shift_right_arithmetic3A = arith.constant 1 : i32
        %shift_right_arithmetic3A_68 = arith.shrsi %add3A_67, %shift_right_arithmetic3A : i32
        %and3A = arith.constant 1 : i32
        %and3A_69 = arith.andi %add3A_67, %and3A : i32
        %mul3A_70 = arith.constant 64 : i32
        %mul3A_71 = arith.muli %and3A_69, %mul3A_70 : i32
        %dma_wait3A = tpu.memref_slice %arg7[%shift_right_arithmetic3A_68, %mul3A_71] : memref<40x128xi32, #tpu.memory_space<vmem>> -> memref<1x64xi32, #tpu.memory_space<vmem>>
        %dma_wait3A_72 = tpu.memref_squeeze %dma_wait3A : memref<1x64xi32, #tpu.memory_space<vmem>> -> memref<64xi32, #tpu.memory_space<vmem>>
        %dma_wait3A_73 = arith.constant 0 : i32
        %dma_wait3A_74 = arith.constant 0 : i32
        %dma_wait3A_75 = tpu.memref_slice %arg2[%dma_wait3A_73, %dma_wait3A_74] : memref<10240x128xf32, #tpu.memory_space<hbm>> -> memref<10240x128xf32, #tpu.memory_space<hbm>>
        tpu.wait_indirect_dma semaphore(%arg13 : memref<!tpu.dma_semaphore, #tpu.memory_space<semaphore_mem>>) src(%dma_wait3A_75 : memref<10240x128xf32, #tpu.memory_space<hbm>>) dst(%arg9 : memref<64x128xf32, #tpu.memory_space<vmem>>)
        %shift_right_arithmetic3A_76 = arith.constant 1 : i32
        %shift_right_arithmetic3A_77 = arith.shrsi %add3A_67, %shift_right_arithmetic3A_76 : i32
        %and3A_78 = arith.constant 1 : i32
        %and3A_79 = arith.andi %add3A_67, %and3A_78 : i32
        %mul3A_80 = arith.constant 64 : i32
        %mul3A_81 = arith.muli %and3A_79, %mul3A_80 : i32
        "tpu.region"() ({
          %run_scoped3A_172 = tpu.sem_alloc : memref<!tpu.dma_semaphore, #tpu.memory_space<semaphore_mem>>
          %dma_start3A_173 = tpu.memref_slice %arg8[%shift_right_arithmetic3A_77, %mul3A_81] : memref<40x128xi32, #tpu.memory_space<vmem>> -> memref<1x64xi32, #tpu.memory_space<vmem>>
          %dma_start3A_174 = tpu.memref_squeeze %dma_start3A_173 : memref<1x64xi32, #tpu.memory_space<vmem>> -> memref<64xi32, #tpu.memory_space<vmem>>
          %dma_start3A_175 = arith.constant 0 : i32
          %dma_start3A_176 = arith.constant 0 : i32
          %dma_start3A_177 = tpu.memref_slice %arg6[%dma_start3A_175, %dma_start3A_176] : memref<10240x128xf32, #tpu.memory_space<vmem_shared>> -> memref<10240x128xf32, #tpu.memory_space<vmem_shared>>
          tpu.enqueue_indirect_dma source(%arg9 : memref<64x128xf32, #tpu.memory_space<vmem>>) target(%dma_start3A_177 : memref<10240x128xf32, #tpu.memory_space<vmem_shared>>) offsets(%dma_start3A_174 : memref<64xi32, #tpu.memory_space<vmem>>) semaphore(%run_scoped3A_172 : memref<!tpu.dma_semaphore, #tpu.memory_space<semaphore_mem>>) {add = true}
          %dma_wait3A_178 = tpu.memref_slice %arg8[%shift_right_arithmetic3A_77, %mul3A_81] : memref<40x128xi32, #tpu.memory_space<vmem>> -> memref<1x64xi32, #tpu.memory_space<vmem>>
          %dma_wait3A_179 = tpu.memref_squeeze %dma_wait3A_178 : memref<1x64xi32, #tpu.memory_space<vmem>> -> memref<64xi32, #tpu.memory_space<vmem>>
          %dma_wait3A_180 = arith.constant 0 : i32
          %dma_wait3A_181 = arith.constant 0 : i32
          %dma_wait3A_182 = tpu.memref_slice %arg6[%dma_wait3A_180, %dma_wait3A_181] : memref<10240x128xf32, #tpu.memory_space<vmem_shared>> -> memref<10240x128xf32, #tpu.memory_space<vmem_shared>>
          tpu.wait_indirect_dma semaphore(%run_scoped3A_172 : memref<!tpu.dma_semaphore, #tpu.memory_space<semaphore_mem>>) src(%arg9 : memref<64x128xf32, #tpu.memory_space<vmem>>) dst(%dma_wait3A_182 : memref<10240x128xf32, #tpu.memory_space<vmem_shared>>)
          tpu.yield
        }) : () -> ()
        %add3A_82 = arith.constant 4 : i32
        %add3A_83 = arith.addi %add3A_67, %add3A_82 : i32
        %lt3A = arith.constant 80 : i32
        %lt3A_84 = arith.cmpi slt, %add3A_83, %lt3A : i32
        %convert_element_type3A_85 = arith.extui %lt3A_84 : i1 to i32
        %cond3A_86 = arith.constant 0 : i32
        %cond3A_87 = arith.cmpi ne, %convert_element_type3A_85, %cond3A_86 : i32
        scf.if %cond3A_87 {
          %add3A_172 = arith.constant 4 : i32
          %add3A_173 = arith.addi %add3A_67, %add3A_172 : i32
          %shift_right_arithmetic3A_174 = arith.constant 1 : i32
          %shift_right_arithmetic3A_175 = arith.shrsi %add3A_173, %shift_right_arithmetic3A_174 : i32
          %and3A_176 = arith.constant 1 : i32
          %and3A_177 = arith.andi %add3A_173, %and3A_176 : i32
          %mul3A_178 = arith.constant 64 : i32
          %mul3A_179 = arith.muli %and3A_177, %mul3A_178 : i32
          %dma_start3A_180 = tpu.memref_slice %arg7[%shift_right_arithmetic3A_175, %mul3A_179] : memref<40x128xi32, #tpu.memory_space<vmem>> -> memref<1x64xi32, #tpu.memory_space<vmem>>
          %dma_start3A_181 = tpu.memref_squeeze %dma_start3A_180 : memref<1x64xi32, #tpu.memory_space<vmem>> -> memref<64xi32, #tpu.memory_space<vmem>>
          %dma_start3A_182 = arith.constant 0 : i32
          %dma_start3A_183 = arith.constant 0 : i32
          %dma_start3A_184 = tpu.memref_slice %arg2[%dma_start3A_182, %dma_start3A_183] : memref<10240x128xf32, #tpu.memory_space<hbm>> -> memref<10240x128xf32, #tpu.memory_space<hbm>>
          tpu.enqueue_indirect_dma source(%dma_start3A_184 : memref<10240x128xf32, #tpu.memory_space<hbm>>) target(%arg9 : memref<64x128xf32, #tpu.memory_space<vmem>>) offsets(%dma_start3A_181 : memref<64xi32, #tpu.memory_space<vmem>>) semaphore(%arg13 : memref<!tpu.dma_semaphore, #tpu.memory_space<semaphore_mem>>)
        } else {
        }
        %mul3A_88 = arith.constant 4 : i32
        %mul3A_89 = arith.muli %mul3A_88, %scan3A_63 : i32
        %add3A_90 = arith.constant 1 : i32
        %add3A_91 = arith.addi %mul3A_89, %add3A_90 : i32
        %shift_right_arithmetic3A_92 = arith.constant 1 : i32
        %shift_right_arithmetic3A_93 = arith.shrsi %add3A_91, %shift_right_arithmetic3A_92 : i32
        %and3A_94 = arith.constant 1 : i32
        %and3A_95 = arith.andi %add3A_91, %and3A_94 : i32
        %mul3A_96 = arith.constant 64 : i32
        %mul3A_97 = arith.muli %and3A_95, %mul3A_96 : i32
        %dma_wait3A_98 = tpu.memref_slice %arg7[%shift_right_arithmetic3A_93, %mul3A_97] : memref<40x128xi32, #tpu.memory_space<vmem>> -> memref<1x64xi32, #tpu.memory_space<vmem>>
        %dma_wait3A_99 = tpu.memref_squeeze %dma_wait3A_98 : memref<1x64xi32, #tpu.memory_space<vmem>> -> memref<64xi32, #tpu.memory_space<vmem>>
        %dma_wait3A_100 = arith.constant 0 : i32
        %dma_wait3A_101 = arith.constant 0 : i32
        %dma_wait3A_102 = tpu.memref_slice %arg2[%dma_wait3A_100, %dma_wait3A_101] : memref<10240x128xf32, #tpu.memory_space<hbm>> -> memref<10240x128xf32, #tpu.memory_space<hbm>>
        tpu.wait_indirect_dma semaphore(%arg14 : memref<!tpu.dma_semaphore, #tpu.memory_space<semaphore_mem>>) src(%dma_wait3A_102 : memref<10240x128xf32, #tpu.memory_space<hbm>>) dst(%arg10 : memref<64x128xf32, #tpu.memory_space<vmem>>)
        %shift_right_arithmetic3A_103 = arith.constant 1 : i32
        %shift_right_arithmetic3A_104 = arith.shrsi %add3A_91, %shift_right_arithmetic3A_103 : i32
        %and3A_105 = arith.constant 1 : i32
        %and3A_106 = arith.andi %add3A_91, %and3A_105 : i32
        %mul3A_107 = arith.constant 64 : i32
        %mul3A_108 = arith.muli %and3A_106, %mul3A_107 : i32
        "tpu.region"() ({
          %run_scoped3A_172 = tpu.sem_alloc : memref<!tpu.dma_semaphore, #tpu.memory_space<semaphore_mem>>
          %dma_start3A_173 = tpu.memref_slice %arg8[%shift_right_arithmetic3A_104, %mul3A_108] : memref<40x128xi32, #tpu.memory_space<vmem>> -> memref<1x64xi32, #tpu.memory_space<vmem>>
          %dma_start3A_174 = tpu.memref_squeeze %dma_start3A_173 : memref<1x64xi32, #tpu.memory_space<vmem>> -> memref<64xi32, #tpu.memory_space<vmem>>
          %dma_start3A_175 = arith.constant 0 : i32
          %dma_start3A_176 = arith.constant 0 : i32
          %dma_start3A_177 = tpu.memref_slice %arg6[%dma_start3A_175, %dma_start3A_176] : memref<10240x128xf32, #tpu.memory_space<vmem_shared>> -> memref<10240x128xf32, #tpu.memory_space<vmem_shared>>
          tpu.enqueue_indirect_dma source(%arg10 : memref<64x128xf32, #tpu.memory_space<vmem>>) target(%dma_start3A_177 : memref<10240x128xf32, #tpu.memory_space<vmem_shared>>) offsets(%dma_start3A_174 : memref<64xi32, #tpu.memory_space<vmem>>) semaphore(%run_scoped3A_172 : memref<!tpu.dma_semaphore, #tpu.memory_space<semaphore_mem>>) {add = true}
          %dma_wait3A_178 = tpu.memref_slice %arg8[%shift_right_arithmetic3A_104, %mul3A_108] : memref<40x128xi32, #tpu.memory_space<vmem>> -> memref<1x64xi32, #tpu.memory_space<vmem>>
          %dma_wait3A_179 = tpu.memref_squeeze %dma_wait3A_178 : memref<1x64xi32, #tpu.memory_space<vmem>> -> memref<64xi32, #tpu.memory_space<vmem>>
          %dma_wait3A_180 = arith.constant 0 : i32
          %dma_wait3A_181 = arith.constant 0 : i32
          %dma_wait3A_182 = tpu.memref_slice %arg6[%dma_wait3A_180, %dma_wait3A_181] : memref<10240x128xf32, #tpu.memory_space<vmem_shared>> -> memref<10240x128xf32, #tpu.memory_space<vmem_shared>>
          tpu.wait_indirect_dma semaphore(%run_scoped3A_172 : memref<!tpu.dma_semaphore, #tpu.memory_space<semaphore_mem>>) src(%arg10 : memref<64x128xf32, #tpu.memory_space<vmem>>) dst(%dma_wait3A_182 : memref<10240x128xf32, #tpu.memory_space<vmem_shared>>)
          tpu.yield
        }) : () -> ()
        %add3A_109 = arith.constant 4 : i32
        %add3A_110 = arith.addi %add3A_91, %add3A_109 : i32
        %lt3A_111 = arith.constant 80 : i32
        %lt3A_112 = arith.cmpi slt, %add3A_110, %lt3A_111 : i32
        %convert_element_type3A_113 = arith.extui %lt3A_112 : i1 to i32
        %cond3A_114 = arith.constant 0 : i32
        %cond3A_115 = arith.cmpi ne, %convert_element_type3A_113, %cond3A_114 : i32
        scf.if %cond3A_115 {
          %add3A_172 = arith.constant 4 : i32
          %add3A_173 = arith.addi %add3A_91, %add3A_172 : i32
          %shift_right_arithmetic3A_174 = arith.constant 1 : i32
          %shift_right_arithmetic3A_175 = arith.shrsi %add3A_173, %shift_right_arithmetic3A_174 : i32
          %and3A_176 = arith.constant 1 : i32
          %and3A_177 = arith.andi %add3A_173, %and3A_176 : i32
          %mul3A_178 = arith.constant 64 : i32
          %mul3A_179 = arith.muli %and3A_177, %mul3A_178 : i32
          %dma_start3A_180 = tpu.memref_slice %arg7[%shift_right_arithmetic3A_175, %mul3A_179] : memref<40x128xi32, #tpu.memory_space<vmem>> -> memref<1x64xi32, #tpu.memory_space<vmem>>
          %dma_start3A_181 = tpu.memref_squeeze %dma_start3A_180 : memref<1x64xi32, #tpu.memory_space<vmem>> -> memref<64xi32, #tpu.memory_space<vmem>>
          %dma_start3A_182 = arith.constant 0 : i32
          %dma_start3A_183 = arith.constant 0 : i32
          %dma_start3A_184 = tpu.memref_slice %arg2[%dma_start3A_182, %dma_start3A_183] : memref<10240x128xf32, #tpu.memory_space<hbm>> -> memref<10240x128xf32, #tpu.memory_space<hbm>>
          tpu.enqueue_indirect_dma source(%dma_start3A_184 : memref<10240x128xf32, #tpu.memory_space<hbm>>) target(%arg10 : memref<64x128xf32, #tpu.memory_space<vmem>>) offsets(%dma_start3A_181 : memref<64xi32, #tpu.memory_space<vmem>>) semaphore(%arg14 : memref<!tpu.dma_semaphore, #tpu.memory_space<semaphore_mem>>)
        } else {
        }
        %mul3A_116 = arith.constant 4 : i32
        %mul3A_117 = arith.muli %mul3A_116, %scan3A_63 : i32
        %add3A_118 = arith.constant 2 : i32
        %add3A_119 = arith.addi %mul3A_117, %add3A_118 : i32
        %shift_right_arithmetic3A_120 = arith.constant 1 : i32
        %shift_right_arithmetic3A_121 = arith.shrsi %add3A_119, %shift_right_arithmetic3A_120 : i32
        %and3A_122 = arith.constant 1 : i32
        %and3A_123 = arith.andi %add3A_119, %and3A_122 : i32
        %mul3A_124 = arith.constant 64 : i32
        %mul3A_125 = arith.muli %and3A_123, %mul3A_124 : i32
        %dma_wait3A_126 = tpu.memref_slice %arg7[%shift_right_arithmetic3A_121, %mul3A_125] : memref<40x128xi32, #tpu.memory_space<vmem>> -> memref<1x64xi32, #tpu.memory_space<vmem>>
        %dma_wait3A_127 = tpu.memref_squeeze %dma_wait3A_126 : memref<1x64xi32, #tpu.memory_space<vmem>> -> memref<64xi32, #tpu.memory_space<vmem>>
        %dma_wait3A_128 = arith.constant 0 : i32
        %dma_wait3A_129 = arith.constant 0 : i32
        %dma_wait3A_130 = tpu.memref_slice %arg2[%dma_wait3A_128, %dma_wait3A_129] : memref<10240x128xf32, #tpu.memory_space<hbm>> -> memref<10240x128xf32, #tpu.memory_space<hbm>>
        tpu.wait_indirect_dma semaphore(%arg15 : memref<!tpu.dma_semaphore, #tpu.memory_space<semaphore_mem>>) src(%dma_wait3A_130 : memref<10240x128xf32, #tpu.memory_space<hbm>>) dst(%arg11 : memref<64x128xf32, #tpu.memory_space<vmem>>)
        %shift_right_arithmetic3A_131 = arith.constant 1 : i32
        %shift_right_arithmetic3A_132 = arith.shrsi %add3A_119, %shift_right_arithmetic3A_131 : i32
        %and3A_133 = arith.constant 1 : i32
        %and3A_134 = arith.andi %add3A_119, %and3A_133 : i32
        %mul3A_135 = arith.constant 64 : i32
        %mul3A_136 = arith.muli %and3A_134, %mul3A_135 : i32
        "tpu.region"() ({
          %run_scoped3A_172 = tpu.sem_alloc : memref<!tpu.dma_semaphore, #tpu.memory_space<semaphore_mem>>
          %dma_start3A_173 = tpu.memref_slice %arg8[%shift_right_arithmetic3A_132, %mul3A_136] : memref<40x128xi32, #tpu.memory_space<vmem>> -> memref<1x64xi32, #tpu.memory_space<vmem>>
          %dma_start3A_174 = tpu.memref_squeeze %dma_start3A_173 : memref<1x64xi32, #tpu.memory_space<vmem>> -> memref<64xi32, #tpu.memory_space<vmem>>
          %dma_start3A_175 = arith.constant 0 : i32
          %dma_start3A_176 = arith.constant 0 : i32
          %dma_start3A_177 = tpu.memref_slice %arg6[%dma_start3A_175, %dma_start3A_176] : memref<10240x128xf32, #tpu.memory_space<vmem_shared>> -> memref<10240x128xf32, #tpu.memory_space<vmem_shared>>
          tpu.enqueue_indirect_dma source(%arg11 : memref<64x128xf32, #tpu.memory_space<vmem>>) target(%dma_start3A_177 : memref<10240x128xf32, #tpu.memory_space<vmem_shared>>) offsets(%dma_start3A_174 : memref<64xi32, #tpu.memory_space<vmem>>) semaphore(%run_scoped3A_172 : memref<!tpu.dma_semaphore, #tpu.memory_space<semaphore_mem>>) {add = true}
          %dma_wait3A_178 = tpu.memref_slice %arg8[%shift_right_arithmetic3A_132, %mul3A_136] : memref<40x128xi32, #tpu.memory_space<vmem>> -> memref<1x64xi32, #tpu.memory_space<vmem>>
          %dma_wait3A_179 = tpu.memref_squeeze %dma_wait3A_178 : memref<1x64xi32, #tpu.memory_space<vmem>> -> memref<64xi32, #tpu.memory_space<vmem>>
          %dma_wait3A_180 = arith.constant 0 : i32
          %dma_wait3A_181 = arith.constant 0 : i32
          %dma_wait3A_182 = tpu.memref_slice %arg6[%dma_wait3A_180, %dma_wait3A_181] : memref<10240x128xf32, #tpu.memory_space<vmem_shared>> -> memref<10240x128xf32, #tpu.memory_space<vmem_shared>>
          tpu.wait_indirect_dma semaphore(%run_scoped3A_172 : memref<!tpu.dma_semaphore, #tpu.memory_space<semaphore_mem>>) src(%arg11 : memref<64x128xf32, #tpu.memory_space<vmem>>) dst(%dma_wait3A_182 : memref<10240x128xf32, #tpu.memory_space<vmem_shared>>)
          tpu.yield
        }) : () -> ()
        %add3A_137 = arith.constant 4 : i32
        %add3A_138 = arith.addi %add3A_119, %add3A_137 : i32
        %lt3A_139 = arith.constant 80 : i32
        %lt3A_140 = arith.cmpi slt, %add3A_138, %lt3A_139 : i32
        %convert_element_type3A_141 = arith.extui %lt3A_140 : i1 to i32
        %cond3A_142 = arith.constant 0 : i32
        %cond3A_143 = arith.cmpi ne, %convert_element_type3A_141, %cond3A_142 : i32
        scf.if %cond3A_143 {
          %add3A_172 = arith.constant 4 : i32
          %add3A_173 = arith.addi %add3A_119, %add3A_172 : i32
          %shift_right_arithmetic3A_174 = arith.constant 1 : i32
          %shift_right_arithmetic3A_175 = arith.shrsi %add3A_173, %shift_right_arithmetic3A_174 : i32
          %and3A_176 = arith.constant 1 : i32
          %and3A_177 = arith.andi %add3A_173, %and3A_176 : i32
          %mul3A_178 = arith.constant 64 : i32
          %mul3A_179 = arith.muli %and3A_177, %mul3A_178 : i32
          %dma_start3A_180 = tpu.memref_slice %arg7[%shift_right_arithmetic3A_175, %mul3A_179] : memref<40x128xi32, #tpu.memory_space<vmem>> -> memref<1x64xi32, #tpu.memory_space<vmem>>
          %dma_start3A_181 = tpu.memref_squeeze %dma_start3A_180 : memref<1x64xi32, #tpu.memory_space<vmem>> -> memref<64xi32, #tpu.memory_space<vmem>>
          %dma_start3A_182 = arith.constant 0 : i32
          %dma_start3A_183 = arith.constant 0 : i32
          %dma_start3A_184 = tpu.memref_slice %arg2[%dma_start3A_182, %dma_start3A_183] : memref<10240x128xf32, #tpu.memory_space<hbm>> -> memref<10240x128xf32, #tpu.memory_space<hbm>>
          tpu.enqueue_indirect_dma source(%dma_start3A_184 : memref<10240x128xf32, #tpu.memory_space<hbm>>) target(%arg11 : memref<64x128xf32, #tpu.memory_space<vmem>>) offsets(%dma_start3A_181 : memref<64xi32, #tpu.memory_space<vmem>>) semaphore(%arg15 : memref<!tpu.dma_semaphore, #tpu.memory_space<semaphore_mem>>)
        } else {
        }
        %mul3A_144 = arith.constant 4 : i32
        %mul3A_145 = arith.muli %mul3A_144, %scan3A_63 : i32
        %add3A_146 = arith.constant 3 : i32
        %add3A_147 = arith.addi %mul3A_145, %add3A_146 : i32
        %shift_right_arithmetic3A_148 = arith.constant 1 : i32
        %shift_right_arithmetic3A_149 = arith.shrsi %add3A_147, %shift_right_arithmetic3A_148 : i32
        %and3A_150 = arith.constant 1 : i32
        %and3A_151 = arith.andi %add3A_147, %and3A_150 : i32
        %mul3A_152 = arith.constant 64 : i32
        %mul3A_153 = arith.muli %and3A_151, %mul3A_152 : i32
        %dma_wait3A_154 = tpu.memref_slice %arg7[%shift_right_arithmetic3A_149, %mul3A_153] : memref<40x128xi32, #tpu.memory_space<vmem>> -> memref<1x64xi32, #tpu.memory_space<vmem>>
        %dma_wait3A_155 = tpu.memref_squeeze %dma_wait3A_154 : memref<1x64xi32, #tpu.memory_space<vmem>> -> memref<64xi32, #tpu.memory_space<vmem>>
        %dma_wait3A_156 = arith.constant 0 : i32
        %dma_wait3A_157 = arith.constant 0 : i32
        %dma_wait3A_158 = tpu.memref_slice %arg2[%dma_wait3A_156, %dma_wait3A_157] : memref<10240x128xf32, #tpu.memory_space<hbm>> -> memref<10240x128xf32, #tpu.memory_space<hbm>>
        tpu.wait_indirect_dma semaphore(%arg16 : memref<!tpu.dma_semaphore, #tpu.memory_space<semaphore_mem>>) src(%dma_wait3A_158 : memref<10240x128xf32, #tpu.memory_space<hbm>>) dst(%arg12 : memref<64x128xf32, #tpu.memory_space<vmem>>)
        %shift_right_arithmetic3A_159 = arith.constant 1 : i32
        %shift_right_arithmetic3A_160 = arith.shrsi %add3A_147, %shift_right_arithmetic3A_159 : i32
        %and3A_161 = arith.constant 1 : i32
        %and3A_162 = arith.andi %add3A_147, %and3A_161 : i32
        %mul3A_163 = arith.constant 64 : i32
        %mul3A_164 = arith.muli %and3A_162, %mul3A_163 : i32
        "tpu.region"() ({
          %run_scoped3A_172 = tpu.sem_alloc : memref<!tpu.dma_semaphore, #tpu.memory_space<semaphore_mem>>
          %dma_start3A_173 = tpu.memref_slice %arg8[%shift_right_arithmetic3A_160, %mul3A_164] : memref<40x128xi32, #tpu.memory_space<vmem>> -> memref<1x64xi32, #tpu.memory_space<vmem>>
          %dma_start3A_174 = tpu.memref_squeeze %dma_start3A_173 : memref<1x64xi32, #tpu.memory_space<vmem>> -> memref<64xi32, #tpu.memory_space<vmem>>
          %dma_start3A_175 = arith.constant 0 : i32
          %dma_start3A_176 = arith.constant 0 : i32
          %dma_start3A_177 = tpu.memref_slice %arg6[%dma_start3A_175, %dma_start3A_176] : memref<10240x128xf32, #tpu.memory_space<vmem_shared>> -> memref<10240x128xf32, #tpu.memory_space<vmem_shared>>
          tpu.enqueue_indirect_dma source(%arg12 : memref<64x128xf32, #tpu.memory_space<vmem>>) target(%dma_start3A_177 : memref<10240x128xf32, #tpu.memory_space<vmem_shared>>) offsets(%dma_start3A_174 : memref<64xi32, #tpu.memory_space<vmem>>) semaphore(%run_scoped3A_172 : memref<!tpu.dma_semaphore, #tpu.memory_space<semaphore_mem>>) {add = true}
          %dma_wait3A_178 = tpu.memref_slice %arg8[%shift_right_arithmetic3A_160, %mul3A_164] : memref<40x128xi32, #tpu.memory_space<vmem>> -> memref<1x64xi32, #tpu.memory_space<vmem>>
          %dma_wait3A_179 = tpu.memref_squeeze %dma_wait3A_178 : memref<1x64xi32, #tpu.memory_space<vmem>> -> memref<64xi32, #tpu.memory_space<vmem>>
          %dma_wait3A_180 = arith.constant 0 : i32
          %dma_wait3A_181 = arith.constant 0 : i32
          %dma_wait3A_182 = tpu.memref_slice %arg6[%dma_wait3A_180, %dma_wait3A_181] : memref<10240x128xf32, #tpu.memory_space<vmem_shared>> -> memref<10240x128xf32, #tpu.memory_space<vmem_shared>>
          tpu.wait_indirect_dma semaphore(%run_scoped3A_172 : memref<!tpu.dma_semaphore, #tpu.memory_space<semaphore_mem>>) src(%arg12 : memref<64x128xf32, #tpu.memory_space<vmem>>) dst(%dma_wait3A_182 : memref<10240x128xf32, #tpu.memory_space<vmem_shared>>)
          tpu.yield
        }) : () -> ()
        %add3A_165 = arith.constant 4 : i32
        %add3A_166 = arith.addi %add3A_147, %add3A_165 : i32
        %lt3A_167 = arith.constant 80 : i32
        %lt3A_168 = arith.cmpi slt, %add3A_166, %lt3A_167 : i32
        %convert_element_type3A_169 = arith.extui %lt3A_168 : i1 to i32
        %cond3A_170 = arith.constant 0 : i32
        %cond3A_171 = arith.cmpi ne, %convert_element_type3A_169, %cond3A_170 : i32
        scf.if %cond3A_171 {
          %add3A_172 = arith.constant 4 : i32
          %add3A_173 = arith.addi %add3A_147, %add3A_172 : i32
          %shift_right_arithmetic3A_174 = arith.constant 1 : i32
          %shift_right_arithmetic3A_175 = arith.shrsi %add3A_173, %shift_right_arithmetic3A_174 : i32
          %and3A_176 = arith.constant 1 : i32
          %and3A_177 = arith.andi %add3A_173, %and3A_176 : i32
          %mul3A_178 = arith.constant 64 : i32
          %mul3A_179 = arith.muli %and3A_177, %mul3A_178 : i32
          %dma_start3A_180 = tpu.memref_slice %arg7[%shift_right_arithmetic3A_175, %mul3A_179] : memref<40x128xi32, #tpu.memory_space<vmem>> -> memref<1x64xi32, #tpu.memory_space<vmem>>
          %dma_start3A_181 = tpu.memref_squeeze %dma_start3A_180 : memref<1x64xi32, #tpu.memory_space<vmem>> -> memref<64xi32, #tpu.memory_space<vmem>>
          %dma_start3A_182 = arith.constant 0 : i32
          %dma_start3A_183 = arith.constant 0 : i32
          %dma_start3A_184 = tpu.memref_slice %arg2[%dma_start3A_182, %dma_start3A_183] : memref<10240x128xf32, #tpu.memory_space<hbm>> -> memref<10240x128xf32, #tpu.memory_space<hbm>>
          tpu.enqueue_indirect_dma source(%dma_start3A_184 : memref<10240x128xf32, #tpu.memory_space<hbm>>) target(%arg12 : memref<64x128xf32, #tpu.memory_space<vmem>>) offsets(%dma_start3A_181 : memref<64xi32, #tpu.memory_space<vmem>>) semaphore(%arg16 : memref<!tpu.dma_semaphore, #tpu.memory_space<semaphore_mem>>)
        } else {
        }
      }
      %scan3A_62 = arith.constant 20 : i32
    }
    %while3A_17 = arith.constant 1 : i32
    scf.for %while3A_26 = %while3A_15 to %while3A_11 step %while3A_17  : i32 {
      %mul3A_27 = arith.constant 40 : i32
      %mul3A_28 = arith.muli %while3A_26, %mul3A_27 : i32
      %add3A_29 = arith.addi %mul3A_6, %mul3A_28 : i32
      %run_scoped3A = arith.constant 0 : i32
      "tpu.region"() ({
        %run_scoped3A_63 = tpu.sem_alloc : memref<!tpu.dma_semaphore, #tpu.memory_space<semaphore_mem>>
        %dma_start3A_64 = arith.constant 0 : i32
        %dma_start3A_65 = tpu.memref_slice %arg3[%run_scoped3A, %add3A_29, %dma_start3A_64] : memref<2x2500x128xi32, #tpu.memory_space<hbm>> -> memref<1x40x128xi32, #tpu.memory_space<hbm>>
        %dma_start3A_66 = tpu.memref_squeeze %dma_start3A_65 : memref<1x40x128xi32, #tpu.memory_space<hbm>> -> memref<40x128xi32, #tpu.memory_space<hbm>>
        %dma_start3A_67 = arith.constant 0 : i32
        %dma_start3A_68 = tpu.memref_slice %arg3[%run_scoped3A, %add3A_29, %dma_start3A_67] : memref<2x2500x128xi32, #tpu.memory_space<hbm>> -> memref<1x40x128xi32, #tpu.memory_space<hbm>>
        %dma_start3A_69 = tpu.memref_squeeze %dma_start3A_68 : memref<1x40x128xi32, #tpu.memory_space<hbm>> -> memref<40x128xi32, #tpu.memory_space<hbm>>
        tpu.enqueue_dma source(%dma_start3A_69 : memref<40x128xi32, #tpu.memory_space<hbm>>) target(%arg7 : memref<40x128xi32, #tpu.memory_space<vmem>>) target_semaphore(%run_scoped3A_63 : memref<!tpu.dma_semaphore, #tpu.memory_space<semaphore_mem>>)
        %dma_wait3A = arith.constant 0 : i32
        %dma_wait3A_70 = tpu.memref_slice %arg3[%run_scoped3A, %add3A_29, %dma_wait3A] : memref<2x2500x128xi32, #tpu.memory_space<hbm>> -> memref<1x40x128xi32, #tpu.memory_space<hbm>>
        %dma_wait3A_71 = tpu.memref_squeeze %dma_wait3A_70 : memref<1x40x128xi32, #tpu.memory_space<hbm>> -> memref<40x128xi32, #tpu.memory_space<hbm>>
        %dma_wait3A_72 = arith.constant 0 : i32
        %dma_wait3A_73 = tpu.memref_slice %arg3[%run_scoped3A, %add3A_29, %dma_wait3A_72] : memref<2x2500x128xi32, #tpu.memory_space<hbm>> -> memref<1x40x128xi32, #tpu.memory_space<hbm>>
        %dma_wait3A_74 = tpu.memref_squeeze %dma_wait3A_73 : memref<1x40x128xi32, #tpu.memory_space<hbm>> -> memref<40x128xi32, #tpu.memory_space<hbm>>
        tpu.wait_dma2 semaphore(%run_scoped3A_63 : memref<!tpu.dma_semaphore, #tpu.memory_space<semaphore_mem>>) src(%dma_wait3A_74 : memref<40x128xi32, #tpu.memory_space<hbm>>) dst(%arg7 : memref<40x128xi32, #tpu.memory_space<vmem>>)
        tpu.yield
      }) : () -> ()
      %run_scoped3A_30 = arith.constant 1 : i32
      "tpu.region"() ({
        %run_scoped3A_63 = tpu.sem_alloc : memref<!tpu.dma_semaphore, #tpu.memory_space<semaphore_mem>>
        %dma_start3A_64 = arith.constant 0 : i32
        %dma_start3A_65 = tpu.memref_slice %arg3[%run_scoped3A_30, %add3A_29, %dma_start3A_64] : memref<2x2500x128xi32, #tpu.memory_space<hbm>> -> memref<1x40x128xi32, #tpu.memory_space<hbm>>
        %dma_start3A_66 = tpu.memref_squeeze %dma_start3A_65 : memref<1x40x128xi32, #tpu.memory_space<hbm>> -> memref<40x128xi32, #tpu.memory_space<hbm>>
        %dma_start3A_67 = arith.constant 0 : i32
        %dma_start3A_68 = tpu.memref_slice %arg3[%run_scoped3A_30, %add3A_29, %dma_start3A_67] : memref<2x2500x128xi32, #tpu.memory_space<hbm>> -> memref<1x40x128xi32, #tpu.memory_space<hbm>>
        %dma_start3A_69 = tpu.memref_squeeze %dma_start3A_68 : memref<1x40x128xi32, #tpu.memory_space<hbm>> -> memref<40x128xi32, #tpu.memory_space<hbm>>
        tpu.enqueue_dma source(%dma_start3A_69 : memref<40x128xi32, #tpu.memory_space<hbm>>) target(%arg8 : memref<40x128xi32, #tpu.memory_space<vmem>>) target_semaphore(%run_scoped3A_63 : memref<!tpu.dma_semaphore, #tpu.memory_space<semaphore_mem>>)
        %dma_wait3A = arith.constant 0 : i32
        %dma_wait3A_70 = tpu.memref_slice %arg3[%run_scoped3A_30, %add3A_29, %dma_wait3A] : memref<2x2500x128xi32, #tpu.memory_space<hbm>> -> memref<1x40x128xi32, #tpu.memory_space<hbm>>
        %dma_wait3A_71 = tpu.memref_squeeze %dma_wait3A_70 : memref<1x40x128xi32, #tpu.memory_space<hbm>> -> memref<40x128xi32, #tpu.memory_space<hbm>>
        %dma_wait3A_72 = arith.constant 0 : i32
        %dma_wait3A_73 = tpu.memref_slice %arg3[%run_scoped3A_30, %add3A_29, %dma_wait3A_72] : memref<2x2500x128xi32, #tpu.memory_space<hbm>> -> memref<1x40x128xi32, #tpu.memory_space<hbm>>
        %dma_wait3A_74 = tpu.memref_squeeze %dma_wait3A_73 : memref<1x40x128xi32, #tpu.memory_space<hbm>> -> memref<40x128xi32, #tpu.memory_space<hbm>>
        tpu.wait_dma2 semaphore(%run_scoped3A_63 : memref<!tpu.dma_semaphore, #tpu.memory_space<semaphore_mem>>) src(%dma_wait3A_74 : memref<40x128xi32, #tpu.memory_space<hbm>>) dst(%arg8 : memref<40x128xi32, #tpu.memory_space<vmem>>)
        tpu.yield
      }) : () -> ()
      %dma_start3A = arith.constant 0 : i32
      %dma_start3A_31 = arith.constant 0 : i32
      %dma_start3A_32 = tpu.memref_slice %arg7[%dma_start3A, %dma_start3A_31] : memref<40x128xi32, #tpu.memory_space<vmem>> -> memref<1x64xi32, #tpu.memory_space<vmem>>
      %dma_start3A_33 = tpu.memref_squeeze %dma_start3A_32 : memref<1x64xi32, #tpu.memory_space<vmem>> -> memref<64xi32, #tpu.memory_space<vmem>>
      %dma_start3A_34 = arith.constant 0 : i32
      %dma_start3A_35 = arith.constant 0 : i32
      %dma_start3A_36 = tpu.memref_slice %arg2[%dma_start3A_34, %dma_start3A_35] : memref<10240x128xf32, #tpu.memory_space<hbm>> -> memref<10240x128xf32, #tpu.memory_space<hbm>>
      tpu.enqueue_indirect_dma source(%dma_start3A_36 : memref<10240x128xf32, #tpu.memory_space<hbm>>) target(%arg9 : memref<64x128xf32, #tpu.memory_space<vmem>>) offsets(%dma_start3A_33 : memref<64xi32, #tpu.memory_space<vmem>>) semaphore(%arg13 : memref<!tpu.dma_semaphore, #tpu.memory_space<semaphore_mem>>)
      %dma_start3A_37 = arith.constant 0 : i32
      %dma_start3A_38 = arith.constant 64 : i32
      %dma_start3A_39 = tpu.memref_slice %arg7[%dma_start3A_37, %dma_start3A_38] : memref<40x128xi32, #tpu.memory_space<vmem>> -> memref<1x64xi32, #tpu.memory_space<vmem>>
      %dma_start3A_40 = tpu.memref_squeeze %dma_start3A_39 : memref<1x64xi32, #tpu.memory_space<vmem>> -> memref<64xi32, #tpu.memory_space<vmem>>
      %dma_start3A_41 = arith.constant 0 : i32
      %dma_start3A_42 = arith.constant 0 : i32
      %dma_start3A_43 = tpu.memref_slice %arg2[%dma_start3A_41, %dma_start3A_42] : memref<10240x128xf32, #tpu.memory_space<hbm>> -> memref<10240x128xf32, #tpu.memory_space<hbm>>
      tpu.enqueue_indirect_dma source(%dma_start3A_43 : memref<10240x128xf32, #tpu.memory_space<hbm>>) target(%arg10 : memref<64x128xf32, #tpu.memory_space<vmem>>) offsets(%dma_start3A_40 : memref<64xi32, #tpu.memory_space<vmem>>) semaphore(%arg14 : memref<!tpu.dma_semaphore, #tpu.memory_space<semaphore_mem>>)
      %dma_start3A_44 = arith.constant 1 : i32
      %dma_start3A_45 = arith.constant 0 : i32
      %dma_start3A_46 = tpu.memref_slice %arg7[%dma_start3A_44, %dma_start3A_45] : memref<40x128xi32, #tpu.memory_space<vmem>> -> memref<1x64xi32, #tpu.memory_space<vmem>>
      %dma_start3A_47 = tpu.memref_squeeze %dma_start3A_46 : memref<1x64xi32, #tpu.memory_space<vmem>> -> memref<64xi32, #tpu.memory_space<vmem>>
      %dma_start3A_48 = arith.constant 0 : i32
      %dma_start3A_49 = arith.constant 0 : i32
      %dma_start3A_50 = tpu.memref_slice %arg2[%dma_start3A_48, %dma_start3A_49] : memref<10240x128xf32, #tpu.memory_space<hbm>> -> memref<10240x128xf32, #tpu.memory_space<hbm>>
      tpu.enqueue_indirect_dma source(%dma_start3A_50 : memref<10240x128xf32, #tpu.memory_space<hbm>>) target(%arg11 : memref<64x128xf32, #tpu.memory_space<vmem>>) offsets(%dma_start3A_47 : memref<64xi32, #tpu.memory_space<vmem>>) semaphore(%arg15 : memref<!tpu.dma_semaphore, #tpu.memory_space<semaphore_mem>>)
      %dma_start3A_51 = arith.constant 1 : i32
      %dma_start3A_52 = arith.constant 64 : i32
      %dma_start3A_53 = tpu.memref_slice %arg7[%dma_start3A_51, %dma_start3A_52] : memref<40x128xi32, #tpu.memory_space<vmem>> -> memref<1x64xi32, #tpu.memory_space<vmem>>
      %dma_start3A_54 = tpu.memref_squeeze %dma_start3A_53 : memref<1x64xi32, #tpu.memory_space<vmem>> -> memref<64xi32, #tpu.memory_space<vmem>>
      %dma_start3A_55 = arith.constant 0 : i32
      %dma_start3A_56 = arith.constant 0 : i32
      %dma_start3A_57 = tpu.memref_slice %arg2[%dma_start3A_55, %dma_start3A_56] : memref<10240x128xf32, #tpu.memory_space<hbm>> -> memref<10240x128xf32, #tpu.memory_space<hbm>>
      tpu.enqueue_indirect_dma source(%dma_start3A_57 : memref<10240x128xf32, #tpu.memory_space<hbm>>) target(%arg12 : memref<64x128xf32, #tpu.memory_space<vmem>>) offsets(%dma_start3A_54 : memref<64xi32, #tpu.memory_space<vmem>>) semaphore(%arg16 : memref<!tpu.dma_semaphore, #tpu.memory_space<semaphore_mem>>)
      %scan3A = arith.constant 0 : i32
      %scan3A_58 = arith.constant 0 : i32
      %scan3A_59 = arith.constant 20 : i32
      %scan3A_60 = arith.addi %scan3A_58, %scan3A_59 : i32
      %scan3A_61 = arith.constant 1 : i32
      scf.for %scan3A_63 = %scan3A_58 to %scan3A_60 step %scan3A_61  : i32 {
        %mul3A_64 = arith.constant 4 : i32
        %mul3A_65 = arith.muli %mul3A_64, %scan3A_63 : i32
        %add3A_66 = arith.constant 0 : i32
        %add3A_67 = arith.addi %mul3A_65, %add3A_66 : i32
        %shift_right_arithmetic3A = arith.constant 1 : i32
        %shift_right_arithmetic3A_68 = arith.shrsi %add3A_67, %shift_right_arithmetic3A : i32
        %and3A = arith.constant 1 : i32
        %and3A_69 = arith.andi %add3A_67, %and3A : i32
        %mul3A_70 = arith.constant 64 : i32
        %mul3A_71 = arith.muli %and3A_69, %mul3A_70 : i32
        %dma_wait3A = tpu.memref_slice %arg7[%shift_right_arithmetic3A_68, %mul3A_71] : memref<40x128xi32, #tpu.memory_space<vmem>> -> memref<1x64xi32, #tpu.memory_space<vmem>>
        %dma_wait3A_72 = tpu.memref_squeeze %dma_wait3A : memref<1x64xi32, #tpu.memory_space<vmem>> -> memref<64xi32, #tpu.memory_space<vmem>>
        %dma_wait3A_73 = arith.constant 0 : i32
        %dma_wait3A_74 = arith.constant 0 : i32
        %dma_wait3A_75 = tpu.memref_slice %arg2[%dma_wait3A_73, %dma_wait3A_74] : memref<10240x128xf32, #tpu.memory_space<hbm>> -> memref<10240x128xf32, #tpu.memory_space<hbm>>
        tpu.wait_indirect_dma semaphore(%arg13 : memref<!tpu.dma_semaphore, #tpu.memory_space<semaphore_mem>>) src(%dma_wait3A_75 : memref<10240x128xf32, #tpu.memory_space<hbm>>) dst(%arg9 : memref<64x128xf32, #tpu.memory_space<vmem>>)
        %shift_right_arithmetic3A_76 = arith.constant 1 : i32
        %shift_right_arithmetic3A_77 = arith.shrsi %add3A_67, %shift_right_arithmetic3A_76 : i32
        %and3A_78 = arith.constant 1 : i32
        %and3A_79 = arith.andi %add3A_67, %and3A_78 : i32
        %mul3A_80 = arith.constant 64 : i32
        %mul3A_81 = arith.muli %and3A_79, %mul3A_80 : i32
        "tpu.region"() ({
          %run_scoped3A_172 = tpu.sem_alloc : memref<!tpu.dma_semaphore, #tpu.memory_space<semaphore_mem>>
          %dma_start3A_173 = tpu.memref_slice %arg8[%shift_right_arithmetic3A_77, %mul3A_81] : memref<40x128xi32, #tpu.memory_space<vmem>> -> memref<1x64xi32, #tpu.memory_space<vmem>>
          %dma_start3A_174 = tpu.memref_squeeze %dma_start3A_173 : memref<1x64xi32, #tpu.memory_space<vmem>> -> memref<64xi32, #tpu.memory_space<vmem>>
          %dma_start3A_175 = arith.constant 0 : i32
          %dma_start3A_176 = arith.constant 0 : i32
          %dma_start3A_177 = tpu.memref_slice %arg6[%dma_start3A_175, %dma_start3A_176] : memref<10240x128xf32, #tpu.memory_space<vmem_shared>> -> memref<10240x128xf32, #tpu.memory_space<vmem_shared>>
          tpu.enqueue_indirect_dma source(%arg9 : memref<64x128xf32, #tpu.memory_space<vmem>>) target(%dma_start3A_177 : memref<10240x128xf32, #tpu.memory_space<vmem_shared>>) offsets(%dma_start3A_174 : memref<64xi32, #tpu.memory_space<vmem>>) semaphore(%run_scoped3A_172 : memref<!tpu.dma_semaphore, #tpu.memory_space<semaphore_mem>>) {add = true}
          %dma_wait3A_178 = tpu.memref_slice %arg8[%shift_right_arithmetic3A_77, %mul3A_81] : memref<40x128xi32, #tpu.memory_space<vmem>> -> memref<1x64xi32, #tpu.memory_space<vmem>>
          %dma_wait3A_179 = tpu.memref_squeeze %dma_wait3A_178 : memref<1x64xi32, #tpu.memory_space<vmem>> -> memref<64xi32, #tpu.memory_space<vmem>>
          %dma_wait3A_180 = arith.constant 0 : i32
          %dma_wait3A_181 = arith.constant 0 : i32
          %dma_wait3A_182 = tpu.memref_slice %arg6[%dma_wait3A_180, %dma_wait3A_181] : memref<10240x128xf32, #tpu.memory_space<vmem_shared>> -> memref<10240x128xf32, #tpu.memory_space<vmem_shared>>
          tpu.wait_indirect_dma semaphore(%run_scoped3A_172 : memref<!tpu.dma_semaphore, #tpu.memory_space<semaphore_mem>>) src(%arg9 : memref<64x128xf32, #tpu.memory_space<vmem>>) dst(%dma_wait3A_182 : memref<10240x128xf32, #tpu.memory_space<vmem_shared>>)
          tpu.yield
        }) : () -> ()
        %add3A_82 = arith.constant 4 : i32
        %add3A_83 = arith.addi %add3A_67, %add3A_82 : i32
        %lt3A = arith.constant 80 : i32
        %lt3A_84 = arith.cmpi slt, %add3A_83, %lt3A : i32
        %convert_element_type3A_85 = arith.extui %lt3A_84 : i1 to i32
        %cond3A_86 = arith.constant 0 : i32
        %cond3A_87 = arith.cmpi ne, %convert_element_type3A_85, %cond3A_86 : i32
        scf.if %cond3A_87 {
          %add3A_172 = arith.constant 4 : i32
          %add3A_173 = arith.addi %add3A_67, %add3A_172 : i32
          %shift_right_arithmetic3A_174 = arith.constant 1 : i32
          %shift_right_arithmetic3A_175 = arith.shrsi %add3A_173, %shift_right_arithmetic3A_174 : i32
          %and3A_176 = arith.constant 1 : i32
          %and3A_177 = arith.andi %add3A_173, %and3A_176 : i32
          %mul3A_178 = arith.constant 64 : i32
          %mul3A_179 = arith.muli %and3A_177, %mul3A_178 : i32
          %dma_start3A_180 = tpu.memref_slice %arg7[%shift_right_arithmetic3A_175, %mul3A_179] : memref<40x128xi32, #tpu.memory_space<vmem>> -> memref<1x64xi32, #tpu.memory_space<vmem>>
          %dma_start3A_181 = tpu.memref_squeeze %dma_start3A_180 : memref<1x64xi32, #tpu.memory_space<vmem>> -> memref<64xi32, #tpu.memory_space<vmem>>
          %dma_start3A_182 = arith.constant 0 : i32
          %dma_start3A_183 = arith.constant 0 : i32
          %dma_start3A_184 = tpu.memref_slice %arg2[%dma_start3A_182, %dma_start3A_183] : memref<10240x128xf32, #tpu.memory_space<hbm>> -> memref<10240x128xf32, #tpu.memory_space<hbm>>
          tpu.enqueue_indirect_dma source(%dma_start3A_184 : memref<10240x128xf32, #tpu.memory_space<hbm>>) target(%arg9 : memref<64x128xf32, #tpu.memory_space<vmem>>) offsets(%dma_start3A_181 : memref<64xi32, #tpu.memory_space<vmem>>) semaphore(%arg13 : memref<!tpu.dma_semaphore, #tpu.memory_space<semaphore_mem>>)
        } else {
        }
        %mul3A_88 = arith.constant 4 : i32
        %mul3A_89 = arith.muli %mul3A_88, %scan3A_63 : i32
        %add3A_90 = arith.constant 1 : i32
        %add3A_91 = arith.addi %mul3A_89, %add3A_90 : i32
        %shift_right_arithmetic3A_92 = arith.constant 1 : i32
        %shift_right_arithmetic3A_93 = arith.shrsi %add3A_91, %shift_right_arithmetic3A_92 : i32
        %and3A_94 = arith.constant 1 : i32
        %and3A_95 = arith.andi %add3A_91, %and3A_94 : i32
        %mul3A_96 = arith.constant 64 : i32
        %mul3A_97 = arith.muli %and3A_95, %mul3A_96 : i32
        %dma_wait3A_98 = tpu.memref_slice %arg7[%shift_right_arithmetic3A_93, %mul3A_97] : memref<40x128xi32, #tpu.memory_space<vmem>> -> memref<1x64xi32, #tpu.memory_space<vmem>>
        %dma_wait3A_99 = tpu.memref_squeeze %dma_wait3A_98 : memref<1x64xi32, #tpu.memory_space<vmem>> -> memref<64xi32, #tpu.memory_space<vmem>>
        %dma_wait3A_100 = arith.constant 0 : i32
        %dma_wait3A_101 = arith.constant 0 : i32
        %dma_wait3A_102 = tpu.memref_slice %arg2[%dma_wait3A_100, %dma_wait3A_101] : memref<10240x128xf32, #tpu.memory_space<hbm>> -> memref<10240x128xf32, #tpu.memory_space<hbm>>
        tpu.wait_indirect_dma semaphore(%arg14 : memref<!tpu.dma_semaphore, #tpu.memory_space<semaphore_mem>>) src(%dma_wait3A_102 : memref<10240x128xf32, #tpu.memory_space<hbm>>) dst(%arg10 : memref<64x128xf32, #tpu.memory_space<vmem>>)
        %shift_right_arithmetic3A_103 = arith.constant 1 : i32
        %shift_right_arithmetic3A_104 = arith.shrsi %add3A_91, %shift_right_arithmetic3A_103 : i32
        %and3A_105 = arith.constant 1 : i32
        %and3A_106 = arith.andi %add3A_91, %and3A_105 : i32
        %mul3A_107 = arith.constant 64 : i32
        %mul3A_108 = arith.muli %and3A_106, %mul3A_107 : i32
        "tpu.region"() ({
          %run_scoped3A_172 = tpu.sem_alloc : memref<!tpu.dma_semaphore, #tpu.memory_space<semaphore_mem>>
          %dma_start3A_173 = tpu.memref_slice %arg8[%shift_right_arithmetic3A_104, %mul3A_108] : memref<40x128xi32, #tpu.memory_space<vmem>> -> memref<1x64xi32, #tpu.memory_space<vmem>>
          %dma_start3A_174 = tpu.memref_squeeze %dma_start3A_173 : memref<1x64xi32, #tpu.memory_space<vmem>> -> memref<64xi32, #tpu.memory_space<vmem>>
          %dma_start3A_175 = arith.constant 0 : i32
          %dma_start3A_176 = arith.constant 0 : i32
          %dma_start3A_177 = tpu.memref_slice %arg6[%dma_start3A_175, %dma_start3A_176] : memref<10240x128xf32, #tpu.memory_space<vmem_shared>> -> memref<10240x128xf32, #tpu.memory_space<vmem_shared>>
          tpu.enqueue_indirect_dma source(%arg10 : memref<64x128xf32, #tpu.memory_space<vmem>>) target(%dma_start3A_177 : memref<10240x128xf32, #tpu.memory_space<vmem_shared>>) offsets(%dma_start3A_174 : memref<64xi32, #tpu.memory_space<vmem>>) semaphore(%run_scoped3A_172 : memref<!tpu.dma_semaphore, #tpu.memory_space<semaphore_mem>>) {add = true}
          %dma_wait3A_178 = tpu.memref_slice %arg8[%shift_right_arithmetic3A_104, %mul3A_108] : memref<40x128xi32, #tpu.memory_space<vmem>> -> memref<1x64xi32, #tpu.memory_space<vmem>>
          %dma_wait3A_179 = tpu.memref_squeeze %dma_wait3A_178 : memref<1x64xi32, #tpu.memory_space<vmem>> -> memref<64xi32, #tpu.memory_space<vmem>>
          %dma_wait3A_180 = arith.constant 0 : i32
          %dma_wait3A_181 = arith.constant 0 : i32
          %dma_wait3A_182 = tpu.memref_slice %arg6[%dma_wait3A_180, %dma_wait3A_181] : memref<10240x128xf32, #tpu.memory_space<vmem_shared>> -> memref<10240x128xf32, #tpu.memory_space<vmem_shared>>
          tpu.wait_indirect_dma semaphore(%run_scoped3A_172 : memref<!tpu.dma_semaphore, #tpu.memory_space<semaphore_mem>>) src(%arg10 : memref<64x128xf32, #tpu.memory_space<vmem>>) dst(%dma_wait3A_182 : memref<10240x128xf32, #tpu.memory_space<vmem_shared>>)
          tpu.yield
        }) : () -> ()
        %add3A_109 = arith.constant 4 : i32
        %add3A_110 = arith.addi %add3A_91, %add3A_109 : i32
        %lt3A_111 = arith.constant 80 : i32
        %lt3A_112 = arith.cmpi slt, %add3A_110, %lt3A_111 : i32
        %convert_element_type3A_113 = arith.extui %lt3A_112 : i1 to i32
        %cond3A_114 = arith.constant 0 : i32
        %cond3A_115 = arith.cmpi ne, %convert_element_type3A_113, %cond3A_114 : i32
        scf.if %cond3A_115 {
          %add3A_172 = arith.constant 4 : i32
          %add3A_173 = arith.addi %add3A_91, %add3A_172 : i32
          %shift_right_arithmetic3A_174 = arith.constant 1 : i32
          %shift_right_arithmetic3A_175 = arith.shrsi %add3A_173, %shift_right_arithmetic3A_174 : i32
          %and3A_176 = arith.constant 1 : i32
          %and3A_177 = arith.andi %add3A_173, %and3A_176 : i32
          %mul3A_178 = arith.constant 64 : i32
          %mul3A_179 = arith.muli %and3A_177, %mul3A_178 : i32
          %dma_start3A_180 = tpu.memref_slice %arg7[%shift_right_arithmetic3A_175, %mul3A_179] : memref<40x128xi32, #tpu.memory_space<vmem>> -> memref<1x64xi32, #tpu.memory_space<vmem>>
          %dma_start3A_181 = tpu.memref_squeeze %dma_start3A_180 : memref<1x64xi32, #tpu.memory_space<vmem>> -> memref<64xi32, #tpu.memory_space<vmem>>
          %dma_start3A_182 = arith.constant 0 : i32
          %dma_start3A_183 = arith.constant 0 : i32
          %dma_start3A_184 = tpu.memref_slice %arg2[%dma_start3A_182, %dma_start3A_183] : memref<10240x128xf32, #tpu.memory_space<hbm>> -> memref<10240x128xf32, #tpu.memory_space<hbm>>
          tpu.enqueue_indirect_dma source(%dma_start3A_184 : memref<10240x128xf32, #tpu.memory_space<hbm>>) target(%arg10 : memref<64x128xf32, #tpu.memory_space<vmem>>) offsets(%dma_start3A_181 : memref<64xi32, #tpu.memory_space<vmem>>) semaphore(%arg14 : memref<!tpu.dma_semaphore, #tpu.memory_space<semaphore_mem>>)
        } else {
        }
        %mul3A_116 = arith.constant 4 : i32
        %mul3A_117 = arith.muli %mul3A_116, %scan3A_63 : i32
        %add3A_118 = arith.constant 2 : i32
        %add3A_119 = arith.addi %mul3A_117, %add3A_118 : i32
        %shift_right_arithmetic3A_120 = arith.constant 1 : i32
        %shift_right_arithmetic3A_121 = arith.shrsi %add3A_119, %shift_right_arithmetic3A_120 : i32
        %and3A_122 = arith.constant 1 : i32
        %and3A_123 = arith.andi %add3A_119, %and3A_122 : i32
        %mul3A_124 = arith.constant 64 : i32
        %mul3A_125 = arith.muli %and3A_123, %mul3A_124 : i32
        %dma_wait3A_126 = tpu.memref_slice %arg7[%shift_right_arithmetic3A_121, %mul3A_125] : memref<40x128xi32, #tpu.memory_space<vmem>> -> memref<1x64xi32, #tpu.memory_space<vmem>>
        %dma_wait3A_127 = tpu.memref_squeeze %dma_wait3A_126 : memref<1x64xi32, #tpu.memory_space<vmem>> -> memref<64xi32, #tpu.memory_space<vmem>>
        %dma_wait3A_128 = arith.constant 0 : i32
        %dma_wait3A_129 = arith.constant 0 : i32
        %dma_wait3A_130 = tpu.memref_slice %arg2[%dma_wait3A_128, %dma_wait3A_129] : memref<10240x128xf32, #tpu.memory_space<hbm>> -> memref<10240x128xf32, #tpu.memory_space<hbm>>
        tpu.wait_indirect_dma semaphore(%arg15 : memref<!tpu.dma_semaphore, #tpu.memory_space<semaphore_mem>>) src(%dma_wait3A_130 : memref<10240x128xf32, #tpu.memory_space<hbm>>) dst(%arg11 : memref<64x128xf32, #tpu.memory_space<vmem>>)
        %shift_right_arithmetic3A_131 = arith.constant 1 : i32
        %shift_right_arithmetic3A_132 = arith.shrsi %add3A_119, %shift_right_arithmetic3A_131 : i32
        %and3A_133 = arith.constant 1 : i32
        %and3A_134 = arith.andi %add3A_119, %and3A_133 : i32
        %mul3A_135 = arith.constant 64 : i32
        %mul3A_136 = arith.muli %and3A_134, %mul3A_135 : i32
        "tpu.region"() ({
          %run_scoped3A_172 = tpu.sem_alloc : memref<!tpu.dma_semaphore, #tpu.memory_space<semaphore_mem>>
          %dma_start3A_173 = tpu.memref_slice %arg8[%shift_right_arithmetic3A_132, %mul3A_136] : memref<40x128xi32, #tpu.memory_space<vmem>> -> memref<1x64xi32, #tpu.memory_space<vmem>>
          %dma_start3A_174 = tpu.memref_squeeze %dma_start3A_173 : memref<1x64xi32, #tpu.memory_space<vmem>> -> memref<64xi32, #tpu.memory_space<vmem>>
          %dma_start3A_175 = arith.constant 0 : i32
          %dma_start3A_176 = arith.constant 0 : i32
          %dma_start3A_177 = tpu.memref_slice %arg6[%dma_start3A_175, %dma_start3A_176] : memref<10240x128xf32, #tpu.memory_space<vmem_shared>> -> memref<10240x128xf32, #tpu.memory_space<vmem_shared>>
          tpu.enqueue_indirect_dma source(%arg11 : memref<64x128xf32, #tpu.memory_space<vmem>>) target(%dma_start3A_177 : memref<10240x128xf32, #tpu.memory_space<vmem_shared>>) offsets(%dma_start3A_174 : memref<64xi32, #tpu.memory_space<vmem>>) semaphore(%run_scoped3A_172 : memref<!tpu.dma_semaphore, #tpu.memory_space<semaphore_mem>>) {add = true}
          %dma_wait3A_178 = tpu.memref_slice %arg8[%shift_right_arithmetic3A_132, %mul3A_136] : memref<40x128xi32, #tpu.memory_space<vmem>> -> memref<1x64xi32, #tpu.memory_space<vmem>>
          %dma_wait3A_179 = tpu.memref_squeeze %dma_wait3A_178 : memref<1x64xi32, #tpu.memory_space<vmem>> -> memref<64xi32, #tpu.memory_space<vmem>>
          %dma_wait3A_180 = arith.constant 0 : i32
          %dma_wait3A_181 = arith.constant 0 : i32
          %dma_wait3A_182 = tpu.memref_slice %arg6[%dma_wait3A_180, %dma_wait3A_181] : memref<10240x128xf32, #tpu.memory_space<vmem_shared>> -> memref<10240x128xf32, #tpu.memory_space<vmem_shared>>
          tpu.wait_indirect_dma semaphore(%run_scoped3A_172 : memref<!tpu.dma_semaphore, #tpu.memory_space<semaphore_mem>>) src(%arg11 : memref<64x128xf32, #tpu.memory_space<vmem>>) dst(%dma_wait3A_182 : memref<10240x128xf32, #tpu.memory_space<vmem_shared>>)
          tpu.yield
        }) : () -> ()
        %add3A_137 = arith.constant 4 : i32
        %add3A_138 = arith.addi %add3A_119, %add3A_137 : i32
        %lt3A_139 = arith.constant 80 : i32
        %lt3A_140 = arith.cmpi slt, %add3A_138, %lt3A_139 : i32
        %convert_element_type3A_141 = arith.extui %lt3A_140 : i1 to i32
        %cond3A_142 = arith.constant 0 : i32
        %cond3A_143 = arith.cmpi ne, %convert_element_type3A_141, %cond3A_142 : i32
        scf.if %cond3A_143 {
          %add3A_172 = arith.constant 4 : i32
          %add3A_173 = arith.addi %add3A_119, %add3A_172 : i32
          %shift_right_arithmetic3A_174 = arith.constant 1 : i32
          %shift_right_arithmetic3A_175 = arith.shrsi %add3A_173, %shift_right_arithmetic3A_174 : i32
          %and3A_176 = arith.constant 1 : i32
          %and3A_177 = arith.andi %add3A_173, %and3A_176 : i32
          %mul3A_178 = arith.constant 64 : i32
          %mul3A_179 = arith.muli %and3A_177, %mul3A_178 : i32
          %dma_start3A_180 = tpu.memref_slice %arg7[%shift_right_arithmetic3A_175, %mul3A_179] : memref<40x128xi32, #tpu.memory_space<vmem>> -> memref<1x64xi32, #tpu.memory_space<vmem>>
          %dma_start3A_181 = tpu.memref_squeeze %dma_start3A_180 : memref<1x64xi32, #tpu.memory_space<vmem>> -> memref<64xi32, #tpu.memory_space<vmem>>
          %dma_start3A_182 = arith.constant 0 : i32
          %dma_start3A_183 = arith.constant 0 : i32
          %dma_start3A_184 = tpu.memref_slice %arg2[%dma_start3A_182, %dma_start3A_183] : memref<10240x128xf32, #tpu.memory_space<hbm>> -> memref<10240x128xf32, #tpu.memory_space<hbm>>
          tpu.enqueue_indirect_dma source(%dma_start3A_184 : memref<10240x128xf32, #tpu.memory_space<hbm>>) target(%arg11 : memref<64x128xf32, #tpu.memory_space<vmem>>) offsets(%dma_start3A_181 : memref<64xi32, #tpu.memory_space<vmem>>) semaphore(%arg15 : memref<!tpu.dma_semaphore, #tpu.memory_space<semaphore_mem>>)
        } else {
        }
        %mul3A_144 = arith.constant 4 : i32
        %mul3A_145 = arith.muli %mul3A_144, %scan3A_63 : i32
        %add3A_146 = arith.constant 3 : i32
        %add3A_147 = arith.addi %mul3A_145, %add3A_146 : i32
        %shift_right_arithmetic3A_148 = arith.constant 1 : i32
        %shift_right_arithmetic3A_149 = arith.shrsi %add3A_147, %shift_right_arithmetic3A_148 : i32
        %and3A_150 = arith.constant 1 : i32
        %and3A_151 = arith.andi %add3A_147, %and3A_150 : i32
        %mul3A_152 = arith.constant 64 : i32
        %mul3A_153 = arith.muli %and3A_151, %mul3A_152 : i32
        %dma_wait3A_154 = tpu.memref_slice %arg7[%shift_right_arithmetic3A_149, %mul3A_153] : memref<40x128xi32, #tpu.memory_space<vmem>> -> memref<1x64xi32, #tpu.memory_space<vmem>>
        %dma_wait3A_155 = tpu.memref_squeeze %dma_wait3A_154 : memref<1x64xi32, #tpu.memory_space<vmem>> -> memref<64xi32, #tpu.memory_space<vmem>>
        %dma_wait3A_156 = arith.constant 0 : i32
        %dma_wait3A_157 = arith.constant 0 : i32
        %dma_wait3A_158 = tpu.memref_slice %arg2[%dma_wait3A_156, %dma_wait3A_157] : memref<10240x128xf32, #tpu.memory_space<hbm>> -> memref<10240x128xf32, #tpu.memory_space<hbm>>
        tpu.wait_indirect_dma semaphore(%arg16 : memref<!tpu.dma_semaphore, #tpu.memory_space<semaphore_mem>>) src(%dma_wait3A_158 : memref<10240x128xf32, #tpu.memory_space<hbm>>) dst(%arg12 : memref<64x128xf32, #tpu.memory_space<vmem>>)
        %shift_right_arithmetic3A_159 = arith.constant 1 : i32
        %shift_right_arithmetic3A_160 = arith.shrsi %add3A_147, %shift_right_arithmetic3A_159 : i32
        %and3A_161 = arith.constant 1 : i32
        %and3A_162 = arith.andi %add3A_147, %and3A_161 : i32
        %mul3A_163 = arith.constant 64 : i32
        %mul3A_164 = arith.muli %and3A_162, %mul3A_163 : i32
        "tpu.region"() ({
          %run_scoped3A_172 = tpu.sem_alloc : memref<!tpu.dma_semaphore, #tpu.memory_space<semaphore_mem>>
          %dma_start3A_173 = tpu.memref_slice %arg8[%shift_right_arithmetic3A_160, %mul3A_164] : memref<40x128xi32, #tpu.memory_space<vmem>> -> memref<1x64xi32, #tpu.memory_space<vmem>>
          %dma_start3A_174 = tpu.memref_squeeze %dma_start3A_173 : memref<1x64xi32, #tpu.memory_space<vmem>> -> memref<64xi32, #tpu.memory_space<vmem>>
          %dma_start3A_175 = arith.constant 0 : i32
          %dma_start3A_176 = arith.constant 0 : i32
          %dma_start3A_177 = tpu.memref_slice %arg6[%dma_start3A_175, %dma_start3A_176] : memref<10240x128xf32, #tpu.memory_space<vmem_shared>> -> memref<10240x128xf32, #tpu.memory_space<vmem_shared>>
          tpu.enqueue_indirect_dma source(%arg12 : memref<64x128xf32, #tpu.memory_space<vmem>>) target(%dma_start3A_177 : memref<10240x128xf32, #tpu.memory_space<vmem_shared>>) offsets(%dma_start3A_174 : memref<64xi32, #tpu.memory_space<vmem>>) semaphore(%run_scoped3A_172 : memref<!tpu.dma_semaphore, #tpu.memory_space<semaphore_mem>>) {add = true}
          %dma_wait3A_178 = tpu.memref_slice %arg8[%shift_right_arithmetic3A_160, %mul3A_164] : memref<40x128xi32, #tpu.memory_space<vmem>> -> memref<1x64xi32, #tpu.memory_space<vmem>>
          %dma_wait3A_179 = tpu.memref_squeeze %dma_wait3A_178 : memref<1x64xi32, #tpu.memory_space<vmem>> -> memref<64xi32, #tpu.memory_space<vmem>>
          %dma_wait3A_180 = arith.constant 0 : i32
          %dma_wait3A_181 = arith.constant 0 : i32
          %dma_wait3A_182 = tpu.memref_slice %arg6[%dma_wait3A_180, %dma_wait3A_181] : memref<10240x128xf32, #tpu.memory_space<vmem_shared>> -> memref<10240x128xf32, #tpu.memory_space<vmem_shared>>
          tpu.wait_indirect_dma semaphore(%run_scoped3A_172 : memref<!tpu.dma_semaphore, #tpu.memory_space<semaphore_mem>>) src(%arg12 : memref<64x128xf32, #tpu.memory_space<vmem>>) dst(%dma_wait3A_182 : memref<10240x128xf32, #tpu.memory_space<vmem_shared>>)
          tpu.yield
        }) : () -> ()
        %add3A_165 = arith.constant 4 : i32
        %add3A_166 = arith.addi %add3A_147, %add3A_165 : i32
        %lt3A_167 = arith.constant 80 : i32
        %lt3A_168 = arith.cmpi slt, %add3A_166, %lt3A_167 : i32
        %convert_element_type3A_169 = arith.extui %lt3A_168 : i1 to i32
        %cond3A_170 = arith.constant 0 : i32
        %cond3A_171 = arith.cmpi ne, %convert_element_type3A_169, %cond3A_170 : i32
        scf.if %cond3A_171 {
          %add3A_172 = arith.constant 4 : i32
          %add3A_173 = arith.addi %add3A_147, %add3A_172 : i32
          %shift_right_arithmetic3A_174 = arith.constant 1 : i32
          %shift_right_arithmetic3A_175 = arith.shrsi %add3A_173, %shift_right_arithmetic3A_174 : i32
          %and3A_176 = arith.constant 1 : i32
          %and3A_177 = arith.andi %add3A_173, %and3A_176 : i32
          %mul3A_178 = arith.constant 64 : i32
          %mul3A_179 = arith.muli %and3A_177, %mul3A_178 : i32
          %dma_start3A_180 = tpu.memref_slice %arg7[%shift_right_arithmetic3A_175, %mul3A_179] : memref<40x128xi32, #tpu.memory_space<vmem>> -> memref<1x64xi32, #tpu.memory_space<vmem>>
          %dma_start3A_181 = tpu.memref_squeeze %dma_start3A_180 : memref<1x64xi32, #tpu.memory_space<vmem>> -> memref<64xi32, #tpu.memory_space<vmem>>
          %dma_start3A_182 = arith.constant 0 : i32
          %dma_start3A_183 = arith.constant 0 : i32
          %dma_start3A_184 = tpu.memref_slice %arg2[%dma_start3A_182, %dma_start3A_183] : memref<10240x128xf32, #tpu.memory_space<hbm>> -> memref<10240x128xf32, #tpu.memory_space<hbm>>
          tpu.enqueue_indirect_dma source(%dma_start3A_184 : memref<10240x128xf32, #tpu.memory_space<hbm>>) target(%arg12 : memref<64x128xf32, #tpu.memory_space<vmem>>) offsets(%dma_start3A_181 : memref<64xi32, #tpu.memory_space<vmem>>) semaphore(%arg16 : memref<!tpu.dma_semaphore, #tpu.memory_space<semaphore_mem>>)
        } else {
        }
      }
      %scan3A_62 = arith.constant 20 : i32
    }
    %eq3A_18 = arith.constant 31 : i32
    %eq3A_19 = arith.cmpi eq, %add3A, %eq3A_18 : i32
    %convert_element_type3A = arith.extui %eq3A_19 : i1 to i32
    %cond3A = arith.constant 0 : i32
    %cond3A_20 = arith.cmpi ne, %convert_element_type3A, %cond3A : i32
    scf.if %cond3A_20 {
      %run_scoped3A = arith.constant 0 : i32
      "tpu.region"() ({
        %run_scoped3A_95 = tpu.sem_alloc : memref<!tpu.dma_semaphore, #tpu.memory_space<semaphore_mem>>
        %dma_start3A_96 = arith.constant 0 : i32
        %dma_start3A_97 = arith.constant 0 : i32
        %dma_start3A_98 = tpu.memref_slice %arg7[%dma_start3A_96, %dma_start3A_97] : memref<40x128xi32, #tpu.memory_space<vmem>> -> memref<16x128xi32, #tpu.memory_space<vmem>>
        %dma_start3A_99 = arith.constant 0 : i32
        %dma_start3A_100 = tpu.memref_slice %arg3[%run_scoped3A, %mul3A_6, %dma_start3A_99] : memref<2x2500x128xi32, #tpu.memory_space<hbm>> -> memref<1x16x128xi32, #tpu.memory_space<hbm>>
        %dma_start3A_101 = tpu.memref_squeeze %dma_start3A_100 : memref<1x16x128xi32, #tpu.memory_space<hbm>> -> memref<16x128xi32, #tpu.memory_space<hbm>>
        %dma_start3A_102 = arith.constant 0 : i32
        %dma_start3A_103 = arith.constant 0 : i32
        %dma_start3A_104 = tpu.memref_slice %arg7[%dma_start3A_102, %dma_start3A_103] : memref<40x128xi32, #tpu.memory_space<vmem>> -> memref<16x128xi32, #tpu.memory_space<vmem>>
        %dma_start3A_105 = arith.constant 0 : i32
        %dma_start3A_106 = tpu.memref_slice %arg3[%run_scoped3A, %mul3A_6, %dma_start3A_105] : memref<2x2500x128xi32, #tpu.memory_space<hbm>> -> memref<1x16x128xi32, #tpu.memory_space<hbm>>
        %dma_start3A_107 = tpu.memref_squeeze %dma_start3A_106 : memref<1x16x128xi32, #tpu.memory_space<hbm>> -> memref<16x128xi32, #tpu.memory_space<hbm>>
        tpu.enqueue_dma source(%dma_start3A_107 : memref<16x128xi32, #tpu.memory_space<hbm>>) target(%dma_start3A_104 : memref<16x128xi32, #tpu.memory_space<vmem>>) target_semaphore(%run_scoped3A_95 : memref<!tpu.dma_semaphore, #tpu.memory_space<semaphore_mem>>)
        %dma_wait3A = arith.constant 0 : i32
        %dma_wait3A_108 = arith.constant 0 : i32
        %dma_wait3A_109 = tpu.memref_slice %arg7[%dma_wait3A, %dma_wait3A_108] : memref<40x128xi32, #tpu.memory_space<vmem>> -> memref<16x128xi32, #tpu.memory_space<vmem>>
        %dma_wait3A_110 = arith.constant 0 : i32
        %dma_wait3A_111 = tpu.memref_slice %arg3[%run_scoped3A, %mul3A_6, %dma_wait3A_110] : memref<2x2500x128xi32, #tpu.memory_space<hbm>> -> memref<1x16x128xi32, #tpu.memory_space<hbm>>
        %dma_wait3A_112 = tpu.memref_squeeze %dma_wait3A_111 : memref<1x16x128xi32, #tpu.memory_space<hbm>> -> memref<16x128xi32, #tpu.memory_space<hbm>>
        %dma_wait3A_113 = arith.constant 0 : i32
        %dma_wait3A_114 = arith.constant 0 : i32
        %dma_wait3A_115 = tpu.memref_slice %arg7[%dma_wait3A_113, %dma_wait3A_114] : memref<40x128xi32, #tpu.memory_space<vmem>> -> memref<16x128xi32, #tpu.memory_space<vmem>>
        %dma_wait3A_116 = arith.constant 0 : i32
        %dma_wait3A_117 = tpu.memref_slice %arg3[%run_scoped3A, %mul3A_6, %dma_wait3A_116] : memref<2x2500x128xi32, #tpu.memory_space<hbm>> -> memref<1x16x128xi32, #tpu.memory_space<hbm>>
        %dma_wait3A_118 = tpu.memref_squeeze %dma_wait3A_117 : memref<1x16x128xi32, #tpu.memory_space<hbm>> -> memref<16x128xi32, #tpu.memory_space<hbm>>
        tpu.wait_dma2 semaphore(%run_scoped3A_95 : memref<!tpu.dma_semaphore, #tpu.memory_space<semaphore_mem>>) src(%dma_wait3A_118 : memref<16x128xi32, #tpu.memory_space<hbm>>) dst(%dma_wait3A_115 : memref<16x128xi32, #tpu.memory_space<vmem>>)
        tpu.yield
      }) : () -> ()
      %run_scoped3A_26 = arith.constant 1 : i32
      "tpu.region"() ({
        %run_scoped3A_95 = tpu.sem_alloc : memref<!tpu.dma_semaphore, #tpu.memory_space<semaphore_mem>>
        %dma_start3A_96 = arith.constant 0 : i32
        %dma_start3A_97 = arith.constant 0 : i32
        %dma_start3A_98 = tpu.memref_slice %arg8[%dma_start3A_96, %dma_start3A_97] : memref<40x128xi32, #tpu.memory_space<vmem>> -> memref<16x128xi32, #tpu.memory_space<vmem>>
        %dma_start3A_99 = arith.constant 0 : i32
        %dma_start3A_100 = tpu.memref_slice %arg3[%run_scoped3A_26, %mul3A_6, %dma_start3A_99] : memref<2x2500x128xi32, #tpu.memory_space<hbm>> -> memref<1x16x128xi32, #tpu.memory_space<hbm>>
        %dma_start3A_101 = tpu.memref_squeeze %dma_start3A_100 : memref<1x16x128xi32, #tpu.memory_space<hbm>> -> memref<16x128xi32, #tpu.memory_space<hbm>>
        %dma_start3A_102 = arith.constant 0 : i32
        %dma_start3A_103 = arith.constant 0 : i32
        %dma_start3A_104 = tpu.memref_slice %arg8[%dma_start3A_102, %dma_start3A_103] : memref<40x128xi32, #tpu.memory_space<vmem>> -> memref<16x128xi32, #tpu.memory_space<vmem>>
        %dma_start3A_105 = arith.constant 0 : i32
        %dma_start3A_106 = tpu.memref_slice %arg3[%run_scoped3A_26, %mul3A_6, %dma_start3A_105] : memref<2x2500x128xi32, #tpu.memory_space<hbm>> -> memref<1x16x128xi32, #tpu.memory_space<hbm>>
        %dma_start3A_107 = tpu.memref_squeeze %dma_start3A_106 : memref<1x16x128xi32, #tpu.memory_space<hbm>> -> memref<16x128xi32, #tpu.memory_space<hbm>>
        tpu.enqueue_dma source(%dma_start3A_107 : memref<16x128xi32, #tpu.memory_space<hbm>>) target(%dma_start3A_104 : memref<16x128xi32, #tpu.memory_space<vmem>>) target_semaphore(%run_scoped3A_95 : memref<!tpu.dma_semaphore, #tpu.memory_space<semaphore_mem>>)
        %dma_wait3A = arith.constant 0 : i32
        %dma_wait3A_108 = arith.constant 0 : i32
        %dma_wait3A_109 = tpu.memref_slice %arg8[%dma_wait3A, %dma_wait3A_108] : memref<40x128xi32, #tpu.memory_space<vmem>> -> memref<16x128xi32, #tpu.memory_space<vmem>>
        %dma_wait3A_110 = arith.constant 0 : i32
        %dma_wait3A_111 = tpu.memref_slice %arg3[%run_scoped3A_26, %mul3A_6, %dma_wait3A_110] : memref<2x2500x128xi32, #tpu.memory_space<hbm>> -> memref<1x16x128xi32, #tpu.memory_space<hbm>>
        %dma_wait3A_112 = tpu.memref_squeeze %dma_wait3A_111 : memref<1x16x128xi32, #tpu.memory_space<hbm>> -> memref<16x128xi32, #tpu.memory_space<hbm>>
        %dma_wait3A_113 = arith.constant 0 : i32
        %dma_wait3A_114 = arith.constant 0 : i32
        %dma_wait3A_115 = tpu.memref_slice %arg8[%dma_wait3A_113, %dma_wait3A_114] : memref<40x128xi32, #tpu.memory_space<vmem>> -> memref<16x128xi32, #tpu.memory_space<vmem>>
        %dma_wait3A_116 = arith.constant 0 : i32
        %dma_wait3A_117 = tpu.memref_slice %arg3[%run_scoped3A_26, %mul3A_6, %dma_wait3A_116] : memref<2x2500x128xi32, #tpu.memory_space<hbm>> -> memref<1x16x128xi32, #tpu.memory_space<hbm>>
        %dma_wait3A_118 = tpu.memref_squeeze %dma_wait3A_117 : memref<1x16x128xi32, #tpu.memory_space<hbm>> -> memref<16x128xi32, #tpu.memory_space<hbm>>
        tpu.wait_dma2 semaphore(%run_scoped3A_95 : memref<!tpu.dma_semaphore, #tpu.memory_space<semaphore_mem>>) src(%dma_wait3A_118 : memref<16x128xi32, #tpu.memory_space<hbm>>) dst(%dma_wait3A_115 : memref<16x128xi32, #tpu.memory_space<vmem>>)
        tpu.yield
      }) : () -> ()
      %dma_start3A = arith.constant 0 : i32
      %dma_start3A_27 = arith.constant 0 : i32
      %dma_start3A_28 = tpu.memref_slice %arg7[%dma_start3A, %dma_start3A_27] : memref<40x128xi32, #tpu.memory_space<vmem>> -> memref<1x64xi32, #tpu.memory_space<vmem>>
      %dma_start3A_29 = tpu.memref_squeeze %dma_start3A_28 : memref<1x64xi32, #tpu.memory_space<vmem>> -> memref<64xi32, #tpu.memory_space<vmem>>
      %dma_start3A_30 = arith.constant 0 : i32
      %dma_start3A_31 = arith.constant 0 : i32
      %dma_start3A_32 = tpu.memref_slice %arg2[%dma_start3A_30, %dma_start3A_31] : memref<10240x128xf32, #tpu.memory_space<hbm>> -> memref<10240x128xf32, #tpu.memory_space<hbm>>
      tpu.enqueue_indirect_dma source(%dma_start3A_32 : memref<10240x128xf32, #tpu.memory_space<hbm>>) target(%arg9 : memref<64x128xf32, #tpu.memory_space<vmem>>) offsets(%dma_start3A_29 : memref<64xi32, #tpu.memory_space<vmem>>) semaphore(%arg13 : memref<!tpu.dma_semaphore, #tpu.memory_space<semaphore_mem>>)
      %dma_start3A_33 = arith.constant 0 : i32
      %dma_start3A_34 = arith.constant 64 : i32
      %dma_start3A_35 = tpu.memref_slice %arg7[%dma_start3A_33, %dma_start3A_34] : memref<40x128xi32, #tpu.memory_space<vmem>> -> memref<1x64xi32, #tpu.memory_space<vmem>>
      %dma_start3A_36 = tpu.memref_squeeze %dma_start3A_35 : memref<1x64xi32, #tpu.memory_space<vmem>> -> memref<64xi32, #tpu.memory_space<vmem>>
      %dma_start3A_37 = arith.constant 0 : i32
      %dma_start3A_38 = arith.constant 0 : i32
      %dma_start3A_39 = tpu.memref_slice %arg2[%dma_start3A_37, %dma_start3A_38] : memref<10240x128xf32, #tpu.memory_space<hbm>> -> memref<10240x128xf32, #tpu.memory_space<hbm>>
      tpu.enqueue_indirect_dma source(%dma_start3A_39 : memref<10240x128xf32, #tpu.memory_space<hbm>>) target(%arg10 : memref<64x128xf32, #tpu.memory_space<vmem>>) offsets(%dma_start3A_36 : memref<64xi32, #tpu.memory_space<vmem>>) semaphore(%arg14 : memref<!tpu.dma_semaphore, #tpu.memory_space<semaphore_mem>>)
      %dma_start3A_40 = arith.constant 1 : i32
      %dma_start3A_41 = arith.constant 0 : i32
      %dma_start3A_42 = tpu.memref_slice %arg7[%dma_start3A_40, %dma_start3A_41] : memref<40x128xi32, #tpu.memory_space<vmem>> -> memref<1x64xi32, #tpu.memory_space<vmem>>
      %dma_start3A_43 = tpu.memref_squeeze %dma_start3A_42 : memref<1x64xi32, #tpu.memory_space<vmem>> -> memref<64xi32, #tpu.memory_space<vmem>>
      %dma_start3A_44 = arith.constant 0 : i32
      %dma_start3A_45 = arith.constant 0 : i32
      %dma_start3A_46 = tpu.memref_slice %arg2[%dma_start3A_44, %dma_start3A_45] : memref<10240x128xf32, #tpu.memory_space<hbm>> -> memref<10240x128xf32, #tpu.memory_space<hbm>>
      tpu.enqueue_indirect_dma source(%dma_start3A_46 : memref<10240x128xf32, #tpu.memory_space<hbm>>) target(%arg11 : memref<64x128xf32, #tpu.memory_space<vmem>>) offsets(%dma_start3A_43 : memref<64xi32, #tpu.memory_space<vmem>>) semaphore(%arg15 : memref<!tpu.dma_semaphore, #tpu.memory_space<semaphore_mem>>)
      %dma_start3A_47 = arith.constant 1 : i32
      %dma_start3A_48 = arith.constant 64 : i32
      %dma_start3A_49 = tpu.memref_slice %arg7[%dma_start3A_47, %dma_start3A_48] : memref<40x128xi32, #tpu.memory_space<vmem>> -> memref<1x64xi32, #tpu.memory_space<vmem>>
      %dma_start3A_50 = tpu.memref_squeeze %dma_start3A_49 : memref<1x64xi32, #tpu.memory_space<vmem>> -> memref<64xi32, #tpu.memory_space<vmem>>
      %dma_start3A_51 = arith.constant 0 : i32
      %dma_start3A_52 = arith.constant 0 : i32
      %dma_start3A_53 = tpu.memref_slice %arg2[%dma_start3A_51, %dma_start3A_52] : memref<10240x128xf32, #tpu.memory_space<hbm>> -> memref<10240x128xf32, #tpu.memory_space<hbm>>
      tpu.enqueue_indirect_dma source(%dma_start3A_53 : memref<10240x128xf32, #tpu.memory_space<hbm>>) target(%arg12 : memref<64x128xf32, #tpu.memory_space<vmem>>) offsets(%dma_start3A_50 : memref<64xi32, #tpu.memory_space<vmem>>) semaphore(%arg16 : memref<!tpu.dma_semaphore, #tpu.memory_space<semaphore_mem>>)
      %scan3A = arith.constant 0 : i32
      %scan3A_54 = arith.constant 0 : i32
      %scan3A_55 = arith.constant 8 : i32
      %scan3A_56 = arith.addi %scan3A_54, %scan3A_55 : i32
      %scan3A_57 = arith.constant 1 : i32
      scf.for %scan3A_95 = %scan3A_54 to %scan3A_56 step %scan3A_57  : i32 {
        %mul3A_96 = arith.constant 4 : i32
        %mul3A_97 = arith.muli %mul3A_96, %scan3A_95 : i32
        %add3A_98 = arith.constant 0 : i32
        %add3A_99 = arith.addi %mul3A_97, %add3A_98 : i32
        %shift_right_arithmetic3A = arith.constant 1 : i32
        %shift_right_arithmetic3A_100 = arith.shrsi %add3A_99, %shift_right_arithmetic3A : i32
        %and3A = arith.constant 1 : i32
        %and3A_101 = arith.andi %add3A_99, %and3A : i32
        %mul3A_102 = arith.constant 64 : i32
        %mul3A_103 = arith.muli %and3A_101, %mul3A_102 : i32
        %dma_wait3A = tpu.memref_slice %arg7[%shift_right_arithmetic3A_100, %mul3A_103] : memref<40x128xi32, #tpu.memory_space<vmem>> -> memref<1x64xi32, #tpu.memory_space<vmem>>
        %dma_wait3A_104 = tpu.memref_squeeze %dma_wait3A : memref<1x64xi32, #tpu.memory_space<vmem>> -> memref<64xi32, #tpu.memory_space<vmem>>
        %dma_wait3A_105 = arith.constant 0 : i32
        %dma_wait3A_106 = arith.constant 0 : i32
        %dma_wait3A_107 = tpu.memref_slice %arg2[%dma_wait3A_105, %dma_wait3A_106] : memref<10240x128xf32, #tpu.memory_space<hbm>> -> memref<10240x128xf32, #tpu.memory_space<hbm>>
        tpu.wait_indirect_dma semaphore(%arg13 : memref<!tpu.dma_semaphore, #tpu.memory_space<semaphore_mem>>) src(%dma_wait3A_107 : memref<10240x128xf32, #tpu.memory_space<hbm>>) dst(%arg9 : memref<64x128xf32, #tpu.memory_space<vmem>>)
        %shift_right_arithmetic3A_108 = arith.constant 1 : i32
        %shift_right_arithmetic3A_109 = arith.shrsi %add3A_99, %shift_right_arithmetic3A_108 : i32
        %and3A_110 = arith.constant 1 : i32
        %and3A_111 = arith.andi %add3A_99, %and3A_110 : i32
        %mul3A_112 = arith.constant 64 : i32
        %mul3A_113 = arith.muli %and3A_111, %mul3A_112 : i32
        "tpu.region"() ({
          %run_scoped3A_204 = tpu.sem_alloc : memref<!tpu.dma_semaphore, #tpu.memory_space<semaphore_mem>>
          %dma_start3A_205 = tpu.memref_slice %arg8[%shift_right_arithmetic3A_109, %mul3A_113] : memref<40x128xi32, #tpu.memory_space<vmem>> -> memref<1x64xi32, #tpu.memory_space<vmem>>
          %dma_start3A_206 = tpu.memref_squeeze %dma_start3A_205 : memref<1x64xi32, #tpu.memory_space<vmem>> -> memref<64xi32, #tpu.memory_space<vmem>>
          %dma_start3A_207 = arith.constant 0 : i32
          %dma_start3A_208 = arith.constant 0 : i32
          %dma_start3A_209 = tpu.memref_slice %arg6[%dma_start3A_207, %dma_start3A_208] : memref<10240x128xf32, #tpu.memory_space<vmem_shared>> -> memref<10240x128xf32, #tpu.memory_space<vmem_shared>>
          tpu.enqueue_indirect_dma source(%arg9 : memref<64x128xf32, #tpu.memory_space<vmem>>) target(%dma_start3A_209 : memref<10240x128xf32, #tpu.memory_space<vmem_shared>>) offsets(%dma_start3A_206 : memref<64xi32, #tpu.memory_space<vmem>>) semaphore(%run_scoped3A_204 : memref<!tpu.dma_semaphore, #tpu.memory_space<semaphore_mem>>) {add = true}
          %dma_wait3A_210 = tpu.memref_slice %arg8[%shift_right_arithmetic3A_109, %mul3A_113] : memref<40x128xi32, #tpu.memory_space<vmem>> -> memref<1x64xi32, #tpu.memory_space<vmem>>
          %dma_wait3A_211 = tpu.memref_squeeze %dma_wait3A_210 : memref<1x64xi32, #tpu.memory_space<vmem>> -> memref<64xi32, #tpu.memory_space<vmem>>
          %dma_wait3A_212 = arith.constant 0 : i32
          %dma_wait3A_213 = arith.constant 0 : i32
          %dma_wait3A_214 = tpu.memref_slice %arg6[%dma_wait3A_212, %dma_wait3A_213] : memref<10240x128xf32, #tpu.memory_space<vmem_shared>> -> memref<10240x128xf32, #tpu.memory_space<vmem_shared>>
          tpu.wait_indirect_dma semaphore(%run_scoped3A_204 : memref<!tpu.dma_semaphore, #tpu.memory_space<semaphore_mem>>) src(%arg9 : memref<64x128xf32, #tpu.memory_space<vmem>>) dst(%dma_wait3A_214 : memref<10240x128xf32, #tpu.memory_space<vmem_shared>>)
          tpu.yield
        }) : () -> ()
        %add3A_114 = arith.constant 4 : i32
        %add3A_115 = arith.addi %add3A_99, %add3A_114 : i32
        %lt3A = arith.constant 32 : i32
        %lt3A_116 = arith.cmpi slt, %add3A_115, %lt3A : i32
        %convert_element_type3A_117 = arith.extui %lt3A_116 : i1 to i32
        %cond3A_118 = arith.constant 0 : i32
        %cond3A_119 = arith.cmpi ne, %convert_element_type3A_117, %cond3A_118 : i32
        scf.if %cond3A_119 {
          %add3A_204 = arith.constant 4 : i32
          %add3A_205 = arith.addi %add3A_99, %add3A_204 : i32
          %shift_right_arithmetic3A_206 = arith.constant 1 : i32
          %shift_right_arithmetic3A_207 = arith.shrsi %add3A_205, %shift_right_arithmetic3A_206 : i32
          %and3A_208 = arith.constant 1 : i32
          %and3A_209 = arith.andi %add3A_205, %and3A_208 : i32
          %mul3A_210 = arith.constant 64 : i32
          %mul3A_211 = arith.muli %and3A_209, %mul3A_210 : i32
          %dma_start3A_212 = tpu.memref_slice %arg7[%shift_right_arithmetic3A_207, %mul3A_211] : memref<40x128xi32, #tpu.memory_space<vmem>> -> memref<1x64xi32, #tpu.memory_space<vmem>>
          %dma_start3A_213 = tpu.memref_squeeze %dma_start3A_212 : memref<1x64xi32, #tpu.memory_space<vmem>> -> memref<64xi32, #tpu.memory_space<vmem>>
          %dma_start3A_214 = arith.constant 0 : i32
          %dma_start3A_215 = arith.constant 0 : i32
          %dma_start3A_216 = tpu.memref_slice %arg2[%dma_start3A_214, %dma_start3A_215] : memref<10240x128xf32, #tpu.memory_space<hbm>> -> memref<10240x128xf32, #tpu.memory_space<hbm>>
          tpu.enqueue_indirect_dma source(%dma_start3A_216 : memref<10240x128xf32, #tpu.memory_space<hbm>>) target(%arg9 : memref<64x128xf32, #tpu.memory_space<vmem>>) offsets(%dma_start3A_213 : memref<64xi32, #tpu.memory_space<vmem>>) semaphore(%arg13 : memref<!tpu.dma_semaphore, #tpu.memory_space<semaphore_mem>>)
        } else {
        }
        %mul3A_120 = arith.constant 4 : i32
        %mul3A_121 = arith.muli %mul3A_120, %scan3A_95 : i32
        %add3A_122 = arith.constant 1 : i32
        %add3A_123 = arith.addi %mul3A_121, %add3A_122 : i32
        %shift_right_arithmetic3A_124 = arith.constant 1 : i32
        %shift_right_arithmetic3A_125 = arith.shrsi %add3A_123, %shift_right_arithmetic3A_124 : i32
        %and3A_126 = arith.constant 1 : i32
        %and3A_127 = arith.andi %add3A_123, %and3A_126 : i32
        %mul3A_128 = arith.constant 64 : i32
        %mul3A_129 = arith.muli %and3A_127, %mul3A_128 : i32
        %dma_wait3A_130 = tpu.memref_slice %arg7[%shift_right_arithmetic3A_125, %mul3A_129] : memref<40x128xi32, #tpu.memory_space<vmem>> -> memref<1x64xi32, #tpu.memory_space<vmem>>
        %dma_wait3A_131 = tpu.memref_squeeze %dma_wait3A_130 : memref<1x64xi32, #tpu.memory_space<vmem>> -> memref<64xi32, #tpu.memory_space<vmem>>
        %dma_wait3A_132 = arith.constant 0 : i32
        %dma_wait3A_133 = arith.constant 0 : i32
        %dma_wait3A_134 = tpu.memref_slice %arg2[%dma_wait3A_132, %dma_wait3A_133] : memref<10240x128xf32, #tpu.memory_space<hbm>> -> memref<10240x128xf32, #tpu.memory_space<hbm>>
        tpu.wait_indirect_dma semaphore(%arg14 : memref<!tpu.dma_semaphore, #tpu.memory_space<semaphore_mem>>) src(%dma_wait3A_134 : memref<10240x128xf32, #tpu.memory_space<hbm>>) dst(%arg10 : memref<64x128xf32, #tpu.memory_space<vmem>>)
        %shift_right_arithmetic3A_135 = arith.constant 1 : i32
        %shift_right_arithmetic3A_136 = arith.shrsi %add3A_123, %shift_right_arithmetic3A_135 : i32
        %and3A_137 = arith.constant 1 : i32
        %and3A_138 = arith.andi %add3A_123, %and3A_137 : i32
        %mul3A_139 = arith.constant 64 : i32
        %mul3A_140 = arith.muli %and3A_138, %mul3A_139 : i32
        "tpu.region"() ({
          %run_scoped3A_204 = tpu.sem_alloc : memref<!tpu.dma_semaphore, #tpu.memory_space<semaphore_mem>>
          %dma_start3A_205 = tpu.memref_slice %arg8[%shift_right_arithmetic3A_136, %mul3A_140] : memref<40x128xi32, #tpu.memory_space<vmem>> -> memref<1x64xi32, #tpu.memory_space<vmem>>
          %dma_start3A_206 = tpu.memref_squeeze %dma_start3A_205 : memref<1x64xi32, #tpu.memory_space<vmem>> -> memref<64xi32, #tpu.memory_space<vmem>>
          %dma_start3A_207 = arith.constant 0 : i32
          %dma_start3A_208 = arith.constant 0 : i32
          %dma_start3A_209 = tpu.memref_slice %arg6[%dma_start3A_207, %dma_start3A_208] : memref<10240x128xf32, #tpu.memory_space<vmem_shared>> -> memref<10240x128xf32, #tpu.memory_space<vmem_shared>>
          tpu.enqueue_indirect_dma source(%arg10 : memref<64x128xf32, #tpu.memory_space<vmem>>) target(%dma_start3A_209 : memref<10240x128xf32, #tpu.memory_space<vmem_shared>>) offsets(%dma_start3A_206 : memref<64xi32, #tpu.memory_space<vmem>>) semaphore(%run_scoped3A_204 : memref<!tpu.dma_semaphore, #tpu.memory_space<semaphore_mem>>) {add = true}
          %dma_wait3A_210 = tpu.memref_slice %arg8[%shift_right_arithmetic3A_136, %mul3A_140] : memref<40x128xi32, #tpu.memory_space<vmem>> -> memref<1x64xi32, #tpu.memory_space<vmem>>
          %dma_wait3A_211 = tpu.memref_squeeze %dma_wait3A_210 : memref<1x64xi32, #tpu.memory_space<vmem>> -> memref<64xi32, #tpu.memory_space<vmem>>
          %dma_wait3A_212 = arith.constant 0 : i32
          %dma_wait3A_213 = arith.constant 0 : i32
          %dma_wait3A_214 = tpu.memref_slice %arg6[%dma_wait3A_212, %dma_wait3A_213] : memref<10240x128xf32, #tpu.memory_space<vmem_shared>> -> memref<10240x128xf32, #tpu.memory_space<vmem_shared>>
          tpu.wait_indirect_dma semaphore(%run_scoped3A_204 : memref<!tpu.dma_semaphore, #tpu.memory_space<semaphore_mem>>) src(%arg10 : memref<64x128xf32, #tpu.memory_space<vmem>>) dst(%dma_wait3A_214 : memref<10240x128xf32, #tpu.memory_space<vmem_shared>>)
          tpu.yield
        }) : () -> ()
        %add3A_141 = arith.constant 4 : i32
        %add3A_142 = arith.addi %add3A_123, %add3A_141 : i32
        %lt3A_143 = arith.constant 32 : i32
        %lt3A_144 = arith.cmpi slt, %add3A_142, %lt3A_143 : i32
        %convert_element_type3A_145 = arith.extui %lt3A_144 : i1 to i32
        %cond3A_146 = arith.constant 0 : i32
        %cond3A_147 = arith.cmpi ne, %convert_element_type3A_145, %cond3A_146 : i32
        scf.if %cond3A_147 {
          %add3A_204 = arith.constant 4 : i32
          %add3A_205 = arith.addi %add3A_123, %add3A_204 : i32
          %shift_right_arithmetic3A_206 = arith.constant 1 : i32
          %shift_right_arithmetic3A_207 = arith.shrsi %add3A_205, %shift_right_arithmetic3A_206 : i32
          %and3A_208 = arith.constant 1 : i32
          %and3A_209 = arith.andi %add3A_205, %and3A_208 : i32
          %mul3A_210 = arith.constant 64 : i32
          %mul3A_211 = arith.muli %and3A_209, %mul3A_210 : i32
          %dma_start3A_212 = tpu.memref_slice %arg7[%shift_right_arithmetic3A_207, %mul3A_211] : memref<40x128xi32, #tpu.memory_space<vmem>> -> memref<1x64xi32, #tpu.memory_space<vmem>>
          %dma_start3A_213 = tpu.memref_squeeze %dma_start3A_212 : memref<1x64xi32, #tpu.memory_space<vmem>> -> memref<64xi32, #tpu.memory_space<vmem>>
          %dma_start3A_214 = arith.constant 0 : i32
          %dma_start3A_215 = arith.constant 0 : i32
          %dma_start3A_216 = tpu.memref_slice %arg2[%dma_start3A_214, %dma_start3A_215] : memref<10240x128xf32, #tpu.memory_space<hbm>> -> memref<10240x128xf32, #tpu.memory_space<hbm>>
          tpu.enqueue_indirect_dma source(%dma_start3A_216 : memref<10240x128xf32, #tpu.memory_space<hbm>>) target(%arg10 : memref<64x128xf32, #tpu.memory_space<vmem>>) offsets(%dma_start3A_213 : memref<64xi32, #tpu.memory_space<vmem>>) semaphore(%arg14 : memref<!tpu.dma_semaphore, #tpu.memory_space<semaphore_mem>>)
        } else {
        }
        %mul3A_148 = arith.constant 4 : i32
        %mul3A_149 = arith.muli %mul3A_148, %scan3A_95 : i32
        %add3A_150 = arith.constant 2 : i32
        %add3A_151 = arith.addi %mul3A_149, %add3A_150 : i32
        %shift_right_arithmetic3A_152 = arith.constant 1 : i32
        %shift_right_arithmetic3A_153 = arith.shrsi %add3A_151, %shift_right_arithmetic3A_152 : i32
        %and3A_154 = arith.constant 1 : i32
        %and3A_155 = arith.andi %add3A_151, %and3A_154 : i32
        %mul3A_156 = arith.constant 64 : i32
        %mul3A_157 = arith.muli %and3A_155, %mul3A_156 : i32
        %dma_wait3A_158 = tpu.memref_slice %arg7[%shift_right_arithmetic3A_153, %mul3A_157] : memref<40x128xi32, #tpu.memory_space<vmem>> -> memref<1x64xi32, #tpu.memory_space<vmem>>
        %dma_wait3A_159 = tpu.memref_squeeze %dma_wait3A_158 : memref<1x64xi32, #tpu.memory_space<vmem>> -> memref<64xi32, #tpu.memory_space<vmem>>
        %dma_wait3A_160 = arith.constant 0 : i32
        %dma_wait3A_161 = arith.constant 0 : i32
        %dma_wait3A_162 = tpu.memref_slice %arg2[%dma_wait3A_160, %dma_wait3A_161] : memref<10240x128xf32, #tpu.memory_space<hbm>> -> memref<10240x128xf32, #tpu.memory_space<hbm>>
        tpu.wait_indirect_dma semaphore(%arg15 : memref<!tpu.dma_semaphore, #tpu.memory_space<semaphore_mem>>) src(%dma_wait3A_162 : memref<10240x128xf32, #tpu.memory_space<hbm>>) dst(%arg11 : memref<64x128xf32, #tpu.memory_space<vmem>>)
        %shift_right_arithmetic3A_163 = arith.constant 1 : i32
        %shift_right_arithmetic3A_164 = arith.shrsi %add3A_151, %shift_right_arithmetic3A_163 : i32
        %and3A_165 = arith.constant 1 : i32
        %and3A_166 = arith.andi %add3A_151, %and3A_165 : i32
        %mul3A_167 = arith.constant 64 : i32
        %mul3A_168 = arith.muli %and3A_166, %mul3A_167 : i32
        "tpu.region"() ({
          %run_scoped3A_204 = tpu.sem_alloc : memref<!tpu.dma_semaphore, #tpu.memory_space<semaphore_mem>>
          %dma_start3A_205 = tpu.memref_slice %arg8[%shift_right_arithmetic3A_164, %mul3A_168] : memref<40x128xi32, #tpu.memory_space<vmem>> -> memref<1x64xi32, #tpu.memory_space<vmem>>
          %dma_start3A_206 = tpu.memref_squeeze %dma_start3A_205 : memref<1x64xi32, #tpu.memory_space<vmem>> -> memref<64xi32, #tpu.memory_space<vmem>>
          %dma_start3A_207 = arith.constant 0 : i32
          %dma_start3A_208 = arith.constant 0 : i32
          %dma_start3A_209 = tpu.memref_slice %arg6[%dma_start3A_207, %dma_start3A_208] : memref<10240x128xf32, #tpu.memory_space<vmem_shared>> -> memref<10240x128xf32, #tpu.memory_space<vmem_shared>>
          tpu.enqueue_indirect_dma source(%arg11 : memref<64x128xf32, #tpu.memory_space<vmem>>) target(%dma_start3A_209 : memref<10240x128xf32, #tpu.memory_space<vmem_shared>>) offsets(%dma_start3A_206 : memref<64xi32, #tpu.memory_space<vmem>>) semaphore(%run_scoped3A_204 : memref<!tpu.dma_semaphore, #tpu.memory_space<semaphore_mem>>) {add = true}
          %dma_wait3A_210 = tpu.memref_slice %arg8[%shift_right_arithmetic3A_164, %mul3A_168] : memref<40x128xi32, #tpu.memory_space<vmem>> -> memref<1x64xi32, #tpu.memory_space<vmem>>
          %dma_wait3A_211 = tpu.memref_squeeze %dma_wait3A_210 : memref<1x64xi32, #tpu.memory_space<vmem>> -> memref<64xi32, #tpu.memory_space<vmem>>
          %dma_wait3A_212 = arith.constant 0 : i32
          %dma_wait3A_213 = arith.constant 0 : i32
          %dma_wait3A_214 = tpu.memref_slice %arg6[%dma_wait3A_212, %dma_wait3A_213] : memref<10240x128xf32, #tpu.memory_space<vmem_shared>> -> memref<10240x128xf32, #tpu.memory_space<vmem_shared>>
          tpu.wait_indirect_dma semaphore(%run_scoped3A_204 : memref<!tpu.dma_semaphore, #tpu.memory_space<semaphore_mem>>) src(%arg11 : memref<64x128xf32, #tpu.memory_space<vmem>>) dst(%dma_wait3A_214 : memref<10240x128xf32, #tpu.memory_space<vmem_shared>>)
          tpu.yield
        }) : () -> ()
        %add3A_169 = arith.constant 4 : i32
        %add3A_170 = arith.addi %add3A_151, %add3A_169 : i32
        %lt3A_171 = arith.constant 32 : i32
        %lt3A_172 = arith.cmpi slt, %add3A_170, %lt3A_171 : i32
        %convert_element_type3A_173 = arith.extui %lt3A_172 : i1 to i32
        %cond3A_174 = arith.constant 0 : i32
        %cond3A_175 = arith.cmpi ne, %convert_element_type3A_173, %cond3A_174 : i32
        scf.if %cond3A_175 {
          %add3A_204 = arith.constant 4 : i32
          %add3A_205 = arith.addi %add3A_151, %add3A_204 : i32
          %shift_right_arithmetic3A_206 = arith.constant 1 : i32
          %shift_right_arithmetic3A_207 = arith.shrsi %add3A_205, %shift_right_arithmetic3A_206 : i32
          %and3A_208 = arith.constant 1 : i32
          %and3A_209 = arith.andi %add3A_205, %and3A_208 : i32
          %mul3A_210 = arith.constant 64 : i32
          %mul3A_211 = arith.muli %and3A_209, %mul3A_210 : i32
          %dma_start3A_212 = tpu.memref_slice %arg7[%shift_right_arithmetic3A_207, %mul3A_211] : memref<40x128xi32, #tpu.memory_space<vmem>> -> memref<1x64xi32, #tpu.memory_space<vmem>>
          %dma_start3A_213 = tpu.memref_squeeze %dma_start3A_212 : memref<1x64xi32, #tpu.memory_space<vmem>> -> memref<64xi32, #tpu.memory_space<vmem>>
          %dma_start3A_214 = arith.constant 0 : i32
          %dma_start3A_215 = arith.constant 0 : i32
          %dma_start3A_216 = tpu.memref_slice %arg2[%dma_start3A_214, %dma_start3A_215] : memref<10240x128xf32, #tpu.memory_space<hbm>> -> memref<10240x128xf32, #tpu.memory_space<hbm>>
          tpu.enqueue_indirect_dma source(%dma_start3A_216 : memref<10240x128xf32, #tpu.memory_space<hbm>>) target(%arg11 : memref<64x128xf32, #tpu.memory_space<vmem>>) offsets(%dma_start3A_213 : memref<64xi32, #tpu.memory_space<vmem>>) semaphore(%arg15 : memref<!tpu.dma_semaphore, #tpu.memory_space<semaphore_mem>>)
        } else {
        }
        %mul3A_176 = arith.constant 4 : i32
        %mul3A_177 = arith.muli %mul3A_176, %scan3A_95 : i32
        %add3A_178 = arith.constant 3 : i32
        %add3A_179 = arith.addi %mul3A_177, %add3A_178 : i32
        %shift_right_arithmetic3A_180 = arith.constant 1 : i32
        %shift_right_arithmetic3A_181 = arith.shrsi %add3A_179, %shift_right_arithmetic3A_180 : i32
        %and3A_182 = arith.constant 1 : i32
        %and3A_183 = arith.andi %add3A_179, %and3A_182 : i32
        %mul3A_184 = arith.constant 64 : i32
        %mul3A_185 = arith.muli %and3A_183, %mul3A_184 : i32
        %dma_wait3A_186 = tpu.memref_slice %arg7[%shift_right_arithmetic3A_181, %mul3A_185] : memref<40x128xi32, #tpu.memory_space<vmem>> -> memref<1x64xi32, #tpu.memory_space<vmem>>
        %dma_wait3A_187 = tpu.memref_squeeze %dma_wait3A_186 : memref<1x64xi32, #tpu.memory_space<vmem>> -> memref<64xi32, #tpu.memory_space<vmem>>
        %dma_wait3A_188 = arith.constant 0 : i32
        %dma_wait3A_189 = arith.constant 0 : i32
        %dma_wait3A_190 = tpu.memref_slice %arg2[%dma_wait3A_188, %dma_wait3A_189] : memref<10240x128xf32, #tpu.memory_space<hbm>> -> memref<10240x128xf32, #tpu.memory_space<hbm>>
        tpu.wait_indirect_dma semaphore(%arg16 : memref<!tpu.dma_semaphore, #tpu.memory_space<semaphore_mem>>) src(%dma_wait3A_190 : memref<10240x128xf32, #tpu.memory_space<hbm>>) dst(%arg12 : memref<64x128xf32, #tpu.memory_space<vmem>>)
        %shift_right_arithmetic3A_191 = arith.constant 1 : i32
        %shift_right_arithmetic3A_192 = arith.shrsi %add3A_179, %shift_right_arithmetic3A_191 : i32
        %and3A_193 = arith.constant 1 : i32
        %and3A_194 = arith.andi %add3A_179, %and3A_193 : i32
        %mul3A_195 = arith.constant 64 : i32
        %mul3A_196 = arith.muli %and3A_194, %mul3A_195 : i32
        "tpu.region"() ({
          %run_scoped3A_204 = tpu.sem_alloc : memref<!tpu.dma_semaphore, #tpu.memory_space<semaphore_mem>>
          %dma_start3A_205 = tpu.memref_slice %arg8[%shift_right_arithmetic3A_192, %mul3A_196] : memref<40x128xi32, #tpu.memory_space<vmem>> -> memref<1x64xi32, #tpu.memory_space<vmem>>
          %dma_start3A_206 = tpu.memref_squeeze %dma_start3A_205 : memref<1x64xi32, #tpu.memory_space<vmem>> -> memref<64xi32, #tpu.memory_space<vmem>>
          %dma_start3A_207 = arith.constant 0 : i32
          %dma_start3A_208 = arith.constant 0 : i32
          %dma_start3A_209 = tpu.memref_slice %arg6[%dma_start3A_207, %dma_start3A_208] : memref<10240x128xf32, #tpu.memory_space<vmem_shared>> -> memref<10240x128xf32, #tpu.memory_space<vmem_shared>>
          tpu.enqueue_indirect_dma source(%arg12 : memref<64x128xf32, #tpu.memory_space<vmem>>) target(%dma_start3A_209 : memref<10240x128xf32, #tpu.memory_space<vmem_shared>>) offsets(%dma_start3A_206 : memref<64xi32, #tpu.memory_space<vmem>>) semaphore(%run_scoped3A_204 : memref<!tpu.dma_semaphore, #tpu.memory_space<semaphore_mem>>) {add = true}
          %dma_wait3A_210 = tpu.memref_slice %arg8[%shift_right_arithmetic3A_192, %mul3A_196] : memref<40x128xi32, #tpu.memory_space<vmem>> -> memref<1x64xi32, #tpu.memory_space<vmem>>
          %dma_wait3A_211 = tpu.memref_squeeze %dma_wait3A_210 : memref<1x64xi32, #tpu.memory_space<vmem>> -> memref<64xi32, #tpu.memory_space<vmem>>
          %dma_wait3A_212 = arith.constant 0 : i32
          %dma_wait3A_213 = arith.constant 0 : i32
          %dma_wait3A_214 = tpu.memref_slice %arg6[%dma_wait3A_212, %dma_wait3A_213] : memref<10240x128xf32, #tpu.memory_space<vmem_shared>> -> memref<10240x128xf32, #tpu.memory_space<vmem_shared>>
          tpu.wait_indirect_dma semaphore(%run_scoped3A_204 : memref<!tpu.dma_semaphore, #tpu.memory_space<semaphore_mem>>) src(%arg12 : memref<64x128xf32, #tpu.memory_space<vmem>>) dst(%dma_wait3A_214 : memref<10240x128xf32, #tpu.memory_space<vmem_shared>>)
          tpu.yield
        }) : () -> ()
        %add3A_197 = arith.constant 4 : i32
        %add3A_198 = arith.addi %add3A_179, %add3A_197 : i32
        %lt3A_199 = arith.constant 32 : i32
        %lt3A_200 = arith.cmpi slt, %add3A_198, %lt3A_199 : i32
        %convert_element_type3A_201 = arith.extui %lt3A_200 : i1 to i32
        %cond3A_202 = arith.constant 0 : i32
        %cond3A_203 = arith.cmpi ne, %convert_element_type3A_201, %cond3A_202 : i32
        scf.if %cond3A_203 {
          %add3A_204 = arith.constant 4 : i32
          %add3A_205 = arith.addi %add3A_179, %add3A_204 : i32
          %shift_right_arithmetic3A_206 = arith.constant 1 : i32
          %shift_right_arithmetic3A_207 = arith.shrsi %add3A_205, %shift_right_arithmetic3A_206 : i32
          %and3A_208 = arith.constant 1 : i32
          %and3A_209 = arith.andi %add3A_205, %and3A_208 : i32
          %mul3A_210 = arith.constant 64 : i32
          %mul3A_211 = arith.muli %and3A_209, %mul3A_210 : i32
          %dma_start3A_212 = tpu.memref_slice %arg7[%shift_right_arithmetic3A_207, %mul3A_211] : memref<40x128xi32, #tpu.memory_space<vmem>> -> memref<1x64xi32, #tpu.memory_space<vmem>>
          %dma_start3A_213 = tpu.memref_squeeze %dma_start3A_212 : memref<1x64xi32, #tpu.memory_space<vmem>> -> memref<64xi32, #tpu.memory_space<vmem>>
          %dma_start3A_214 = arith.constant 0 : i32
          %dma_start3A_215 = arith.constant 0 : i32
          %dma_start3A_216 = tpu.memref_slice %arg2[%dma_start3A_214, %dma_start3A_215] : memref<10240x128xf32, #tpu.memory_space<hbm>> -> memref<10240x128xf32, #tpu.memory_space<hbm>>
          tpu.enqueue_indirect_dma source(%dma_start3A_216 : memref<10240x128xf32, #tpu.memory_space<hbm>>) target(%arg12 : memref<64x128xf32, #tpu.memory_space<vmem>>) offsets(%dma_start3A_213 : memref<64xi32, #tpu.memory_space<vmem>>) semaphore(%arg16 : memref<!tpu.dma_semaphore, #tpu.memory_space<semaphore_mem>>)
        } else {
        }
      }
      %scan3A_58 = arith.constant 8 : i32
      %run_scoped3A_59 = arith.constant 0 : i32
      "tpu.region"() ({
        %run_scoped3A_95 = tpu.sem_alloc : memref<!tpu.dma_semaphore, #tpu.memory_space<semaphore_mem>>
        %dma_start3A_96 = arith.constant 0 : i32
        %dma_start3A_97 = arith.constant 0 : i32
        %dma_start3A_98 = tpu.memref_slice %arg7[%dma_start3A_96, %dma_start3A_97] : memref<40x128xi32, #tpu.memory_space<vmem>> -> memref<4x128xi32, #tpu.memory_space<vmem>>
        %dma_start3A_99 = arith.constant 0 : i32
        %dma_start3A_100 = arith.constant 0 : i32
        %dma_start3A_101 = tpu.memref_slice %arg4[%run_scoped3A_59, %dma_start3A_99, %dma_start3A_100] : memref<2x4x128xi32, #tpu.memory_space<hbm>> -> memref<1x4x128xi32, #tpu.memory_space<hbm>>
        %dma_start3A_102 = tpu.memref_squeeze %dma_start3A_101 : memref<1x4x128xi32, #tpu.memory_space<hbm>> -> memref<4x128xi32, #tpu.memory_space<hbm>>
        %dma_start3A_103 = arith.constant 0 : i32
        %dma_start3A_104 = arith.constant 0 : i32
        %dma_start3A_105 = tpu.memref_slice %arg7[%dma_start3A_103, %dma_start3A_104] : memref<40x128xi32, #tpu.memory_space<vmem>> -> memref<4x128xi32, #tpu.memory_space<vmem>>
        %dma_start3A_106 = arith.constant 0 : i32
        %dma_start3A_107 = arith.constant 0 : i32
        %dma_start3A_108 = tpu.memref_slice %arg4[%run_scoped3A_59, %dma_start3A_106, %dma_start3A_107] : memref<2x4x128xi32, #tpu.memory_space<hbm>> -> memref<1x4x128xi32, #tpu.memory_space<hbm>>
        %dma_start3A_109 = tpu.memref_squeeze %dma_start3A_108 : memref<1x4x128xi32, #tpu.memory_space<hbm>> -> memref<4x128xi32, #tpu.memory_space<hbm>>
        tpu.enqueue_dma source(%dma_start3A_109 : memref<4x128xi32, #tpu.memory_space<hbm>>) target(%dma_start3A_105 : memref<4x128xi32, #tpu.memory_space<vmem>>) target_semaphore(%run_scoped3A_95 : memref<!tpu.dma_semaphore, #tpu.memory_space<semaphore_mem>>)
        %dma_wait3A = arith.constant 0 : i32
        %dma_wait3A_110 = arith.constant 0 : i32
        %dma_wait3A_111 = tpu.memref_slice %arg7[%dma_wait3A, %dma_wait3A_110] : memref<40x128xi32, #tpu.memory_space<vmem>> -> memref<4x128xi32, #tpu.memory_space<vmem>>
        %dma_wait3A_112 = arith.constant 0 : i32
        %dma_wait3A_113 = arith.constant 0 : i32
        %dma_wait3A_114 = tpu.memref_slice %arg4[%run_scoped3A_59, %dma_wait3A_112, %dma_wait3A_113] : memref<2x4x128xi32, #tpu.memory_space<hbm>> -> memref<1x4x128xi32, #tpu.memory_space<hbm>>
        %dma_wait3A_115 = tpu.memref_squeeze %dma_wait3A_114 : memref<1x4x128xi32, #tpu.memory_space<hbm>> -> memref<4x128xi32, #tpu.memory_space<hbm>>
        %dma_wait3A_116 = arith.constant 0 : i32
        %dma_wait3A_117 = arith.constant 0 : i32
        %dma_wait3A_118 = tpu.memref_slice %arg7[%dma_wait3A_116, %dma_wait3A_117] : memref<40x128xi32, #tpu.memory_space<vmem>> -> memref<4x128xi32, #tpu.memory_space<vmem>>
        %dma_wait3A_119 = arith.constant 0 : i32
        %dma_wait3A_120 = arith.constant 0 : i32
        %dma_wait3A_121 = tpu.memref_slice %arg4[%run_scoped3A_59, %dma_wait3A_119, %dma_wait3A_120] : memref<2x4x128xi32, #tpu.memory_space<hbm>> -> memref<1x4x128xi32, #tpu.memory_space<hbm>>
        %dma_wait3A_122 = tpu.memref_squeeze %dma_wait3A_121 : memref<1x4x128xi32, #tpu.memory_space<hbm>> -> memref<4x128xi32, #tpu.memory_space<hbm>>
        tpu.wait_dma2 semaphore(%run_scoped3A_95 : memref<!tpu.dma_semaphore, #tpu.memory_space<semaphore_mem>>) src(%dma_wait3A_122 : memref<4x128xi32, #tpu.memory_space<hbm>>) dst(%dma_wait3A_118 : memref<4x128xi32, #tpu.memory_space<vmem>>)
        tpu.yield
      }) : () -> ()
      %run_scoped3A_60 = arith.constant 1 : i32
      "tpu.region"() ({
        %run_scoped3A_95 = tpu.sem_alloc : memref<!tpu.dma_semaphore, #tpu.memory_space<semaphore_mem>>
        %dma_start3A_96 = arith.constant 0 : i32
        %dma_start3A_97 = arith.constant 0 : i32
        %dma_start3A_98 = tpu.memref_slice %arg8[%dma_start3A_96, %dma_start3A_97] : memref<40x128xi32, #tpu.memory_space<vmem>> -> memref<4x128xi32, #tpu.memory_space<vmem>>
        %dma_start3A_99 = arith.constant 0 : i32
        %dma_start3A_100 = arith.constant 0 : i32
        %dma_start3A_101 = tpu.memref_slice %arg4[%run_scoped3A_60, %dma_start3A_99, %dma_start3A_100] : memref<2x4x128xi32, #tpu.memory_space<hbm>> -> memref<1x4x128xi32, #tpu.memory_space<hbm>>
        %dma_start3A_102 = tpu.memref_squeeze %dma_start3A_101 : memref<1x4x128xi32, #tpu.memory_space<hbm>> -> memref<4x128xi32, #tpu.memory_space<hbm>>
        %dma_start3A_103 = arith.constant 0 : i32
        %dma_start3A_104 = arith.constant 0 : i32
        %dma_start3A_105 = tpu.memref_slice %arg8[%dma_start3A_103, %dma_start3A_104] : memref<40x128xi32, #tpu.memory_space<vmem>> -> memref<4x128xi32, #tpu.memory_space<vmem>>
        %dma_start3A_106 = arith.constant 0 : i32
        %dma_start3A_107 = arith.constant 0 : i32
        %dma_start3A_108 = tpu.memref_slice %arg4[%run_scoped3A_60, %dma_start3A_106, %dma_start3A_107] : memref<2x4x128xi32, #tpu.memory_space<hbm>> -> memref<1x4x128xi32, #tpu.memory_space<hbm>>
        %dma_start3A_109 = tpu.memref_squeeze %dma_start3A_108 : memref<1x4x128xi32, #tpu.memory_space<hbm>> -> memref<4x128xi32, #tpu.memory_space<hbm>>
        tpu.enqueue_dma source(%dma_start3A_109 : memref<4x128xi32, #tpu.memory_space<hbm>>) target(%dma_start3A_105 : memref<4x128xi32, #tpu.memory_space<vmem>>) target_semaphore(%run_scoped3A_95 : memref<!tpu.dma_semaphore, #tpu.memory_space<semaphore_mem>>)
        %dma_wait3A = arith.constant 0 : i32
        %dma_wait3A_110 = arith.constant 0 : i32
        %dma_wait3A_111 = tpu.memref_slice %arg8[%dma_wait3A, %dma_wait3A_110] : memref<40x128xi32, #tpu.memory_space<vmem>> -> memref<4x128xi32, #tpu.memory_space<vmem>>
        %dma_wait3A_112 = arith.constant 0 : i32
        %dma_wait3A_113 = arith.constant 0 : i32
        %dma_wait3A_114 = tpu.memref_slice %arg4[%run_scoped3A_60, %dma_wait3A_112, %dma_wait3A_113] : memref<2x4x128xi32, #tpu.memory_space<hbm>> -> memref<1x4x128xi32, #tpu.memory_space<hbm>>
        %dma_wait3A_115 = tpu.memref_squeeze %dma_wait3A_114 : memref<1x4x128xi32, #tpu.memory_space<hbm>> -> memref<4x128xi32, #tpu.memory_space<hbm>>
        %dma_wait3A_116 = arith.constant 0 : i32
        %dma_wait3A_117 = arith.constant 0 : i32
        %dma_wait3A_118 = tpu.memref_slice %arg8[%dma_wait3A_116, %dma_wait3A_117] : memref<40x128xi32, #tpu.memory_space<vmem>> -> memref<4x128xi32, #tpu.memory_space<vmem>>
        %dma_wait3A_119 = arith.constant 0 : i32
        %dma_wait3A_120 = arith.constant 0 : i32
        %dma_wait3A_121 = tpu.memref_slice %arg4[%run_scoped3A_60, %dma_wait3A_119, %dma_wait3A_120] : memref<2x4x128xi32, #tpu.memory_space<hbm>> -> memref<1x4x128xi32, #tpu.memory_space<hbm>>
        %dma_wait3A_122 = tpu.memref_squeeze %dma_wait3A_121 : memref<1x4x128xi32, #tpu.memory_space<hbm>> -> memref<4x128xi32, #tpu.memory_space<hbm>>
        tpu.wait_dma2 semaphore(%run_scoped3A_95 : memref<!tpu.dma_semaphore, #tpu.memory_space<semaphore_mem>>) src(%dma_wait3A_122 : memref<4x128xi32, #tpu.memory_space<hbm>>) dst(%dma_wait3A_118 : memref<4x128xi32, #tpu.memory_space<vmem>>)
        tpu.yield
      }) : () -> ()
      %dma_start3A_61 = arith.constant 0 : i32
      %dma_start3A_62 = arith.constant 0 : i32
      %dma_start3A_63 = tpu.memref_slice %arg7[%dma_start3A_61, %dma_start3A_62] : memref<40x128xi32, #tpu.memory_space<vmem>> -> memref<1x64xi32, #tpu.memory_space<vmem>>
      %dma_start3A_64 = tpu.memref_squeeze %dma_start3A_63 : memref<1x64xi32, #tpu.memory_space<vmem>> -> memref<64xi32, #tpu.memory_space<vmem>>
      %dma_start3A_65 = arith.constant 0 : i32
      %dma_start3A_66 = arith.constant 0 : i32
      %dma_start3A_67 = tpu.memref_slice %arg2[%dma_start3A_65, %dma_start3A_66] : memref<10240x128xf32, #tpu.memory_space<hbm>> -> memref<10240x128xf32, #tpu.memory_space<hbm>>
      tpu.enqueue_indirect_dma source(%dma_start3A_67 : memref<10240x128xf32, #tpu.memory_space<hbm>>) target(%arg9 : memref<64x128xf32, #tpu.memory_space<vmem>>) offsets(%dma_start3A_64 : memref<64xi32, #tpu.memory_space<vmem>>) semaphore(%arg13 : memref<!tpu.dma_semaphore, #tpu.memory_space<semaphore_mem>>)
      %dma_start3A_68 = arith.constant 0 : i32
      %dma_start3A_69 = arith.constant 64 : i32
      %dma_start3A_70 = tpu.memref_slice %arg7[%dma_start3A_68, %dma_start3A_69] : memref<40x128xi32, #tpu.memory_space<vmem>> -> memref<1x64xi32, #tpu.memory_space<vmem>>
      %dma_start3A_71 = tpu.memref_squeeze %dma_start3A_70 : memref<1x64xi32, #tpu.memory_space<vmem>> -> memref<64xi32, #tpu.memory_space<vmem>>
      %dma_start3A_72 = arith.constant 0 : i32
      %dma_start3A_73 = arith.constant 0 : i32
      %dma_start3A_74 = tpu.memref_slice %arg2[%dma_start3A_72, %dma_start3A_73] : memref<10240x128xf32, #tpu.memory_space<hbm>> -> memref<10240x128xf32, #tpu.memory_space<hbm>>
      tpu.enqueue_indirect_dma source(%dma_start3A_74 : memref<10240x128xf32, #tpu.memory_space<hbm>>) target(%arg10 : memref<64x128xf32, #tpu.memory_space<vmem>>) offsets(%dma_start3A_71 : memref<64xi32, #tpu.memory_space<vmem>>) semaphore(%arg14 : memref<!tpu.dma_semaphore, #tpu.memory_space<semaphore_mem>>)
      %dma_start3A_75 = arith.constant 1 : i32
      %dma_start3A_76 = arith.constant 0 : i32
      %dma_start3A_77 = tpu.memref_slice %arg7[%dma_start3A_75, %dma_start3A_76] : memref<40x128xi32, #tpu.memory_space<vmem>> -> memref<1x64xi32, #tpu.memory_space<vmem>>
      %dma_start3A_78 = tpu.memref_squeeze %dma_start3A_77 : memref<1x64xi32, #tpu.memory_space<vmem>> -> memref<64xi32, #tpu.memory_space<vmem>>
      %dma_start3A_79 = arith.constant 0 : i32
      %dma_start3A_80 = arith.constant 0 : i32
      %dma_start3A_81 = tpu.memref_slice %arg2[%dma_start3A_79, %dma_start3A_80] : memref<10240x128xf32, #tpu.memory_space<hbm>> -> memref<10240x128xf32, #tpu.memory_space<hbm>>
      tpu.enqueue_indirect_dma source(%dma_start3A_81 : memref<10240x128xf32, #tpu.memory_space<hbm>>) target(%arg11 : memref<64x128xf32, #tpu.memory_space<vmem>>) offsets(%dma_start3A_78 : memref<64xi32, #tpu.memory_space<vmem>>) semaphore(%arg15 : memref<!tpu.dma_semaphore, #tpu.memory_space<semaphore_mem>>)
      %dma_start3A_82 = arith.constant 1 : i32
      %dma_start3A_83 = arith.constant 64 : i32
      %dma_start3A_84 = tpu.memref_slice %arg7[%dma_start3A_82, %dma_start3A_83] : memref<40x128xi32, #tpu.memory_space<vmem>> -> memref<1x64xi32, #tpu.memory_space<vmem>>
      %dma_start3A_85 = tpu.memref_squeeze %dma_start3A_84 : memref<1x64xi32, #tpu.memory_space<vmem>> -> memref<64xi32, #tpu.memory_space<vmem>>
      %dma_start3A_86 = arith.constant 0 : i32
      %dma_start3A_87 = arith.constant 0 : i32
      %dma_start3A_88 = tpu.memref_slice %arg2[%dma_start3A_86, %dma_start3A_87] : memref<10240x128xf32, #tpu.memory_space<hbm>> -> memref<10240x128xf32, #tpu.memory_space<hbm>>
      tpu.enqueue_indirect_dma source(%dma_start3A_88 : memref<10240x128xf32, #tpu.memory_space<hbm>>) target(%arg12 : memref<64x128xf32, #tpu.memory_space<vmem>>) offsets(%dma_start3A_85 : memref<64xi32, #tpu.memory_space<vmem>>) semaphore(%arg16 : memref<!tpu.dma_semaphore, #tpu.memory_space<semaphore_mem>>)
      %scan3A_89 = arith.constant 0 : i32
      %scan3A_90 = arith.constant 0 : i32
      %scan3A_91 = arith.constant 2 : i32
      %scan3A_92 = arith.addi %scan3A_90, %scan3A_91 : i32
      %scan3A_93 = arith.constant 1 : i32
      scf.for %scan3A_95 = %scan3A_90 to %scan3A_92 step %scan3A_93  : i32 {
        %mul3A_96 = arith.constant 4 : i32
        %mul3A_97 = arith.muli %mul3A_96, %scan3A_95 : i32
        %add3A_98 = arith.constant 0 : i32
        %add3A_99 = arith.addi %mul3A_97, %add3A_98 : i32
        %shift_right_arithmetic3A = arith.constant 1 : i32
        %shift_right_arithmetic3A_100 = arith.shrsi %add3A_99, %shift_right_arithmetic3A : i32
        %and3A = arith.constant 1 : i32
        %and3A_101 = arith.andi %add3A_99, %and3A : i32
        %mul3A_102 = arith.constant 64 : i32
        %mul3A_103 = arith.muli %and3A_101, %mul3A_102 : i32
        %dma_wait3A = tpu.memref_slice %arg7[%shift_right_arithmetic3A_100, %mul3A_103] : memref<40x128xi32, #tpu.memory_space<vmem>> -> memref<1x64xi32, #tpu.memory_space<vmem>>
        %dma_wait3A_104 = tpu.memref_squeeze %dma_wait3A : memref<1x64xi32, #tpu.memory_space<vmem>> -> memref<64xi32, #tpu.memory_space<vmem>>
        %dma_wait3A_105 = arith.constant 0 : i32
        %dma_wait3A_106 = arith.constant 0 : i32
        %dma_wait3A_107 = tpu.memref_slice %arg2[%dma_wait3A_105, %dma_wait3A_106] : memref<10240x128xf32, #tpu.memory_space<hbm>> -> memref<10240x128xf32, #tpu.memory_space<hbm>>
        tpu.wait_indirect_dma semaphore(%arg13 : memref<!tpu.dma_semaphore, #tpu.memory_space<semaphore_mem>>) src(%dma_wait3A_107 : memref<10240x128xf32, #tpu.memory_space<hbm>>) dst(%arg9 : memref<64x128xf32, #tpu.memory_space<vmem>>)
        %shift_right_arithmetic3A_108 = arith.constant 1 : i32
        %shift_right_arithmetic3A_109 = arith.shrsi %add3A_99, %shift_right_arithmetic3A_108 : i32
        %and3A_110 = arith.constant 1 : i32
        %and3A_111 = arith.andi %add3A_99, %and3A_110 : i32
        %mul3A_112 = arith.constant 64 : i32
        %mul3A_113 = arith.muli %and3A_111, %mul3A_112 : i32
        "tpu.region"() ({
          %run_scoped3A_204 = tpu.sem_alloc : memref<!tpu.dma_semaphore, #tpu.memory_space<semaphore_mem>>
          %dma_start3A_205 = tpu.memref_slice %arg8[%shift_right_arithmetic3A_109, %mul3A_113] : memref<40x128xi32, #tpu.memory_space<vmem>> -> memref<1x64xi32, #tpu.memory_space<vmem>>
          %dma_start3A_206 = tpu.memref_squeeze %dma_start3A_205 : memref<1x64xi32, #tpu.memory_space<vmem>> -> memref<64xi32, #tpu.memory_space<vmem>>
          %dma_start3A_207 = arith.constant 0 : i32
          %dma_start3A_208 = arith.constant 0 : i32
          %dma_start3A_209 = tpu.memref_slice %arg6[%dma_start3A_207, %dma_start3A_208] : memref<10240x128xf32, #tpu.memory_space<vmem_shared>> -> memref<10240x128xf32, #tpu.memory_space<vmem_shared>>
          tpu.enqueue_indirect_dma source(%arg9 : memref<64x128xf32, #tpu.memory_space<vmem>>) target(%dma_start3A_209 : memref<10240x128xf32, #tpu.memory_space<vmem_shared>>) offsets(%dma_start3A_206 : memref<64xi32, #tpu.memory_space<vmem>>) semaphore(%run_scoped3A_204 : memref<!tpu.dma_semaphore, #tpu.memory_space<semaphore_mem>>) {add = true}
          %dma_wait3A_210 = tpu.memref_slice %arg8[%shift_right_arithmetic3A_109, %mul3A_113] : memref<40x128xi32, #tpu.memory_space<vmem>> -> memref<1x64xi32, #tpu.memory_space<vmem>>
          %dma_wait3A_211 = tpu.memref_squeeze %dma_wait3A_210 : memref<1x64xi32, #tpu.memory_space<vmem>> -> memref<64xi32, #tpu.memory_space<vmem>>
          %dma_wait3A_212 = arith.constant 0 : i32
          %dma_wait3A_213 = arith.constant 0 : i32
          %dma_wait3A_214 = tpu.memref_slice %arg6[%dma_wait3A_212, %dma_wait3A_213] : memref<10240x128xf32, #tpu.memory_space<vmem_shared>> -> memref<10240x128xf32, #tpu.memory_space<vmem_shared>>
          tpu.wait_indirect_dma semaphore(%run_scoped3A_204 : memref<!tpu.dma_semaphore, #tpu.memory_space<semaphore_mem>>) src(%arg9 : memref<64x128xf32, #tpu.memory_space<vmem>>) dst(%dma_wait3A_214 : memref<10240x128xf32, #tpu.memory_space<vmem_shared>>)
          tpu.yield
        }) : () -> ()
        %add3A_114 = arith.constant 4 : i32
        %add3A_115 = arith.addi %add3A_99, %add3A_114 : i32
        %lt3A = arith.constant 8 : i32
        %lt3A_116 = arith.cmpi slt, %add3A_115, %lt3A : i32
        %convert_element_type3A_117 = arith.extui %lt3A_116 : i1 to i32
        %cond3A_118 = arith.constant 0 : i32
        %cond3A_119 = arith.cmpi ne, %convert_element_type3A_117, %cond3A_118 : i32
        scf.if %cond3A_119 {
          %add3A_204 = arith.constant 4 : i32
          %add3A_205 = arith.addi %add3A_99, %add3A_204 : i32
          %shift_right_arithmetic3A_206 = arith.constant 1 : i32
          %shift_right_arithmetic3A_207 = arith.shrsi %add3A_205, %shift_right_arithmetic3A_206 : i32
          %and3A_208 = arith.constant 1 : i32
          %and3A_209 = arith.andi %add3A_205, %and3A_208 : i32
          %mul3A_210 = arith.constant 64 : i32
          %mul3A_211 = arith.muli %and3A_209, %mul3A_210 : i32
          %dma_start3A_212 = tpu.memref_slice %arg7[%shift_right_arithmetic3A_207, %mul3A_211] : memref<40x128xi32, #tpu.memory_space<vmem>> -> memref<1x64xi32, #tpu.memory_space<vmem>>
          %dma_start3A_213 = tpu.memref_squeeze %dma_start3A_212 : memref<1x64xi32, #tpu.memory_space<vmem>> -> memref<64xi32, #tpu.memory_space<vmem>>
          %dma_start3A_214 = arith.constant 0 : i32
          %dma_start3A_215 = arith.constant 0 : i32
          %dma_start3A_216 = tpu.memref_slice %arg2[%dma_start3A_214, %dma_start3A_215] : memref<10240x128xf32, #tpu.memory_space<hbm>> -> memref<10240x128xf32, #tpu.memory_space<hbm>>
          tpu.enqueue_indirect_dma source(%dma_start3A_216 : memref<10240x128xf32, #tpu.memory_space<hbm>>) target(%arg9 : memref<64x128xf32, #tpu.memory_space<vmem>>) offsets(%dma_start3A_213 : memref<64xi32, #tpu.memory_space<vmem>>) semaphore(%arg13 : memref<!tpu.dma_semaphore, #tpu.memory_space<semaphore_mem>>)
        } else {
        }
        %mul3A_120 = arith.constant 4 : i32
        %mul3A_121 = arith.muli %mul3A_120, %scan3A_95 : i32
        %add3A_122 = arith.constant 1 : i32
        %add3A_123 = arith.addi %mul3A_121, %add3A_122 : i32
        %shift_right_arithmetic3A_124 = arith.constant 1 : i32
        %shift_right_arithmetic3A_125 = arith.shrsi %add3A_123, %shift_right_arithmetic3A_124 : i32
        %and3A_126 = arith.constant 1 : i32
        %and3A_127 = arith.andi %add3A_123, %and3A_126 : i32
        %mul3A_128 = arith.constant 64 : i32
        %mul3A_129 = arith.muli %and3A_127, %mul3A_128 : i32
        %dma_wait3A_130 = tpu.memref_slice %arg7[%shift_right_arithmetic3A_125, %mul3A_129] : memref<40x128xi32, #tpu.memory_space<vmem>> -> memref<1x64xi32, #tpu.memory_space<vmem>>
        %dma_wait3A_131 = tpu.memref_squeeze %dma_wait3A_130 : memref<1x64xi32, #tpu.memory_space<vmem>> -> memref<64xi32, #tpu.memory_space<vmem>>
        %dma_wait3A_132 = arith.constant 0 : i32
        %dma_wait3A_133 = arith.constant 0 : i32
        %dma_wait3A_134 = tpu.memref_slice %arg2[%dma_wait3A_132, %dma_wait3A_133] : memref<10240x128xf32, #tpu.memory_space<hbm>> -> memref<10240x128xf32, #tpu.memory_space<hbm>>
        tpu.wait_indirect_dma semaphore(%arg14 : memref<!tpu.dma_semaphore, #tpu.memory_space<semaphore_mem>>) src(%dma_wait3A_134 : memref<10240x128xf32, #tpu.memory_space<hbm>>) dst(%arg10 : memref<64x128xf32, #tpu.memory_space<vmem>>)
        %shift_right_arithmetic3A_135 = arith.constant 1 : i32
        %shift_right_arithmetic3A_136 = arith.shrsi %add3A_123, %shift_right_arithmetic3A_135 : i32
        %and3A_137 = arith.constant 1 : i32
        %and3A_138 = arith.andi %add3A_123, %and3A_137 : i32
        %mul3A_139 = arith.constant 64 : i32
        %mul3A_140 = arith.muli %and3A_138, %mul3A_139 : i32
        "tpu.region"() ({
          %run_scoped3A_204 = tpu.sem_alloc : memref<!tpu.dma_semaphore, #tpu.memory_space<semaphore_mem>>
          %dma_start3A_205 = tpu.memref_slice %arg8[%shift_right_arithmetic3A_136, %mul3A_140] : memref<40x128xi32, #tpu.memory_space<vmem>> -> memref<1x64xi32, #tpu.memory_space<vmem>>
          %dma_start3A_206 = tpu.memref_squeeze %dma_start3A_205 : memref<1x64xi32, #tpu.memory_space<vmem>> -> memref<64xi32, #tpu.memory_space<vmem>>
          %dma_start3A_207 = arith.constant 0 : i32
          %dma_start3A_208 = arith.constant 0 : i32
          %dma_start3A_209 = tpu.memref_slice %arg6[%dma_start3A_207, %dma_start3A_208] : memref<10240x128xf32, #tpu.memory_space<vmem_shared>> -> memref<10240x128xf32, #tpu.memory_space<vmem_shared>>
          tpu.enqueue_indirect_dma source(%arg10 : memref<64x128xf32, #tpu.memory_space<vmem>>) target(%dma_start3A_209 : memref<10240x128xf32, #tpu.memory_space<vmem_shared>>) offsets(%dma_start3A_206 : memref<64xi32, #tpu.memory_space<vmem>>) semaphore(%run_scoped3A_204 : memref<!tpu.dma_semaphore, #tpu.memory_space<semaphore_mem>>) {add = true}
          %dma_wait3A_210 = tpu.memref_slice %arg8[%shift_right_arithmetic3A_136, %mul3A_140] : memref<40x128xi32, #tpu.memory_space<vmem>> -> memref<1x64xi32, #tpu.memory_space<vmem>>
          %dma_wait3A_211 = tpu.memref_squeeze %dma_wait3A_210 : memref<1x64xi32, #tpu.memory_space<vmem>> -> memref<64xi32, #tpu.memory_space<vmem>>
          %dma_wait3A_212 = arith.constant 0 : i32
          %dma_wait3A_213 = arith.constant 0 : i32
          %dma_wait3A_214 = tpu.memref_slice %arg6[%dma_wait3A_212, %dma_wait3A_213] : memref<10240x128xf32, #tpu.memory_space<vmem_shared>> -> memref<10240x128xf32, #tpu.memory_space<vmem_shared>>
          tpu.wait_indirect_dma semaphore(%run_scoped3A_204 : memref<!tpu.dma_semaphore, #tpu.memory_space<semaphore_mem>>) src(%arg10 : memref<64x128xf32, #tpu.memory_space<vmem>>) dst(%dma_wait3A_214 : memref<10240x128xf32, #tpu.memory_space<vmem_shared>>)
          tpu.yield
        }) : () -> ()
        %add3A_141 = arith.constant 4 : i32
        %add3A_142 = arith.addi %add3A_123, %add3A_141 : i32
        %lt3A_143 = arith.constant 8 : i32
        %lt3A_144 = arith.cmpi slt, %add3A_142, %lt3A_143 : i32
        %convert_element_type3A_145 = arith.extui %lt3A_144 : i1 to i32
        %cond3A_146 = arith.constant 0 : i32
        %cond3A_147 = arith.cmpi ne, %convert_element_type3A_145, %cond3A_146 : i32
        scf.if %cond3A_147 {
          %add3A_204 = arith.constant 4 : i32
          %add3A_205 = arith.addi %add3A_123, %add3A_204 : i32
          %shift_right_arithmetic3A_206 = arith.constant 1 : i32
          %shift_right_arithmetic3A_207 = arith.shrsi %add3A_205, %shift_right_arithmetic3A_206 : i32
          %and3A_208 = arith.constant 1 : i32
          %and3A_209 = arith.andi %add3A_205, %and3A_208 : i32
          %mul3A_210 = arith.constant 64 : i32
          %mul3A_211 = arith.muli %and3A_209, %mul3A_210 : i32
          %dma_start3A_212 = tpu.memref_slice %arg7[%shift_right_arithmetic3A_207, %mul3A_211] : memref<40x128xi32, #tpu.memory_space<vmem>> -> memref<1x64xi32, #tpu.memory_space<vmem>>
          %dma_start3A_213 = tpu.memref_squeeze %dma_start3A_212 : memref<1x64xi32, #tpu.memory_space<vmem>> -> memref<64xi32, #tpu.memory_space<vmem>>
          %dma_start3A_214 = arith.constant 0 : i32
          %dma_start3A_215 = arith.constant 0 : i32
          %dma_start3A_216 = tpu.memref_slice %arg2[%dma_start3A_214, %dma_start3A_215] : memref<10240x128xf32, #tpu.memory_space<hbm>> -> memref<10240x128xf32, #tpu.memory_space<hbm>>
          tpu.enqueue_indirect_dma source(%dma_start3A_216 : memref<10240x128xf32, #tpu.memory_space<hbm>>) target(%arg10 : memref<64x128xf32, #tpu.memory_space<vmem>>) offsets(%dma_start3A_213 : memref<64xi32, #tpu.memory_space<vmem>>) semaphore(%arg14 : memref<!tpu.dma_semaphore, #tpu.memory_space<semaphore_mem>>)
        } else {
        }
        %mul3A_148 = arith.constant 4 : i32
        %mul3A_149 = arith.muli %mul3A_148, %scan3A_95 : i32
        %add3A_150 = arith.constant 2 : i32
        %add3A_151 = arith.addi %mul3A_149, %add3A_150 : i32
        %shift_right_arithmetic3A_152 = arith.constant 1 : i32
        %shift_right_arithmetic3A_153 = arith.shrsi %add3A_151, %shift_right_arithmetic3A_152 : i32
        %and3A_154 = arith.constant 1 : i32
        %and3A_155 = arith.andi %add3A_151, %and3A_154 : i32
        %mul3A_156 = arith.constant 64 : i32
        %mul3A_157 = arith.muli %and3A_155, %mul3A_156 : i32
        %dma_wait3A_158 = tpu.memref_slice %arg7[%shift_right_arithmetic3A_153, %mul3A_157] : memref<40x128xi32, #tpu.memory_space<vmem>> -> memref<1x64xi32, #tpu.memory_space<vmem>>
        %dma_wait3A_159 = tpu.memref_squeeze %dma_wait3A_158 : memref<1x64xi32, #tpu.memory_space<vmem>> -> memref<64xi32, #tpu.memory_space<vmem>>
        %dma_wait3A_160 = arith.constant 0 : i32
        %dma_wait3A_161 = arith.constant 0 : i32
        %dma_wait3A_162 = tpu.memref_slice %arg2[%dma_wait3A_160, %dma_wait3A_161] : memref<10240x128xf32, #tpu.memory_space<hbm>> -> memref<10240x128xf32, #tpu.memory_space<hbm>>
        tpu.wait_indirect_dma semaphore(%arg15 : memref<!tpu.dma_semaphore, #tpu.memory_space<semaphore_mem>>) src(%dma_wait3A_162 : memref<10240x128xf32, #tpu.memory_space<hbm>>) dst(%arg11 : memref<64x128xf32, #tpu.memory_space<vmem>>)
        %shift_right_arithmetic3A_163 = arith.constant 1 : i32
        %shift_right_arithmetic3A_164 = arith.shrsi %add3A_151, %shift_right_arithmetic3A_163 : i32
        %and3A_165 = arith.constant 1 : i32
        %and3A_166 = arith.andi %add3A_151, %and3A_165 : i32
        %mul3A_167 = arith.constant 64 : i32
        %mul3A_168 = arith.muli %and3A_166, %mul3A_167 : i32
        "tpu.region"() ({
          %run_scoped3A_204 = tpu.sem_alloc : memref<!tpu.dma_semaphore, #tpu.memory_space<semaphore_mem>>
          %dma_start3A_205 = tpu.memref_slice %arg8[%shift_right_arithmetic3A_164, %mul3A_168] : memref<40x128xi32, #tpu.memory_space<vmem>> -> memref<1x64xi32, #tpu.memory_space<vmem>>
          %dma_start3A_206 = tpu.memref_squeeze %dma_start3A_205 : memref<1x64xi32, #tpu.memory_space<vmem>> -> memref<64xi32, #tpu.memory_space<vmem>>
          %dma_start3A_207 = arith.constant 0 : i32
          %dma_start3A_208 = arith.constant 0 : i32
          %dma_start3A_209 = tpu.memref_slice %arg6[%dma_start3A_207, %dma_start3A_208] : memref<10240x128xf32, #tpu.memory_space<vmem_shared>> -> memref<10240x128xf32, #tpu.memory_space<vmem_shared>>
          tpu.enqueue_indirect_dma source(%arg11 : memref<64x128xf32, #tpu.memory_space<vmem>>) target(%dma_start3A_209 : memref<10240x128xf32, #tpu.memory_space<vmem_shared>>) offsets(%dma_start3A_206 : memref<64xi32, #tpu.memory_space<vmem>>) semaphore(%run_scoped3A_204 : memref<!tpu.dma_semaphore, #tpu.memory_space<semaphore_mem>>) {add = true}
          %dma_wait3A_210 = tpu.memref_slice %arg8[%shift_right_arithmetic3A_164, %mul3A_168] : memref<40x128xi32, #tpu.memory_space<vmem>> -> memref<1x64xi32, #tpu.memory_space<vmem>>
          %dma_wait3A_211 = tpu.memref_squeeze %dma_wait3A_210 : memref<1x64xi32, #tpu.memory_space<vmem>> -> memref<64xi32, #tpu.memory_space<vmem>>
          %dma_wait3A_212 = arith.constant 0 : i32
          %dma_wait3A_213 = arith.constant 0 : i32
          %dma_wait3A_214 = tpu.memref_slice %arg6[%dma_wait3A_212, %dma_wait3A_213] : memref<10240x128xf32, #tpu.memory_space<vmem_shared>> -> memref<10240x128xf32, #tpu.memory_space<vmem_shared>>
          tpu.wait_indirect_dma semaphore(%run_scoped3A_204 : memref<!tpu.dma_semaphore, #tpu.memory_space<semaphore_mem>>) src(%arg11 : memref<64x128xf32, #tpu.memory_space<vmem>>) dst(%dma_wait3A_214 : memref<10240x128xf32, #tpu.memory_space<vmem_shared>>)
          tpu.yield
        }) : () -> ()
        %add3A_169 = arith.constant 4 : i32
        %add3A_170 = arith.addi %add3A_151, %add3A_169 : i32
        %lt3A_171 = arith.constant 8 : i32
        %lt3A_172 = arith.cmpi slt, %add3A_170, %lt3A_171 : i32
        %convert_element_type3A_173 = arith.extui %lt3A_172 : i1 to i32
        %cond3A_174 = arith.constant 0 : i32
        %cond3A_175 = arith.cmpi ne, %convert_element_type3A_173, %cond3A_174 : i32
        scf.if %cond3A_175 {
          %add3A_204 = arith.constant 4 : i32
          %add3A_205 = arith.addi %add3A_151, %add3A_204 : i32
          %shift_right_arithmetic3A_206 = arith.constant 1 : i32
          %shift_right_arithmetic3A_207 = arith.shrsi %add3A_205, %shift_right_arithmetic3A_206 : i32
          %and3A_208 = arith.constant 1 : i32
          %and3A_209 = arith.andi %add3A_205, %and3A_208 : i32
          %mul3A_210 = arith.constant 64 : i32
          %mul3A_211 = arith.muli %and3A_209, %mul3A_210 : i32
          %dma_start3A_212 = tpu.memref_slice %arg7[%shift_right_arithmetic3A_207, %mul3A_211] : memref<40x128xi32, #tpu.memory_space<vmem>> -> memref<1x64xi32, #tpu.memory_space<vmem>>
          %dma_start3A_213 = tpu.memref_squeeze %dma_start3A_212 : memref<1x64xi32, #tpu.memory_space<vmem>> -> memref<64xi32, #tpu.memory_space<vmem>>
          %dma_start3A_214 = arith.constant 0 : i32
          %dma_start3A_215 = arith.constant 0 : i32
          %dma_start3A_216 = tpu.memref_slice %arg2[%dma_start3A_214, %dma_start3A_215] : memref<10240x128xf32, #tpu.memory_space<hbm>> -> memref<10240x128xf32, #tpu.memory_space<hbm>>
          tpu.enqueue_indirect_dma source(%dma_start3A_216 : memref<10240x128xf32, #tpu.memory_space<hbm>>) target(%arg11 : memref<64x128xf32, #tpu.memory_space<vmem>>) offsets(%dma_start3A_213 : memref<64xi32, #tpu.memory_space<vmem>>) semaphore(%arg15 : memref<!tpu.dma_semaphore, #tpu.memory_space<semaphore_mem>>)
        } else {
        }
        %mul3A_176 = arith.constant 4 : i32
        %mul3A_177 = arith.muli %mul3A_176, %scan3A_95 : i32
        %add3A_178 = arith.constant 3 : i32
        %add3A_179 = arith.addi %mul3A_177, %add3A_178 : i32
        %shift_right_arithmetic3A_180 = arith.constant 1 : i32
        %shift_right_arithmetic3A_181 = arith.shrsi %add3A_179, %shift_right_arithmetic3A_180 : i32
        %and3A_182 = arith.constant 1 : i32
        %and3A_183 = arith.andi %add3A_179, %and3A_182 : i32
        %mul3A_184 = arith.constant 64 : i32
        %mul3A_185 = arith.muli %and3A_183, %mul3A_184 : i32
        %dma_wait3A_186 = tpu.memref_slice %arg7[%shift_right_arithmetic3A_181, %mul3A_185] : memref<40x128xi32, #tpu.memory_space<vmem>> -> memref<1x64xi32, #tpu.memory_space<vmem>>
        %dma_wait3A_187 = tpu.memref_squeeze %dma_wait3A_186 : memref<1x64xi32, #tpu.memory_space<vmem>> -> memref<64xi32, #tpu.memory_space<vmem>>
        %dma_wait3A_188 = arith.constant 0 : i32
        %dma_wait3A_189 = arith.constant 0 : i32
        %dma_wait3A_190 = tpu.memref_slice %arg2[%dma_wait3A_188, %dma_wait3A_189] : memref<10240x128xf32, #tpu.memory_space<hbm>> -> memref<10240x128xf32, #tpu.memory_space<hbm>>
        tpu.wait_indirect_dma semaphore(%arg16 : memref<!tpu.dma_semaphore, #tpu.memory_space<semaphore_mem>>) src(%dma_wait3A_190 : memref<10240x128xf32, #tpu.memory_space<hbm>>) dst(%arg12 : memref<64x128xf32, #tpu.memory_space<vmem>>)
        %shift_right_arithmetic3A_191 = arith.constant 1 : i32
        %shift_right_arithmetic3A_192 = arith.shrsi %add3A_179, %shift_right_arithmetic3A_191 : i32
        %and3A_193 = arith.constant 1 : i32
        %and3A_194 = arith.andi %add3A_179, %and3A_193 : i32
        %mul3A_195 = arith.constant 64 : i32
        %mul3A_196 = arith.muli %and3A_194, %mul3A_195 : i32
        "tpu.region"() ({
          %run_scoped3A_204 = tpu.sem_alloc : memref<!tpu.dma_semaphore, #tpu.memory_space<semaphore_mem>>
          %dma_start3A_205 = tpu.memref_slice %arg8[%shift_right_arithmetic3A_192, %mul3A_196] : memref<40x128xi32, #tpu.memory_space<vmem>> -> memref<1x64xi32, #tpu.memory_space<vmem>>
          %dma_start3A_206 = tpu.memref_squeeze %dma_start3A_205 : memref<1x64xi32, #tpu.memory_space<vmem>> -> memref<64xi32, #tpu.memory_space<vmem>>
          %dma_start3A_207 = arith.constant 0 : i32
          %dma_start3A_208 = arith.constant 0 : i32
          %dma_start3A_209 = tpu.memref_slice %arg6[%dma_start3A_207, %dma_start3A_208] : memref<10240x128xf32, #tpu.memory_space<vmem_shared>> -> memref<10240x128xf32, #tpu.memory_space<vmem_shared>>
          tpu.enqueue_indirect_dma source(%arg12 : memref<64x128xf32, #tpu.memory_space<vmem>>) target(%dma_start3A_209 : memref<10240x128xf32, #tpu.memory_space<vmem_shared>>) offsets(%dma_start3A_206 : memref<64xi32, #tpu.memory_space<vmem>>) semaphore(%run_scoped3A_204 : memref<!tpu.dma_semaphore, #tpu.memory_space<semaphore_mem>>) {add = true}
          %dma_wait3A_210 = tpu.memref_slice %arg8[%shift_right_arithmetic3A_192, %mul3A_196] : memref<40x128xi32, #tpu.memory_space<vmem>> -> memref<1x64xi32, #tpu.memory_space<vmem>>
          %dma_wait3A_211 = tpu.memref_squeeze %dma_wait3A_210 : memref<1x64xi32, #tpu.memory_space<vmem>> -> memref<64xi32, #tpu.memory_space<vmem>>
          %dma_wait3A_212 = arith.constant 0 : i32
          %dma_wait3A_213 = arith.constant 0 : i32
          %dma_wait3A_214 = tpu.memref_slice %arg6[%dma_wait3A_212, %dma_wait3A_213] : memref<10240x128xf32, #tpu.memory_space<vmem_shared>> -> memref<10240x128xf32, #tpu.memory_space<vmem_shared>>
          tpu.wait_indirect_dma semaphore(%run_scoped3A_204 : memref<!tpu.dma_semaphore, #tpu.memory_space<semaphore_mem>>) src(%arg12 : memref<64x128xf32, #tpu.memory_space<vmem>>) dst(%dma_wait3A_214 : memref<10240x128xf32, #tpu.memory_space<vmem_shared>>)
          tpu.yield
        }) : () -> ()
        %add3A_197 = arith.constant 4 : i32
        %add3A_198 = arith.addi %add3A_179, %add3A_197 : i32
        %lt3A_199 = arith.constant 8 : i32
        %lt3A_200 = arith.cmpi slt, %add3A_198, %lt3A_199 : i32
        %convert_element_type3A_201 = arith.extui %lt3A_200 : i1 to i32
        %cond3A_202 = arith.constant 0 : i32
        %cond3A_203 = arith.cmpi ne, %convert_element_type3A_201, %cond3A_202 : i32
        scf.if %cond3A_203 {
          %add3A_204 = arith.constant 4 : i32
          %add3A_205 = arith.addi %add3A_179, %add3A_204 : i32
          %shift_right_arithmetic3A_206 = arith.constant 1 : i32
          %shift_right_arithmetic3A_207 = arith.shrsi %add3A_205, %shift_right_arithmetic3A_206 : i32
          %and3A_208 = arith.constant 1 : i32
          %and3A_209 = arith.andi %add3A_205, %and3A_208 : i32
          %mul3A_210 = arith.constant 64 : i32
          %mul3A_211 = arith.muli %and3A_209, %mul3A_210 : i32
          %dma_start3A_212 = tpu.memref_slice %arg7[%shift_right_arithmetic3A_207, %mul3A_211] : memref<40x128xi32, #tpu.memory_space<vmem>> -> memref<1x64xi32, #tpu.memory_space<vmem>>
          %dma_start3A_213 = tpu.memref_squeeze %dma_start3A_212 : memref<1x64xi32, #tpu.memory_space<vmem>> -> memref<64xi32, #tpu.memory_space<vmem>>
          %dma_start3A_214 = arith.constant 0 : i32
          %dma_start3A_215 = arith.constant 0 : i32
          %dma_start3A_216 = tpu.memref_slice %arg2[%dma_start3A_214, %dma_start3A_215] : memref<10240x128xf32, #tpu.memory_space<hbm>> -> memref<10240x128xf32, #tpu.memory_space<hbm>>
          tpu.enqueue_indirect_dma source(%dma_start3A_216 : memref<10240x128xf32, #tpu.memory_space<hbm>>) target(%arg12 : memref<64x128xf32, #tpu.memory_space<vmem>>) offsets(%dma_start3A_213 : memref<64xi32, #tpu.memory_space<vmem>>) semaphore(%arg16 : memref<!tpu.dma_semaphore, #tpu.memory_space<semaphore_mem>>)
        } else {
        }
      }
      %scan3A_94 = arith.constant 2 : i32
    } else {
    }
    %barrier3A_21 = arith.constant 0 : index
    tpu.barrier barrier_id(%barrier3A_21)
    %mul3A_22 = arith.constant 640 : i32
    %mul3A_23 = arith.muli %arg1, %mul3A_22 : i32
    %mul3A_24 = arith.constant 640 : i32
    %mul3A_25 = arith.muli %arg1, %mul3A_24 : i32
    "tpu.region"() ({
      %run_scoped3A = tpu.sem_alloc : memref<!tpu.dma_semaphore, #tpu.memory_space<semaphore_mem>>
      %dma_start3A = arith.constant 0 : i32
      %dma_start3A_26 = tpu.memref_slice %arg5[%arg0, %mul3A_25, %dma_start3A] : memref<2x10240x128xf32, #tpu.memory_space<hbm>> -> memref<1x640x128xf32, #tpu.memory_space<hbm>>
      %dma_start3A_27 = tpu.memref_squeeze %dma_start3A_26 : memref<1x640x128xf32, #tpu.memory_space<hbm>> -> memref<640x128xf32, #tpu.memory_space<hbm>>
      %dma_start3A_28 = arith.constant 0 : i32
      %dma_start3A_29 = tpu.memref_slice %arg6[%mul3A_23, %dma_start3A_28] : memref<10240x128xf32, #tpu.memory_space<vmem_shared>> -> memref<640x128xf32, #tpu.memory_space<vmem_shared>>
      tpu.enqueue_dma source(%dma_start3A_29 : memref<640x128xf32, #tpu.memory_space<vmem_shared>>) target(%dma_start3A_27 : memref<640x128xf32, #tpu.memory_space<hbm>>) target_semaphore(%run_scoped3A : memref<!tpu.dma_semaphore, #tpu.memory_space<semaphore_mem>>)
      %dma_wait3A = arith.constant 0 : i32
      %dma_wait3A_30 = tpu.memref_slice %arg5[%arg0, %mul3A_25, %dma_wait3A] : memref<2x10240x128xf32, #tpu.memory_space<hbm>> -> memref<1x640x128xf32, #tpu.memory_space<hbm>>
      %dma_wait3A_31 = tpu.memref_squeeze %dma_wait3A_30 : memref<1x640x128xf32, #tpu.memory_space<hbm>> -> memref<640x128xf32, #tpu.memory_space<hbm>>
      %dma_wait3A_32 = arith.constant 0 : i32
      %dma_wait3A_33 = tpu.memref_slice %arg6[%mul3A_23, %dma_wait3A_32] : memref<10240x128xf32, #tpu.memory_space<vmem_shared>> -> memref<640x128xf32, #tpu.memory_space<vmem_shared>>
      tpu.wait_dma2 semaphore(%run_scoped3A : memref<!tpu.dma_semaphore, #tpu.memory_space<semaphore_mem>>) src(%dma_wait3A_33 : memref<640x128xf32, #tpu.memory_space<vmem_shared>>) dst(%dma_wait3A_31 : memref<640x128xf32, #tpu.memory_space<hbm>>)
      tpu.yield
    }) : () -> ()
    return
  }
}

#map = affine_map<(d0, d1) -> (0, 0, 0)>
#map1 = affine_map<(d0, d1) -> (0)>
#map2 = affine_map<(d0, d1) -> (0, 0)>
module attributes {stable_mosaic.version = 14 : i64} {
  func.func @_deg_body(%arg0: i32, %arg1: i32, %arg2: memref<2x2500x128xi32, #tpu.memory_space<hbm>>, %arg3: memref<2x4x128xi32, #tpu.memory_space<hbm>>, %arg4: memref<10240xf32, #tpu.memory_space<hbm>>, %arg5: memref<2x10240xf32, #tpu.memory_space<hbm>>, %arg6: memref<10240xf32, #tpu.memory_space<vmem_shared>>, %arg7: memref<40x128xi32, #tpu.memory_space<vmem>>, %arg8: memref<128xf32, #tpu.memory_space<vmem>>, %arg9: memref<!tpu.dma_semaphore, #tpu.memory_space<semaphore_mem>>) attributes {dimension_semantics = [#tpu.dimension_semantics<core_parallel>, #tpu.dimension_semantics<subcore_parallel>], iteration_bounds = array<i64: 2, 16>, scalar_prefetch = 0 : i64, scratch_operands = 4 : i64, tpu.core_type = #tpu.core_type<sc_vector_subcore>, window_params = [{transform_indices = #map}, {transform_indices = #map}, {transform_indices = #map1}, {transform_indices = #map2}]} {
    %mul3A = arith.constant 640 : i32
    %mul3A_0 = arith.muli %arg1, %mul3A : i32
    %mul3A_1 = arith.constant 640 : i32
    %mul3A_2 = arith.muli %arg1, %mul3A_1 : i32
    "tpu.region"() ({
      %run_scoped3A = tpu.sem_alloc : memref<!tpu.dma_semaphore, #tpu.memory_space<semaphore_mem>>
      %dma_start3A = tpu.memref_slice %arg6[%mul3A_2] : memref<10240xf32, #tpu.memory_space<vmem_shared>> -> memref<640xf32, #tpu.memory_space<vmem_shared>>
      %dma_start3A_72 = tpu.memref_slice %arg4[%mul3A_0] : memref<10240xf32, #tpu.memory_space<hbm>> -> memref<640xf32, #tpu.memory_space<hbm>>
      tpu.enqueue_dma source(%dma_start3A_72 : memref<640xf32, #tpu.memory_space<hbm>>) target(%dma_start3A : memref<640xf32, #tpu.memory_space<vmem_shared>>) target_semaphore(%run_scoped3A : memref<!tpu.dma_semaphore, #tpu.memory_space<semaphore_mem>>)
      %dma_wait3A = tpu.memref_slice %arg6[%mul3A_2] : memref<10240xf32, #tpu.memory_space<vmem_shared>> -> memref<640xf32, #tpu.memory_space<vmem_shared>>
      %dma_wait3A_73 = tpu.memref_slice %arg4[%mul3A_0] : memref<10240xf32, #tpu.memory_space<hbm>> -> memref<640xf32, #tpu.memory_space<hbm>>
      tpu.wait_dma2 semaphore(%run_scoped3A : memref<!tpu.dma_semaphore, #tpu.memory_space<semaphore_mem>>) src(%dma_wait3A_73 : memref<640xf32, #tpu.memory_space<hbm>>) dst(%dma_wait3A : memref<640xf32, #tpu.memory_space<vmem_shared>>)
      tpu.yield
    }) : () -> ()
    %broadcast_in_dim3A = arith.constant 1.000000e+00 : f32
    %broadcast_in_dim3A_3 = vector.broadcast %broadcast_in_dim3A : f32 to vector<16xf32>
    %swap3A = arith.constant 0 : index
    %swap3A_4 = tpu.vector_load %arg8[%swap3A] {strides = array<i32>} : memref<128xf32, #tpu.memory_space<vmem>>, vector<16xf32>,
    %swap3A_5 = vector.shape_cast %swap3A_4 : vector<16xf32> to vector<16xf32>
    %swap3A_6 = vector.shape_cast %broadcast_in_dim3A_3 : vector<16xf32> to vector<16xf32>
    tpu.vector_store %arg8[%swap3A], %swap3A_6 {strides = array<i32>} : memref<128xf32, #tpu.memory_space<vmem>>, vector<16xf32>,
    %broadcast_in_dim3A_7 = arith.constant 1.000000e+00 : f32
    %broadcast_in_dim3A_8 = vector.broadcast %broadcast_in_dim3A_7 : f32 to vector<16xf32>
    %swap3A_9 = arith.constant 16 : index
    %swap3A_10 = tpu.vector_load %arg8[%swap3A_9] {strides = array<i32>} : memref<128xf32, #tpu.memory_space<vmem>>, vector<16xf32>,
    %swap3A_11 = vector.shape_cast %swap3A_10 : vector<16xf32> to vector<16xf32>
    %swap3A_12 = vector.shape_cast %broadcast_in_dim3A_8 : vector<16xf32> to vector<16xf32>
    tpu.vector_store %arg8[%swap3A_9], %swap3A_12 {strides = array<i32>} : memref<128xf32, #tpu.memory_space<vmem>>, vector<16xf32>,
    %broadcast_in_dim3A_13 = arith.constant 1.000000e+00 : f32
    %broadcast_in_dim3A_14 = vector.broadcast %broadcast_in_dim3A_13 : f32 to vector<16xf32>
    %swap3A_15 = arith.constant 32 : index
    %swap3A_16 = tpu.vector_load %arg8[%swap3A_15] {strides = array<i32>} : memref<128xf32, #tpu.memory_space<vmem>>, vector<16xf32>,
    %swap3A_17 = vector.shape_cast %swap3A_16 : vector<16xf32> to vector<16xf32>
    %swap3A_18 = vector.shape_cast %broadcast_in_dim3A_14 : vector<16xf32> to vector<16xf32>
    tpu.vector_store %arg8[%swap3A_15], %swap3A_18 {strides = array<i32>} : memref<128xf32, #tpu.memory_space<vmem>>, vector<16xf32>,
    %broadcast_in_dim3A_19 = arith.constant 1.000000e+00 : f32
    %broadcast_in_dim3A_20 = vector.broadcast %broadcast_in_dim3A_19 : f32 to vector<16xf32>
    %swap3A_21 = arith.constant 48 : index
    %swap3A_22 = tpu.vector_load %arg8[%swap3A_21] {strides = array<i32>} : memref<128xf32, #tpu.memory_space<vmem>>, vector<16xf32>,
    %swap3A_23 = vector.shape_cast %swap3A_22 : vector<16xf32> to vector<16xf32>
    %swap3A_24 = vector.shape_cast %broadcast_in_dim3A_20 : vector<16xf32> to vector<16xf32>
    tpu.vector_store %arg8[%swap3A_21], %swap3A_24 {strides = array<i32>} : memref<128xf32, #tpu.memory_space<vmem>>, vector<16xf32>,
    %broadcast_in_dim3A_25 = arith.constant 1.000000e+00 : f32
    %broadcast_in_dim3A_26 = vector.broadcast %broadcast_in_dim3A_25 : f32 to vector<16xf32>
    %swap3A_27 = arith.constant 64 : index
    %swap3A_28 = tpu.vector_load %arg8[%swap3A_27] {strides = array<i32>} : memref<128xf32, #tpu.memory_space<vmem>>, vector<16xf32>,
    %swap3A_29 = vector.shape_cast %swap3A_28 : vector<16xf32> to vector<16xf32>
    %swap3A_30 = vector.shape_cast %broadcast_in_dim3A_26 : vector<16xf32> to vector<16xf32>
    tpu.vector_store %arg8[%swap3A_27], %swap3A_30 {strides = array<i32>} : memref<128xf32, #tpu.memory_space<vmem>>, vector<16xf32>,
    %broadcast_in_dim3A_31 = arith.constant 1.000000e+00 : f32
    %broadcast_in_dim3A_32 = vector.broadcast %broadcast_in_dim3A_31 : f32 to vector<16xf32>
    %swap3A_33 = arith.constant 80 : index
    %swap3A_34 = tpu.vector_load %arg8[%swap3A_33] {strides = array<i32>} : memref<128xf32, #tpu.memory_space<vmem>>, vector<16xf32>,
    %swap3A_35 = vector.shape_cast %swap3A_34 : vector<16xf32> to vector<16xf32>
    %swap3A_36 = vector.shape_cast %broadcast_in_dim3A_32 : vector<16xf32> to vector<16xf32>
    tpu.vector_store %arg8[%swap3A_33], %swap3A_36 {strides = array<i32>} : memref<128xf32, #tpu.memory_space<vmem>>, vector<16xf32>,
    %broadcast_in_dim3A_37 = arith.constant 1.000000e+00 : f32
    %broadcast_in_dim3A_38 = vector.broadcast %broadcast_in_dim3A_37 : f32 to vector<16xf32>
    %swap3A_39 = arith.constant 96 : index
    %swap3A_40 = tpu.vector_load %arg8[%swap3A_39] {strides = array<i32>} : memref<128xf32, #tpu.memory_space<vmem>>, vector<16xf32>,
    %swap3A_41 = vector.shape_cast %swap3A_40 : vector<16xf32> to vector<16xf32>
    %swap3A_42 = vector.shape_cast %broadcast_in_dim3A_38 : vector<16xf32> to vector<16xf32>
    tpu.vector_store %arg8[%swap3A_39], %swap3A_42 {strides = array<i32>} : memref<128xf32, #tpu.memory_space<vmem>>, vector<16xf32>,
    %broadcast_in_dim3A_43 = arith.constant 1.000000e+00 : f32
    %broadcast_in_dim3A_44 = vector.broadcast %broadcast_in_dim3A_43 : f32 to vector<16xf32>
    %swap3A_45 = arith.constant 112 : index
    %swap3A_46 = tpu.vector_load %arg8[%swap3A_45] {strides = array<i32>} : memref<128xf32, #tpu.memory_space<vmem>>, vector<16xf32>,
    %swap3A_47 = vector.shape_cast %swap3A_46 : vector<16xf32> to vector<16xf32>
    %swap3A_48 = vector.shape_cast %broadcast_in_dim3A_44 : vector<16xf32> to vector<16xf32>
    tpu.vector_store %arg8[%swap3A_45], %swap3A_48 {strides = array<i32>} : memref<128xf32, #tpu.memory_space<vmem>>, vector<16xf32>,
    %barrier3A = arith.constant 0 : index
    tpu.barrier barrier_id(%barrier3A)
    %mul3A_49 = arith.constant 16 : i32
    %mul3A_50 = arith.muli %arg0, %mul3A_49 : i32
    %add3A = arith.addi %mul3A_50, %arg1 : i32
    %mul3A_51 = arith.constant 80 : i32
    %mul3A_52 = arith.muli %add3A, %mul3A_51 : i32
    %eq3A = arith.constant 31 : i32
    %eq3A_53 = arith.cmpi eq, %add3A, %eq3A : i32
    %jit3A = arith.constant 0 : i32
    %jit3A_54 = arith.constant 2 : i32
    %select_n3A = arith.select %eq3A_53, %jit3A, %jit3A_54 : i32
    %while3A = arith.constant 0 : i32
    %while3A_55 = arith.constant 0 : i32
    %while3A_56 = arith.subi %select_n3A, %while3A_55 : i32
    %while3A_57 = arith.addi %while3A_55, %while3A_56 : i32
    %while3A_58 = arith.constant 1 : i32
    %while3A_59 = arith.divsi %while3A_56, %while3A_58 : i32
    %while3A_60 = arith.muli %while3A_59, %while3A_58 : i32
    %while3A_61 = arith.addi %while3A_55, %while3A_60 : i32
    %while3A_62 = arith.constant 1 : i32
    scf.for %while3A_72 = %while3A_55 to %while3A_61 step %while3A_62  : i32 {
      %mul3A_73 = arith.constant 40 : i32
      %mul3A_74 = arith.muli %while3A_72, %mul3A_73 : i32
      %add3A_75 = arith.addi %mul3A_52, %mul3A_74 : i32
      %run_scoped3A = arith.constant 1 : i32
      "tpu.region"() ({
        %run_scoped3A_87 = tpu.sem_alloc : memref<!tpu.dma_semaphore, #tpu.memory_space<semaphore_mem>>
        %dma_start3A = arith.constant 0 : i32
        %dma_start3A_88 = tpu.memref_slice %arg2[%run_scoped3A, %add3A_75, %dma_start3A] : memref<2x2500x128xi32, #tpu.memory_space<hbm>> -> memref<1x40x128xi32, #tpu.memory_space<hbm>>
        %dma_start3A_89 = tpu.memref_squeeze %dma_start3A_88 : memref<1x40x128xi32, #tpu.memory_space<hbm>> -> memref<40x128xi32, #tpu.memory_space<hbm>>
        %dma_start3A_90 = arith.constant 0 : i32
        %dma_start3A_91 = tpu.memref_slice %arg2[%run_scoped3A, %add3A_75, %dma_start3A_90] : memref<2x2500x128xi32, #tpu.memory_space<hbm>> -> memref<1x40x128xi32, #tpu.memory_space<hbm>>
        %dma_start3A_92 = tpu.memref_squeeze %dma_start3A_91 : memref<1x40x128xi32, #tpu.memory_space<hbm>> -> memref<40x128xi32, #tpu.memory_space<hbm>>
        tpu.enqueue_dma source(%dma_start3A_92 : memref<40x128xi32, #tpu.memory_space<hbm>>) target(%arg7 : memref<40x128xi32, #tpu.memory_space<vmem>>) target_semaphore(%run_scoped3A_87 : memref<!tpu.dma_semaphore, #tpu.memory_space<semaphore_mem>>)
        %dma_wait3A = arith.constant 0 : i32
        %dma_wait3A_93 = tpu.memref_slice %arg2[%run_scoped3A, %add3A_75, %dma_wait3A] : memref<2x2500x128xi32, #tpu.memory_space<hbm>> -> memref<1x40x128xi32, #tpu.memory_space<hbm>>
        %dma_wait3A_94 = tpu.memref_squeeze %dma_wait3A_93 : memref<1x40x128xi32, #tpu.memory_space<hbm>> -> memref<40x128xi32, #tpu.memory_space<hbm>>
        %dma_wait3A_95 = arith.constant 0 : i32
        %dma_wait3A_96 = tpu.memref_slice %arg2[%run_scoped3A, %add3A_75, %dma_wait3A_95] : memref<2x2500x128xi32, #tpu.memory_space<hbm>> -> memref<1x40x128xi32, #tpu.memory_space<hbm>>
        %dma_wait3A_97 = tpu.memref_squeeze %dma_wait3A_96 : memref<1x40x128xi32, #tpu.memory_space<hbm>> -> memref<40x128xi32, #tpu.memory_space<hbm>>
        tpu.wait_dma2 semaphore(%run_scoped3A_87 : memref<!tpu.dma_semaphore, #tpu.memory_space<semaphore_mem>>) src(%dma_wait3A_97 : memref<40x128xi32, #tpu.memory_space<hbm>>) dst(%arg7 : memref<40x128xi32, #tpu.memory_space<vmem>>)
        tpu.yield
      }) : () -> ()
      %scan3A = arith.constant 0 : i32
      %scan3A_76 = arith.constant 0 : i32
      %scan3A_77 = arith.constant 40 : i32
      %scan3A_78 = arith.addi %scan3A_76, %scan3A_77 : i32
      %scan3A_79 = arith.constant 1 : i32
      scf.for %scan3A_87 = %scan3A_76 to %scan3A_78 step %scan3A_79  : i32 {
        %dma_start3A = arith.constant 0 : i32
        %dma_start3A_88 = tpu.memref_slice %arg7[%scan3A_87, %dma_start3A] : memref<40x128xi32, #tpu.memory_space<vmem>> -> memref<1x128xi32, #tpu.memory_space<vmem>>
        %dma_start3A_89 = tpu.memref_squeeze %dma_start3A_88 : memref<1x128xi32, #tpu.memory_space<vmem>> -> memref<128xi32, #tpu.memory_space<vmem>>
        %dma_start3A_90 = arith.constant 0 : i32
        %dma_start3A_91 = tpu.memref_slice %arg6[%dma_start3A_90] : memref<10240xf32, #tpu.memory_space<vmem_shared>> -> memref<10240xf32, #tpu.memory_space<vmem_shared>>
        tpu.enqueue_indirect_dma source(%arg8 : memref<128xf32, #tpu.memory_space<vmem>>) target(%dma_start3A_91 : memref<10240xf32, #tpu.memory_space<vmem_shared>>) offsets(%dma_start3A_89 : memref<128xi32, #tpu.memory_space<vmem>>) semaphore(%arg9 : memref<!tpu.dma_semaphore, #tpu.memory_space<semaphore_mem>>) {add = true}
      }
      %scan3A_80 = arith.constant 40 : i32
      %scan3A_81 = arith.constant 0 : i32
      %scan3A_82 = arith.constant 0 : i32
      %scan3A_83 = arith.constant 40 : i32
      %scan3A_84 = arith.addi %scan3A_82, %scan3A_83 : i32
      %scan3A_85 = arith.constant 1 : i32
      scf.for %scan3A_87 = %scan3A_82 to %scan3A_84 step %scan3A_85  : i32 {
        %dma_wait3A = arith.constant 0 : i32
        %dma_wait3A_88 = arith.constant 0 : i32
        %dma_wait3A_89 = tpu.memref_slice %arg7[%dma_wait3A, %dma_wait3A_88] : memref<40x128xi32, #tpu.memory_space<vmem>> -> memref<1x128xi32, #tpu.memory_space<vmem>>
        %dma_wait3A_90 = tpu.memref_squeeze %dma_wait3A_89 : memref<1x128xi32, #tpu.memory_space<vmem>> -> memref<128xi32, #tpu.memory_space<vmem>>
        %dma_wait3A_91 = arith.constant 0 : i32
        %dma_wait3A_92 = tpu.memref_slice %arg6[%dma_wait3A_91] : memref<10240xf32, #tpu.memory_space<vmem_shared>> -> memref<10240xf32, #tpu.memory_space<vmem_shared>>
        tpu.wait_indirect_dma semaphore(%arg9 : memref<!tpu.dma_semaphore, #tpu.memory_space<semaphore_mem>>) src(%arg8 : memref<128xf32, #tpu.memory_space<vmem>>) dst(%dma_wait3A_92 : memref<10240xf32, #tpu.memory_space<vmem_shared>>)
      }
      %scan3A_86 = arith.constant 40 : i32
    }
    %while3A_63 = arith.constant 1 : i32
    scf.for %while3A_72 = %while3A_61 to %while3A_57 step %while3A_63  : i32 {
      %mul3A_73 = arith.constant 40 : i32
      %mul3A_74 = arith.muli %while3A_72, %mul3A_73 : i32
      %add3A_75 = arith.addi %mul3A_52, %mul3A_74 : i32
      %run_scoped3A = arith.constant 1 : i32
      "tpu.region"() ({
        %run_scoped3A_87 = tpu.sem_alloc : memref<!tpu.dma_semaphore, #tpu.memory_space<semaphore_mem>>
        %dma_start3A = arith.constant 0 : i32
        %dma_start3A_88 = tpu.memref_slice %arg2[%run_scoped3A, %add3A_75, %dma_start3A] : memref<2x2500x128xi32, #tpu.memory_space<hbm>> -> memref<1x40x128xi32, #tpu.memory_space<hbm>>
        %dma_start3A_89 = tpu.memref_squeeze %dma_start3A_88 : memref<1x40x128xi32, #tpu.memory_space<hbm>> -> memref<40x128xi32, #tpu.memory_space<hbm>>
        %dma_start3A_90 = arith.constant 0 : i32
        %dma_start3A_91 = tpu.memref_slice %arg2[%run_scoped3A, %add3A_75, %dma_start3A_90] : memref<2x2500x128xi32, #tpu.memory_space<hbm>> -> memref<1x40x128xi32, #tpu.memory_space<hbm>>
        %dma_start3A_92 = tpu.memref_squeeze %dma_start3A_91 : memref<1x40x128xi32, #tpu.memory_space<hbm>> -> memref<40x128xi32, #tpu.memory_space<hbm>>
        tpu.enqueue_dma source(%dma_start3A_92 : memref<40x128xi32, #tpu.memory_space<hbm>>) target(%arg7 : memref<40x128xi32, #tpu.memory_space<vmem>>) target_semaphore(%run_scoped3A_87 : memref<!tpu.dma_semaphore, #tpu.memory_space<semaphore_mem>>)
        %dma_wait3A = arith.constant 0 : i32
        %dma_wait3A_93 = tpu.memref_slice %arg2[%run_scoped3A, %add3A_75, %dma_wait3A] : memref<2x2500x128xi32, #tpu.memory_space<hbm>> -> memref<1x40x128xi32, #tpu.memory_space<hbm>>
        %dma_wait3A_94 = tpu.memref_squeeze %dma_wait3A_93 : memref<1x40x128xi32, #tpu.memory_space<hbm>> -> memref<40x128xi32, #tpu.memory_space<hbm>>
        %dma_wait3A_95 = arith.constant 0 : i32
        %dma_wait3A_96 = tpu.memref_slice %arg2[%run_scoped3A, %add3A_75, %dma_wait3A_95] : memref<2x2500x128xi32, #tpu.memory_space<hbm>> -> memref<1x40x128xi32, #tpu.memory_space<hbm>>
        %dma_wait3A_97 = tpu.memref_squeeze %dma_wait3A_96 : memref<1x40x128xi32, #tpu.memory_space<hbm>> -> memref<40x128xi32, #tpu.memory_space<hbm>>
        tpu.wait_dma2 semaphore(%run_scoped3A_87 : memref<!tpu.dma_semaphore, #tpu.memory_space<semaphore_mem>>) src(%dma_wait3A_97 : memref<40x128xi32, #tpu.memory_space<hbm>>) dst(%arg7 : memref<40x128xi32, #tpu.memory_space<vmem>>)
        tpu.yield
      }) : () -> ()
      %scan3A = arith.constant 0 : i32
      %scan3A_76 = arith.constant 0 : i32
      %scan3A_77 = arith.constant 40 : i32
      %scan3A_78 = arith.addi %scan3A_76, %scan3A_77 : i32
      %scan3A_79 = arith.constant 1 : i32
      scf.for %scan3A_87 = %scan3A_76 to %scan3A_78 step %scan3A_79  : i32 {
        %dma_start3A = arith.constant 0 : i32
        %dma_start3A_88 = tpu.memref_slice %arg7[%scan3A_87, %dma_start3A] : memref<40x128xi32, #tpu.memory_space<vmem>> -> memref<1x128xi32, #tpu.memory_space<vmem>>
        %dma_start3A_89 = tpu.memref_squeeze %dma_start3A_88 : memref<1x128xi32, #tpu.memory_space<vmem>> -> memref<128xi32, #tpu.memory_space<vmem>>
        %dma_start3A_90 = arith.constant 0 : i32
        %dma_start3A_91 = tpu.memref_slice %arg6[%dma_start3A_90] : memref<10240xf32, #tpu.memory_space<vmem_shared>> -> memref<10240xf32, #tpu.memory_space<vmem_shared>>
        tpu.enqueue_indirect_dma source(%arg8 : memref<128xf32, #tpu.memory_space<vmem>>) target(%dma_start3A_91 : memref<10240xf32, #tpu.memory_space<vmem_shared>>) offsets(%dma_start3A_89 : memref<128xi32, #tpu.memory_space<vmem>>) semaphore(%arg9 : memref<!tpu.dma_semaphore, #tpu.memory_space<semaphore_mem>>) {add = true}
      }
      %scan3A_80 = arith.constant 40 : i32
      %scan3A_81 = arith.constant 0 : i32
      %scan3A_82 = arith.constant 0 : i32
      %scan3A_83 = arith.constant 40 : i32
      %scan3A_84 = arith.addi %scan3A_82, %scan3A_83 : i32
      %scan3A_85 = arith.constant 1 : i32
      scf.for %scan3A_87 = %scan3A_82 to %scan3A_84 step %scan3A_85  : i32 {
        %dma_wait3A = arith.constant 0 : i32
        %dma_wait3A_88 = arith.constant 0 : i32
        %dma_wait3A_89 = tpu.memref_slice %arg7[%dma_wait3A, %dma_wait3A_88] : memref<40x128xi32, #tpu.memory_space<vmem>> -> memref<1x128xi32, #tpu.memory_space<vmem>>
        %dma_wait3A_90 = tpu.memref_squeeze %dma_wait3A_89 : memref<1x128xi32, #tpu.memory_space<vmem>> -> memref<128xi32, #tpu.memory_space<vmem>>
        %dma_wait3A_91 = arith.constant 0 : i32
        %dma_wait3A_92 = tpu.memref_slice %arg6[%dma_wait3A_91] : memref<10240xf32, #tpu.memory_space<vmem_shared>> -> memref<10240xf32, #tpu.memory_space<vmem_shared>>
        tpu.wait_indirect_dma semaphore(%arg9 : memref<!tpu.dma_semaphore, #tpu.memory_space<semaphore_mem>>) src(%arg8 : memref<128xf32, #tpu.memory_space<vmem>>) dst(%dma_wait3A_92 : memref<10240xf32, #tpu.memory_space<vmem_shared>>)
      }
      %scan3A_86 = arith.constant 40 : i32
    }
    %eq3A_64 = arith.constant 31 : i32
    %eq3A_65 = arith.cmpi eq, %add3A, %eq3A_64 : i32
    %convert_element_type3A = arith.extui %eq3A_65 : i1 to i32
    %cond3A = arith.constant 0 : i32
    %cond3A_66 = arith.cmpi ne, %convert_element_type3A, %cond3A : i32
    scf.if %cond3A_66 {
      %run_scoped3A = arith.constant 1 : i32
      "tpu.region"() ({
        %run_scoped3A_96 = tpu.sem_alloc : memref<!tpu.dma_semaphore, #tpu.memory_space<semaphore_mem>>
        %dma_start3A = arith.constant 0 : i32
        %dma_start3A_97 = arith.constant 0 : i32
        %dma_start3A_98 = tpu.memref_slice %arg7[%dma_start3A, %dma_start3A_97] : memref<40x128xi32, #tpu.memory_space<vmem>> -> memref<16x128xi32, #tpu.memory_space<vmem>>
        %dma_start3A_99 = arith.constant 0 : i32
        %dma_start3A_100 = tpu.memref_slice %arg2[%run_scoped3A, %mul3A_52, %dma_start3A_99] : memref<2x2500x128xi32, #tpu.memory_space<hbm>> -> memref<1x16x128xi32, #tpu.memory_space<hbm>>
        %dma_start3A_101 = tpu.memref_squeeze %dma_start3A_100 : memref<1x16x128xi32, #tpu.memory_space<hbm>> -> memref<16x128xi32, #tpu.memory_space<hbm>>
        %dma_start3A_102 = arith.constant 0 : i32
        %dma_start3A_103 = arith.constant 0 : i32
        %dma_start3A_104 = tpu.memref_slice %arg7[%dma_start3A_102, %dma_start3A_103] : memref<40x128xi32, #tpu.memory_space<vmem>> -> memref<16x128xi32, #tpu.memory_space<vmem>>
        %dma_start3A_105 = arith.constant 0 : i32
        %dma_start3A_106 = tpu.memref_slice %arg2[%run_scoped3A, %mul3A_52, %dma_start3A_105] : memref<2x2500x128xi32, #tpu.memory_space<hbm>> -> memref<1x16x128xi32, #tpu.memory_space<hbm>>
        %dma_start3A_107 = tpu.memref_squeeze %dma_start3A_106 : memref<1x16x128xi32, #tpu.memory_space<hbm>> -> memref<16x128xi32, #tpu.memory_space<hbm>>
        tpu.enqueue_dma source(%dma_start3A_107 : memref<16x128xi32, #tpu.memory_space<hbm>>) target(%dma_start3A_104 : memref<16x128xi32, #tpu.memory_space<vmem>>) target_semaphore(%run_scoped3A_96 : memref<!tpu.dma_semaphore, #tpu.memory_space<semaphore_mem>>)
        %dma_wait3A = arith.constant 0 : i32
        %dma_wait3A_108 = arith.constant 0 : i32
        %dma_wait3A_109 = tpu.memref_slice %arg7[%dma_wait3A, %dma_wait3A_108] : memref<40x128xi32, #tpu.memory_space<vmem>> -> memref<16x128xi32, #tpu.memory_space<vmem>>
        %dma_wait3A_110 = arith.constant 0 : i32
        %dma_wait3A_111 = tpu.memref_slice %arg2[%run_scoped3A, %mul3A_52, %dma_wait3A_110] : memref<2x2500x128xi32, #tpu.memory_space<hbm>> -> memref<1x16x128xi32, #tpu.memory_space<hbm>>
        %dma_wait3A_112 = tpu.memref_squeeze %dma_wait3A_111 : memref<1x16x128xi32, #tpu.memory_space<hbm>> -> memref<16x128xi32, #tpu.memory_space<hbm>>
        %dma_wait3A_113 = arith.constant 0 : i32
        %dma_wait3A_114 = arith.constant 0 : i32
        %dma_wait3A_115 = tpu.memref_slice %arg7[%dma_wait3A_113, %dma_wait3A_114] : memref<40x128xi32, #tpu.memory_space<vmem>> -> memref<16x128xi32, #tpu.memory_space<vmem>>
        %dma_wait3A_116 = arith.constant 0 : i32
        %dma_wait3A_117 = tpu.memref_slice %arg2[%run_scoped3A, %mul3A_52, %dma_wait3A_116] : memref<2x2500x128xi32, #tpu.memory_space<hbm>> -> memref<1x16x128xi32, #tpu.memory_space<hbm>>
        %dma_wait3A_118 = tpu.memref_squeeze %dma_wait3A_117 : memref<1x16x128xi32, #tpu.memory_space<hbm>> -> memref<16x128xi32, #tpu.memory_space<hbm>>
        tpu.wait_dma2 semaphore(%run_scoped3A_96 : memref<!tpu.dma_semaphore, #tpu.memory_space<semaphore_mem>>) src(%dma_wait3A_118 : memref<16x128xi32, #tpu.memory_space<hbm>>) dst(%dma_wait3A_115 : memref<16x128xi32, #tpu.memory_space<vmem>>)
        tpu.yield
      }) : () -> ()
      %scan3A = arith.constant 0 : i32
      %scan3A_72 = arith.constant 0 : i32
      %scan3A_73 = arith.constant 16 : i32
      %scan3A_74 = arith.addi %scan3A_72, %scan3A_73 : i32
      %scan3A_75 = arith.constant 1 : i32
      scf.for %scan3A_96 = %scan3A_72 to %scan3A_74 step %scan3A_75  : i32 {
        %dma_start3A = arith.constant 0 : i32
        %dma_start3A_97 = tpu.memref_slice %arg7[%scan3A_96, %dma_start3A] : memref<40x128xi32, #tpu.memory_space<vmem>> -> memref<1x128xi32, #tpu.memory_space<vmem>>
        %dma_start3A_98 = tpu.memref_squeeze %dma_start3A_97 : memref<1x128xi32, #tpu.memory_space<vmem>> -> memref<128xi32, #tpu.memory_space<vmem>>
        %dma_start3A_99 = arith.constant 0 : i32
        %dma_start3A_100 = tpu.memref_slice %arg6[%dma_start3A_99] : memref<10240xf32, #tpu.memory_space<vmem_shared>> -> memref<10240xf32, #tpu.memory_space<vmem_shared>>
        tpu.enqueue_indirect_dma source(%arg8 : memref<128xf32, #tpu.memory_space<vmem>>) target(%dma_start3A_100 : memref<10240xf32, #tpu.memory_space<vmem_shared>>) offsets(%dma_start3A_98 : memref<128xi32, #tpu.memory_space<vmem>>) semaphore(%arg9 : memref<!tpu.dma_semaphore, #tpu.memory_space<semaphore_mem>>) {add = true}
      }
      %scan3A_76 = arith.constant 16 : i32
      %scan3A_77 = arith.constant 0 : i32
      %scan3A_78 = arith.constant 0 : i32
      %scan3A_79 = arith.constant 16 : i32
      %scan3A_80 = arith.addi %scan3A_78, %scan3A_79 : i32
      %scan3A_81 = arith.constant 1 : i32
      scf.for %scan3A_96 = %scan3A_78 to %scan3A_80 step %scan3A_81  : i32 {
        %dma_wait3A = arith.constant 0 : i32
        %dma_wait3A_97 = arith.constant 0 : i32
        %dma_wait3A_98 = tpu.memref_slice %arg7[%dma_wait3A, %dma_wait3A_97] : memref<40x128xi32, #tpu.memory_space<vmem>> -> memref<1x128xi32, #tpu.memory_space<vmem>>
        %dma_wait3A_99 = tpu.memref_squeeze %dma_wait3A_98 : memref<1x128xi32, #tpu.memory_space<vmem>> -> memref<128xi32, #tpu.memory_space<vmem>>
        %dma_wait3A_100 = arith.constant 0 : i32
        %dma_wait3A_101 = tpu.memref_slice %arg6[%dma_wait3A_100] : memref<10240xf32, #tpu.memory_space<vmem_shared>> -> memref<10240xf32, #tpu.memory_space<vmem_shared>>
        tpu.wait_indirect_dma semaphore(%arg9 : memref<!tpu.dma_semaphore, #tpu.memory_space<semaphore_mem>>) src(%arg8 : memref<128xf32, #tpu.memory_space<vmem>>) dst(%dma_wait3A_101 : memref<10240xf32, #tpu.memory_space<vmem_shared>>)
      }
      %scan3A_82 = arith.constant 16 : i32
      %run_scoped3A_83 = arith.constant 1 : i32
      "tpu.region"() ({
        %run_scoped3A_96 = tpu.sem_alloc : memref<!tpu.dma_semaphore, #tpu.memory_space<semaphore_mem>>
        %dma_start3A = arith.constant 0 : i32
        %dma_start3A_97 = arith.constant 0 : i32
        %dma_start3A_98 = tpu.memref_slice %arg7[%dma_start3A, %dma_start3A_97] : memref<40x128xi32, #tpu.memory_space<vmem>> -> memref<4x128xi32, #tpu.memory_space<vmem>>
        %dma_start3A_99 = arith.constant 0 : i32
        %dma_start3A_100 = arith.constant 0 : i32
        %dma_start3A_101 = tpu.memref_slice %arg3[%run_scoped3A_83, %dma_start3A_99, %dma_start3A_100] : memref<2x4x128xi32, #tpu.memory_space<hbm>> -> memref<1x4x128xi32, #tpu.memory_space<hbm>>
        %dma_start3A_102 = tpu.memref_squeeze %dma_start3A_101 : memref<1x4x128xi32, #tpu.memory_space<hbm>> -> memref<4x128xi32, #tpu.memory_space<hbm>>
        %dma_start3A_103 = arith.constant 0 : i32
        %dma_start3A_104 = arith.constant 0 : i32
        %dma_start3A_105 = tpu.memref_slice %arg7[%dma_start3A_103, %dma_start3A_104] : memref<40x128xi32, #tpu.memory_space<vmem>> -> memref<4x128xi32, #tpu.memory_space<vmem>>
        %dma_start3A_106 = arith.constant 0 : i32
        %dma_start3A_107 = arith.constant 0 : i32
        %dma_start3A_108 = tpu.memref_slice %arg3[%run_scoped3A_83, %dma_start3A_106, %dma_start3A_107] : memref<2x4x128xi32, #tpu.memory_space<hbm>> -> memref<1x4x128xi32, #tpu.memory_space<hbm>>
        %dma_start3A_109 = tpu.memref_squeeze %dma_start3A_108 : memref<1x4x128xi32, #tpu.memory_space<hbm>> -> memref<4x128xi32, #tpu.memory_space<hbm>>
        tpu.enqueue_dma source(%dma_start3A_109 : memref<4x128xi32, #tpu.memory_space<hbm>>) target(%dma_start3A_105 : memref<4x128xi32, #tpu.memory_space<vmem>>) target_semaphore(%run_scoped3A_96 : memref<!tpu.dma_semaphore, #tpu.memory_space<semaphore_mem>>)
        %dma_wait3A = arith.constant 0 : i32
        %dma_wait3A_110 = arith.constant 0 : i32
        %dma_wait3A_111 = tpu.memref_slice %arg7[%dma_wait3A, %dma_wait3A_110] : memref<40x128xi32, #tpu.memory_space<vmem>> -> memref<4x128xi32, #tpu.memory_space<vmem>>
        %dma_wait3A_112 = arith.constant 0 : i32
        %dma_wait3A_113 = arith.constant 0 : i32
        %dma_wait3A_114 = tpu.memref_slice %arg3[%run_scoped3A_83, %dma_wait3A_112, %dma_wait3A_113] : memref<2x4x128xi32, #tpu.memory_space<hbm>> -> memref<1x4x128xi32, #tpu.memory_space<hbm>>
        %dma_wait3A_115 = tpu.memref_squeeze %dma_wait3A_114 : memref<1x4x128xi32, #tpu.memory_space<hbm>> -> memref<4x128xi32, #tpu.memory_space<hbm>>
        %dma_wait3A_116 = arith.constant 0 : i32
        %dma_wait3A_117 = arith.constant 0 : i32
        %dma_wait3A_118 = tpu.memref_slice %arg7[%dma_wait3A_116, %dma_wait3A_117] : memref<40x128xi32, #tpu.memory_space<vmem>> -> memref<4x128xi32, #tpu.memory_space<vmem>>
        %dma_wait3A_119 = arith.constant 0 : i32
        %dma_wait3A_120 = arith.constant 0 : i32
        %dma_wait3A_121 = tpu.memref_slice %arg3[%run_scoped3A_83, %dma_wait3A_119, %dma_wait3A_120] : memref<2x4x128xi32, #tpu.memory_space<hbm>> -> memref<1x4x128xi32, #tpu.memory_space<hbm>>
        %dma_wait3A_122 = tpu.memref_squeeze %dma_wait3A_121 : memref<1x4x128xi32, #tpu.memory_space<hbm>> -> memref<4x128xi32, #tpu.memory_space<hbm>>
        tpu.wait_dma2 semaphore(%run_scoped3A_96 : memref<!tpu.dma_semaphore, #tpu.memory_space<semaphore_mem>>) src(%dma_wait3A_122 : memref<4x128xi32, #tpu.memory_space<hbm>>) dst(%dma_wait3A_118 : memref<4x128xi32, #tpu.memory_space<vmem>>)
        tpu.yield
      }) : () -> ()
      %scan3A_84 = arith.constant 0 : i32
      %scan3A_85 = arith.constant 0 : i32
      %scan3A_86 = arith.constant 4 : i32
      %scan3A_87 = arith.addi %scan3A_85, %scan3A_86 : i32
      %scan3A_88 = arith.constant 1 : i32
      scf.for %scan3A_96 = %scan3A_85 to %scan3A_87 step %scan3A_88  : i32 {
        %dma_start3A = arith.constant 0 : i32
        %dma_start3A_97 = tpu.memref_slice %arg7[%scan3A_96, %dma_start3A] : memref<40x128xi32, #tpu.memory_space<vmem>> -> memref<1x128xi32, #tpu.memory_space<vmem>>
        %dma_start3A_98 = tpu.memref_squeeze %dma_start3A_97 : memref<1x128xi32, #tpu.memory_space<vmem>> -> memref<128xi32, #tpu.memory_space<vmem>>
        %dma_start3A_99 = arith.constant 0 : i32
        %dma_start3A_100 = tpu.memref_slice %arg6[%dma_start3A_99] : memref<10240xf32, #tpu.memory_space<vmem_shared>> -> memref<10240xf32, #tpu.memory_space<vmem_shared>>
        tpu.enqueue_indirect_dma source(%arg8 : memref<128xf32, #tpu.memory_space<vmem>>) target(%dma_start3A_100 : memref<10240xf32, #tpu.memory_space<vmem_shared>>) offsets(%dma_start3A_98 : memref<128xi32, #tpu.memory_space<vmem>>) semaphore(%arg9 : memref<!tpu.dma_semaphore, #tpu.memory_space<semaphore_mem>>) {add = true}
      }
      %scan3A_89 = arith.constant 4 : i32
      %scan3A_90 = arith.constant 0 : i32
      %scan3A_91 = arith.constant 0 : i32
      %scan3A_92 = arith.constant 4 : i32
      %scan3A_93 = arith.addi %scan3A_91, %scan3A_92 : i32
      %scan3A_94 = arith.constant 1 : i32
      scf.for %scan3A_96 = %scan3A_91 to %scan3A_93 step %scan3A_94  : i32 {
        %dma_wait3A = arith.constant 0 : i32
        %dma_wait3A_97 = arith.constant 0 : i32
        %dma_wait3A_98 = tpu.memref_slice %arg7[%dma_wait3A, %dma_wait3A_97] : memref<40x128xi32, #tpu.memory_space<vmem>> -> memref<1x128xi32, #tpu.memory_space<vmem>>
        %dma_wait3A_99 = tpu.memref_squeeze %dma_wait3A_98 : memref<1x128xi32, #tpu.memory_space<vmem>> -> memref<128xi32, #tpu.memory_space<vmem>>
        %dma_wait3A_100 = arith.constant 0 : i32
        %dma_wait3A_101 = tpu.memref_slice %arg6[%dma_wait3A_100] : memref<10240xf32, #tpu.memory_space<vmem_shared>> -> memref<10240xf32, #tpu.memory_space<vmem_shared>>
        tpu.wait_indirect_dma semaphore(%arg9 : memref<!tpu.dma_semaphore, #tpu.memory_space<semaphore_mem>>) src(%arg8 : memref<128xf32, #tpu.memory_space<vmem>>) dst(%dma_wait3A_101 : memref<10240xf32, #tpu.memory_space<vmem_shared>>)
      }
      %scan3A_95 = arith.constant 4 : i32
    } else {
    }
    %barrier3A_67 = arith.constant 0 : index
    tpu.barrier barrier_id(%barrier3A_67)
    %mul3A_68 = arith.constant 640 : i32
    %mul3A_69 = arith.muli %arg1, %mul3A_68 : i32
    %mul3A_70 = arith.constant 640 : i32
    %mul3A_71 = arith.muli %arg1, %mul3A_70 : i32
    "tpu.region"() ({
      %run_scoped3A = tpu.sem_alloc : memref<!tpu.dma_semaphore, #tpu.memory_space<semaphore_mem>>
      %dma_start3A = tpu.memref_slice %arg5[%arg0, %mul3A_71] : memref<2x10240xf32, #tpu.memory_space<hbm>> -> memref<1x640xf32, #tpu.memory_space<hbm>>
      %dma_start3A_72 = tpu.memref_squeeze %dma_start3A : memref<1x640xf32, #tpu.memory_space<hbm>> -> memref<640xf32, #tpu.memory_space<hbm>>
      %dma_start3A_73 = tpu.memref_slice %arg6[%mul3A_69] : memref<10240xf32, #tpu.memory_space<vmem_shared>> -> memref<640xf32, #tpu.memory_space<vmem_shared>>
      tpu.enqueue_dma source(%dma_start3A_73 : memref<640xf32, #tpu.memory_space<vmem_shared>>) target(%dma_start3A_72 : memref<640xf32, #tpu.memory_space<hbm>>) target_semaphore(%run_scoped3A : memref<!tpu.dma_semaphore, #tpu.memory_space<semaphore_mem>>)
      %dma_wait3A = tpu.memref_slice %arg5[%arg0, %mul3A_71] : memref<2x10240xf32, #tpu.memory_space<hbm>> -> memref<1x640xf32, #tpu.memory_space<hbm>>
      %dma_wait3A_74 = tpu.memref_squeeze %dma_wait3A : memref<1x640xf32, #tpu.memory_space<hbm>> -> memref<640xf32, #tpu.memory_space<hbm>>
      %dma_wait3A_75 = tpu.memref_slice %arg6[%mul3A_69] : memref<10240xf32, #tpu.memory_space<vmem_shared>> -> memref<640xf32, #tpu.memory_space<vmem_shared>>
      tpu.wait_dma2 semaphore(%run_scoped3A : memref<!tpu.dma_semaphore, #tpu.memory_space<semaphore_mem>>) src(%dma_wait3A_75 : memref<640xf32, #tpu.memory_space<vmem_shared>>) dst(%dma_wait3A_74 : memref<640xf32, #tpu.memory_space<hbm>>)
      tpu.yield
    }) : () -> ()
    return
  }
}

#map = affine_map<(d0, d1) -> (0, 0)>
#map1 = affine_map<(d0, d1) -> (0, 0, 0)>
module attributes {stable_mosaic.version = 14 : i64} {
  func.func @_agg_body(%arg0: i32, %arg1: i32, %arg2: memref<10240x128xf32, #tpu.memory_space<hbm>>, %arg3: memref<2x2500x128xi32, #tpu.memory_space<hbm>>, %arg4: memref<2x4x128xi32, #tpu.memory_space<hbm>>, %arg5: memref<2x10240x128xf32, #tpu.memory_space<hbm>>, %arg6: memref<10240x128xf32, #tpu.memory_space<vmem_shared>>, %arg7: memref<40x128xi32, #tpu.memory_space<vmem>>, %arg8: memref<40x128xi32, #tpu.memory_space<vmem>>, %arg9: memref<64x128xf32, #tpu.memory_space<vmem>>, %arg10: memref<64x128xf32, #tpu.memory_space<vmem>>, %arg11: memref<64x128xf32, #tpu.memory_space<vmem>>, %arg12: memref<64x128xf32, #tpu.memory_space<vmem>>, %arg13: memref<!tpu.dma_semaphore, #tpu.memory_space<semaphore_mem>>, %arg14: memref<!tpu.dma_semaphore, #tpu.memory_space<semaphore_mem>>, %arg15: memref<!tpu.dma_semaphore, #tpu.memory_space<semaphore_mem>>, %arg16: memref<!tpu.dma_semaphore, #tpu.memory_space<semaphore_mem>>) attributes {dimension_semantics = [#tpu.dimension_semantics<core_parallel>, #tpu.dimension_semantics<subcore_parallel>], iteration_bounds = array<i64: 2, 16>, scalar_prefetch = 0 : i64, scratch_operands = 11 : i64, tpu.core_type = #tpu.core_type<sc_vector_subcore>, window_params = [{transform_indices = #map}, {transform_indices = #map1}, {transform_indices = #map1}, {transform_indices = #map1}]} {
    %mul3A = arith.constant 640 : i32
    %mul3A_0 = arith.muli %arg1, %mul3A : i32
    %mul3A_1 = arith.constant 640 : i32
    %mul3A_2 = arith.muli %arg1, %mul3A_1 : i32
    "tpu.region"() ({
      %run_scoped3A = tpu.sem_alloc : memref<!tpu.dma_semaphore, #tpu.memory_space<semaphore_mem>>
      %dma_start3A = arith.constant 0 : i32
      %dma_start3A_26 = tpu.memref_slice %arg6[%mul3A_2, %dma_start3A] : memref<10240x128xf32, #tpu.memory_space<vmem_shared>> -> memref<640x128xf32, #tpu.memory_space<vmem_shared>>
      %dma_start3A_27 = arith.constant 0 : i32
      %dma_start3A_28 = tpu.memref_slice %arg2[%mul3A_0, %dma_start3A_27] : memref<10240x128xf32, #tpu.memory_space<hbm>> -> memref<640x128xf32, #tpu.memory_space<hbm>>
      tpu.enqueue_dma source(%dma_start3A_28 : memref<640x128xf32, #tpu.memory_space<hbm>>) target(%dma_start3A_26 : memref<640x128xf32, #tpu.memory_space<vmem_shared>>) target_semaphore(%run_scoped3A : memref<!tpu.dma_semaphore, #tpu.memory_space<semaphore_mem>>)
      %dma_wait3A = arith.constant 0 : i32
      %dma_wait3A_29 = tpu.memref_slice %arg6[%mul3A_2, %dma_wait3A] : memref<10240x128xf32, #tpu.memory_space<vmem_shared>> -> memref<640x128xf32, #tpu.memory_space<vmem_shared>>
      %dma_wait3A_30 = arith.constant 0 : i32
      %dma_wait3A_31 = tpu.memref_slice %arg2[%mul3A_0, %dma_wait3A_30] : memref<10240x128xf32, #tpu.memory_space<hbm>> -> memref<640x128xf32, #tpu.memory_space<hbm>>
      tpu.wait_dma2 semaphore(%run_scoped3A : memref<!tpu.dma_semaphore, #tpu.memory_space<semaphore_mem>>) src(%dma_wait3A_31 : memref<640x128xf32, #tpu.memory_space<hbm>>) dst(%dma_wait3A_29 : memref<640x128xf32, #tpu.memory_space<vmem_shared>>)
      tpu.yield
    }) : () -> ()
    %barrier3A = arith.constant 0 : index
    tpu.barrier barrier_id(%barrier3A)
    %mul3A_3 = arith.constant 16 : i32
    %mul3A_4 = arith.muli %arg0, %mul3A_3 : i32
    %add3A = arith.addi %mul3A_4, %arg1 : i32
    %mul3A_5 = arith.constant 80 : i32
    %mul3A_6 = arith.muli %add3A, %mul3A_5 : i32
    %eq3A = arith.constant 31 : i32
    %eq3A_7 = arith.cmpi eq, %add3A, %eq3A : i32
    %jit3A = arith.constant 0 : i32
    %jit3A_8 = arith.constant 2 : i32
    %select_n3A = arith.select %eq3A_7, %jit3A, %jit3A_8 : i32
    %while3A = arith.constant 0 : i32
    %while3A_9 = arith.constant 0 : i32
    %while3A_10 = arith.subi %select_n3A, %while3A_9 : i32
    %while3A_11 = arith.addi %while3A_9, %while3A_10 : i32
    %while3A_12 = arith.constant 1 : i32
    %while3A_13 = arith.divsi %while3A_10, %while3A_12 : i32
    %while3A_14 = arith.muli %while3A_13, %while3A_12 : i32
    %while3A_15 = arith.addi %while3A_9, %while3A_14 : i32
    %while3A_16 = arith.constant 1 : i32
    scf.for %while3A_26 = %while3A_9 to %while3A_15 step %while3A_16  : i32 {
      %mul3A_27 = arith.constant 40 : i32
      %mul3A_28 = arith.muli %while3A_26, %mul3A_27 : i32
      %add3A_29 = arith.addi %mul3A_6, %mul3A_28 : i32
      %run_scoped3A = arith.constant 0 : i32
      "tpu.region"() ({
        %run_scoped3A_63 = tpu.sem_alloc : memref<!tpu.dma_semaphore, #tpu.memory_space<semaphore_mem>>
        %dma_start3A_64 = arith.constant 0 : i32
        %dma_start3A_65 = tpu.memref_slice %arg3[%run_scoped3A, %add3A_29, %dma_start3A_64] : memref<2x2500x128xi32, #tpu.memory_space<hbm>> -> memref<1x40x128xi32, #tpu.memory_space<hbm>>
        %dma_start3A_66 = tpu.memref_squeeze %dma_start3A_65 : memref<1x40x128xi32, #tpu.memory_space<hbm>> -> memref<40x128xi32, #tpu.memory_space<hbm>>
        %dma_start3A_67 = arith.constant 0 : i32
        %dma_start3A_68 = tpu.memref_slice %arg3[%run_scoped3A, %add3A_29, %dma_start3A_67] : memref<2x2500x128xi32, #tpu.memory_space<hbm>> -> memref<1x40x128xi32, #tpu.memory_space<hbm>>
        %dma_start3A_69 = tpu.memref_squeeze %dma_start3A_68 : memref<1x40x128xi32, #tpu.memory_space<hbm>> -> memref<40x128xi32, #tpu.memory_space<hbm>>
        tpu.enqueue_dma source(%dma_start3A_69 : memref<40x128xi32, #tpu.memory_space<hbm>>) target(%arg7 : memref<40x128xi32, #tpu.memory_space<vmem>>) target_semaphore(%run_scoped3A_63 : memref<!tpu.dma_semaphore, #tpu.memory_space<semaphore_mem>>)
        %dma_wait3A = arith.constant 0 : i32
        %dma_wait3A_70 = tpu.memref_slice %arg3[%run_scoped3A, %add3A_29, %dma_wait3A] : memref<2x2500x128xi32, #tpu.memory_space<hbm>> -> memref<1x40x128xi32, #tpu.memory_space<hbm>>
        %dma_wait3A_71 = tpu.memref_squeeze %dma_wait3A_70 : memref<1x40x128xi32, #tpu.memory_space<hbm>> -> memref<40x128xi32, #tpu.memory_space<hbm>>
        %dma_wait3A_72 = arith.constant 0 : i32
        %dma_wait3A_73 = tpu.memref_slice %arg3[%run_scoped3A, %add3A_29, %dma_wait3A_72] : memref<2x2500x128xi32, #tpu.memory_space<hbm>> -> memref<1x40x128xi32, #tpu.memory_space<hbm>>
        %dma_wait3A_74 = tpu.memref_squeeze %dma_wait3A_73 : memref<1x40x128xi32, #tpu.memory_space<hbm>> -> memref<40x128xi32, #tpu.memory_space<hbm>>
        tpu.wait_dma2 semaphore(%run_scoped3A_63 : memref<!tpu.dma_semaphore, #tpu.memory_space<semaphore_mem>>) src(%dma_wait3A_74 : memref<40x128xi32, #tpu.memory_space<hbm>>) dst(%arg7 : memref<40x128xi32, #tpu.memory_space<vmem>>)
        tpu.yield
      }) : () -> ()
      %run_scoped3A_30 = arith.constant 1 : i32
      "tpu.region"() ({
        %run_scoped3A_63 = tpu.sem_alloc : memref<!tpu.dma_semaphore, #tpu.memory_space<semaphore_mem>>
        %dma_start3A_64 = arith.constant 0 : i32
        %dma_start3A_65 = tpu.memref_slice %arg3[%run_scoped3A_30, %add3A_29, %dma_start3A_64] : memref<2x2500x128xi32, #tpu.memory_space<hbm>> -> memref<1x40x128xi32, #tpu.memory_space<hbm>>
        %dma_start3A_66 = tpu.memref_squeeze %dma_start3A_65 : memref<1x40x128xi32, #tpu.memory_space<hbm>> -> memref<40x128xi32, #tpu.memory_space<hbm>>
        %dma_start3A_67 = arith.constant 0 : i32
        %dma_start3A_68 = tpu.memref_slice %arg3[%run_scoped3A_30, %add3A_29, %dma_start3A_67] : memref<2x2500x128xi32, #tpu.memory_space<hbm>> -> memref<1x40x128xi32, #tpu.memory_space<hbm>>
        %dma_start3A_69 = tpu.memref_squeeze %dma_start3A_68 : memref<1x40x128xi32, #tpu.memory_space<hbm>> -> memref<40x128xi32, #tpu.memory_space<hbm>>
        tpu.enqueue_dma source(%dma_start3A_69 : memref<40x128xi32, #tpu.memory_space<hbm>>) target(%arg8 : memref<40x128xi32, #tpu.memory_space<vmem>>) target_semaphore(%run_scoped3A_63 : memref<!tpu.dma_semaphore, #tpu.memory_space<semaphore_mem>>)
        %dma_wait3A = arith.constant 0 : i32
        %dma_wait3A_70 = tpu.memref_slice %arg3[%run_scoped3A_30, %add3A_29, %dma_wait3A] : memref<2x2500x128xi32, #tpu.memory_space<hbm>> -> memref<1x40x128xi32, #tpu.memory_space<hbm>>
        %dma_wait3A_71 = tpu.memref_squeeze %dma_wait3A_70 : memref<1x40x128xi32, #tpu.memory_space<hbm>> -> memref<40x128xi32, #tpu.memory_space<hbm>>
        %dma_wait3A_72 = arith.constant 0 : i32
        %dma_wait3A_73 = tpu.memref_slice %arg3[%run_scoped3A_30, %add3A_29, %dma_wait3A_72] : memref<2x2500x128xi32, #tpu.memory_space<hbm>> -> memref<1x40x128xi32, #tpu.memory_space<hbm>>
        %dma_wait3A_74 = tpu.memref_squeeze %dma_wait3A_73 : memref<1x40x128xi32, #tpu.memory_space<hbm>> -> memref<40x128xi32, #tpu.memory_space<hbm>>
        tpu.wait_dma2 semaphore(%run_scoped3A_63 : memref<!tpu.dma_semaphore, #tpu.memory_space<semaphore_mem>>) src(%dma_wait3A_74 : memref<40x128xi32, #tpu.memory_space<hbm>>) dst(%arg8 : memref<40x128xi32, #tpu.memory_space<vmem>>)
        tpu.yield
      }) : () -> ()
      %dma_start3A = arith.constant 0 : i32
      %dma_start3A_31 = arith.constant 0 : i32
      %dma_start3A_32 = tpu.memref_slice %arg7[%dma_start3A, %dma_start3A_31] : memref<40x128xi32, #tpu.memory_space<vmem>> -> memref<1x64xi32, #tpu.memory_space<vmem>>
      %dma_start3A_33 = tpu.memref_squeeze %dma_start3A_32 : memref<1x64xi32, #tpu.memory_space<vmem>> -> memref<64xi32, #tpu.memory_space<vmem>>
      %dma_start3A_34 = arith.constant 0 : i32
      %dma_start3A_35 = arith.constant 0 : i32
      %dma_start3A_36 = tpu.memref_slice %arg2[%dma_start3A_34, %dma_start3A_35] : memref<10240x128xf32, #tpu.memory_space<hbm>> -> memref<10240x128xf32, #tpu.memory_space<hbm>>
      tpu.enqueue_indirect_dma source(%dma_start3A_36 : memref<10240x128xf32, #tpu.memory_space<hbm>>) target(%arg9 : memref<64x128xf32, #tpu.memory_space<vmem>>) offsets(%dma_start3A_33 : memref<64xi32, #tpu.memory_space<vmem>>) semaphore(%arg13 : memref<!tpu.dma_semaphore, #tpu.memory_space<semaphore_mem>>)
      %dma_start3A_37 = arith.constant 0 : i32
      %dma_start3A_38 = arith.constant 64 : i32
      %dma_start3A_39 = tpu.memref_slice %arg7[%dma_start3A_37, %dma_start3A_38] : memref<40x128xi32, #tpu.memory_space<vmem>> -> memref<1x64xi32, #tpu.memory_space<vmem>>
      %dma_start3A_40 = tpu.memref_squeeze %dma_start3A_39 : memref<1x64xi32, #tpu.memory_space<vmem>> -> memref<64xi32, #tpu.memory_space<vmem>>
      %dma_start3A_41 = arith.constant 0 : i32
      %dma_start3A_42 = arith.constant 0 : i32
      %dma_start3A_43 = tpu.memref_slice %arg2[%dma_start3A_41, %dma_start3A_42] : memref<10240x128xf32, #tpu.memory_space<hbm>> -> memref<10240x128xf32, #tpu.memory_space<hbm>>
      tpu.enqueue_indirect_dma source(%dma_start3A_43 : memref<10240x128xf32, #tpu.memory_space<hbm>>) target(%arg10 : memref<64x128xf32, #tpu.memory_space<vmem>>) offsets(%dma_start3A_40 : memref<64xi32, #tpu.memory_space<vmem>>) semaphore(%arg14 : memref<!tpu.dma_semaphore, #tpu.memory_space<semaphore_mem>>)
      %dma_start3A_44 = arith.constant 1 : i32
      %dma_start3A_45 = arith.constant 0 : i32
      %dma_start3A_46 = tpu.memref_slice %arg7[%dma_start3A_44, %dma_start3A_45] : memref<40x128xi32, #tpu.memory_space<vmem>> -> memref<1x64xi32, #tpu.memory_space<vmem>>
      %dma_start3A_47 = tpu.memref_squeeze %dma_start3A_46 : memref<1x64xi32, #tpu.memory_space<vmem>> -> memref<64xi32, #tpu.memory_space<vmem>>
      %dma_start3A_48 = arith.constant 0 : i32
      %dma_start3A_49 = arith.constant 0 : i32
      %dma_start3A_50 = tpu.memref_slice %arg2[%dma_start3A_48, %dma_start3A_49] : memref<10240x128xf32, #tpu.memory_space<hbm>> -> memref<10240x128xf32, #tpu.memory_space<hbm>>
      tpu.enqueue_indirect_dma source(%dma_start3A_50 : memref<10240x128xf32, #tpu.memory_space<hbm>>) target(%arg11 : memref<64x128xf32, #tpu.memory_space<vmem>>) offsets(%dma_start3A_47 : memref<64xi32, #tpu.memory_space<vmem>>) semaphore(%arg15 : memref<!tpu.dma_semaphore, #tpu.memory_space<semaphore_mem>>)
      %dma_start3A_51 = arith.constant 1 : i32
      %dma_start3A_52 = arith.constant 64 : i32
      %dma_start3A_53 = tpu.memref_slice %arg7[%dma_start3A_51, %dma_start3A_52] : memref<40x128xi32, #tpu.memory_space<vmem>> -> memref<1x64xi32, #tpu.memory_space<vmem>>
      %dma_start3A_54 = tpu.memref_squeeze %dma_start3A_53 : memref<1x64xi32, #tpu.memory_space<vmem>> -> memref<64xi32, #tpu.memory_space<vmem>>
      %dma_start3A_55 = arith.constant 0 : i32
      %dma_start3A_56 = arith.constant 0 : i32
      %dma_start3A_57 = tpu.memref_slice %arg2[%dma_start3A_55, %dma_start3A_56] : memref<10240x128xf32, #tpu.memory_space<hbm>> -> memref<10240x128xf32, #tpu.memory_space<hbm>>
      tpu.enqueue_indirect_dma source(%dma_start3A_57 : memref<10240x128xf32, #tpu.memory_space<hbm>>) target(%arg12 : memref<64x128xf32, #tpu.memory_space<vmem>>) offsets(%dma_start3A_54 : memref<64xi32, #tpu.memory_space<vmem>>) semaphore(%arg16 : memref<!tpu.dma_semaphore, #tpu.memory_space<semaphore_mem>>)
      %scan3A = arith.constant 0 : i32
      %scan3A_58 = arith.constant 0 : i32
      %scan3A_59 = arith.constant 20 : i32
      %scan3A_60 = arith.addi %scan3A_58, %scan3A_59 : i32
      %scan3A_61 = arith.constant 1 : i32
      scf.for %scan3A_63 = %scan3A_58 to %scan3A_60 step %scan3A_61  : i32 {
        %mul3A_64 = arith.constant 4 : i32
        %mul3A_65 = arith.muli %mul3A_64, %scan3A_63 : i32
        %add3A_66 = arith.constant 0 : i32
        %add3A_67 = arith.addi %mul3A_65, %add3A_66 : i32
        %shift_right_arithmetic3A = arith.constant 1 : i32
        %shift_right_arithmetic3A_68 = arith.shrsi %add3A_67, %shift_right_arithmetic3A : i32
        %and3A = arith.constant 1 : i32
        %and3A_69 = arith.andi %add3A_67, %and3A : i32
        %mul3A_70 = arith.constant 64 : i32
        %mul3A_71 = arith.muli %and3A_69, %mul3A_70 : i32
        %dma_wait3A = tpu.memref_slice %arg7[%shift_right_arithmetic3A_68, %mul3A_71] : memref<40x128xi32, #tpu.memory_space<vmem>> -> memref<1x64xi32, #tpu.memory_space<vmem>>
        %dma_wait3A_72 = tpu.memref_squeeze %dma_wait3A : memref<1x64xi32, #tpu.memory_space<vmem>> -> memref<64xi32, #tpu.memory_space<vmem>>
        %dma_wait3A_73 = arith.constant 0 : i32
        %dma_wait3A_74 = arith.constant 0 : i32
        %dma_wait3A_75 = tpu.memref_slice %arg2[%dma_wait3A_73, %dma_wait3A_74] : memref<10240x128xf32, #tpu.memory_space<hbm>> -> memref<10240x128xf32, #tpu.memory_space<hbm>>
        tpu.wait_indirect_dma semaphore(%arg13 : memref<!tpu.dma_semaphore, #tpu.memory_space<semaphore_mem>>) src(%dma_wait3A_75 : memref<10240x128xf32, #tpu.memory_space<hbm>>) dst(%arg9 : memref<64x128xf32, #tpu.memory_space<vmem>>)
        %shift_right_arithmetic3A_76 = arith.constant 1 : i32
        %shift_right_arithmetic3A_77 = arith.shrsi %add3A_67, %shift_right_arithmetic3A_76 : i32
        %and3A_78 = arith.constant 1 : i32
        %and3A_79 = arith.andi %add3A_67, %and3A_78 : i32
        %mul3A_80 = arith.constant 64 : i32
        %mul3A_81 = arith.muli %and3A_79, %mul3A_80 : i32
        "tpu.region"() ({
          %run_scoped3A_172 = tpu.sem_alloc : memref<!tpu.dma_semaphore, #tpu.memory_space<semaphore_mem>>
          %dma_start3A_173 = tpu.memref_slice %arg8[%shift_right_arithmetic3A_77, %mul3A_81] : memref<40x128xi32, #tpu.memory_space<vmem>> -> memref<1x64xi32, #tpu.memory_space<vmem>>
          %dma_start3A_174 = tpu.memref_squeeze %dma_start3A_173 : memref<1x64xi32, #tpu.memory_space<vmem>> -> memref<64xi32, #tpu.memory_space<vmem>>
          %dma_start3A_175 = arith.constant 0 : i32
          %dma_start3A_176 = arith.constant 0 : i32
          %dma_start3A_177 = tpu.memref_slice %arg6[%dma_start3A_175, %dma_start3A_176] : memref<10240x128xf32, #tpu.memory_space<vmem_shared>> -> memref<10240x128xf32, #tpu.memory_space<vmem_shared>>
          tpu.enqueue_indirect_dma source(%arg9 : memref<64x128xf32, #tpu.memory_space<vmem>>) target(%dma_start3A_177 : memref<10240x128xf32, #tpu.memory_space<vmem_shared>>) offsets(%dma_start3A_174 : memref<64xi32, #tpu.memory_space<vmem>>) semaphore(%run_scoped3A_172 : memref<!tpu.dma_semaphore, #tpu.memory_space<semaphore_mem>>) {add = true}
          %dma_wait3A_178 = tpu.memref_slice %arg8[%shift_right_arithmetic3A_77, %mul3A_81] : memref<40x128xi32, #tpu.memory_space<vmem>> -> memref<1x64xi32, #tpu.memory_space<vmem>>
          %dma_wait3A_179 = tpu.memref_squeeze %dma_wait3A_178 : memref<1x64xi32, #tpu.memory_space<vmem>> -> memref<64xi32, #tpu.memory_space<vmem>>
          %dma_wait3A_180 = arith.constant 0 : i32
          %dma_wait3A_181 = arith.constant 0 : i32
          %dma_wait3A_182 = tpu.memref_slice %arg6[%dma_wait3A_180, %dma_wait3A_181] : memref<10240x128xf32, #tpu.memory_space<vmem_shared>> -> memref<10240x128xf32, #tpu.memory_space<vmem_shared>>
          tpu.wait_indirect_dma semaphore(%run_scoped3A_172 : memref<!tpu.dma_semaphore, #tpu.memory_space<semaphore_mem>>) src(%arg9 : memref<64x128xf32, #tpu.memory_space<vmem>>) dst(%dma_wait3A_182 : memref<10240x128xf32, #tpu.memory_space<vmem_shared>>)
          tpu.yield
        }) : () -> ()
        %add3A_82 = arith.constant 4 : i32
        %add3A_83 = arith.addi %add3A_67, %add3A_82 : i32
        %lt3A = arith.constant 80 : i32
        %lt3A_84 = arith.cmpi slt, %add3A_83, %lt3A : i32
        %convert_element_type3A_85 = arith.extui %lt3A_84 : i1 to i32
        %cond3A_86 = arith.constant 0 : i32
        %cond3A_87 = arith.cmpi ne, %convert_element_type3A_85, %cond3A_86 : i32
        scf.if %cond3A_87 {
          %add3A_172 = arith.constant 4 : i32
          %add3A_173 = arith.addi %add3A_67, %add3A_172 : i32
          %shift_right_arithmetic3A_174 = arith.constant 1 : i32
          %shift_right_arithmetic3A_175 = arith.shrsi %add3A_173, %shift_right_arithmetic3A_174 : i32
          %and3A_176 = arith.constant 1 : i32
          %and3A_177 = arith.andi %add3A_173, %and3A_176 : i32
          %mul3A_178 = arith.constant 64 : i32
          %mul3A_179 = arith.muli %and3A_177, %mul3A_178 : i32
          %dma_start3A_180 = tpu.memref_slice %arg7[%shift_right_arithmetic3A_175, %mul3A_179] : memref<40x128xi32, #tpu.memory_space<vmem>> -> memref<1x64xi32, #tpu.memory_space<vmem>>
          %dma_start3A_181 = tpu.memref_squeeze %dma_start3A_180 : memref<1x64xi32, #tpu.memory_space<vmem>> -> memref<64xi32, #tpu.memory_space<vmem>>
          %dma_start3A_182 = arith.constant 0 : i32
          %dma_start3A_183 = arith.constant 0 : i32
          %dma_start3A_184 = tpu.memref_slice %arg2[%dma_start3A_182, %dma_start3A_183] : memref<10240x128xf32, #tpu.memory_space<hbm>> -> memref<10240x128xf32, #tpu.memory_space<hbm>>
          tpu.enqueue_indirect_dma source(%dma_start3A_184 : memref<10240x128xf32, #tpu.memory_space<hbm>>) target(%arg9 : memref<64x128xf32, #tpu.memory_space<vmem>>) offsets(%dma_start3A_181 : memref<64xi32, #tpu.memory_space<vmem>>) semaphore(%arg13 : memref<!tpu.dma_semaphore, #tpu.memory_space<semaphore_mem>>)
        } else {
        }
        %mul3A_88 = arith.constant 4 : i32
        %mul3A_89 = arith.muli %mul3A_88, %scan3A_63 : i32
        %add3A_90 = arith.constant 1 : i32
        %add3A_91 = arith.addi %mul3A_89, %add3A_90 : i32
        %shift_right_arithmetic3A_92 = arith.constant 1 : i32
        %shift_right_arithmetic3A_93 = arith.shrsi %add3A_91, %shift_right_arithmetic3A_92 : i32
        %and3A_94 = arith.constant 1 : i32
        %and3A_95 = arith.andi %add3A_91, %and3A_94 : i32
        %mul3A_96 = arith.constant 64 : i32
        %mul3A_97 = arith.muli %and3A_95, %mul3A_96 : i32
        %dma_wait3A_98 = tpu.memref_slice %arg7[%shift_right_arithmetic3A_93, %mul3A_97] : memref<40x128xi32, #tpu.memory_space<vmem>> -> memref<1x64xi32, #tpu.memory_space<vmem>>
        %dma_wait3A_99 = tpu.memref_squeeze %dma_wait3A_98 : memref<1x64xi32, #tpu.memory_space<vmem>> -> memref<64xi32, #tpu.memory_space<vmem>>
        %dma_wait3A_100 = arith.constant 0 : i32
        %dma_wait3A_101 = arith.constant 0 : i32
        %dma_wait3A_102 = tpu.memref_slice %arg2[%dma_wait3A_100, %dma_wait3A_101] : memref<10240x128xf32, #tpu.memory_space<hbm>> -> memref<10240x128xf32, #tpu.memory_space<hbm>>
        tpu.wait_indirect_dma semaphore(%arg14 : memref<!tpu.dma_semaphore, #tpu.memory_space<semaphore_mem>>) src(%dma_wait3A_102 : memref<10240x128xf32, #tpu.memory_space<hbm>>) dst(%arg10 : memref<64x128xf32, #tpu.memory_space<vmem>>)
        %shift_right_arithmetic3A_103 = arith.constant 1 : i32
        %shift_right_arithmetic3A_104 = arith.shrsi %add3A_91, %shift_right_arithmetic3A_103 : i32
        %and3A_105 = arith.constant 1 : i32
        %and3A_106 = arith.andi %add3A_91, %and3A_105 : i32
        %mul3A_107 = arith.constant 64 : i32
        %mul3A_108 = arith.muli %and3A_106, %mul3A_107 : i32
        "tpu.region"() ({
          %run_scoped3A_172 = tpu.sem_alloc : memref<!tpu.dma_semaphore, #tpu.memory_space<semaphore_mem>>
          %dma_start3A_173 = tpu.memref_slice %arg8[%shift_right_arithmetic3A_104, %mul3A_108] : memref<40x128xi32, #tpu.memory_space<vmem>> -> memref<1x64xi32, #tpu.memory_space<vmem>>
          %dma_start3A_174 = tpu.memref_squeeze %dma_start3A_173 : memref<1x64xi32, #tpu.memory_space<vmem>> -> memref<64xi32, #tpu.memory_space<vmem>>
          %dma_start3A_175 = arith.constant 0 : i32
          %dma_start3A_176 = arith.constant 0 : i32
          %dma_start3A_177 = tpu.memref_slice %arg6[%dma_start3A_175, %dma_start3A_176] : memref<10240x128xf32, #tpu.memory_space<vmem_shared>> -> memref<10240x128xf32, #tpu.memory_space<vmem_shared>>
          tpu.enqueue_indirect_dma source(%arg10 : memref<64x128xf32, #tpu.memory_space<vmem>>) target(%dma_start3A_177 : memref<10240x128xf32, #tpu.memory_space<vmem_shared>>) offsets(%dma_start3A_174 : memref<64xi32, #tpu.memory_space<vmem>>) semaphore(%run_scoped3A_172 : memref<!tpu.dma_semaphore, #tpu.memory_space<semaphore_mem>>) {add = true}
          %dma_wait3A_178 = tpu.memref_slice %arg8[%shift_right_arithmetic3A_104, %mul3A_108] : memref<40x128xi32, #tpu.memory_space<vmem>> -> memref<1x64xi32, #tpu.memory_space<vmem>>
          %dma_wait3A_179 = tpu.memref_squeeze %dma_wait3A_178 : memref<1x64xi32, #tpu.memory_space<vmem>> -> memref<64xi32, #tpu.memory_space<vmem>>
          %dma_wait3A_180 = arith.constant 0 : i32
          %dma_wait3A_181 = arith.constant 0 : i32
          %dma_wait3A_182 = tpu.memref_slice %arg6[%dma_wait3A_180, %dma_wait3A_181] : memref<10240x128xf32, #tpu.memory_space<vmem_shared>> -> memref<10240x128xf32, #tpu.memory_space<vmem_shared>>
          tpu.wait_indirect_dma semaphore(%run_scoped3A_172 : memref<!tpu.dma_semaphore, #tpu.memory_space<semaphore_mem>>) src(%arg10 : memref<64x128xf32, #tpu.memory_space<vmem>>) dst(%dma_wait3A_182 : memref<10240x128xf32, #tpu.memory_space<vmem_shared>>)
          tpu.yield
        }) : () -> ()
        %add3A_109 = arith.constant 4 : i32
        %add3A_110 = arith.addi %add3A_91, %add3A_109 : i32
        %lt3A_111 = arith.constant 80 : i32
        %lt3A_112 = arith.cmpi slt, %add3A_110, %lt3A_111 : i32
        %convert_element_type3A_113 = arith.extui %lt3A_112 : i1 to i32
        %cond3A_114 = arith.constant 0 : i32
        %cond3A_115 = arith.cmpi ne, %convert_element_type3A_113, %cond3A_114 : i32
        scf.if %cond3A_115 {
          %add3A_172 = arith.constant 4 : i32
          %add3A_173 = arith.addi %add3A_91, %add3A_172 : i32
          %shift_right_arithmetic3A_174 = arith.constant 1 : i32
          %shift_right_arithmetic3A_175 = arith.shrsi %add3A_173, %shift_right_arithmetic3A_174 : i32
          %and3A_176 = arith.constant 1 : i32
          %and3A_177 = arith.andi %add3A_173, %and3A_176 : i32
          %mul3A_178 = arith.constant 64 : i32
          %mul3A_179 = arith.muli %and3A_177, %mul3A_178 : i32
          %dma_start3A_180 = tpu.memref_slice %arg7[%shift_right_arithmetic3A_175, %mul3A_179] : memref<40x128xi32, #tpu.memory_space<vmem>> -> memref<1x64xi32, #tpu.memory_space<vmem>>
          %dma_start3A_181 = tpu.memref_squeeze %dma_start3A_180 : memref<1x64xi32, #tpu.memory_space<vmem>> -> memref<64xi32, #tpu.memory_space<vmem>>
          %dma_start3A_182 = arith.constant 0 : i32
          %dma_start3A_183 = arith.constant 0 : i32
          %dma_start3A_184 = tpu.memref_slice %arg2[%dma_start3A_182, %dma_start3A_183] : memref<10240x128xf32, #tpu.memory_space<hbm>> -> memref<10240x128xf32, #tpu.memory_space<hbm>>
          tpu.enqueue_indirect_dma source(%dma_start3A_184 : memref<10240x128xf32, #tpu.memory_space<hbm>>) target(%arg10 : memref<64x128xf32, #tpu.memory_space<vmem>>) offsets(%dma_start3A_181 : memref<64xi32, #tpu.memory_space<vmem>>) semaphore(%arg14 : memref<!tpu.dma_semaphore, #tpu.memory_space<semaphore_mem>>)
        } else {
        }
        %mul3A_116 = arith.constant 4 : i32
        %mul3A_117 = arith.muli %mul3A_116, %scan3A_63 : i32
        %add3A_118 = arith.constant 2 : i32
        %add3A_119 = arith.addi %mul3A_117, %add3A_118 : i32
        %shift_right_arithmetic3A_120 = arith.constant 1 : i32
        %shift_right_arithmetic3A_121 = arith.shrsi %add3A_119, %shift_right_arithmetic3A_120 : i32
        %and3A_122 = arith.constant 1 : i32
        %and3A_123 = arith.andi %add3A_119, %and3A_122 : i32
        %mul3A_124 = arith.constant 64 : i32
        %mul3A_125 = arith.muli %and3A_123, %mul3A_124 : i32
        %dma_wait3A_126 = tpu.memref_slice %arg7[%shift_right_arithmetic3A_121, %mul3A_125] : memref<40x128xi32, #tpu.memory_space<vmem>> -> memref<1x64xi32, #tpu.memory_space<vmem>>
        %dma_wait3A_127 = tpu.memref_squeeze %dma_wait3A_126 : memref<1x64xi32, #tpu.memory_space<vmem>> -> memref<64xi32, #tpu.memory_space<vmem>>
        %dma_wait3A_128 = arith.constant 0 : i32
        %dma_wait3A_129 = arith.constant 0 : i32
        %dma_wait3A_130 = tpu.memref_slice %arg2[%dma_wait3A_128, %dma_wait3A_129] : memref<10240x128xf32, #tpu.memory_space<hbm>> -> memref<10240x128xf32, #tpu.memory_space<hbm>>
        tpu.wait_indirect_dma semaphore(%arg15 : memref<!tpu.dma_semaphore, #tpu.memory_space<semaphore_mem>>) src(%dma_wait3A_130 : memref<10240x128xf32, #tpu.memory_space<hbm>>) dst(%arg11 : memref<64x128xf32, #tpu.memory_space<vmem>>)
        %shift_right_arithmetic3A_131 = arith.constant 1 : i32
        %shift_right_arithmetic3A_132 = arith.shrsi %add3A_119, %shift_right_arithmetic3A_131 : i32
        %and3A_133 = arith.constant 1 : i32
        %and3A_134 = arith.andi %add3A_119, %and3A_133 : i32
        %mul3A_135 = arith.constant 64 : i32
        %mul3A_136 = arith.muli %and3A_134, %mul3A_135 : i32
        "tpu.region"() ({
          %run_scoped3A_172 = tpu.sem_alloc : memref<!tpu.dma_semaphore, #tpu.memory_space<semaphore_mem>>
          %dma_start3A_173 = tpu.memref_slice %arg8[%shift_right_arithmetic3A_132, %mul3A_136] : memref<40x128xi32, #tpu.memory_space<vmem>> -> memref<1x64xi32, #tpu.memory_space<vmem>>
          %dma_start3A_174 = tpu.memref_squeeze %dma_start3A_173 : memref<1x64xi32, #tpu.memory_space<vmem>> -> memref<64xi32, #tpu.memory_space<vmem>>
          %dma_start3A_175 = arith.constant 0 : i32
          %dma_start3A_176 = arith.constant 0 : i32
          %dma_start3A_177 = tpu.memref_slice %arg6[%dma_start3A_175, %dma_start3A_176] : memref<10240x128xf32, #tpu.memory_space<vmem_shared>> -> memref<10240x128xf32, #tpu.memory_space<vmem_shared>>
          tpu.enqueue_indirect_dma source(%arg11 : memref<64x128xf32, #tpu.memory_space<vmem>>) target(%dma_start3A_177 : memref<10240x128xf32, #tpu.memory_space<vmem_shared>>) offsets(%dma_start3A_174 : memref<64xi32, #tpu.memory_space<vmem>>) semaphore(%run_scoped3A_172 : memref<!tpu.dma_semaphore, #tpu.memory_space<semaphore_mem>>) {add = true}
          %dma_wait3A_178 = tpu.memref_slice %arg8[%shift_right_arithmetic3A_132, %mul3A_136] : memref<40x128xi32, #tpu.memory_space<vmem>> -> memref<1x64xi32, #tpu.memory_space<vmem>>
          %dma_wait3A_179 = tpu.memref_squeeze %dma_wait3A_178 : memref<1x64xi32, #tpu.memory_space<vmem>> -> memref<64xi32, #tpu.memory_space<vmem>>
          %dma_wait3A_180 = arith.constant 0 : i32
          %dma_wait3A_181 = arith.constant 0 : i32
          %dma_wait3A_182 = tpu.memref_slice %arg6[%dma_wait3A_180, %dma_wait3A_181] : memref<10240x128xf32, #tpu.memory_space<vmem_shared>> -> memref<10240x128xf32, #tpu.memory_space<vmem_shared>>
          tpu.wait_indirect_dma semaphore(%run_scoped3A_172 : memref<!tpu.dma_semaphore, #tpu.memory_space<semaphore_mem>>) src(%arg11 : memref<64x128xf32, #tpu.memory_space<vmem>>) dst(%dma_wait3A_182 : memref<10240x128xf32, #tpu.memory_space<vmem_shared>>)
          tpu.yield
        }) : () -> ()
        %add3A_137 = arith.constant 4 : i32
        %add3A_138 = arith.addi %add3A_119, %add3A_137 : i32
        %lt3A_139 = arith.constant 80 : i32
        %lt3A_140 = arith.cmpi slt, %add3A_138, %lt3A_139 : i32
        %convert_element_type3A_141 = arith.extui %lt3A_140 : i1 to i32
        %cond3A_142 = arith.constant 0 : i32
        %cond3A_143 = arith.cmpi ne, %convert_element_type3A_141, %cond3A_142 : i32
        scf.if %cond3A_143 {
          %add3A_172 = arith.constant 4 : i32
          %add3A_173 = arith.addi %add3A_119, %add3A_172 : i32
          %shift_right_arithmetic3A_174 = arith.constant 1 : i32
          %shift_right_arithmetic3A_175 = arith.shrsi %add3A_173, %shift_right_arithmetic3A_174 : i32
          %and3A_176 = arith.constant 1 : i32
          %and3A_177 = arith.andi %add3A_173, %and3A_176 : i32
          %mul3A_178 = arith.constant 64 : i32
          %mul3A_179 = arith.muli %and3A_177, %mul3A_178 : i32
          %dma_start3A_180 = tpu.memref_slice %arg7[%shift_right_arithmetic3A_175, %mul3A_179] : memref<40x128xi32, #tpu.memory_space<vmem>> -> memref<1x64xi32, #tpu.memory_space<vmem>>
          %dma_start3A_181 = tpu.memref_squeeze %dma_start3A_180 : memref<1x64xi32, #tpu.memory_space<vmem>> -> memref<64xi32, #tpu.memory_space<vmem>>
          %dma_start3A_182 = arith.constant 0 : i32
          %dma_start3A_183 = arith.constant 0 : i32
          %dma_start3A_184 = tpu.memref_slice %arg2[%dma_start3A_182, %dma_start3A_183] : memref<10240x128xf32, #tpu.memory_space<hbm>> -> memref<10240x128xf32, #tpu.memory_space<hbm>>
          tpu.enqueue_indirect_dma source(%dma_start3A_184 : memref<10240x128xf32, #tpu.memory_space<hbm>>) target(%arg11 : memref<64x128xf32, #tpu.memory_space<vmem>>) offsets(%dma_start3A_181 : memref<64xi32, #tpu.memory_space<vmem>>) semaphore(%arg15 : memref<!tpu.dma_semaphore, #tpu.memory_space<semaphore_mem>>)
        } else {
        }
        %mul3A_144 = arith.constant 4 : i32
        %mul3A_145 = arith.muli %mul3A_144, %scan3A_63 : i32
        %add3A_146 = arith.constant 3 : i32
        %add3A_147 = arith.addi %mul3A_145, %add3A_146 : i32
        %shift_right_arithmetic3A_148 = arith.constant 1 : i32
        %shift_right_arithmetic3A_149 = arith.shrsi %add3A_147, %shift_right_arithmetic3A_148 : i32
        %and3A_150 = arith.constant 1 : i32
        %and3A_151 = arith.andi %add3A_147, %and3A_150 : i32
        %mul3A_152 = arith.constant 64 : i32
        %mul3A_153 = arith.muli %and3A_151, %mul3A_152 : i32
        %dma_wait3A_154 = tpu.memref_slice %arg7[%shift_right_arithmetic3A_149, %mul3A_153] : memref<40x128xi32, #tpu.memory_space<vmem>> -> memref<1x64xi32, #tpu.memory_space<vmem>>
        %dma_wait3A_155 = tpu.memref_squeeze %dma_wait3A_154 : memref<1x64xi32, #tpu.memory_space<vmem>> -> memref<64xi32, #tpu.memory_space<vmem>>
        %dma_wait3A_156 = arith.constant 0 : i32
        %dma_wait3A_157 = arith.constant 0 : i32
        %dma_wait3A_158 = tpu.memref_slice %arg2[%dma_wait3A_156, %dma_wait3A_157] : memref<10240x128xf32, #tpu.memory_space<hbm>> -> memref<10240x128xf32, #tpu.memory_space<hbm>>
        tpu.wait_indirect_dma semaphore(%arg16 : memref<!tpu.dma_semaphore, #tpu.memory_space<semaphore_mem>>) src(%dma_wait3A_158 : memref<10240x128xf32, #tpu.memory_space<hbm>>) dst(%arg12 : memref<64x128xf32, #tpu.memory_space<vmem>>)
        %shift_right_arithmetic3A_159 = arith.constant 1 : i32
        %shift_right_arithmetic3A_160 = arith.shrsi %add3A_147, %shift_right_arithmetic3A_159 : i32
        %and3A_161 = arith.constant 1 : i32
        %and3A_162 = arith.andi %add3A_147, %and3A_161 : i32
        %mul3A_163 = arith.constant 64 : i32
        %mul3A_164 = arith.muli %and3A_162, %mul3A_163 : i32
        "tpu.region"() ({
          %run_scoped3A_172 = tpu.sem_alloc : memref<!tpu.dma_semaphore, #tpu.memory_space<semaphore_mem>>
          %dma_start3A_173 = tpu.memref_slice %arg8[%shift_right_arithmetic3A_160, %mul3A_164] : memref<40x128xi32, #tpu.memory_space<vmem>> -> memref<1x64xi32, #tpu.memory_space<vmem>>
          %dma_start3A_174 = tpu.memref_squeeze %dma_start3A_173 : memref<1x64xi32, #tpu.memory_space<vmem>> -> memref<64xi32, #tpu.memory_space<vmem>>
          %dma_start3A_175 = arith.constant 0 : i32
          %dma_start3A_176 = arith.constant 0 : i32
          %dma_start3A_177 = tpu.memref_slice %arg6[%dma_start3A_175, %dma_start3A_176] : memref<10240x128xf32, #tpu.memory_space<vmem_shared>> -> memref<10240x128xf32, #tpu.memory_space<vmem_shared>>
          tpu.enqueue_indirect_dma source(%arg12 : memref<64x128xf32, #tpu.memory_space<vmem>>) target(%dma_start3A_177 : memref<10240x128xf32, #tpu.memory_space<vmem_shared>>) offsets(%dma_start3A_174 : memref<64xi32, #tpu.memory_space<vmem>>) semaphore(%run_scoped3A_172 : memref<!tpu.dma_semaphore, #tpu.memory_space<semaphore_mem>>) {add = true}
          %dma_wait3A_178 = tpu.memref_slice %arg8[%shift_right_arithmetic3A_160, %mul3A_164] : memref<40x128xi32, #tpu.memory_space<vmem>> -> memref<1x64xi32, #tpu.memory_space<vmem>>
          %dma_wait3A_179 = tpu.memref_squeeze %dma_wait3A_178 : memref<1x64xi32, #tpu.memory_space<vmem>> -> memref<64xi32, #tpu.memory_space<vmem>>
          %dma_wait3A_180 = arith.constant 0 : i32
          %dma_wait3A_181 = arith.constant 0 : i32
          %dma_wait3A_182 = tpu.memref_slice %arg6[%dma_wait3A_180, %dma_wait3A_181] : memref<10240x128xf32, #tpu.memory_space<vmem_shared>> -> memref<10240x128xf32, #tpu.memory_space<vmem_shared>>
          tpu.wait_indirect_dma semaphore(%run_scoped3A_172 : memref<!tpu.dma_semaphore, #tpu.memory_space<semaphore_mem>>) src(%arg12 : memref<64x128xf32, #tpu.memory_space<vmem>>) dst(%dma_wait3A_182 : memref<10240x128xf32, #tpu.memory_space<vmem_shared>>)
          tpu.yield
        }) : () -> ()
        %add3A_165 = arith.constant 4 : i32
        %add3A_166 = arith.addi %add3A_147, %add3A_165 : i32
        %lt3A_167 = arith.constant 80 : i32
        %lt3A_168 = arith.cmpi slt, %add3A_166, %lt3A_167 : i32
        %convert_element_type3A_169 = arith.extui %lt3A_168 : i1 to i32
        %cond3A_170 = arith.constant 0 : i32
        %cond3A_171 = arith.cmpi ne, %convert_element_type3A_169, %cond3A_170 : i32
        scf.if %cond3A_171 {
          %add3A_172 = arith.constant 4 : i32
          %add3A_173 = arith.addi %add3A_147, %add3A_172 : i32
          %shift_right_arithmetic3A_174 = arith.constant 1 : i32
          %shift_right_arithmetic3A_175 = arith.shrsi %add3A_173, %shift_right_arithmetic3A_174 : i32
          %and3A_176 = arith.constant 1 : i32
          %and3A_177 = arith.andi %add3A_173, %and3A_176 : i32
          %mul3A_178 = arith.constant 64 : i32
          %mul3A_179 = arith.muli %and3A_177, %mul3A_178 : i32
          %dma_start3A_180 = tpu.memref_slice %arg7[%shift_right_arithmetic3A_175, %mul3A_179] : memref<40x128xi32, #tpu.memory_space<vmem>> -> memref<1x64xi32, #tpu.memory_space<vmem>>
          %dma_start3A_181 = tpu.memref_squeeze %dma_start3A_180 : memref<1x64xi32, #tpu.memory_space<vmem>> -> memref<64xi32, #tpu.memory_space<vmem>>
          %dma_start3A_182 = arith.constant 0 : i32
          %dma_start3A_183 = arith.constant 0 : i32
          %dma_start3A_184 = tpu.memref_slice %arg2[%dma_start3A_182, %dma_start3A_183] : memref<10240x128xf32, #tpu.memory_space<hbm>> -> memref<10240x128xf32, #tpu.memory_space<hbm>>
          tpu.enqueue_indirect_dma source(%dma_start3A_184 : memref<10240x128xf32, #tpu.memory_space<hbm>>) target(%arg12 : memref<64x128xf32, #tpu.memory_space<vmem>>) offsets(%dma_start3A_181 : memref<64xi32, #tpu.memory_space<vmem>>) semaphore(%arg16 : memref<!tpu.dma_semaphore, #tpu.memory_space<semaphore_mem>>)
        } else {
        }
      }
      %scan3A_62 = arith.constant 20 : i32
    }
    %while3A_17 = arith.constant 1 : i32
    scf.for %while3A_26 = %while3A_15 to %while3A_11 step %while3A_17  : i32 {
      %mul3A_27 = arith.constant 40 : i32
      %mul3A_28 = arith.muli %while3A_26, %mul3A_27 : i32
      %add3A_29 = arith.addi %mul3A_6, %mul3A_28 : i32
      %run_scoped3A = arith.constant 0 : i32
      "tpu.region"() ({
        %run_scoped3A_63 = tpu.sem_alloc : memref<!tpu.dma_semaphore, #tpu.memory_space<semaphore_mem>>
        %dma_start3A_64 = arith.constant 0 : i32
        %dma_start3A_65 = tpu.memref_slice %arg3[%run_scoped3A, %add3A_29, %dma_start3A_64] : memref<2x2500x128xi32, #tpu.memory_space<hbm>> -> memref<1x40x128xi32, #tpu.memory_space<hbm>>
        %dma_start3A_66 = tpu.memref_squeeze %dma_start3A_65 : memref<1x40x128xi32, #tpu.memory_space<hbm>> -> memref<40x128xi32, #tpu.memory_space<hbm>>
        %dma_start3A_67 = arith.constant 0 : i32
        %dma_start3A_68 = tpu.memref_slice %arg3[%run_scoped3A, %add3A_29, %dma_start3A_67] : memref<2x2500x128xi32, #tpu.memory_space<hbm>> -> memref<1x40x128xi32, #tpu.memory_space<hbm>>
        %dma_start3A_69 = tpu.memref_squeeze %dma_start3A_68 : memref<1x40x128xi32, #tpu.memory_space<hbm>> -> memref<40x128xi32, #tpu.memory_space<hbm>>
        tpu.enqueue_dma source(%dma_start3A_69 : memref<40x128xi32, #tpu.memory_space<hbm>>) target(%arg7 : memref<40x128xi32, #tpu.memory_space<vmem>>) target_semaphore(%run_scoped3A_63 : memref<!tpu.dma_semaphore, #tpu.memory_space<semaphore_mem>>)
        %dma_wait3A = arith.constant 0 : i32
        %dma_wait3A_70 = tpu.memref_slice %arg3[%run_scoped3A, %add3A_29, %dma_wait3A] : memref<2x2500x128xi32, #tpu.memory_space<hbm>> -> memref<1x40x128xi32, #tpu.memory_space<hbm>>
        %dma_wait3A_71 = tpu.memref_squeeze %dma_wait3A_70 : memref<1x40x128xi32, #tpu.memory_space<hbm>> -> memref<40x128xi32, #tpu.memory_space<hbm>>
        %dma_wait3A_72 = arith.constant 0 : i32
        %dma_wait3A_73 = tpu.memref_slice %arg3[%run_scoped3A, %add3A_29, %dma_wait3A_72] : memref<2x2500x128xi32, #tpu.memory_space<hbm>> -> memref<1x40x128xi32, #tpu.memory_space<hbm>>
        %dma_wait3A_74 = tpu.memref_squeeze %dma_wait3A_73 : memref<1x40x128xi32, #tpu.memory_space<hbm>> -> memref<40x128xi32, #tpu.memory_space<hbm>>
        tpu.wait_dma2 semaphore(%run_scoped3A_63 : memref<!tpu.dma_semaphore, #tpu.memory_space<semaphore_mem>>) src(%dma_wait3A_74 : memref<40x128xi32, #tpu.memory_space<hbm>>) dst(%arg7 : memref<40x128xi32, #tpu.memory_space<vmem>>)
        tpu.yield
      }) : () -> ()
      %run_scoped3A_30 = arith.constant 1 : i32
      "tpu.region"() ({
        %run_scoped3A_63 = tpu.sem_alloc : memref<!tpu.dma_semaphore, #tpu.memory_space<semaphore_mem>>
        %dma_start3A_64 = arith.constant 0 : i32
        %dma_start3A_65 = tpu.memref_slice %arg3[%run_scoped3A_30, %add3A_29, %dma_start3A_64] : memref<2x2500x128xi32, #tpu.memory_space<hbm>> -> memref<1x40x128xi32, #tpu.memory_space<hbm>>
        %dma_start3A_66 = tpu.memref_squeeze %dma_start3A_65 : memref<1x40x128xi32, #tpu.memory_space<hbm>> -> memref<40x128xi32, #tpu.memory_space<hbm>>
        %dma_start3A_67 = arith.constant 0 : i32
        %dma_start3A_68 = tpu.memref_slice %arg3[%run_scoped3A_30, %add3A_29, %dma_start3A_67] : memref<2x2500x128xi32, #tpu.memory_space<hbm>> -> memref<1x40x128xi32, #tpu.memory_space<hbm>>
        %dma_start3A_69 = tpu.memref_squeeze %dma_start3A_68 : memref<1x40x128xi32, #tpu.memory_space<hbm>> -> memref<40x128xi32, #tpu.memory_space<hbm>>
        tpu.enqueue_dma source(%dma_start3A_69 : memref<40x128xi32, #tpu.memory_space<hbm>>) target(%arg8 : memref<40x128xi32, #tpu.memory_space<vmem>>) target_semaphore(%run_scoped3A_63 : memref<!tpu.dma_semaphore, #tpu.memory_space<semaphore_mem>>)
        %dma_wait3A = arith.constant 0 : i32
        %dma_wait3A_70 = tpu.memref_slice %arg3[%run_scoped3A_30, %add3A_29, %dma_wait3A] : memref<2x2500x128xi32, #tpu.memory_space<hbm>> -> memref<1x40x128xi32, #tpu.memory_space<hbm>>
        %dma_wait3A_71 = tpu.memref_squeeze %dma_wait3A_70 : memref<1x40x128xi32, #tpu.memory_space<hbm>> -> memref<40x128xi32, #tpu.memory_space<hbm>>
        %dma_wait3A_72 = arith.constant 0 : i32
        %dma_wait3A_73 = tpu.memref_slice %arg3[%run_scoped3A_30, %add3A_29, %dma_wait3A_72] : memref<2x2500x128xi32, #tpu.memory_space<hbm>> -> memref<1x40x128xi32, #tpu.memory_space<hbm>>
        %dma_wait3A_74 = tpu.memref_squeeze %dma_wait3A_73 : memref<1x40x128xi32, #tpu.memory_space<hbm>> -> memref<40x128xi32, #tpu.memory_space<hbm>>
        tpu.wait_dma2 semaphore(%run_scoped3A_63 : memref<!tpu.dma_semaphore, #tpu.memory_space<semaphore_mem>>) src(%dma_wait3A_74 : memref<40x128xi32, #tpu.memory_space<hbm>>) dst(%arg8 : memref<40x128xi32, #tpu.memory_space<vmem>>)
        tpu.yield
      }) : () -> ()
      %dma_start3A = arith.constant 0 : i32
      %dma_start3A_31 = arith.constant 0 : i32
      %dma_start3A_32 = tpu.memref_slice %arg7[%dma_start3A, %dma_start3A_31] : memref<40x128xi32, #tpu.memory_space<vmem>> -> memref<1x64xi32, #tpu.memory_space<vmem>>
      %dma_start3A_33 = tpu.memref_squeeze %dma_start3A_32 : memref<1x64xi32, #tpu.memory_space<vmem>> -> memref<64xi32, #tpu.memory_space<vmem>>
      %dma_start3A_34 = arith.constant 0 : i32
      %dma_start3A_35 = arith.constant 0 : i32
      %dma_start3A_36 = tpu.memref_slice %arg2[%dma_start3A_34, %dma_start3A_35] : memref<10240x128xf32, #tpu.memory_space<hbm>> -> memref<10240x128xf32, #tpu.memory_space<hbm>>
      tpu.enqueue_indirect_dma source(%dma_start3A_36 : memref<10240x128xf32, #tpu.memory_space<hbm>>) target(%arg9 : memref<64x128xf32, #tpu.memory_space<vmem>>) offsets(%dma_start3A_33 : memref<64xi32, #tpu.memory_space<vmem>>) semaphore(%arg13 : memref<!tpu.dma_semaphore, #tpu.memory_space<semaphore_mem>>)
      %dma_start3A_37 = arith.constant 0 : i32
      %dma_start3A_38 = arith.constant 64 : i32
      %dma_start3A_39 = tpu.memref_slice %arg7[%dma_start3A_37, %dma_start3A_38] : memref<40x128xi32, #tpu.memory_space<vmem>> -> memref<1x64xi32, #tpu.memory_space<vmem>>
      %dma_start3A_40 = tpu.memref_squeeze %dma_start3A_39 : memref<1x64xi32, #tpu.memory_space<vmem>> -> memref<64xi32, #tpu.memory_space<vmem>>
      %dma_start3A_41 = arith.constant 0 : i32
      %dma_start3A_42 = arith.constant 0 : i32
      %dma_start3A_43 = tpu.memref_slice %arg2[%dma_start3A_41, %dma_start3A_42] : memref<10240x128xf32, #tpu.memory_space<hbm>> -> memref<10240x128xf32, #tpu.memory_space<hbm>>
      tpu.enqueue_indirect_dma source(%dma_start3A_43 : memref<10240x128xf32, #tpu.memory_space<hbm>>) target(%arg10 : memref<64x128xf32, #tpu.memory_space<vmem>>) offsets(%dma_start3A_40 : memref<64xi32, #tpu.memory_space<vmem>>) semaphore(%arg14 : memref<!tpu.dma_semaphore, #tpu.memory_space<semaphore_mem>>)
      %dma_start3A_44 = arith.constant 1 : i32
      %dma_start3A_45 = arith.constant 0 : i32
      %dma_start3A_46 = tpu.memref_slice %arg7[%dma_start3A_44, %dma_start3A_45] : memref<40x128xi32, #tpu.memory_space<vmem>> -> memref<1x64xi32, #tpu.memory_space<vmem>>
      %dma_start3A_47 = tpu.memref_squeeze %dma_start3A_46 : memref<1x64xi32, #tpu.memory_space<vmem>> -> memref<64xi32, #tpu.memory_space<vmem>>
      %dma_start3A_48 = arith.constant 0 : i32
      %dma_start3A_49 = arith.constant 0 : i32
      %dma_start3A_50 = tpu.memref_slice %arg2[%dma_start3A_48, %dma_start3A_49] : memref<10240x128xf32, #tpu.memory_space<hbm>> -> memref<10240x128xf32, #tpu.memory_space<hbm>>
      tpu.enqueue_indirect_dma source(%dma_start3A_50 : memref<10240x128xf32, #tpu.memory_space<hbm>>) target(%arg11 : memref<64x128xf32, #tpu.memory_space<vmem>>) offsets(%dma_start3A_47 : memref<64xi32, #tpu.memory_space<vmem>>) semaphore(%arg15 : memref<!tpu.dma_semaphore, #tpu.memory_space<semaphore_mem>>)
      %dma_start3A_51 = arith.constant 1 : i32
      %dma_start3A_52 = arith.constant 64 : i32
      %dma_start3A_53 = tpu.memref_slice %arg7[%dma_start3A_51, %dma_start3A_52] : memref<40x128xi32, #tpu.memory_space<vmem>> -> memref<1x64xi32, #tpu.memory_space<vmem>>
      %dma_start3A_54 = tpu.memref_squeeze %dma_start3A_53 : memref<1x64xi32, #tpu.memory_space<vmem>> -> memref<64xi32, #tpu.memory_space<vmem>>
      %dma_start3A_55 = arith.constant 0 : i32
      %dma_start3A_56 = arith.constant 0 : i32
      %dma_start3A_57 = tpu.memref_slice %arg2[%dma_start3A_55, %dma_start3A_56] : memref<10240x128xf32, #tpu.memory_space<hbm>> -> memref<10240x128xf32, #tpu.memory_space<hbm>>
      tpu.enqueue_indirect_dma source(%dma_start3A_57 : memref<10240x128xf32, #tpu.memory_space<hbm>>) target(%arg12 : memref<64x128xf32, #tpu.memory_space<vmem>>) offsets(%dma_start3A_54 : memref<64xi32, #tpu.memory_space<vmem>>) semaphore(%arg16 : memref<!tpu.dma_semaphore, #tpu.memory_space<semaphore_mem>>)
      %scan3A = arith.constant 0 : i32
      %scan3A_58 = arith.constant 0 : i32
      %scan3A_59 = arith.constant 20 : i32
      %scan3A_60 = arith.addi %scan3A_58, %scan3A_59 : i32
      %scan3A_61 = arith.constant 1 : i32
      scf.for %scan3A_63 = %scan3A_58 to %scan3A_60 step %scan3A_61  : i32 {
        %mul3A_64 = arith.constant 4 : i32
        %mul3A_65 = arith.muli %mul3A_64, %scan3A_63 : i32
        %add3A_66 = arith.constant 0 : i32
        %add3A_67 = arith.addi %mul3A_65, %add3A_66 : i32
        %shift_right_arithmetic3A = arith.constant 1 : i32
        %shift_right_arithmetic3A_68 = arith.shrsi %add3A_67, %shift_right_arithmetic3A : i32
        %and3A = arith.constant 1 : i32
        %and3A_69 = arith.andi %add3A_67, %and3A : i32
        %mul3A_70 = arith.constant 64 : i32
        %mul3A_71 = arith.muli %and3A_69, %mul3A_70 : i32
        %dma_wait3A = tpu.memref_slice %arg7[%shift_right_arithmetic3A_68, %mul3A_71] : memref<40x128xi32, #tpu.memory_space<vmem>> -> memref<1x64xi32, #tpu.memory_space<vmem>>
        %dma_wait3A_72 = tpu.memref_squeeze %dma_wait3A : memref<1x64xi32, #tpu.memory_space<vmem>> -> memref<64xi32, #tpu.memory_space<vmem>>
        %dma_wait3A_73 = arith.constant 0 : i32
        %dma_wait3A_74 = arith.constant 0 : i32
        %dma_wait3A_75 = tpu.memref_slice %arg2[%dma_wait3A_73, %dma_wait3A_74] : memref<10240x128xf32, #tpu.memory_space<hbm>> -> memref<10240x128xf32, #tpu.memory_space<hbm>>
        tpu.wait_indirect_dma semaphore(%arg13 : memref<!tpu.dma_semaphore, #tpu.memory_space<semaphore_mem>>) src(%dma_wait3A_75 : memref<10240x128xf32, #tpu.memory_space<hbm>>) dst(%arg9 : memref<64x128xf32, #tpu.memory_space<vmem>>)
        %shift_right_arithmetic3A_76 = arith.constant 1 : i32
        %shift_right_arithmetic3A_77 = arith.shrsi %add3A_67, %shift_right_arithmetic3A_76 : i32
        %and3A_78 = arith.constant 1 : i32
        %and3A_79 = arith.andi %add3A_67, %and3A_78 : i32
        %mul3A_80 = arith.constant 64 : i32
        %mul3A_81 = arith.muli %and3A_79, %mul3A_80 : i32
        "tpu.region"() ({
          %run_scoped3A_172 = tpu.sem_alloc : memref<!tpu.dma_semaphore, #tpu.memory_space<semaphore_mem>>
          %dma_start3A_173 = tpu.memref_slice %arg8[%shift_right_arithmetic3A_77, %mul3A_81] : memref<40x128xi32, #tpu.memory_space<vmem>> -> memref<1x64xi32, #tpu.memory_space<vmem>>
          %dma_start3A_174 = tpu.memref_squeeze %dma_start3A_173 : memref<1x64xi32, #tpu.memory_space<vmem>> -> memref<64xi32, #tpu.memory_space<vmem>>
          %dma_start3A_175 = arith.constant 0 : i32
          %dma_start3A_176 = arith.constant 0 : i32
          %dma_start3A_177 = tpu.memref_slice %arg6[%dma_start3A_175, %dma_start3A_176] : memref<10240x128xf32, #tpu.memory_space<vmem_shared>> -> memref<10240x128xf32, #tpu.memory_space<vmem_shared>>
          tpu.enqueue_indirect_dma source(%arg9 : memref<64x128xf32, #tpu.memory_space<vmem>>) target(%dma_start3A_177 : memref<10240x128xf32, #tpu.memory_space<vmem_shared>>) offsets(%dma_start3A_174 : memref<64xi32, #tpu.memory_space<vmem>>) semaphore(%run_scoped3A_172 : memref<!tpu.dma_semaphore, #tpu.memory_space<semaphore_mem>>) {add = true}
          %dma_wait3A_178 = tpu.memref_slice %arg8[%shift_right_arithmetic3A_77, %mul3A_81] : memref<40x128xi32, #tpu.memory_space<vmem>> -> memref<1x64xi32, #tpu.memory_space<vmem>>
          %dma_wait3A_179 = tpu.memref_squeeze %dma_wait3A_178 : memref<1x64xi32, #tpu.memory_space<vmem>> -> memref<64xi32, #tpu.memory_space<vmem>>
          %dma_wait3A_180 = arith.constant 0 : i32
          %dma_wait3A_181 = arith.constant 0 : i32
          %dma_wait3A_182 = tpu.memref_slice %arg6[%dma_wait3A_180, %dma_wait3A_181] : memref<10240x128xf32, #tpu.memory_space<vmem_shared>> -> memref<10240x128xf32, #tpu.memory_space<vmem_shared>>
          tpu.wait_indirect_dma semaphore(%run_scoped3A_172 : memref<!tpu.dma_semaphore, #tpu.memory_space<semaphore_mem>>) src(%arg9 : memref<64x128xf32, #tpu.memory_space<vmem>>) dst(%dma_wait3A_182 : memref<10240x128xf32, #tpu.memory_space<vmem_shared>>)
          tpu.yield
        }) : () -> ()
        %add3A_82 = arith.constant 4 : i32
        %add3A_83 = arith.addi %add3A_67, %add3A_82 : i32
        %lt3A = arith.constant 80 : i32
        %lt3A_84 = arith.cmpi slt, %add3A_83, %lt3A : i32
        %convert_element_type3A_85 = arith.extui %lt3A_84 : i1 to i32
        %cond3A_86 = arith.constant 0 : i32
        %cond3A_87 = arith.cmpi ne, %convert_element_type3A_85, %cond3A_86 : i32
        scf.if %cond3A_87 {
          %add3A_172 = arith.constant 4 : i32
          %add3A_173 = arith.addi %add3A_67, %add3A_172 : i32
          %shift_right_arithmetic3A_174 = arith.constant 1 : i32
          %shift_right_arithmetic3A_175 = arith.shrsi %add3A_173, %shift_right_arithmetic3A_174 : i32
          %and3A_176 = arith.constant 1 : i32
          %and3A_177 = arith.andi %add3A_173, %and3A_176 : i32
          %mul3A_178 = arith.constant 64 : i32
          %mul3A_179 = arith.muli %and3A_177, %mul3A_178 : i32
          %dma_start3A_180 = tpu.memref_slice %arg7[%shift_right_arithmetic3A_175, %mul3A_179] : memref<40x128xi32, #tpu.memory_space<vmem>> -> memref<1x64xi32, #tpu.memory_space<vmem>>
          %dma_start3A_181 = tpu.memref_squeeze %dma_start3A_180 : memref<1x64xi32, #tpu.memory_space<vmem>> -> memref<64xi32, #tpu.memory_space<vmem>>
          %dma_start3A_182 = arith.constant 0 : i32
          %dma_start3A_183 = arith.constant 0 : i32
          %dma_start3A_184 = tpu.memref_slice %arg2[%dma_start3A_182, %dma_start3A_183] : memref<10240x128xf32, #tpu.memory_space<hbm>> -> memref<10240x128xf32, #tpu.memory_space<hbm>>
          tpu.enqueue_indirect_dma source(%dma_start3A_184 : memref<10240x128xf32, #tpu.memory_space<hbm>>) target(%arg9 : memref<64x128xf32, #tpu.memory_space<vmem>>) offsets(%dma_start3A_181 : memref<64xi32, #tpu.memory_space<vmem>>) semaphore(%arg13 : memref<!tpu.dma_semaphore, #tpu.memory_space<semaphore_mem>>)
        } else {
        }
        %mul3A_88 = arith.constant 4 : i32
        %mul3A_89 = arith.muli %mul3A_88, %scan3A_63 : i32
        %add3A_90 = arith.constant 1 : i32
        %add3A_91 = arith.addi %mul3A_89, %add3A_90 : i32
        %shift_right_arithmetic3A_92 = arith.constant 1 : i32
        %shift_right_arithmetic3A_93 = arith.shrsi %add3A_91, %shift_right_arithmetic3A_92 : i32
        %and3A_94 = arith.constant 1 : i32
        %and3A_95 = arith.andi %add3A_91, %and3A_94 : i32
        %mul3A_96 = arith.constant 64 : i32
        %mul3A_97 = arith.muli %and3A_95, %mul3A_96 : i32
        %dma_wait3A_98 = tpu.memref_slice %arg7[%shift_right_arithmetic3A_93, %mul3A_97] : memref<40x128xi32, #tpu.memory_space<vmem>> -> memref<1x64xi32, #tpu.memory_space<vmem>>
        %dma_wait3A_99 = tpu.memref_squeeze %dma_wait3A_98 : memref<1x64xi32, #tpu.memory_space<vmem>> -> memref<64xi32, #tpu.memory_space<vmem>>
        %dma_wait3A_100 = arith.constant 0 : i32
        %dma_wait3A_101 = arith.constant 0 : i32
        %dma_wait3A_102 = tpu.memref_slice %arg2[%dma_wait3A_100, %dma_wait3A_101] : memref<10240x128xf32, #tpu.memory_space<hbm>> -> memref<10240x128xf32, #tpu.memory_space<hbm>>
        tpu.wait_indirect_dma semaphore(%arg14 : memref<!tpu.dma_semaphore, #tpu.memory_space<semaphore_mem>>) src(%dma_wait3A_102 : memref<10240x128xf32, #tpu.memory_space<hbm>>) dst(%arg10 : memref<64x128xf32, #tpu.memory_space<vmem>>)
        %shift_right_arithmetic3A_103 = arith.constant 1 : i32
        %shift_right_arithmetic3A_104 = arith.shrsi %add3A_91, %shift_right_arithmetic3A_103 : i32
        %and3A_105 = arith.constant 1 : i32
        %and3A_106 = arith.andi %add3A_91, %and3A_105 : i32
        %mul3A_107 = arith.constant 64 : i32
        %mul3A_108 = arith.muli %and3A_106, %mul3A_107 : i32
        "tpu.region"() ({
          %run_scoped3A_172 = tpu.sem_alloc : memref<!tpu.dma_semaphore, #tpu.memory_space<semaphore_mem>>
          %dma_start3A_173 = tpu.memref_slice %arg8[%shift_right_arithmetic3A_104, %mul3A_108] : memref<40x128xi32, #tpu.memory_space<vmem>> -> memref<1x64xi32, #tpu.memory_space<vmem>>
          %dma_start3A_174 = tpu.memref_squeeze %dma_start3A_173 : memref<1x64xi32, #tpu.memory_space<vmem>> -> memref<64xi32, #tpu.memory_space<vmem>>
          %dma_start3A_175 = arith.constant 0 : i32
          %dma_start3A_176 = arith.constant 0 : i32
          %dma_start3A_177 = tpu.memref_slice %arg6[%dma_start3A_175, %dma_start3A_176] : memref<10240x128xf32, #tpu.memory_space<vmem_shared>> -> memref<10240x128xf32, #tpu.memory_space<vmem_shared>>
          tpu.enqueue_indirect_dma source(%arg10 : memref<64x128xf32, #tpu.memory_space<vmem>>) target(%dma_start3A_177 : memref<10240x128xf32, #tpu.memory_space<vmem_shared>>) offsets(%dma_start3A_174 : memref<64xi32, #tpu.memory_space<vmem>>) semaphore(%run_scoped3A_172 : memref<!tpu.dma_semaphore, #tpu.memory_space<semaphore_mem>>) {add = true}
          %dma_wait3A_178 = tpu.memref_slice %arg8[%shift_right_arithmetic3A_104, %mul3A_108] : memref<40x128xi32, #tpu.memory_space<vmem>> -> memref<1x64xi32, #tpu.memory_space<vmem>>
          %dma_wait3A_179 = tpu.memref_squeeze %dma_wait3A_178 : memref<1x64xi32, #tpu.memory_space<vmem>> -> memref<64xi32, #tpu.memory_space<vmem>>
          %dma_wait3A_180 = arith.constant 0 : i32
          %dma_wait3A_181 = arith.constant 0 : i32
          %dma_wait3A_182 = tpu.memref_slice %arg6[%dma_wait3A_180, %dma_wait3A_181] : memref<10240x128xf32, #tpu.memory_space<vmem_shared>> -> memref<10240x128xf32, #tpu.memory_space<vmem_shared>>
          tpu.wait_indirect_dma semaphore(%run_scoped3A_172 : memref<!tpu.dma_semaphore, #tpu.memory_space<semaphore_mem>>) src(%arg10 : memref<64x128xf32, #tpu.memory_space<vmem>>) dst(%dma_wait3A_182 : memref<10240x128xf32, #tpu.memory_space<vmem_shared>>)
          tpu.yield
        }) : () -> ()
        %add3A_109 = arith.constant 4 : i32
        %add3A_110 = arith.addi %add3A_91, %add3A_109 : i32
        %lt3A_111 = arith.constant 80 : i32
        %lt3A_112 = arith.cmpi slt, %add3A_110, %lt3A_111 : i32
        %convert_element_type3A_113 = arith.extui %lt3A_112 : i1 to i32
        %cond3A_114 = arith.constant 0 : i32
        %cond3A_115 = arith.cmpi ne, %convert_element_type3A_113, %cond3A_114 : i32
        scf.if %cond3A_115 {
          %add3A_172 = arith.constant 4 : i32
          %add3A_173 = arith.addi %add3A_91, %add3A_172 : i32
          %shift_right_arithmetic3A_174 = arith.constant 1 : i32
          %shift_right_arithmetic3A_175 = arith.shrsi %add3A_173, %shift_right_arithmetic3A_174 : i32
          %and3A_176 = arith.constant 1 : i32
          %and3A_177 = arith.andi %add3A_173, %and3A_176 : i32
          %mul3A_178 = arith.constant 64 : i32
          %mul3A_179 = arith.muli %and3A_177, %mul3A_178 : i32
          %dma_start3A_180 = tpu.memref_slice %arg7[%shift_right_arithmetic3A_175, %mul3A_179] : memref<40x128xi32, #tpu.memory_space<vmem>> -> memref<1x64xi32, #tpu.memory_space<vmem>>
          %dma_start3A_181 = tpu.memref_squeeze %dma_start3A_180 : memref<1x64xi32, #tpu.memory_space<vmem>> -> memref<64xi32, #tpu.memory_space<vmem>>
          %dma_start3A_182 = arith.constant 0 : i32
          %dma_start3A_183 = arith.constant 0 : i32
          %dma_start3A_184 = tpu.memref_slice %arg2[%dma_start3A_182, %dma_start3A_183] : memref<10240x128xf32, #tpu.memory_space<hbm>> -> memref<10240x128xf32, #tpu.memory_space<hbm>>
          tpu.enqueue_indirect_dma source(%dma_start3A_184 : memref<10240x128xf32, #tpu.memory_space<hbm>>) target(%arg10 : memref<64x128xf32, #tpu.memory_space<vmem>>) offsets(%dma_start3A_181 : memref<64xi32, #tpu.memory_space<vmem>>) semaphore(%arg14 : memref<!tpu.dma_semaphore, #tpu.memory_space<semaphore_mem>>)
        } else {
        }
        %mul3A_116 = arith.constant 4 : i32
        %mul3A_117 = arith.muli %mul3A_116, %scan3A_63 : i32
        %add3A_118 = arith.constant 2 : i32
        %add3A_119 = arith.addi %mul3A_117, %add3A_118 : i32
        %shift_right_arithmetic3A_120 = arith.constant 1 : i32
        %shift_right_arithmetic3A_121 = arith.shrsi %add3A_119, %shift_right_arithmetic3A_120 : i32
        %and3A_122 = arith.constant 1 : i32
        %and3A_123 = arith.andi %add3A_119, %and3A_122 : i32
        %mul3A_124 = arith.constant 64 : i32
        %mul3A_125 = arith.muli %and3A_123, %mul3A_124 : i32
        %dma_wait3A_126 = tpu.memref_slice %arg7[%shift_right_arithmetic3A_121, %mul3A_125] : memref<40x128xi32, #tpu.memory_space<vmem>> -> memref<1x64xi32, #tpu.memory_space<vmem>>
        %dma_wait3A_127 = tpu.memref_squeeze %dma_wait3A_126 : memref<1x64xi32, #tpu.memory_space<vmem>> -> memref<64xi32, #tpu.memory_space<vmem>>
        %dma_wait3A_128 = arith.constant 0 : i32
        %dma_wait3A_129 = arith.constant 0 : i32
        %dma_wait3A_130 = tpu.memref_slice %arg2[%dma_wait3A_128, %dma_wait3A_129] : memref<10240x128xf32, #tpu.memory_space<hbm>> -> memref<10240x128xf32, #tpu.memory_space<hbm>>
        tpu.wait_indirect_dma semaphore(%arg15 : memref<!tpu.dma_semaphore, #tpu.memory_space<semaphore_mem>>) src(%dma_wait3A_130 : memref<10240x128xf32, #tpu.memory_space<hbm>>) dst(%arg11 : memref<64x128xf32, #tpu.memory_space<vmem>>)
        %shift_right_arithmetic3A_131 = arith.constant 1 : i32
        %shift_right_arithmetic3A_132 = arith.shrsi %add3A_119, %shift_right_arithmetic3A_131 : i32
        %and3A_133 = arith.constant 1 : i32
        %and3A_134 = arith.andi %add3A_119, %and3A_133 : i32
        %mul3A_135 = arith.constant 64 : i32
        %mul3A_136 = arith.muli %and3A_134, %mul3A_135 : i32
        "tpu.region"() ({
          %run_scoped3A_172 = tpu.sem_alloc : memref<!tpu.dma_semaphore, #tpu.memory_space<semaphore_mem>>
          %dma_start3A_173 = tpu.memref_slice %arg8[%shift_right_arithmetic3A_132, %mul3A_136] : memref<40x128xi32, #tpu.memory_space<vmem>> -> memref<1x64xi32, #tpu.memory_space<vmem>>
          %dma_start3A_174 = tpu.memref_squeeze %dma_start3A_173 : memref<1x64xi32, #tpu.memory_space<vmem>> -> memref<64xi32, #tpu.memory_space<vmem>>
          %dma_start3A_175 = arith.constant 0 : i32
          %dma_start3A_176 = arith.constant 0 : i32
          %dma_start3A_177 = tpu.memref_slice %arg6[%dma_start3A_175, %dma_start3A_176] : memref<10240x128xf32, #tpu.memory_space<vmem_shared>> -> memref<10240x128xf32, #tpu.memory_space<vmem_shared>>
          tpu.enqueue_indirect_dma source(%arg11 : memref<64x128xf32, #tpu.memory_space<vmem>>) target(%dma_start3A_177 : memref<10240x128xf32, #tpu.memory_space<vmem_shared>>) offsets(%dma_start3A_174 : memref<64xi32, #tpu.memory_space<vmem>>) semaphore(%run_scoped3A_172 : memref<!tpu.dma_semaphore, #tpu.memory_space<semaphore_mem>>) {add = true}
          %dma_wait3A_178 = tpu.memref_slice %arg8[%shift_right_arithmetic3A_132, %mul3A_136] : memref<40x128xi32, #tpu.memory_space<vmem>> -> memref<1x64xi32, #tpu.memory_space<vmem>>
          %dma_wait3A_179 = tpu.memref_squeeze %dma_wait3A_178 : memref<1x64xi32, #tpu.memory_space<vmem>> -> memref<64xi32, #tpu.memory_space<vmem>>
          %dma_wait3A_180 = arith.constant 0 : i32
          %dma_wait3A_181 = arith.constant 0 : i32
          %dma_wait3A_182 = tpu.memref_slice %arg6[%dma_wait3A_180, %dma_wait3A_181] : memref<10240x128xf32, #tpu.memory_space<vmem_shared>> -> memref<10240x128xf32, #tpu.memory_space<vmem_shared>>
          tpu.wait_indirect_dma semaphore(%run_scoped3A_172 : memref<!tpu.dma_semaphore, #tpu.memory_space<semaphore_mem>>) src(%arg11 : memref<64x128xf32, #tpu.memory_space<vmem>>) dst(%dma_wait3A_182 : memref<10240x128xf32, #tpu.memory_space<vmem_shared>>)
          tpu.yield
        }) : () -> ()
        %add3A_137 = arith.constant 4 : i32
        %add3A_138 = arith.addi %add3A_119, %add3A_137 : i32
        %lt3A_139 = arith.constant 80 : i32
        %lt3A_140 = arith.cmpi slt, %add3A_138, %lt3A_139 : i32
        %convert_element_type3A_141 = arith.extui %lt3A_140 : i1 to i32
        %cond3A_142 = arith.constant 0 : i32
        %cond3A_143 = arith.cmpi ne, %convert_element_type3A_141, %cond3A_142 : i32
        scf.if %cond3A_143 {
          %add3A_172 = arith.constant 4 : i32
          %add3A_173 = arith.addi %add3A_119, %add3A_172 : i32
          %shift_right_arithmetic3A_174 = arith.constant 1 : i32
          %shift_right_arithmetic3A_175 = arith.shrsi %add3A_173, %shift_right_arithmetic3A_174 : i32
          %and3A_176 = arith.constant 1 : i32
          %and3A_177 = arith.andi %add3A_173, %and3A_176 : i32
          %mul3A_178 = arith.constant 64 : i32
          %mul3A_179 = arith.muli %and3A_177, %mul3A_178 : i32
          %dma_start3A_180 = tpu.memref_slice %arg7[%shift_right_arithmetic3A_175, %mul3A_179] : memref<40x128xi32, #tpu.memory_space<vmem>> -> memref<1x64xi32, #tpu.memory_space<vmem>>
          %dma_start3A_181 = tpu.memref_squeeze %dma_start3A_180 : memref<1x64xi32, #tpu.memory_space<vmem>> -> memref<64xi32, #tpu.memory_space<vmem>>
          %dma_start3A_182 = arith.constant 0 : i32
          %dma_start3A_183 = arith.constant 0 : i32
          %dma_start3A_184 = tpu.memref_slice %arg2[%dma_start3A_182, %dma_start3A_183] : memref<10240x128xf32, #tpu.memory_space<hbm>> -> memref<10240x128xf32, #tpu.memory_space<hbm>>
          tpu.enqueue_indirect_dma source(%dma_start3A_184 : memref<10240x128xf32, #tpu.memory_space<hbm>>) target(%arg11 : memref<64x128xf32, #tpu.memory_space<vmem>>) offsets(%dma_start3A_181 : memref<64xi32, #tpu.memory_space<vmem>>) semaphore(%arg15 : memref<!tpu.dma_semaphore, #tpu.memory_space<semaphore_mem>>)
        } else {
        }
        %mul3A_144 = arith.constant 4 : i32
        %mul3A_145 = arith.muli %mul3A_144, %scan3A_63 : i32
        %add3A_146 = arith.constant 3 : i32
        %add3A_147 = arith.addi %mul3A_145, %add3A_146 : i32
        %shift_right_arithmetic3A_148 = arith.constant 1 : i32
        %shift_right_arithmetic3A_149 = arith.shrsi %add3A_147, %shift_right_arithmetic3A_148 : i32
        %and3A_150 = arith.constant 1 : i32
        %and3A_151 = arith.andi %add3A_147, %and3A_150 : i32
        %mul3A_152 = arith.constant 64 : i32
        %mul3A_153 = arith.muli %and3A_151, %mul3A_152 : i32
        %dma_wait3A_154 = tpu.memref_slice %arg7[%shift_right_arithmetic3A_149, %mul3A_153] : memref<40x128xi32, #tpu.memory_space<vmem>> -> memref<1x64xi32, #tpu.memory_space<vmem>>
        %dma_wait3A_155 = tpu.memref_squeeze %dma_wait3A_154 : memref<1x64xi32, #tpu.memory_space<vmem>> -> memref<64xi32, #tpu.memory_space<vmem>>
        %dma_wait3A_156 = arith.constant 0 : i32
        %dma_wait3A_157 = arith.constant 0 : i32
        %dma_wait3A_158 = tpu.memref_slice %arg2[%dma_wait3A_156, %dma_wait3A_157] : memref<10240x128xf32, #tpu.memory_space<hbm>> -> memref<10240x128xf32, #tpu.memory_space<hbm>>
        tpu.wait_indirect_dma semaphore(%arg16 : memref<!tpu.dma_semaphore, #tpu.memory_space<semaphore_mem>>) src(%dma_wait3A_158 : memref<10240x128xf32, #tpu.memory_space<hbm>>) dst(%arg12 : memref<64x128xf32, #tpu.memory_space<vmem>>)
        %shift_right_arithmetic3A_159 = arith.constant 1 : i32
        %shift_right_arithmetic3A_160 = arith.shrsi %add3A_147, %shift_right_arithmetic3A_159 : i32
        %and3A_161 = arith.constant 1 : i32
        %and3A_162 = arith.andi %add3A_147, %and3A_161 : i32
        %mul3A_163 = arith.constant 64 : i32
        %mul3A_164 = arith.muli %and3A_162, %mul3A_163 : i32
        "tpu.region"() ({
          %run_scoped3A_172 = tpu.sem_alloc : memref<!tpu.dma_semaphore, #tpu.memory_space<semaphore_mem>>
          %dma_start3A_173 = tpu.memref_slice %arg8[%shift_right_arithmetic3A_160, %mul3A_164] : memref<40x128xi32, #tpu.memory_space<vmem>> -> memref<1x64xi32, #tpu.memory_space<vmem>>
          %dma_start3A_174 = tpu.memref_squeeze %dma_start3A_173 : memref<1x64xi32, #tpu.memory_space<vmem>> -> memref<64xi32, #tpu.memory_space<vmem>>
          %dma_start3A_175 = arith.constant 0 : i32
          %dma_start3A_176 = arith.constant 0 : i32
          %dma_start3A_177 = tpu.memref_slice %arg6[%dma_start3A_175, %dma_start3A_176] : memref<10240x128xf32, #tpu.memory_space<vmem_shared>> -> memref<10240x128xf32, #tpu.memory_space<vmem_shared>>
          tpu.enqueue_indirect_dma source(%arg12 : memref<64x128xf32, #tpu.memory_space<vmem>>) target(%dma_start3A_177 : memref<10240x128xf32, #tpu.memory_space<vmem_shared>>) offsets(%dma_start3A_174 : memref<64xi32, #tpu.memory_space<vmem>>) semaphore(%run_scoped3A_172 : memref<!tpu.dma_semaphore, #tpu.memory_space<semaphore_mem>>) {add = true}
          %dma_wait3A_178 = tpu.memref_slice %arg8[%shift_right_arithmetic3A_160, %mul3A_164] : memref<40x128xi32, #tpu.memory_space<vmem>> -> memref<1x64xi32, #tpu.memory_space<vmem>>
          %dma_wait3A_179 = tpu.memref_squeeze %dma_wait3A_178 : memref<1x64xi32, #tpu.memory_space<vmem>> -> memref<64xi32, #tpu.memory_space<vmem>>
          %dma_wait3A_180 = arith.constant 0 : i32
          %dma_wait3A_181 = arith.constant 0 : i32
          %dma_wait3A_182 = tpu.memref_slice %arg6[%dma_wait3A_180, %dma_wait3A_181] : memref<10240x128xf32, #tpu.memory_space<vmem_shared>> -> memref<10240x128xf32, #tpu.memory_space<vmem_shared>>
          tpu.wait_indirect_dma semaphore(%run_scoped3A_172 : memref<!tpu.dma_semaphore, #tpu.memory_space<semaphore_mem>>) src(%arg12 : memref<64x128xf32, #tpu.memory_space<vmem>>) dst(%dma_wait3A_182 : memref<10240x128xf32, #tpu.memory_space<vmem_shared>>)
          tpu.yield
        }) : () -> ()
        %add3A_165 = arith.constant 4 : i32
        %add3A_166 = arith.addi %add3A_147, %add3A_165 : i32
        %lt3A_167 = arith.constant 80 : i32
        %lt3A_168 = arith.cmpi slt, %add3A_166, %lt3A_167 : i32
        %convert_element_type3A_169 = arith.extui %lt3A_168 : i1 to i32
        %cond3A_170 = arith.constant 0 : i32
        %cond3A_171 = arith.cmpi ne, %convert_element_type3A_169, %cond3A_170 : i32
        scf.if %cond3A_171 {
          %add3A_172 = arith.constant 4 : i32
          %add3A_173 = arith.addi %add3A_147, %add3A_172 : i32
          %shift_right_arithmetic3A_174 = arith.constant 1 : i32
          %shift_right_arithmetic3A_175 = arith.shrsi %add3A_173, %shift_right_arithmetic3A_174 : i32
          %and3A_176 = arith.constant 1 : i32
          %and3A_177 = arith.andi %add3A_173, %and3A_176 : i32
          %mul3A_178 = arith.constant 64 : i32
          %mul3A_179 = arith.muli %and3A_177, %mul3A_178 : i32
          %dma_start3A_180 = tpu.memref_slice %arg7[%shift_right_arithmetic3A_175, %mul3A_179] : memref<40x128xi32, #tpu.memory_space<vmem>> -> memref<1x64xi32, #tpu.memory_space<vmem>>
          %dma_start3A_181 = tpu.memref_squeeze %dma_start3A_180 : memref<1x64xi32, #tpu.memory_space<vmem>> -> memref<64xi32, #tpu.memory_space<vmem>>
          %dma_start3A_182 = arith.constant 0 : i32
          %dma_start3A_183 = arith.constant 0 : i32
          %dma_start3A_184 = tpu.memref_slice %arg2[%dma_start3A_182, %dma_start3A_183] : memref<10240x128xf32, #tpu.memory_space<hbm>> -> memref<10240x128xf32, #tpu.memory_space<hbm>>
          tpu.enqueue_indirect_dma source(%dma_start3A_184 : memref<10240x128xf32, #tpu.memory_space<hbm>>) target(%arg12 : memref<64x128xf32, #tpu.memory_space<vmem>>) offsets(%dma_start3A_181 : memref<64xi32, #tpu.memory_space<vmem>>) semaphore(%arg16 : memref<!tpu.dma_semaphore, #tpu.memory_space<semaphore_mem>>)
        } else {
        }
      }
      %scan3A_62 = arith.constant 20 : i32
    }
    %eq3A_18 = arith.constant 31 : i32
    %eq3A_19 = arith.cmpi eq, %add3A, %eq3A_18 : i32
    %convert_element_type3A = arith.extui %eq3A_19 : i1 to i32
    %cond3A = arith.constant 0 : i32
    %cond3A_20 = arith.cmpi ne, %convert_element_type3A, %cond3A : i32
    scf.if %cond3A_20 {
      %run_scoped3A = arith.constant 0 : i32
      "tpu.region"() ({
        %run_scoped3A_95 = tpu.sem_alloc : memref<!tpu.dma_semaphore, #tpu.memory_space<semaphore_mem>>
        %dma_start3A_96 = arith.constant 0 : i32
        %dma_start3A_97 = arith.constant 0 : i32
        %dma_start3A_98 = tpu.memref_slice %arg7[%dma_start3A_96, %dma_start3A_97] : memref<40x128xi32, #tpu.memory_space<vmem>> -> memref<16x128xi32, #tpu.memory_space<vmem>>
        %dma_start3A_99 = arith.constant 0 : i32
        %dma_start3A_100 = tpu.memref_slice %arg3[%run_scoped3A, %mul3A_6, %dma_start3A_99] : memref<2x2500x128xi32, #tpu.memory_space<hbm>> -> memref<1x16x128xi32, #tpu.memory_space<hbm>>
        %dma_start3A_101 = tpu.memref_squeeze %dma_start3A_100 : memref<1x16x128xi32, #tpu.memory_space<hbm>> -> memref<16x128xi32, #tpu.memory_space<hbm>>
        %dma_start3A_102 = arith.constant 0 : i32
        %dma_start3A_103 = arith.constant 0 : i32
        %dma_start3A_104 = tpu.memref_slice %arg7[%dma_start3A_102, %dma_start3A_103] : memref<40x128xi32, #tpu.memory_space<vmem>> -> memref<16x128xi32, #tpu.memory_space<vmem>>
        %dma_start3A_105 = arith.constant 0 : i32
        %dma_start3A_106 = tpu.memref_slice %arg3[%run_scoped3A, %mul3A_6, %dma_start3A_105] : memref<2x2500x128xi32, #tpu.memory_space<hbm>> -> memref<1x16x128xi32, #tpu.memory_space<hbm>>
        %dma_start3A_107 = tpu.memref_squeeze %dma_start3A_106 : memref<1x16x128xi32, #tpu.memory_space<hbm>> -> memref<16x128xi32, #tpu.memory_space<hbm>>
        tpu.enqueue_dma source(%dma_start3A_107 : memref<16x128xi32, #tpu.memory_space<hbm>>) target(%dma_start3A_104 : memref<16x128xi32, #tpu.memory_space<vmem>>) target_semaphore(%run_scoped3A_95 : memref<!tpu.dma_semaphore, #tpu.memory_space<semaphore_mem>>)
        %dma_wait3A = arith.constant 0 : i32
        %dma_wait3A_108 = arith.constant 0 : i32
        %dma_wait3A_109 = tpu.memref_slice %arg7[%dma_wait3A, %dma_wait3A_108] : memref<40x128xi32, #tpu.memory_space<vmem>> -> memref<16x128xi32, #tpu.memory_space<vmem>>
        %dma_wait3A_110 = arith.constant 0 : i32
        %dma_wait3A_111 = tpu.memref_slice %arg3[%run_scoped3A, %mul3A_6, %dma_wait3A_110] : memref<2x2500x128xi32, #tpu.memory_space<hbm>> -> memref<1x16x128xi32, #tpu.memory_space<hbm>>
        %dma_wait3A_112 = tpu.memref_squeeze %dma_wait3A_111 : memref<1x16x128xi32, #tpu.memory_space<hbm>> -> memref<16x128xi32, #tpu.memory_space<hbm>>
        %dma_wait3A_113 = arith.constant 0 : i32
        %dma_wait3A_114 = arith.constant 0 : i32
        %dma_wait3A_115 = tpu.memref_slice %arg7[%dma_wait3A_113, %dma_wait3A_114] : memref<40x128xi32, #tpu.memory_space<vmem>> -> memref<16x128xi32, #tpu.memory_space<vmem>>
        %dma_wait3A_116 = arith.constant 0 : i32
        %dma_wait3A_117 = tpu.memref_slice %arg3[%run_scoped3A, %mul3A_6, %dma_wait3A_116] : memref<2x2500x128xi32, #tpu.memory_space<hbm>> -> memref<1x16x128xi32, #tpu.memory_space<hbm>>
        %dma_wait3A_118 = tpu.memref_squeeze %dma_wait3A_117 : memref<1x16x128xi32, #tpu.memory_space<hbm>> -> memref<16x128xi32, #tpu.memory_space<hbm>>
        tpu.wait_dma2 semaphore(%run_scoped3A_95 : memref<!tpu.dma_semaphore, #tpu.memory_space<semaphore_mem>>) src(%dma_wait3A_118 : memref<16x128xi32, #tpu.memory_space<hbm>>) dst(%dma_wait3A_115 : memref<16x128xi32, #tpu.memory_space<vmem>>)
        tpu.yield
      }) : () -> ()
      %run_scoped3A_26 = arith.constant 1 : i32
      "tpu.region"() ({
        %run_scoped3A_95 = tpu.sem_alloc : memref<!tpu.dma_semaphore, #tpu.memory_space<semaphore_mem>>
        %dma_start3A_96 = arith.constant 0 : i32
        %dma_start3A_97 = arith.constant 0 : i32
        %dma_start3A_98 = tpu.memref_slice %arg8[%dma_start3A_96, %dma_start3A_97] : memref<40x128xi32, #tpu.memory_space<vmem>> -> memref<16x128xi32, #tpu.memory_space<vmem>>
        %dma_start3A_99 = arith.constant 0 : i32
        %dma_start3A_100 = tpu.memref_slice %arg3[%run_scoped3A_26, %mul3A_6, %dma_start3A_99] : memref<2x2500x128xi32, #tpu.memory_space<hbm>> -> memref<1x16x128xi32, #tpu.memory_space<hbm>>
        %dma_start3A_101 = tpu.memref_squeeze %dma_start3A_100 : memref<1x16x128xi32, #tpu.memory_space<hbm>> -> memref<16x128xi32, #tpu.memory_space<hbm>>
        %dma_start3A_102 = arith.constant 0 : i32
        %dma_start3A_103 = arith.constant 0 : i32
        %dma_start3A_104 = tpu.memref_slice %arg8[%dma_start3A_102, %dma_start3A_103] : memref<40x128xi32, #tpu.memory_space<vmem>> -> memref<16x128xi32, #tpu.memory_space<vmem>>
        %dma_start3A_105 = arith.constant 0 : i32
        %dma_start3A_106 = tpu.memref_slice %arg3[%run_scoped3A_26, %mul3A_6, %dma_start3A_105] : memref<2x2500x128xi32, #tpu.memory_space<hbm>> -> memref<1x16x128xi32, #tpu.memory_space<hbm>>
        %dma_start3A_107 = tpu.memref_squeeze %dma_start3A_106 : memref<1x16x128xi32, #tpu.memory_space<hbm>> -> memref<16x128xi32, #tpu.memory_space<hbm>>
        tpu.enqueue_dma source(%dma_start3A_107 : memref<16x128xi32, #tpu.memory_space<hbm>>) target(%dma_start3A_104 : memref<16x128xi32, #tpu.memory_space<vmem>>) target_semaphore(%run_scoped3A_95 : memref<!tpu.dma_semaphore, #tpu.memory_space<semaphore_mem>>)
        %dma_wait3A = arith.constant 0 : i32
        %dma_wait3A_108 = arith.constant 0 : i32
        %dma_wait3A_109 = tpu.memref_slice %arg8[%dma_wait3A, %dma_wait3A_108] : memref<40x128xi32, #tpu.memory_space<vmem>> -> memref<16x128xi32, #tpu.memory_space<vmem>>
        %dma_wait3A_110 = arith.constant 0 : i32
        %dma_wait3A_111 = tpu.memref_slice %arg3[%run_scoped3A_26, %mul3A_6, %dma_wait3A_110] : memref<2x2500x128xi32, #tpu.memory_space<hbm>> -> memref<1x16x128xi32, #tpu.memory_space<hbm>>
        %dma_wait3A_112 = tpu.memref_squeeze %dma_wait3A_111 : memref<1x16x128xi32, #tpu.memory_space<hbm>> -> memref<16x128xi32, #tpu.memory_space<hbm>>
        %dma_wait3A_113 = arith.constant 0 : i32
        %dma_wait3A_114 = arith.constant 0 : i32
        %dma_wait3A_115 = tpu.memref_slice %arg8[%dma_wait3A_113, %dma_wait3A_114] : memref<40x128xi32, #tpu.memory_space<vmem>> -> memref<16x128xi32, #tpu.memory_space<vmem>>
        %dma_wait3A_116 = arith.constant 0 : i32
        %dma_wait3A_117 = tpu.memref_slice %arg3[%run_scoped3A_26, %mul3A_6, %dma_wait3A_116] : memref<2x2500x128xi32, #tpu.memory_space<hbm>> -> memref<1x16x128xi32, #tpu.memory_space<hbm>>
        %dma_wait3A_118 = tpu.memref_squeeze %dma_wait3A_117 : memref<1x16x128xi32, #tpu.memory_space<hbm>> -> memref<16x128xi32, #tpu.memory_space<hbm>>
        tpu.wait_dma2 semaphore(%run_scoped3A_95 : memref<!tpu.dma_semaphore, #tpu.memory_space<semaphore_mem>>) src(%dma_wait3A_118 : memref<16x128xi32, #tpu.memory_space<hbm>>) dst(%dma_wait3A_115 : memref<16x128xi32, #tpu.memory_space<vmem>>)
        tpu.yield
      }) : () -> ()
      %dma_start3A = arith.constant 0 : i32
      %dma_start3A_27 = arith.constant 0 : i32
      %dma_start3A_28 = tpu.memref_slice %arg7[%dma_start3A, %dma_start3A_27] : memref<40x128xi32, #tpu.memory_space<vmem>> -> memref<1x64xi32, #tpu.memory_space<vmem>>
      %dma_start3A_29 = tpu.memref_squeeze %dma_start3A_28 : memref<1x64xi32, #tpu.memory_space<vmem>> -> memref<64xi32, #tpu.memory_space<vmem>>
      %dma_start3A_30 = arith.constant 0 : i32
      %dma_start3A_31 = arith.constant 0 : i32
      %dma_start3A_32 = tpu.memref_slice %arg2[%dma_start3A_30, %dma_start3A_31] : memref<10240x128xf32, #tpu.memory_space<hbm>> -> memref<10240x128xf32, #tpu.memory_space<hbm>>
      tpu.enqueue_indirect_dma source(%dma_start3A_32 : memref<10240x128xf32, #tpu.memory_space<hbm>>) target(%arg9 : memref<64x128xf32, #tpu.memory_space<vmem>>) offsets(%dma_start3A_29 : memref<64xi32, #tpu.memory_space<vmem>>) semaphore(%arg13 : memref<!tpu.dma_semaphore, #tpu.memory_space<semaphore_mem>>)
      %dma_start3A_33 = arith.constant 0 : i32
      %dma_start3A_34 = arith.constant 64 : i32
      %dma_start3A_35 = tpu.memref_slice %arg7[%dma_start3A_33, %dma_start3A_34] : memref<40x128xi32, #tpu.memory_space<vmem>> -> memref<1x64xi32, #tpu.memory_space<vmem>>
      %dma_start3A_36 = tpu.memref_squeeze %dma_start3A_35 : memref<1x64xi32, #tpu.memory_space<vmem>> -> memref<64xi32, #tpu.memory_space<vmem>>
      %dma_start3A_37 = arith.constant 0 : i32
      %dma_start3A_38 = arith.constant 0 : i32
      %dma_start3A_39 = tpu.memref_slice %arg2[%dma_start3A_37, %dma_start3A_38] : memref<10240x128xf32, #tpu.memory_space<hbm>> -> memref<10240x128xf32, #tpu.memory_space<hbm>>
      tpu.enqueue_indirect_dma source(%dma_start3A_39 : memref<10240x128xf32, #tpu.memory_space<hbm>>) target(%arg10 : memref<64x128xf32, #tpu.memory_space<vmem>>) offsets(%dma_start3A_36 : memref<64xi32, #tpu.memory_space<vmem>>) semaphore(%arg14 : memref<!tpu.dma_semaphore, #tpu.memory_space<semaphore_mem>>)
      %dma_start3A_40 = arith.constant 1 : i32
      %dma_start3A_41 = arith.constant 0 : i32
      %dma_start3A_42 = tpu.memref_slice %arg7[%dma_start3A_40, %dma_start3A_41] : memref<40x128xi32, #tpu.memory_space<vmem>> -> memref<1x64xi32, #tpu.memory_space<vmem>>
      %dma_start3A_43 = tpu.memref_squeeze %dma_start3A_42 : memref<1x64xi32, #tpu.memory_space<vmem>> -> memref<64xi32, #tpu.memory_space<vmem>>
      %dma_start3A_44 = arith.constant 0 : i32
      %dma_start3A_45 = arith.constant 0 : i32
      %dma_start3A_46 = tpu.memref_slice %arg2[%dma_start3A_44, %dma_start3A_45] : memref<10240x128xf32, #tpu.memory_space<hbm>> -> memref<10240x128xf32, #tpu.memory_space<hbm>>
      tpu.enqueue_indirect_dma source(%dma_start3A_46 : memref<10240x128xf32, #tpu.memory_space<hbm>>) target(%arg11 : memref<64x128xf32, #tpu.memory_space<vmem>>) offsets(%dma_start3A_43 : memref<64xi32, #tpu.memory_space<vmem>>) semaphore(%arg15 : memref<!tpu.dma_semaphore, #tpu.memory_space<semaphore_mem>>)
      %dma_start3A_47 = arith.constant 1 : i32
      %dma_start3A_48 = arith.constant 64 : i32
      %dma_start3A_49 = tpu.memref_slice %arg7[%dma_start3A_47, %dma_start3A_48] : memref<40x128xi32, #tpu.memory_space<vmem>> -> memref<1x64xi32, #tpu.memory_space<vmem>>
      %dma_start3A_50 = tpu.memref_squeeze %dma_start3A_49 : memref<1x64xi32, #tpu.memory_space<vmem>> -> memref<64xi32, #tpu.memory_space<vmem>>
      %dma_start3A_51 = arith.constant 0 : i32
      %dma_start3A_52 = arith.constant 0 : i32
      %dma_start3A_53 = tpu.memref_slice %arg2[%dma_start3A_51, %dma_start3A_52] : memref<10240x128xf32, #tpu.memory_space<hbm>> -> memref<10240x128xf32, #tpu.memory_space<hbm>>
      tpu.enqueue_indirect_dma source(%dma_start3A_53 : memref<10240x128xf32, #tpu.memory_space<hbm>>) target(%arg12 : memref<64x128xf32, #tpu.memory_space<vmem>>) offsets(%dma_start3A_50 : memref<64xi32, #tpu.memory_space<vmem>>) semaphore(%arg16 : memref<!tpu.dma_semaphore, #tpu.memory_space<semaphore_mem>>)
      %scan3A = arith.constant 0 : i32
      %scan3A_54 = arith.constant 0 : i32
      %scan3A_55 = arith.constant 8 : i32
      %scan3A_56 = arith.addi %scan3A_54, %scan3A_55 : i32
      %scan3A_57 = arith.constant 1 : i32
      scf.for %scan3A_95 = %scan3A_54 to %scan3A_56 step %scan3A_57  : i32 {
        %mul3A_96 = arith.constant 4 : i32
        %mul3A_97 = arith.muli %mul3A_96, %scan3A_95 : i32
        %add3A_98 = arith.constant 0 : i32
        %add3A_99 = arith.addi %mul3A_97, %add3A_98 : i32
        %shift_right_arithmetic3A = arith.constant 1 : i32
        %shift_right_arithmetic3A_100 = arith.shrsi %add3A_99, %shift_right_arithmetic3A : i32
        %and3A = arith.constant 1 : i32
        %and3A_101 = arith.andi %add3A_99, %and3A : i32
        %mul3A_102 = arith.constant 64 : i32
        %mul3A_103 = arith.muli %and3A_101, %mul3A_102 : i32
        %dma_wait3A = tpu.memref_slice %arg7[%shift_right_arithmetic3A_100, %mul3A_103] : memref<40x128xi32, #tpu.memory_space<vmem>> -> memref<1x64xi32, #tpu.memory_space<vmem>>
        %dma_wait3A_104 = tpu.memref_squeeze %dma_wait3A : memref<1x64xi32, #tpu.memory_space<vmem>> -> memref<64xi32, #tpu.memory_space<vmem>>
        %dma_wait3A_105 = arith.constant 0 : i32
        %dma_wait3A_106 = arith.constant 0 : i32
        %dma_wait3A_107 = tpu.memref_slice %arg2[%dma_wait3A_105, %dma_wait3A_106] : memref<10240x128xf32, #tpu.memory_space<hbm>> -> memref<10240x128xf32, #tpu.memory_space<hbm>>
        tpu.wait_indirect_dma semaphore(%arg13 : memref<!tpu.dma_semaphore, #tpu.memory_space<semaphore_mem>>) src(%dma_wait3A_107 : memref<10240x128xf32, #tpu.memory_space<hbm>>) dst(%arg9 : memref<64x128xf32, #tpu.memory_space<vmem>>)
        %shift_right_arithmetic3A_108 = arith.constant 1 : i32
        %shift_right_arithmetic3A_109 = arith.shrsi %add3A_99, %shift_right_arithmetic3A_108 : i32
        %and3A_110 = arith.constant 1 : i32
        %and3A_111 = arith.andi %add3A_99, %and3A_110 : i32
        %mul3A_112 = arith.constant 64 : i32
        %mul3A_113 = arith.muli %and3A_111, %mul3A_112 : i32
        "tpu.region"() ({
          %run_scoped3A_204 = tpu.sem_alloc : memref<!tpu.dma_semaphore, #tpu.memory_space<semaphore_mem>>
          %dma_start3A_205 = tpu.memref_slice %arg8[%shift_right_arithmetic3A_109, %mul3A_113] : memref<40x128xi32, #tpu.memory_space<vmem>> -> memref<1x64xi32, #tpu.memory_space<vmem>>
          %dma_start3A_206 = tpu.memref_squeeze %dma_start3A_205 : memref<1x64xi32, #tpu.memory_space<vmem>> -> memref<64xi32, #tpu.memory_space<vmem>>
          %dma_start3A_207 = arith.constant 0 : i32
          %dma_start3A_208 = arith.constant 0 : i32
          %dma_start3A_209 = tpu.memref_slice %arg6[%dma_start3A_207, %dma_start3A_208] : memref<10240x128xf32, #tpu.memory_space<vmem_shared>> -> memref<10240x128xf32, #tpu.memory_space<vmem_shared>>
          tpu.enqueue_indirect_dma source(%arg9 : memref<64x128xf32, #tpu.memory_space<vmem>>) target(%dma_start3A_209 : memref<10240x128xf32, #tpu.memory_space<vmem_shared>>) offsets(%dma_start3A_206 : memref<64xi32, #tpu.memory_space<vmem>>) semaphore(%run_scoped3A_204 : memref<!tpu.dma_semaphore, #tpu.memory_space<semaphore_mem>>) {add = true}
          %dma_wait3A_210 = tpu.memref_slice %arg8[%shift_right_arithmetic3A_109, %mul3A_113] : memref<40x128xi32, #tpu.memory_space<vmem>> -> memref<1x64xi32, #tpu.memory_space<vmem>>
          %dma_wait3A_211 = tpu.memref_squeeze %dma_wait3A_210 : memref<1x64xi32, #tpu.memory_space<vmem>> -> memref<64xi32, #tpu.memory_space<vmem>>
          %dma_wait3A_212 = arith.constant 0 : i32
          %dma_wait3A_213 = arith.constant 0 : i32
          %dma_wait3A_214 = tpu.memref_slice %arg6[%dma_wait3A_212, %dma_wait3A_213] : memref<10240x128xf32, #tpu.memory_space<vmem_shared>> -> memref<10240x128xf32, #tpu.memory_space<vmem_shared>>
          tpu.wait_indirect_dma semaphore(%run_scoped3A_204 : memref<!tpu.dma_semaphore, #tpu.memory_space<semaphore_mem>>) src(%arg9 : memref<64x128xf32, #tpu.memory_space<vmem>>) dst(%dma_wait3A_214 : memref<10240x128xf32, #tpu.memory_space<vmem_shared>>)
          tpu.yield
        }) : () -> ()
        %add3A_114 = arith.constant 4 : i32
        %add3A_115 = arith.addi %add3A_99, %add3A_114 : i32
        %lt3A = arith.constant 32 : i32
        %lt3A_116 = arith.cmpi slt, %add3A_115, %lt3A : i32
        %convert_element_type3A_117 = arith.extui %lt3A_116 : i1 to i32
        %cond3A_118 = arith.constant 0 : i32
        %cond3A_119 = arith.cmpi ne, %convert_element_type3A_117, %cond3A_118 : i32
        scf.if %cond3A_119 {
          %add3A_204 = arith.constant 4 : i32
          %add3A_205 = arith.addi %add3A_99, %add3A_204 : i32
          %shift_right_arithmetic3A_206 = arith.constant 1 : i32
          %shift_right_arithmetic3A_207 = arith.shrsi %add3A_205, %shift_right_arithmetic3A_206 : i32
          %and3A_208 = arith.constant 1 : i32
          %and3A_209 = arith.andi %add3A_205, %and3A_208 : i32
          %mul3A_210 = arith.constant 64 : i32
          %mul3A_211 = arith.muli %and3A_209, %mul3A_210 : i32
          %dma_start3A_212 = tpu.memref_slice %arg7[%shift_right_arithmetic3A_207, %mul3A_211] : memref<40x128xi32, #tpu.memory_space<vmem>> -> memref<1x64xi32, #tpu.memory_space<vmem>>
          %dma_start3A_213 = tpu.memref_squeeze %dma_start3A_212 : memref<1x64xi32, #tpu.memory_space<vmem>> -> memref<64xi32, #tpu.memory_space<vmem>>
          %dma_start3A_214 = arith.constant 0 : i32
          %dma_start3A_215 = arith.constant 0 : i32
          %dma_start3A_216 = tpu.memref_slice %arg2[%dma_start3A_214, %dma_start3A_215] : memref<10240x128xf32, #tpu.memory_space<hbm>> -> memref<10240x128xf32, #tpu.memory_space<hbm>>
          tpu.enqueue_indirect_dma source(%dma_start3A_216 : memref<10240x128xf32, #tpu.memory_space<hbm>>) target(%arg9 : memref<64x128xf32, #tpu.memory_space<vmem>>) offsets(%dma_start3A_213 : memref<64xi32, #tpu.memory_space<vmem>>) semaphore(%arg13 : memref<!tpu.dma_semaphore, #tpu.memory_space<semaphore_mem>>)
        } else {
        }
        %mul3A_120 = arith.constant 4 : i32
        %mul3A_121 = arith.muli %mul3A_120, %scan3A_95 : i32
        %add3A_122 = arith.constant 1 : i32
        %add3A_123 = arith.addi %mul3A_121, %add3A_122 : i32
        %shift_right_arithmetic3A_124 = arith.constant 1 : i32
        %shift_right_arithmetic3A_125 = arith.shrsi %add3A_123, %shift_right_arithmetic3A_124 : i32
        %and3A_126 = arith.constant 1 : i32
        %and3A_127 = arith.andi %add3A_123, %and3A_126 : i32
        %mul3A_128 = arith.constant 64 : i32
        %mul3A_129 = arith.muli %and3A_127, %mul3A_128 : i32
        %dma_wait3A_130 = tpu.memref_slice %arg7[%shift_right_arithmetic3A_125, %mul3A_129] : memref<40x128xi32, #tpu.memory_space<vmem>> -> memref<1x64xi32, #tpu.memory_space<vmem>>
        %dma_wait3A_131 = tpu.memref_squeeze %dma_wait3A_130 : memref<1x64xi32, #tpu.memory_space<vmem>> -> memref<64xi32, #tpu.memory_space<vmem>>
        %dma_wait3A_132 = arith.constant 0 : i32
        %dma_wait3A_133 = arith.constant 0 : i32
        %dma_wait3A_134 = tpu.memref_slice %arg2[%dma_wait3A_132, %dma_wait3A_133] : memref<10240x128xf32, #tpu.memory_space<hbm>> -> memref<10240x128xf32, #tpu.memory_space<hbm>>
        tpu.wait_indirect_dma semaphore(%arg14 : memref<!tpu.dma_semaphore, #tpu.memory_space<semaphore_mem>>) src(%dma_wait3A_134 : memref<10240x128xf32, #tpu.memory_space<hbm>>) dst(%arg10 : memref<64x128xf32, #tpu.memory_space<vmem>>)
        %shift_right_arithmetic3A_135 = arith.constant 1 : i32
        %shift_right_arithmetic3A_136 = arith.shrsi %add3A_123, %shift_right_arithmetic3A_135 : i32
        %and3A_137 = arith.constant 1 : i32
        %and3A_138 = arith.andi %add3A_123, %and3A_137 : i32
        %mul3A_139 = arith.constant 64 : i32
        %mul3A_140 = arith.muli %and3A_138, %mul3A_139 : i32
        "tpu.region"() ({
          %run_scoped3A_204 = tpu.sem_alloc : memref<!tpu.dma_semaphore, #tpu.memory_space<semaphore_mem>>
          %dma_start3A_205 = tpu.memref_slice %arg8[%shift_right_arithmetic3A_136, %mul3A_140] : memref<40x128xi32, #tpu.memory_space<vmem>> -> memref<1x64xi32, #tpu.memory_space<vmem>>
          %dma_start3A_206 = tpu.memref_squeeze %dma_start3A_205 : memref<1x64xi32, #tpu.memory_space<vmem>> -> memref<64xi32, #tpu.memory_space<vmem>>
          %dma_start3A_207 = arith.constant 0 : i32
          %dma_start3A_208 = arith.constant 0 : i32
          %dma_start3A_209 = tpu.memref_slice %arg6[%dma_start3A_207, %dma_start3A_208] : memref<10240x128xf32, #tpu.memory_space<vmem_shared>> -> memref<10240x128xf32, #tpu.memory_space<vmem_shared>>
          tpu.enqueue_indirect_dma source(%arg10 : memref<64x128xf32, #tpu.memory_space<vmem>>) target(%dma_start3A_209 : memref<10240x128xf32, #tpu.memory_space<vmem_shared>>) offsets(%dma_start3A_206 : memref<64xi32, #tpu.memory_space<vmem>>) semaphore(%run_scoped3A_204 : memref<!tpu.dma_semaphore, #tpu.memory_space<semaphore_mem>>) {add = true}
          %dma_wait3A_210 = tpu.memref_slice %arg8[%shift_right_arithmetic3A_136, %mul3A_140] : memref<40x128xi32, #tpu.memory_space<vmem>> -> memref<1x64xi32, #tpu.memory_space<vmem>>
          %dma_wait3A_211 = tpu.memref_squeeze %dma_wait3A_210 : memref<1x64xi32, #tpu.memory_space<vmem>> -> memref<64xi32, #tpu.memory_space<vmem>>
          %dma_wait3A_212 = arith.constant 0 : i32
          %dma_wait3A_213 = arith.constant 0 : i32
          %dma_wait3A_214 = tpu.memref_slice %arg6[%dma_wait3A_212, %dma_wait3A_213] : memref<10240x128xf32, #tpu.memory_space<vmem_shared>> -> memref<10240x128xf32, #tpu.memory_space<vmem_shared>>
          tpu.wait_indirect_dma semaphore(%run_scoped3A_204 : memref<!tpu.dma_semaphore, #tpu.memory_space<semaphore_mem>>) src(%arg10 : memref<64x128xf32, #tpu.memory_space<vmem>>) dst(%dma_wait3A_214 : memref<10240x128xf32, #tpu.memory_space<vmem_shared>>)
          tpu.yield
        }) : () -> ()
        %add3A_141 = arith.constant 4 : i32
        %add3A_142 = arith.addi %add3A_123, %add3A_141 : i32
        %lt3A_143 = arith.constant 32 : i32
        %lt3A_144 = arith.cmpi slt, %add3A_142, %lt3A_143 : i32
        %convert_element_type3A_145 = arith.extui %lt3A_144 : i1 to i32
        %cond3A_146 = arith.constant 0 : i32
        %cond3A_147 = arith.cmpi ne, %convert_element_type3A_145, %cond3A_146 : i32
        scf.if %cond3A_147 {
          %add3A_204 = arith.constant 4 : i32
          %add3A_205 = arith.addi %add3A_123, %add3A_204 : i32
          %shift_right_arithmetic3A_206 = arith.constant 1 : i32
          %shift_right_arithmetic3A_207 = arith.shrsi %add3A_205, %shift_right_arithmetic3A_206 : i32
          %and3A_208 = arith.constant 1 : i32
          %and3A_209 = arith.andi %add3A_205, %and3A_208 : i32
          %mul3A_210 = arith.constant 64 : i32
          %mul3A_211 = arith.muli %and3A_209, %mul3A_210 : i32
          %dma_start3A_212 = tpu.memref_slice %arg7[%shift_right_arithmetic3A_207, %mul3A_211] : memref<40x128xi32, #tpu.memory_space<vmem>> -> memref<1x64xi32, #tpu.memory_space<vmem>>
          %dma_start3A_213 = tpu.memref_squeeze %dma_start3A_212 : memref<1x64xi32, #tpu.memory_space<vmem>> -> memref<64xi32, #tpu.memory_space<vmem>>
          %dma_start3A_214 = arith.constant 0 : i32
          %dma_start3A_215 = arith.constant 0 : i32
          %dma_start3A_216 = tpu.memref_slice %arg2[%dma_start3A_214, %dma_start3A_215] : memref<10240x128xf32, #tpu.memory_space<hbm>> -> memref<10240x128xf32, #tpu.memory_space<hbm>>
          tpu.enqueue_indirect_dma source(%dma_start3A_216 : memref<10240x128xf32, #tpu.memory_space<hbm>>) target(%arg10 : memref<64x128xf32, #tpu.memory_space<vmem>>) offsets(%dma_start3A_213 : memref<64xi32, #tpu.memory_space<vmem>>) semaphore(%arg14 : memref<!tpu.dma_semaphore, #tpu.memory_space<semaphore_mem>>)
        } else {
        }
        %mul3A_148 = arith.constant 4 : i32
        %mul3A_149 = arith.muli %mul3A_148, %scan3A_95 : i32
        %add3A_150 = arith.constant 2 : i32
        %add3A_151 = arith.addi %mul3A_149, %add3A_150 : i32
        %shift_right_arithmetic3A_152 = arith.constant 1 : i32
        %shift_right_arithmetic3A_153 = arith.shrsi %add3A_151, %shift_right_arithmetic3A_152 : i32
        %and3A_154 = arith.constant 1 : i32
        %and3A_155 = arith.andi %add3A_151, %and3A_154 : i32
        %mul3A_156 = arith.constant 64 : i32
        %mul3A_157 = arith.muli %and3A_155, %mul3A_156 : i32
        %dma_wait3A_158 = tpu.memref_slice %arg7[%shift_right_arithmetic3A_153, %mul3A_157] : memref<40x128xi32, #tpu.memory_space<vmem>> -> memref<1x64xi32, #tpu.memory_space<vmem>>
        %dma_wait3A_159 = tpu.memref_squeeze %dma_wait3A_158 : memref<1x64xi32, #tpu.memory_space<vmem>> -> memref<64xi32, #tpu.memory_space<vmem>>
        %dma_wait3A_160 = arith.constant 0 : i32
        %dma_wait3A_161 = arith.constant 0 : i32
        %dma_wait3A_162 = tpu.memref_slice %arg2[%dma_wait3A_160, %dma_wait3A_161] : memref<10240x128xf32, #tpu.memory_space<hbm>> -> memref<10240x128xf32, #tpu.memory_space<hbm>>
        tpu.wait_indirect_dma semaphore(%arg15 : memref<!tpu.dma_semaphore, #tpu.memory_space<semaphore_mem>>) src(%dma_wait3A_162 : memref<10240x128xf32, #tpu.memory_space<hbm>>) dst(%arg11 : memref<64x128xf32, #tpu.memory_space<vmem>>)
        %shift_right_arithmetic3A_163 = arith.constant 1 : i32
        %shift_right_arithmetic3A_164 = arith.shrsi %add3A_151, %shift_right_arithmetic3A_163 : i32
        %and3A_165 = arith.constant 1 : i32
        %and3A_166 = arith.andi %add3A_151, %and3A_165 : i32
        %mul3A_167 = arith.constant 64 : i32
        %mul3A_168 = arith.muli %and3A_166, %mul3A_167 : i32
        "tpu.region"() ({
          %run_scoped3A_204 = tpu.sem_alloc : memref<!tpu.dma_semaphore, #tpu.memory_space<semaphore_mem>>
          %dma_start3A_205 = tpu.memref_slice %arg8[%shift_right_arithmetic3A_164, %mul3A_168] : memref<40x128xi32, #tpu.memory_space<vmem>> -> memref<1x64xi32, #tpu.memory_space<vmem>>
          %dma_start3A_206 = tpu.memref_squeeze %dma_start3A_205 : memref<1x64xi32, #tpu.memory_space<vmem>> -> memref<64xi32, #tpu.memory_space<vmem>>
          %dma_start3A_207 = arith.constant 0 : i32
          %dma_start3A_208 = arith.constant 0 : i32
          %dma_start3A_209 = tpu.memref_slice %arg6[%dma_start3A_207, %dma_start3A_208] : memref<10240x128xf32, #tpu.memory_space<vmem_shared>> -> memref<10240x128xf32, #tpu.memory_space<vmem_shared>>
          tpu.enqueue_indirect_dma source(%arg11 : memref<64x128xf32, #tpu.memory_space<vmem>>) target(%dma_start3A_209 : memref<10240x128xf32, #tpu.memory_space<vmem_shared>>) offsets(%dma_start3A_206 : memref<64xi32, #tpu.memory_space<vmem>>) semaphore(%run_scoped3A_204 : memref<!tpu.dma_semaphore, #tpu.memory_space<semaphore_mem>>) {add = true}
          %dma_wait3A_210 = tpu.memref_slice %arg8[%shift_right_arithmetic3A_164, %mul3A_168] : memref<40x128xi32, #tpu.memory_space<vmem>> -> memref<1x64xi32, #tpu.memory_space<vmem>>
          %dma_wait3A_211 = tpu.memref_squeeze %dma_wait3A_210 : memref<1x64xi32, #tpu.memory_space<vmem>> -> memref<64xi32, #tpu.memory_space<vmem>>
          %dma_wait3A_212 = arith.constant 0 : i32
          %dma_wait3A_213 = arith.constant 0 : i32
          %dma_wait3A_214 = tpu.memref_slice %arg6[%dma_wait3A_212, %dma_wait3A_213] : memref<10240x128xf32, #tpu.memory_space<vmem_shared>> -> memref<10240x128xf32, #tpu.memory_space<vmem_shared>>
          tpu.wait_indirect_dma semaphore(%run_scoped3A_204 : memref<!tpu.dma_semaphore, #tpu.memory_space<semaphore_mem>>) src(%arg11 : memref<64x128xf32, #tpu.memory_space<vmem>>) dst(%dma_wait3A_214 : memref<10240x128xf32, #tpu.memory_space<vmem_shared>>)
          tpu.yield
        }) : () -> ()
        %add3A_169 = arith.constant 4 : i32
        %add3A_170 = arith.addi %add3A_151, %add3A_169 : i32
        %lt3A_171 = arith.constant 32 : i32
        %lt3A_172 = arith.cmpi slt, %add3A_170, %lt3A_171 : i32
        %convert_element_type3A_173 = arith.extui %lt3A_172 : i1 to i32
        %cond3A_174 = arith.constant 0 : i32
        %cond3A_175 = arith.cmpi ne, %convert_element_type3A_173, %cond3A_174 : i32
        scf.if %cond3A_175 {
          %add3A_204 = arith.constant 4 : i32
          %add3A_205 = arith.addi %add3A_151, %add3A_204 : i32
          %shift_right_arithmetic3A_206 = arith.constant 1 : i32
          %shift_right_arithmetic3A_207 = arith.shrsi %add3A_205, %shift_right_arithmetic3A_206 : i32
          %and3A_208 = arith.constant 1 : i32
          %and3A_209 = arith.andi %add3A_205, %and3A_208 : i32
          %mul3A_210 = arith.constant 64 : i32
          %mul3A_211 = arith.muli %and3A_209, %mul3A_210 : i32
          %dma_start3A_212 = tpu.memref_slice %arg7[%shift_right_arithmetic3A_207, %mul3A_211] : memref<40x128xi32, #tpu.memory_space<vmem>> -> memref<1x64xi32, #tpu.memory_space<vmem>>
          %dma_start3A_213 = tpu.memref_squeeze %dma_start3A_212 : memref<1x64xi32, #tpu.memory_space<vmem>> -> memref<64xi32, #tpu.memory_space<vmem>>
          %dma_start3A_214 = arith.constant 0 : i32
          %dma_start3A_215 = arith.constant 0 : i32
          %dma_start3A_216 = tpu.memref_slice %arg2[%dma_start3A_214, %dma_start3A_215] : memref<10240x128xf32, #tpu.memory_space<hbm>> -> memref<10240x128xf32, #tpu.memory_space<hbm>>
          tpu.enqueue_indirect_dma source(%dma_start3A_216 : memref<10240x128xf32, #tpu.memory_space<hbm>>) target(%arg11 : memref<64x128xf32, #tpu.memory_space<vmem>>) offsets(%dma_start3A_213 : memref<64xi32, #tpu.memory_space<vmem>>) semaphore(%arg15 : memref<!tpu.dma_semaphore, #tpu.memory_space<semaphore_mem>>)
        } else {
        }
        %mul3A_176 = arith.constant 4 : i32
        %mul3A_177 = arith.muli %mul3A_176, %scan3A_95 : i32
        %add3A_178 = arith.constant 3 : i32
        %add3A_179 = arith.addi %mul3A_177, %add3A_178 : i32
        %shift_right_arithmetic3A_180 = arith.constant 1 : i32
        %shift_right_arithmetic3A_181 = arith.shrsi %add3A_179, %shift_right_arithmetic3A_180 : i32
        %and3A_182 = arith.constant 1 : i32
        %and3A_183 = arith.andi %add3A_179, %and3A_182 : i32
        %mul3A_184 = arith.constant 64 : i32
        %mul3A_185 = arith.muli %and3A_183, %mul3A_184 : i32
        %dma_wait3A_186 = tpu.memref_slice %arg7[%shift_right_arithmetic3A_181, %mul3A_185] : memref<40x128xi32, #tpu.memory_space<vmem>> -> memref<1x64xi32, #tpu.memory_space<vmem>>
        %dma_wait3A_187 = tpu.memref_squeeze %dma_wait3A_186 : memref<1x64xi32, #tpu.memory_space<vmem>> -> memref<64xi32, #tpu.memory_space<vmem>>
        %dma_wait3A_188 = arith.constant 0 : i32
        %dma_wait3A_189 = arith.constant 0 : i32
        %dma_wait3A_190 = tpu.memref_slice %arg2[%dma_wait3A_188, %dma_wait3A_189] : memref<10240x128xf32, #tpu.memory_space<hbm>> -> memref<10240x128xf32, #tpu.memory_space<hbm>>
        tpu.wait_indirect_dma semaphore(%arg16 : memref<!tpu.dma_semaphore, #tpu.memory_space<semaphore_mem>>) src(%dma_wait3A_190 : memref<10240x128xf32, #tpu.memory_space<hbm>>) dst(%arg12 : memref<64x128xf32, #tpu.memory_space<vmem>>)
        %shift_right_arithmetic3A_191 = arith.constant 1 : i32
        %shift_right_arithmetic3A_192 = arith.shrsi %add3A_179, %shift_right_arithmetic3A_191 : i32
        %and3A_193 = arith.constant 1 : i32
        %and3A_194 = arith.andi %add3A_179, %and3A_193 : i32
        %mul3A_195 = arith.constant 64 : i32
        %mul3A_196 = arith.muli %and3A_194, %mul3A_195 : i32
        "tpu.region"() ({
          %run_scoped3A_204 = tpu.sem_alloc : memref<!tpu.dma_semaphore, #tpu.memory_space<semaphore_mem>>
          %dma_start3A_205 = tpu.memref_slice %arg8[%shift_right_arithmetic3A_192, %mul3A_196] : memref<40x128xi32, #tpu.memory_space<vmem>> -> memref<1x64xi32, #tpu.memory_space<vmem>>
          %dma_start3A_206 = tpu.memref_squeeze %dma_start3A_205 : memref<1x64xi32, #tpu.memory_space<vmem>> -> memref<64xi32, #tpu.memory_space<vmem>>
          %dma_start3A_207 = arith.constant 0 : i32
          %dma_start3A_208 = arith.constant 0 : i32
          %dma_start3A_209 = tpu.memref_slice %arg6[%dma_start3A_207, %dma_start3A_208] : memref<10240x128xf32, #tpu.memory_space<vmem_shared>> -> memref<10240x128xf32, #tpu.memory_space<vmem_shared>>
          tpu.enqueue_indirect_dma source(%arg12 : memref<64x128xf32, #tpu.memory_space<vmem>>) target(%dma_start3A_209 : memref<10240x128xf32, #tpu.memory_space<vmem_shared>>) offsets(%dma_start3A_206 : memref<64xi32, #tpu.memory_space<vmem>>) semaphore(%run_scoped3A_204 : memref<!tpu.dma_semaphore, #tpu.memory_space<semaphore_mem>>) {add = true}
          %dma_wait3A_210 = tpu.memref_slice %arg8[%shift_right_arithmetic3A_192, %mul3A_196] : memref<40x128xi32, #tpu.memory_space<vmem>> -> memref<1x64xi32, #tpu.memory_space<vmem>>
          %dma_wait3A_211 = tpu.memref_squeeze %dma_wait3A_210 : memref<1x64xi32, #tpu.memory_space<vmem>> -> memref<64xi32, #tpu.memory_space<vmem>>
          %dma_wait3A_212 = arith.constant 0 : i32
          %dma_wait3A_213 = arith.constant 0 : i32
          %dma_wait3A_214 = tpu.memref_slice %arg6[%dma_wait3A_212, %dma_wait3A_213] : memref<10240x128xf32, #tpu.memory_space<vmem_shared>> -> memref<10240x128xf32, #tpu.memory_space<vmem_shared>>
          tpu.wait_indirect_dma semaphore(%run_scoped3A_204 : memref<!tpu.dma_semaphore, #tpu.memory_space<semaphore_mem>>) src(%arg12 : memref<64x128xf32, #tpu.memory_space<vmem>>) dst(%dma_wait3A_214 : memref<10240x128xf32, #tpu.memory_space<vmem_shared>>)
          tpu.yield
        }) : () -> ()
        %add3A_197 = arith.constant 4 : i32
        %add3A_198 = arith.addi %add3A_179, %add3A_197 : i32
        %lt3A_199 = arith.constant 32 : i32
        %lt3A_200 = arith.cmpi slt, %add3A_198, %lt3A_199 : i32
        %convert_element_type3A_201 = arith.extui %lt3A_200 : i1 to i32
        %cond3A_202 = arith.constant 0 : i32
        %cond3A_203 = arith.cmpi ne, %convert_element_type3A_201, %cond3A_202 : i32
        scf.if %cond3A_203 {
          %add3A_204 = arith.constant 4 : i32
          %add3A_205 = arith.addi %add3A_179, %add3A_204 : i32
          %shift_right_arithmetic3A_206 = arith.constant 1 : i32
          %shift_right_arithmetic3A_207 = arith.shrsi %add3A_205, %shift_right_arithmetic3A_206 : i32
          %and3A_208 = arith.constant 1 : i32
          %and3A_209 = arith.andi %add3A_205, %and3A_208 : i32
          %mul3A_210 = arith.constant 64 : i32
          %mul3A_211 = arith.muli %and3A_209, %mul3A_210 : i32
          %dma_start3A_212 = tpu.memref_slice %arg7[%shift_right_arithmetic3A_207, %mul3A_211] : memref<40x128xi32, #tpu.memory_space<vmem>> -> memref<1x64xi32, #tpu.memory_space<vmem>>
          %dma_start3A_213 = tpu.memref_squeeze %dma_start3A_212 : memref<1x64xi32, #tpu.memory_space<vmem>> -> memref<64xi32, #tpu.memory_space<vmem>>
          %dma_start3A_214 = arith.constant 0 : i32
          %dma_start3A_215 = arith.constant 0 : i32
          %dma_start3A_216 = tpu.memref_slice %arg2[%dma_start3A_214, %dma_start3A_215] : memref<10240x128xf32, #tpu.memory_space<hbm>> -> memref<10240x128xf32, #tpu.memory_space<hbm>>
          tpu.enqueue_indirect_dma source(%dma_start3A_216 : memref<10240x128xf32, #tpu.memory_space<hbm>>) target(%arg12 : memref<64x128xf32, #tpu.memory_space<vmem>>) offsets(%dma_start3A_213 : memref<64xi32, #tpu.memory_space<vmem>>) semaphore(%arg16 : memref<!tpu.dma_semaphore, #tpu.memory_space<semaphore_mem>>)
        } else {
        }
      }
      %scan3A_58 = arith.constant 8 : i32
      %run_scoped3A_59 = arith.constant 0 : i32
      "tpu.region"() ({
        %run_scoped3A_95 = tpu.sem_alloc : memref<!tpu.dma_semaphore, #tpu.memory_space<semaphore_mem>>
        %dma_start3A_96 = arith.constant 0 : i32
        %dma_start3A_97 = arith.constant 0 : i32
        %dma_start3A_98 = tpu.memref_slice %arg7[%dma_start3A_96, %dma_start3A_97] : memref<40x128xi32, #tpu.memory_space<vmem>> -> memref<4x128xi32, #tpu.memory_space<vmem>>
        %dma_start3A_99 = arith.constant 0 : i32
        %dma_start3A_100 = arith.constant 0 : i32
        %dma_start3A_101 = tpu.memref_slice %arg4[%run_scoped3A_59, %dma_start3A_99, %dma_start3A_100] : memref<2x4x128xi32, #tpu.memory_space<hbm>> -> memref<1x4x128xi32, #tpu.memory_space<hbm>>
        %dma_start3A_102 = tpu.memref_squeeze %dma_start3A_101 : memref<1x4x128xi32, #tpu.memory_space<hbm>> -> memref<4x128xi32, #tpu.memory_space<hbm>>
        %dma_start3A_103 = arith.constant 0 : i32
        %dma_start3A_104 = arith.constant 0 : i32
        %dma_start3A_105 = tpu.memref_slice %arg7[%dma_start3A_103, %dma_start3A_104] : memref<40x128xi32, #tpu.memory_space<vmem>> -> memref<4x128xi32, #tpu.memory_space<vmem>>
        %dma_start3A_106 = arith.constant 0 : i32
        %dma_start3A_107 = arith.constant 0 : i32
        %dma_start3A_108 = tpu.memref_slice %arg4[%run_scoped3A_59, %dma_start3A_106, %dma_start3A_107] : memref<2x4x128xi32, #tpu.memory_space<hbm>> -> memref<1x4x128xi32, #tpu.memory_space<hbm>>
        %dma_start3A_109 = tpu.memref_squeeze %dma_start3A_108 : memref<1x4x128xi32, #tpu.memory_space<hbm>> -> memref<4x128xi32, #tpu.memory_space<hbm>>
        tpu.enqueue_dma source(%dma_start3A_109 : memref<4x128xi32, #tpu.memory_space<hbm>>) target(%dma_start3A_105 : memref<4x128xi32, #tpu.memory_space<vmem>>) target_semaphore(%run_scoped3A_95 : memref<!tpu.dma_semaphore, #tpu.memory_space<semaphore_mem>>)
        %dma_wait3A = arith.constant 0 : i32
        %dma_wait3A_110 = arith.constant 0 : i32
        %dma_wait3A_111 = tpu.memref_slice %arg7[%dma_wait3A, %dma_wait3A_110] : memref<40x128xi32, #tpu.memory_space<vmem>> -> memref<4x128xi32, #tpu.memory_space<vmem>>
        %dma_wait3A_112 = arith.constant 0 : i32
        %dma_wait3A_113 = arith.constant 0 : i32
        %dma_wait3A_114 = tpu.memref_slice %arg4[%run_scoped3A_59, %dma_wait3A_112, %dma_wait3A_113] : memref<2x4x128xi32, #tpu.memory_space<hbm>> -> memref<1x4x128xi32, #tpu.memory_space<hbm>>
        %dma_wait3A_115 = tpu.memref_squeeze %dma_wait3A_114 : memref<1x4x128xi32, #tpu.memory_space<hbm>> -> memref<4x128xi32, #tpu.memory_space<hbm>>
        %dma_wait3A_116 = arith.constant 0 : i32
        %dma_wait3A_117 = arith.constant 0 : i32
        %dma_wait3A_118 = tpu.memref_slice %arg7[%dma_wait3A_116, %dma_wait3A_117] : memref<40x128xi32, #tpu.memory_space<vmem>> -> memref<4x128xi32, #tpu.memory_space<vmem>>
        %dma_wait3A_119 = arith.constant 0 : i32
        %dma_wait3A_120 = arith.constant 0 : i32
        %dma_wait3A_121 = tpu.memref_slice %arg4[%run_scoped3A_59, %dma_wait3A_119, %dma_wait3A_120] : memref<2x4x128xi32, #tpu.memory_space<hbm>> -> memref<1x4x128xi32, #tpu.memory_space<hbm>>
        %dma_wait3A_122 = tpu.memref_squeeze %dma_wait3A_121 : memref<1x4x128xi32, #tpu.memory_space<hbm>> -> memref<4x128xi32, #tpu.memory_space<hbm>>
        tpu.wait_dma2 semaphore(%run_scoped3A_95 : memref<!tpu.dma_semaphore, #tpu.memory_space<semaphore_mem>>) src(%dma_wait3A_122 : memref<4x128xi32, #tpu.memory_space<hbm>>) dst(%dma_wait3A_118 : memref<4x128xi32, #tpu.memory_space<vmem>>)
        tpu.yield
      }) : () -> ()
      %run_scoped3A_60 = arith.constant 1 : i32
      "tpu.region"() ({
        %run_scoped3A_95 = tpu.sem_alloc : memref<!tpu.dma_semaphore, #tpu.memory_space<semaphore_mem>>
        %dma_start3A_96 = arith.constant 0 : i32
        %dma_start3A_97 = arith.constant 0 : i32
        %dma_start3A_98 = tpu.memref_slice %arg8[%dma_start3A_96, %dma_start3A_97] : memref<40x128xi32, #tpu.memory_space<vmem>> -> memref<4x128xi32, #tpu.memory_space<vmem>>
        %dma_start3A_99 = arith.constant 0 : i32
        %dma_start3A_100 = arith.constant 0 : i32
        %dma_start3A_101 = tpu.memref_slice %arg4[%run_scoped3A_60, %dma_start3A_99, %dma_start3A_100] : memref<2x4x128xi32, #tpu.memory_space<hbm>> -> memref<1x4x128xi32, #tpu.memory_space<hbm>>
        %dma_start3A_102 = tpu.memref_squeeze %dma_start3A_101 : memref<1x4x128xi32, #tpu.memory_space<hbm>> -> memref<4x128xi32, #tpu.memory_space<hbm>>
        %dma_start3A_103 = arith.constant 0 : i32
        %dma_start3A_104 = arith.constant 0 : i32
        %dma_start3A_105 = tpu.memref_slice %arg8[%dma_start3A_103, %dma_start3A_104] : memref<40x128xi32, #tpu.memory_space<vmem>> -> memref<4x128xi32, #tpu.memory_space<vmem>>
        %dma_start3A_106 = arith.constant 0 : i32
        %dma_start3A_107 = arith.constant 0 : i32
        %dma_start3A_108 = tpu.memref_slice %arg4[%run_scoped3A_60, %dma_start3A_106, %dma_start3A_107] : memref<2x4x128xi32, #tpu.memory_space<hbm>> -> memref<1x4x128xi32, #tpu.memory_space<hbm>>
        %dma_start3A_109 = tpu.memref_squeeze %dma_start3A_108 : memref<1x4x128xi32, #tpu.memory_space<hbm>> -> memref<4x128xi32, #tpu.memory_space<hbm>>
        tpu.enqueue_dma source(%dma_start3A_109 : memref<4x128xi32, #tpu.memory_space<hbm>>) target(%dma_start3A_105 : memref<4x128xi32, #tpu.memory_space<vmem>>) target_semaphore(%run_scoped3A_95 : memref<!tpu.dma_semaphore, #tpu.memory_space<semaphore_mem>>)
        %dma_wait3A = arith.constant 0 : i32
        %dma_wait3A_110 = arith.constant 0 : i32
        %dma_wait3A_111 = tpu.memref_slice %arg8[%dma_wait3A, %dma_wait3A_110] : memref<40x128xi32, #tpu.memory_space<vmem>> -> memref<4x128xi32, #tpu.memory_space<vmem>>
        %dma_wait3A_112 = arith.constant 0 : i32
        %dma_wait3A_113 = arith.constant 0 : i32
        %dma_wait3A_114 = tpu.memref_slice %arg4[%run_scoped3A_60, %dma_wait3A_112, %dma_wait3A_113] : memref<2x4x128xi32, #tpu.memory_space<hbm>> -> memref<1x4x128xi32, #tpu.memory_space<hbm>>
        %dma_wait3A_115 = tpu.memref_squeeze %dma_wait3A_114 : memref<1x4x128xi32, #tpu.memory_space<hbm>> -> memref<4x128xi32, #tpu.memory_space<hbm>>
        %dma_wait3A_116 = arith.constant 0 : i32
        %dma_wait3A_117 = arith.constant 0 : i32
        %dma_wait3A_118 = tpu.memref_slice %arg8[%dma_wait3A_116, %dma_wait3A_117] : memref<40x128xi32, #tpu.memory_space<vmem>> -> memref<4x128xi32, #tpu.memory_space<vmem>>
        %dma_wait3A_119 = arith.constant 0 : i32
        %dma_wait3A_120 = arith.constant 0 : i32
        %dma_wait3A_121 = tpu.memref_slice %arg4[%run_scoped3A_60, %dma_wait3A_119, %dma_wait3A_120] : memref<2x4x128xi32, #tpu.memory_space<hbm>> -> memref<1x4x128xi32, #tpu.memory_space<hbm>>
        %dma_wait3A_122 = tpu.memref_squeeze %dma_wait3A_121 : memref<1x4x128xi32, #tpu.memory_space<hbm>> -> memref<4x128xi32, #tpu.memory_space<hbm>>
        tpu.wait_dma2 semaphore(%run_scoped3A_95 : memref<!tpu.dma_semaphore, #tpu.memory_space<semaphore_mem>>) src(%dma_wait3A_122 : memref<4x128xi32, #tpu.memory_space<hbm>>) dst(%dma_wait3A_118 : memref<4x128xi32, #tpu.memory_space<vmem>>)
        tpu.yield
      }) : () -> ()
      %dma_start3A_61 = arith.constant 0 : i32
      %dma_start3A_62 = arith.constant 0 : i32
      %dma_start3A_63 = tpu.memref_slice %arg7[%dma_start3A_61, %dma_start3A_62] : memref<40x128xi32, #tpu.memory_space<vmem>> -> memref<1x64xi32, #tpu.memory_space<vmem>>
      %dma_start3A_64 = tpu.memref_squeeze %dma_start3A_63 : memref<1x64xi32, #tpu.memory_space<vmem>> -> memref<64xi32, #tpu.memory_space<vmem>>
      %dma_start3A_65 = arith.constant 0 : i32
      %dma_start3A_66 = arith.constant 0 : i32
      %dma_start3A_67 = tpu.memref_slice %arg2[%dma_start3A_65, %dma_start3A_66] : memref<10240x128xf32, #tpu.memory_space<hbm>> -> memref<10240x128xf32, #tpu.memory_space<hbm>>
      tpu.enqueue_indirect_dma source(%dma_start3A_67 : memref<10240x128xf32, #tpu.memory_space<hbm>>) target(%arg9 : memref<64x128xf32, #tpu.memory_space<vmem>>) offsets(%dma_start3A_64 : memref<64xi32, #tpu.memory_space<vmem>>) semaphore(%arg13 : memref<!tpu.dma_semaphore, #tpu.memory_space<semaphore_mem>>)
      %dma_start3A_68 = arith.constant 0 : i32
      %dma_start3A_69 = arith.constant 64 : i32
      %dma_start3A_70 = tpu.memref_slice %arg7[%dma_start3A_68, %dma_start3A_69] : memref<40x128xi32, #tpu.memory_space<vmem>> -> memref<1x64xi32, #tpu.memory_space<vmem>>
      %dma_start3A_71 = tpu.memref_squeeze %dma_start3A_70 : memref<1x64xi32, #tpu.memory_space<vmem>> -> memref<64xi32, #tpu.memory_space<vmem>>
      %dma_start3A_72 = arith.constant 0 : i32
      %dma_start3A_73 = arith.constant 0 : i32
      %dma_start3A_74 = tpu.memref_slice %arg2[%dma_start3A_72, %dma_start3A_73] : memref<10240x128xf32, #tpu.memory_space<hbm>> -> memref<10240x128xf32, #tpu.memory_space<hbm>>
      tpu.enqueue_indirect_dma source(%dma_start3A_74 : memref<10240x128xf32, #tpu.memory_space<hbm>>) target(%arg10 : memref<64x128xf32, #tpu.memory_space<vmem>>) offsets(%dma_start3A_71 : memref<64xi32, #tpu.memory_space<vmem>>) semaphore(%arg14 : memref<!tpu.dma_semaphore, #tpu.memory_space<semaphore_mem>>)
      %dma_start3A_75 = arith.constant 1 : i32
      %dma_start3A_76 = arith.constant 0 : i32
      %dma_start3A_77 = tpu.memref_slice %arg7[%dma_start3A_75, %dma_start3A_76] : memref<40x128xi32, #tpu.memory_space<vmem>> -> memref<1x64xi32, #tpu.memory_space<vmem>>
      %dma_start3A_78 = tpu.memref_squeeze %dma_start3A_77 : memref<1x64xi32, #tpu.memory_space<vmem>> -> memref<64xi32, #tpu.memory_space<vmem>>
      %dma_start3A_79 = arith.constant 0 : i32
      %dma_start3A_80 = arith.constant 0 : i32
      %dma_start3A_81 = tpu.memref_slice %arg2[%dma_start3A_79, %dma_start3A_80] : memref<10240x128xf32, #tpu.memory_space<hbm>> -> memref<10240x128xf32, #tpu.memory_space<hbm>>
      tpu.enqueue_indirect_dma source(%dma_start3A_81 : memref<10240x128xf32, #tpu.memory_space<hbm>>) target(%arg11 : memref<64x128xf32, #tpu.memory_space<vmem>>) offsets(%dma_start3A_78 : memref<64xi32, #tpu.memory_space<vmem>>) semaphore(%arg15 : memref<!tpu.dma_semaphore, #tpu.memory_space<semaphore_mem>>)
      %dma_start3A_82 = arith.constant 1 : i32
      %dma_start3A_83 = arith.constant 64 : i32
      %dma_start3A_84 = tpu.memref_slice %arg7[%dma_start3A_82, %dma_start3A_83] : memref<40x128xi32, #tpu.memory_space<vmem>> -> memref<1x64xi32, #tpu.memory_space<vmem>>
      %dma_start3A_85 = tpu.memref_squeeze %dma_start3A_84 : memref<1x64xi32, #tpu.memory_space<vmem>> -> memref<64xi32, #tpu.memory_space<vmem>>
      %dma_start3A_86 = arith.constant 0 : i32
      %dma_start3A_87 = arith.constant 0 : i32
      %dma_start3A_88 = tpu.memref_slice %arg2[%dma_start3A_86, %dma_start3A_87] : memref<10240x128xf32, #tpu.memory_space<hbm>> -> memref<10240x128xf32, #tpu.memory_space<hbm>>
      tpu.enqueue_indirect_dma source(%dma_start3A_88 : memref<10240x128xf32, #tpu.memory_space<hbm>>) target(%arg12 : memref<64x128xf32, #tpu.memory_space<vmem>>) offsets(%dma_start3A_85 : memref<64xi32, #tpu.memory_space<vmem>>) semaphore(%arg16 : memref<!tpu.dma_semaphore, #tpu.memory_space<semaphore_mem>>)
      %scan3A_89 = arith.constant 0 : i32
      %scan3A_90 = arith.constant 0 : i32
      %scan3A_91 = arith.constant 2 : i32
      %scan3A_92 = arith.addi %scan3A_90, %scan3A_91 : i32
      %scan3A_93 = arith.constant 1 : i32
      scf.for %scan3A_95 = %scan3A_90 to %scan3A_92 step %scan3A_93  : i32 {
        %mul3A_96 = arith.constant 4 : i32
        %mul3A_97 = arith.muli %mul3A_96, %scan3A_95 : i32
        %add3A_98 = arith.constant 0 : i32
        %add3A_99 = arith.addi %mul3A_97, %add3A_98 : i32
        %shift_right_arithmetic3A = arith.constant 1 : i32
        %shift_right_arithmetic3A_100 = arith.shrsi %add3A_99, %shift_right_arithmetic3A : i32
        %and3A = arith.constant 1 : i32
        %and3A_101 = arith.andi %add3A_99, %and3A : i32
        %mul3A_102 = arith.constant 64 : i32
        %mul3A_103 = arith.muli %and3A_101, %mul3A_102 : i32
        %dma_wait3A = tpu.memref_slice %arg7[%shift_right_arithmetic3A_100, %mul3A_103] : memref<40x128xi32, #tpu.memory_space<vmem>> -> memref<1x64xi32, #tpu.memory_space<vmem>>
        %dma_wait3A_104 = tpu.memref_squeeze %dma_wait3A : memref<1x64xi32, #tpu.memory_space<vmem>> -> memref<64xi32, #tpu.memory_space<vmem>>
        %dma_wait3A_105 = arith.constant 0 : i32
        %dma_wait3A_106 = arith.constant 0 : i32
        %dma_wait3A_107 = tpu.memref_slice %arg2[%dma_wait3A_105, %dma_wait3A_106] : memref<10240x128xf32, #tpu.memory_space<hbm>> -> memref<10240x128xf32, #tpu.memory_space<hbm>>
        tpu.wait_indirect_dma semaphore(%arg13 : memref<!tpu.dma_semaphore, #tpu.memory_space<semaphore_mem>>) src(%dma_wait3A_107 : memref<10240x128xf32, #tpu.memory_space<hbm>>) dst(%arg9 : memref<64x128xf32, #tpu.memory_space<vmem>>)
        %shift_right_arithmetic3A_108 = arith.constant 1 : i32
        %shift_right_arithmetic3A_109 = arith.shrsi %add3A_99, %shift_right_arithmetic3A_108 : i32
        %and3A_110 = arith.constant 1 : i32
        %and3A_111 = arith.andi %add3A_99, %and3A_110 : i32
        %mul3A_112 = arith.constant 64 : i32
        %mul3A_113 = arith.muli %and3A_111, %mul3A_112 : i32
        "tpu.region"() ({
          %run_scoped3A_204 = tpu.sem_alloc : memref<!tpu.dma_semaphore, #tpu.memory_space<semaphore_mem>>
          %dma_start3A_205 = tpu.memref_slice %arg8[%shift_right_arithmetic3A_109, %mul3A_113] : memref<40x128xi32, #tpu.memory_space<vmem>> -> memref<1x64xi32, #tpu.memory_space<vmem>>
          %dma_start3A_206 = tpu.memref_squeeze %dma_start3A_205 : memref<1x64xi32, #tpu.memory_space<vmem>> -> memref<64xi32, #tpu.memory_space<vmem>>
          %dma_start3A_207 = arith.constant 0 : i32
          %dma_start3A_208 = arith.constant 0 : i32
          %dma_start3A_209 = tpu.memref_slice %arg6[%dma_start3A_207, %dma_start3A_208] : memref<10240x128xf32, #tpu.memory_space<vmem_shared>> -> memref<10240x128xf32, #tpu.memory_space<vmem_shared>>
          tpu.enqueue_indirect_dma source(%arg9 : memref<64x128xf32, #tpu.memory_space<vmem>>) target(%dma_start3A_209 : memref<10240x128xf32, #tpu.memory_space<vmem_shared>>) offsets(%dma_start3A_206 : memref<64xi32, #tpu.memory_space<vmem>>) semaphore(%run_scoped3A_204 : memref<!tpu.dma_semaphore, #tpu.memory_space<semaphore_mem>>) {add = true}
          %dma_wait3A_210 = tpu.memref_slice %arg8[%shift_right_arithmetic3A_109, %mul3A_113] : memref<40x128xi32, #tpu.memory_space<vmem>> -> memref<1x64xi32, #tpu.memory_space<vmem>>
          %dma_wait3A_211 = tpu.memref_squeeze %dma_wait3A_210 : memref<1x64xi32, #tpu.memory_space<vmem>> -> memref<64xi32, #tpu.memory_space<vmem>>
          %dma_wait3A_212 = arith.constant 0 : i32
          %dma_wait3A_213 = arith.constant 0 : i32
          %dma_wait3A_214 = tpu.memref_slice %arg6[%dma_wait3A_212, %dma_wait3A_213] : memref<10240x128xf32, #tpu.memory_space<vmem_shared>> -> memref<10240x128xf32, #tpu.memory_space<vmem_shared>>
          tpu.wait_indirect_dma semaphore(%run_scoped3A_204 : memref<!tpu.dma_semaphore, #tpu.memory_space<semaphore_mem>>) src(%arg9 : memref<64x128xf32, #tpu.memory_space<vmem>>) dst(%dma_wait3A_214 : memref<10240x128xf32, #tpu.memory_space<vmem_shared>>)
          tpu.yield
        }) : () -> ()
        %add3A_114 = arith.constant 4 : i32
        %add3A_115 = arith.addi %add3A_99, %add3A_114 : i32
        %lt3A = arith.constant 8 : i32
        %lt3A_116 = arith.cmpi slt, %add3A_115, %lt3A : i32
        %convert_element_type3A_117 = arith.extui %lt3A_116 : i1 to i32
        %cond3A_118 = arith.constant 0 : i32
        %cond3A_119 = arith.cmpi ne, %convert_element_type3A_117, %cond3A_118 : i32
        scf.if %cond3A_119 {
          %add3A_204 = arith.constant 4 : i32
          %add3A_205 = arith.addi %add3A_99, %add3A_204 : i32
          %shift_right_arithmetic3A_206 = arith.constant 1 : i32
          %shift_right_arithmetic3A_207 = arith.shrsi %add3A_205, %shift_right_arithmetic3A_206 : i32
          %and3A_208 = arith.constant 1 : i32
          %and3A_209 = arith.andi %add3A_205, %and3A_208 : i32
          %mul3A_210 = arith.constant 64 : i32
          %mul3A_211 = arith.muli %and3A_209, %mul3A_210 : i32
          %dma_start3A_212 = tpu.memref_slice %arg7[%shift_right_arithmetic3A_207, %mul3A_211] : memref<40x128xi32, #tpu.memory_space<vmem>> -> memref<1x64xi32, #tpu.memory_space<vmem>>
          %dma_start3A_213 = tpu.memref_squeeze %dma_start3A_212 : memref<1x64xi32, #tpu.memory_space<vmem>> -> memref<64xi32, #tpu.memory_space<vmem>>
          %dma_start3A_214 = arith.constant 0 : i32
          %dma_start3A_215 = arith.constant 0 : i32
          %dma_start3A_216 = tpu.memref_slice %arg2[%dma_start3A_214, %dma_start3A_215] : memref<10240x128xf32, #tpu.memory_space<hbm>> -> memref<10240x128xf32, #tpu.memory_space<hbm>>
          tpu.enqueue_indirect_dma source(%dma_start3A_216 : memref<10240x128xf32, #tpu.memory_space<hbm>>) target(%arg9 : memref<64x128xf32, #tpu.memory_space<vmem>>) offsets(%dma_start3A_213 : memref<64xi32, #tpu.memory_space<vmem>>) semaphore(%arg13 : memref<!tpu.dma_semaphore, #tpu.memory_space<semaphore_mem>>)
        } else {
        }
        %mul3A_120 = arith.constant 4 : i32
        %mul3A_121 = arith.muli %mul3A_120, %scan3A_95 : i32
        %add3A_122 = arith.constant 1 : i32
        %add3A_123 = arith.addi %mul3A_121, %add3A_122 : i32
        %shift_right_arithmetic3A_124 = arith.constant 1 : i32
        %shift_right_arithmetic3A_125 = arith.shrsi %add3A_123, %shift_right_arithmetic3A_124 : i32
        %and3A_126 = arith.constant 1 : i32
        %and3A_127 = arith.andi %add3A_123, %and3A_126 : i32
        %mul3A_128 = arith.constant 64 : i32
        %mul3A_129 = arith.muli %and3A_127, %mul3A_128 : i32
        %dma_wait3A_130 = tpu.memref_slice %arg7[%shift_right_arithmetic3A_125, %mul3A_129] : memref<40x128xi32, #tpu.memory_space<vmem>> -> memref<1x64xi32, #tpu.memory_space<vmem>>
        %dma_wait3A_131 = tpu.memref_squeeze %dma_wait3A_130 : memref<1x64xi32, #tpu.memory_space<vmem>> -> memref<64xi32, #tpu.memory_space<vmem>>
        %dma_wait3A_132 = arith.constant 0 : i32
        %dma_wait3A_133 = arith.constant 0 : i32
        %dma_wait3A_134 = tpu.memref_slice %arg2[%dma_wait3A_132, %dma_wait3A_133] : memref<10240x128xf32, #tpu.memory_space<hbm>> -> memref<10240x128xf32, #tpu.memory_space<hbm>>
        tpu.wait_indirect_dma semaphore(%arg14 : memref<!tpu.dma_semaphore, #tpu.memory_space<semaphore_mem>>) src(%dma_wait3A_134 : memref<10240x128xf32, #tpu.memory_space<hbm>>) dst(%arg10 : memref<64x128xf32, #tpu.memory_space<vmem>>)
        %shift_right_arithmetic3A_135 = arith.constant 1 : i32
        %shift_right_arithmetic3A_136 = arith.shrsi %add3A_123, %shift_right_arithmetic3A_135 : i32
        %and3A_137 = arith.constant 1 : i32
        %and3A_138 = arith.andi %add3A_123, %and3A_137 : i32
        %mul3A_139 = arith.constant 64 : i32
        %mul3A_140 = arith.muli %and3A_138, %mul3A_139 : i32
        "tpu.region"() ({
          %run_scoped3A_204 = tpu.sem_alloc : memref<!tpu.dma_semaphore, #tpu.memory_space<semaphore_mem>>
          %dma_start3A_205 = tpu.memref_slice %arg8[%shift_right_arithmetic3A_136, %mul3A_140] : memref<40x128xi32, #tpu.memory_space<vmem>> -> memref<1x64xi32, #tpu.memory_space<vmem>>
          %dma_start3A_206 = tpu.memref_squeeze %dma_start3A_205 : memref<1x64xi32, #tpu.memory_space<vmem>> -> memref<64xi32, #tpu.memory_space<vmem>>
          %dma_start3A_207 = arith.constant 0 : i32
          %dma_start3A_208 = arith.constant 0 : i32
          %dma_start3A_209 = tpu.memref_slice %arg6[%dma_start3A_207, %dma_start3A_208] : memref<10240x128xf32, #tpu.memory_space<vmem_shared>> -> memref<10240x128xf32, #tpu.memory_space<vmem_shared>>
          tpu.enqueue_indirect_dma source(%arg10 : memref<64x128xf32, #tpu.memory_space<vmem>>) target(%dma_start3A_209 : memref<10240x128xf32, #tpu.memory_space<vmem_shared>>) offsets(%dma_start3A_206 : memref<64xi32, #tpu.memory_space<vmem>>) semaphore(%run_scoped3A_204 : memref<!tpu.dma_semaphore, #tpu.memory_space<semaphore_mem>>) {add = true}
          %dma_wait3A_210 = tpu.memref_slice %arg8[%shift_right_arithmetic3A_136, %mul3A_140] : memref<40x128xi32, #tpu.memory_space<vmem>> -> memref<1x64xi32, #tpu.memory_space<vmem>>
          %dma_wait3A_211 = tpu.memref_squeeze %dma_wait3A_210 : memref<1x64xi32, #tpu.memory_space<vmem>> -> memref<64xi32, #tpu.memory_space<vmem>>
          %dma_wait3A_212 = arith.constant 0 : i32
          %dma_wait3A_213 = arith.constant 0 : i32
          %dma_wait3A_214 = tpu.memref_slice %arg6[%dma_wait3A_212, %dma_wait3A_213] : memref<10240x128xf32, #tpu.memory_space<vmem_shared>> -> memref<10240x128xf32, #tpu.memory_space<vmem_shared>>
          tpu.wait_indirect_dma semaphore(%run_scoped3A_204 : memref<!tpu.dma_semaphore, #tpu.memory_space<semaphore_mem>>) src(%arg10 : memref<64x128xf32, #tpu.memory_space<vmem>>) dst(%dma_wait3A_214 : memref<10240x128xf32, #tpu.memory_space<vmem_shared>>)
          tpu.yield
        }) : () -> ()
        %add3A_141 = arith.constant 4 : i32
        %add3A_142 = arith.addi %add3A_123, %add3A_141 : i32
        %lt3A_143 = arith.constant 8 : i32
        %lt3A_144 = arith.cmpi slt, %add3A_142, %lt3A_143 : i32
        %convert_element_type3A_145 = arith.extui %lt3A_144 : i1 to i32
        %cond3A_146 = arith.constant 0 : i32
        %cond3A_147 = arith.cmpi ne, %convert_element_type3A_145, %cond3A_146 : i32
        scf.if %cond3A_147 {
          %add3A_204 = arith.constant 4 : i32
          %add3A_205 = arith.addi %add3A_123, %add3A_204 : i32
          %shift_right_arithmetic3A_206 = arith.constant 1 : i32
          %shift_right_arithmetic3A_207 = arith.shrsi %add3A_205, %shift_right_arithmetic3A_206 : i32
          %and3A_208 = arith.constant 1 : i32
          %and3A_209 = arith.andi %add3A_205, %and3A_208 : i32
          %mul3A_210 = arith.constant 64 : i32
          %mul3A_211 = arith.muli %and3A_209, %mul3A_210 : i32
          %dma_start3A_212 = tpu.memref_slice %arg7[%shift_right_arithmetic3A_207, %mul3A_211] : memref<40x128xi32, #tpu.memory_space<vmem>> -> memref<1x64xi32, #tpu.memory_space<vmem>>
          %dma_start3A_213 = tpu.memref_squeeze %dma_start3A_212 : memref<1x64xi32, #tpu.memory_space<vmem>> -> memref<64xi32, #tpu.memory_space<vmem>>
          %dma_start3A_214 = arith.constant 0 : i32
          %dma_start3A_215 = arith.constant 0 : i32
          %dma_start3A_216 = tpu.memref_slice %arg2[%dma_start3A_214, %dma_start3A_215] : memref<10240x128xf32, #tpu.memory_space<hbm>> -> memref<10240x128xf32, #tpu.memory_space<hbm>>
          tpu.enqueue_indirect_dma source(%dma_start3A_216 : memref<10240x128xf32, #tpu.memory_space<hbm>>) target(%arg10 : memref<64x128xf32, #tpu.memory_space<vmem>>) offsets(%dma_start3A_213 : memref<64xi32, #tpu.memory_space<vmem>>) semaphore(%arg14 : memref<!tpu.dma_semaphore, #tpu.memory_space<semaphore_mem>>)
        } else {
        }
        %mul3A_148 = arith.constant 4 : i32
        %mul3A_149 = arith.muli %mul3A_148, %scan3A_95 : i32
        %add3A_150 = arith.constant 2 : i32
        %add3A_151 = arith.addi %mul3A_149, %add3A_150 : i32
        %shift_right_arithmetic3A_152 = arith.constant 1 : i32
        %shift_right_arithmetic3A_153 = arith.shrsi %add3A_151, %shift_right_arithmetic3A_152 : i32
        %and3A_154 = arith.constant 1 : i32
        %and3A_155 = arith.andi %add3A_151, %and3A_154 : i32
        %mul3A_156 = arith.constant 64 : i32
        %mul3A_157 = arith.muli %and3A_155, %mul3A_156 : i32
        %dma_wait3A_158 = tpu.memref_slice %arg7[%shift_right_arithmetic3A_153, %mul3A_157] : memref<40x128xi32, #tpu.memory_space<vmem>> -> memref<1x64xi32, #tpu.memory_space<vmem>>
        %dma_wait3A_159 = tpu.memref_squeeze %dma_wait3A_158 : memref<1x64xi32, #tpu.memory_space<vmem>> -> memref<64xi32, #tpu.memory_space<vmem>>
        %dma_wait3A_160 = arith.constant 0 : i32
        %dma_wait3A_161 = arith.constant 0 : i32
        %dma_wait3A_162 = tpu.memref_slice %arg2[%dma_wait3A_160, %dma_wait3A_161] : memref<10240x128xf32, #tpu.memory_space<hbm>> -> memref<10240x128xf32, #tpu.memory_space<hbm>>
        tpu.wait_indirect_dma semaphore(%arg15 : memref<!tpu.dma_semaphore, #tpu.memory_space<semaphore_mem>>) src(%dma_wait3A_162 : memref<10240x128xf32, #tpu.memory_space<hbm>>) dst(%arg11 : memref<64x128xf32, #tpu.memory_space<vmem>>)
        %shift_right_arithmetic3A_163 = arith.constant 1 : i32
        %shift_right_arithmetic3A_164 = arith.shrsi %add3A_151, %shift_right_arithmetic3A_163 : i32
        %and3A_165 = arith.constant 1 : i32
        %and3A_166 = arith.andi %add3A_151, %and3A_165 : i32
        %mul3A_167 = arith.constant 64 : i32
        %mul3A_168 = arith.muli %and3A_166, %mul3A_167 : i32
        "tpu.region"() ({
          %run_scoped3A_204 = tpu.sem_alloc : memref<!tpu.dma_semaphore, #tpu.memory_space<semaphore_mem>>
          %dma_start3A_205 = tpu.memref_slice %arg8[%shift_right_arithmetic3A_164, %mul3A_168] : memref<40x128xi32, #tpu.memory_space<vmem>> -> memref<1x64xi32, #tpu.memory_space<vmem>>
          %dma_start3A_206 = tpu.memref_squeeze %dma_start3A_205 : memref<1x64xi32, #tpu.memory_space<vmem>> -> memref<64xi32, #tpu.memory_space<vmem>>
          %dma_start3A_207 = arith.constant 0 : i32
          %dma_start3A_208 = arith.constant 0 : i32
          %dma_start3A_209 = tpu.memref_slice %arg6[%dma_start3A_207, %dma_start3A_208] : memref<10240x128xf32, #tpu.memory_space<vmem_shared>> -> memref<10240x128xf32, #tpu.memory_space<vmem_shared>>
          tpu.enqueue_indirect_dma source(%arg11 : memref<64x128xf32, #tpu.memory_space<vmem>>) target(%dma_start3A_209 : memref<10240x128xf32, #tpu.memory_space<vmem_shared>>) offsets(%dma_start3A_206 : memref<64xi32, #tpu.memory_space<vmem>>) semaphore(%run_scoped3A_204 : memref<!tpu.dma_semaphore, #tpu.memory_space<semaphore_mem>>) {add = true}
          %dma_wait3A_210 = tpu.memref_slice %arg8[%shift_right_arithmetic3A_164, %mul3A_168] : memref<40x128xi32, #tpu.memory_space<vmem>> -> memref<1x64xi32, #tpu.memory_space<vmem>>
          %dma_wait3A_211 = tpu.memref_squeeze %dma_wait3A_210 : memref<1x64xi32, #tpu.memory_space<vmem>> -> memref<64xi32, #tpu.memory_space<vmem>>
          %dma_wait3A_212 = arith.constant 0 : i32
          %dma_wait3A_213 = arith.constant 0 : i32
          %dma_wait3A_214 = tpu.memref_slice %arg6[%dma_wait3A_212, %dma_wait3A_213] : memref<10240x128xf32, #tpu.memory_space<vmem_shared>> -> memref<10240x128xf32, #tpu.memory_space<vmem_shared>>
          tpu.wait_indirect_dma semaphore(%run_scoped3A_204 : memref<!tpu.dma_semaphore, #tpu.memory_space<semaphore_mem>>) src(%arg11 : memref<64x128xf32, #tpu.memory_space<vmem>>) dst(%dma_wait3A_214 : memref<10240x128xf32, #tpu.memory_space<vmem_shared>>)
          tpu.yield
        }) : () -> ()
        %add3A_169 = arith.constant 4 : i32
        %add3A_170 = arith.addi %add3A_151, %add3A_169 : i32
        %lt3A_171 = arith.constant 8 : i32
        %lt3A_172 = arith.cmpi slt, %add3A_170, %lt3A_171 : i32
        %convert_element_type3A_173 = arith.extui %lt3A_172 : i1 to i32
        %cond3A_174 = arith.constant 0 : i32
        %cond3A_175 = arith.cmpi ne, %convert_element_type3A_173, %cond3A_174 : i32
        scf.if %cond3A_175 {
          %add3A_204 = arith.constant 4 : i32
          %add3A_205 = arith.addi %add3A_151, %add3A_204 : i32
          %shift_right_arithmetic3A_206 = arith.constant 1 : i32
          %shift_right_arithmetic3A_207 = arith.shrsi %add3A_205, %shift_right_arithmetic3A_206 : i32
          %and3A_208 = arith.constant 1 : i32
          %and3A_209 = arith.andi %add3A_205, %and3A_208 : i32
          %mul3A_210 = arith.constant 64 : i32
          %mul3A_211 = arith.muli %and3A_209, %mul3A_210 : i32
          %dma_start3A_212 = tpu.memref_slice %arg7[%shift_right_arithmetic3A_207, %mul3A_211] : memref<40x128xi32, #tpu.memory_space<vmem>> -> memref<1x64xi32, #tpu.memory_space<vmem>>
          %dma_start3A_213 = tpu.memref_squeeze %dma_start3A_212 : memref<1x64xi32, #tpu.memory_space<vmem>> -> memref<64xi32, #tpu.memory_space<vmem>>
          %dma_start3A_214 = arith.constant 0 : i32
          %dma_start3A_215 = arith.constant 0 : i32
          %dma_start3A_216 = tpu.memref_slice %arg2[%dma_start3A_214, %dma_start3A_215] : memref<10240x128xf32, #tpu.memory_space<hbm>> -> memref<10240x128xf32, #tpu.memory_space<hbm>>
          tpu.enqueue_indirect_dma source(%dma_start3A_216 : memref<10240x128xf32, #tpu.memory_space<hbm>>) target(%arg11 : memref<64x128xf32, #tpu.memory_space<vmem>>) offsets(%dma_start3A_213 : memref<64xi32, #tpu.memory_space<vmem>>) semaphore(%arg15 : memref<!tpu.dma_semaphore, #tpu.memory_space<semaphore_mem>>)
        } else {
        }
        %mul3A_176 = arith.constant 4 : i32
        %mul3A_177 = arith.muli %mul3A_176, %scan3A_95 : i32
        %add3A_178 = arith.constant 3 : i32
        %add3A_179 = arith.addi %mul3A_177, %add3A_178 : i32
        %shift_right_arithmetic3A_180 = arith.constant 1 : i32
        %shift_right_arithmetic3A_181 = arith.shrsi %add3A_179, %shift_right_arithmetic3A_180 : i32
        %and3A_182 = arith.constant 1 : i32
        %and3A_183 = arith.andi %add3A_179, %and3A_182 : i32
        %mul3A_184 = arith.constant 64 : i32
        %mul3A_185 = arith.muli %and3A_183, %mul3A_184 : i32
        %dma_wait3A_186 = tpu.memref_slice %arg7[%shift_right_arithmetic3A_181, %mul3A_185] : memref<40x128xi32, #tpu.memory_space<vmem>> -> memref<1x64xi32, #tpu.memory_space<vmem>>
        %dma_wait3A_187 = tpu.memref_squeeze %dma_wait3A_186 : memref<1x64xi32, #tpu.memory_space<vmem>> -> memref<64xi32, #tpu.memory_space<vmem>>
        %dma_wait3A_188 = arith.constant 0 : i32
        %dma_wait3A_189 = arith.constant 0 : i32
        %dma_wait3A_190 = tpu.memref_slice %arg2[%dma_wait3A_188, %dma_wait3A_189] : memref<10240x128xf32, #tpu.memory_space<hbm>> -> memref<10240x128xf32, #tpu.memory_space<hbm>>
        tpu.wait_indirect_dma semaphore(%arg16 : memref<!tpu.dma_semaphore, #tpu.memory_space<semaphore_mem>>) src(%dma_wait3A_190 : memref<10240x128xf32, #tpu.memory_space<hbm>>) dst(%arg12 : memref<64x128xf32, #tpu.memory_space<vmem>>)
        %shift_right_arithmetic3A_191 = arith.constant 1 : i32
        %shift_right_arithmetic3A_192 = arith.shrsi %add3A_179, %shift_right_arithmetic3A_191 : i32
        %and3A_193 = arith.constant 1 : i32
        %and3A_194 = arith.andi %add3A_179, %and3A_193 : i32
        %mul3A_195 = arith.constant 64 : i32
        %mul3A_196 = arith.muli %and3A_194, %mul3A_195 : i32
        "tpu.region"() ({
          %run_scoped3A_204 = tpu.sem_alloc : memref<!tpu.dma_semaphore, #tpu.memory_space<semaphore_mem>>
          %dma_start3A_205 = tpu.memref_slice %arg8[%shift_right_arithmetic3A_192, %mul3A_196] : memref<40x128xi32, #tpu.memory_space<vmem>> -> memref<1x64xi32, #tpu.memory_space<vmem>>
          %dma_start3A_206 = tpu.memref_squeeze %dma_start3A_205 : memref<1x64xi32, #tpu.memory_space<vmem>> -> memref<64xi32, #tpu.memory_space<vmem>>
          %dma_start3A_207 = arith.constant 0 : i32
          %dma_start3A_208 = arith.constant 0 : i32
          %dma_start3A_209 = tpu.memref_slice %arg6[%dma_start3A_207, %dma_start3A_208] : memref<10240x128xf32, #tpu.memory_space<vmem_shared>> -> memref<10240x128xf32, #tpu.memory_space<vmem_shared>>
          tpu.enqueue_indirect_dma source(%arg12 : memref<64x128xf32, #tpu.memory_space<vmem>>) target(%dma_start3A_209 : memref<10240x128xf32, #tpu.memory_space<vmem_shared>>) offsets(%dma_start3A_206 : memref<64xi32, #tpu.memory_space<vmem>>) semaphore(%run_scoped3A_204 : memref<!tpu.dma_semaphore, #tpu.memory_space<semaphore_mem>>) {add = true}
          %dma_wait3A_210 = tpu.memref_slice %arg8[%shift_right_arithmetic3A_192, %mul3A_196] : memref<40x128xi32, #tpu.memory_space<vmem>> -> memref<1x64xi32, #tpu.memory_space<vmem>>
          %dma_wait3A_211 = tpu.memref_squeeze %dma_wait3A_210 : memref<1x64xi32, #tpu.memory_space<vmem>> -> memref<64xi32, #tpu.memory_space<vmem>>
          %dma_wait3A_212 = arith.constant 0 : i32
          %dma_wait3A_213 = arith.constant 0 : i32
          %dma_wait3A_214 = tpu.memref_slice %arg6[%dma_wait3A_212, %dma_wait3A_213] : memref<10240x128xf32, #tpu.memory_space<vmem_shared>> -> memref<10240x128xf32, #tpu.memory_space<vmem_shared>>
          tpu.wait_indirect_dma semaphore(%run_scoped3A_204 : memref<!tpu.dma_semaphore, #tpu.memory_space<semaphore_mem>>) src(%arg12 : memref<64x128xf32, #tpu.memory_space<vmem>>) dst(%dma_wait3A_214 : memref<10240x128xf32, #tpu.memory_space<vmem_shared>>)
          tpu.yield
        }) : () -> ()
        %add3A_197 = arith.constant 4 : i32
        %add3A_198 = arith.addi %add3A_179, %add3A_197 : i32
        %lt3A_199 = arith.constant 8 : i32
        %lt3A_200 = arith.cmpi slt, %add3A_198, %lt3A_199 : i32
        %convert_element_type3A_201 = arith.extui %lt3A_200 : i1 to i32
        %cond3A_202 = arith.constant 0 : i32
        %cond3A_203 = arith.cmpi ne, %convert_element_type3A_201, %cond3A_202 : i32
        scf.if %cond3A_203 {
          %add3A_204 = arith.constant 4 : i32
          %add3A_205 = arith.addi %add3A_179, %add3A_204 : i32
          %shift_right_arithmetic3A_206 = arith.constant 1 : i32
          %shift_right_arithmetic3A_207 = arith.shrsi %add3A_205, %shift_right_arithmetic3A_206 : i32
          %and3A_208 = arith.constant 1 : i32
          %and3A_209 = arith.andi %add3A_205, %and3A_208 : i32
          %mul3A_210 = arith.constant 64 : i32
          %mul3A_211 = arith.muli %and3A_209, %mul3A_210 : i32
          %dma_start3A_212 = tpu.memref_slice %arg7[%shift_right_arithmetic3A_207, %mul3A_211] : memref<40x128xi32, #tpu.memory_space<vmem>> -> memref<1x64xi32, #tpu.memory_space<vmem>>
          %dma_start3A_213 = tpu.memref_squeeze %dma_start3A_212 : memref<1x64xi32, #tpu.memory_space<vmem>> -> memref<64xi32, #tpu.memory_space<vmem>>
          %dma_start3A_214 = arith.constant 0 : i32
          %dma_start3A_215 = arith.constant 0 : i32
          %dma_start3A_216 = tpu.memref_slice %arg2[%dma_start3A_214, %dma_start3A_215] : memref<10240x128xf32, #tpu.memory_space<hbm>> -> memref<10240x128xf32, #tpu.memory_space<hbm>>
          tpu.enqueue_indirect_dma source(%dma_start3A_216 : memref<10240x128xf32, #tpu.memory_space<hbm>>) target(%arg12 : memref<64x128xf32, #tpu.memory_space<vmem>>) offsets(%dma_start3A_213 : memref<64xi32, #tpu.memory_space<vmem>>) semaphore(%arg16 : memref<!tpu.dma_semaphore, #tpu.memory_space<semaphore_mem>>)
        } else {
        }
      }
      %scan3A_94 = arith.constant 2 : i32
    } else {
    }
    %barrier3A_21 = arith.constant 0 : index
    tpu.barrier barrier_id(%barrier3A_21)
    %mul3A_22 = arith.constant 640 : i32
    %mul3A_23 = arith.muli %arg1, %mul3A_22 : i32
    %mul3A_24 = arith.constant 640 : i32
    %mul3A_25 = arith.muli %arg1, %mul3A_24 : i32
    "tpu.region"() ({
      %run_scoped3A = tpu.sem_alloc : memref<!tpu.dma_semaphore, #tpu.memory_space<semaphore_mem>>
      %dma_start3A = arith.constant 0 : i32
      %dma_start3A_26 = tpu.memref_slice %arg5[%arg0, %mul3A_25, %dma_start3A] : memref<2x10240x128xf32, #tpu.memory_space<hbm>> -> memref<1x640x128xf32, #tpu.memory_space<hbm>>
      %dma_start3A_27 = tpu.memref_squeeze %dma_start3A_26 : memref<1x640x128xf32, #tpu.memory_space<hbm>> -> memref<640x128xf32, #tpu.memory_space<hbm>>
      %dma_start3A_28 = arith.constant 0 : i32
      %dma_start3A_29 = tpu.memref_slice %arg6[%mul3A_23, %dma_start3A_28] : memref<10240x128xf32, #tpu.memory_space<vmem_shared>> -> memref<640x128xf32, #tpu.memory_space<vmem_shared>>
      tpu.enqueue_dma source(%dma_start3A_29 : memref<640x128xf32, #tpu.memory_space<vmem_shared>>) target(%dma_start3A_27 : memref<640x128xf32, #tpu.memory_space<hbm>>) target_semaphore(%run_scoped3A : memref<!tpu.dma_semaphore, #tpu.memory_space<semaphore_mem>>)
      %dma_wait3A = arith.constant 0 : i32
      %dma_wait3A_30 = tpu.memref_slice %arg5[%arg0, %mul3A_25, %dma_wait3A] : memref<2x10240x128xf32, #tpu.memory_space<hbm>> -> memref<1x640x128xf32, #tpu.memory_space<hbm>>
      %dma_wait3A_31 = tpu.memref_squeeze %dma_wait3A_30 : memref<1x640x128xf32, #tpu.memory_space<hbm>> -> memref<640x128xf32, #tpu.memory_space<hbm>>
      %dma_wait3A_32 = arith.constant 0 : i32
      %dma_wait3A_33 = tpu.memref_slice %arg6[%mul3A_23, %dma_wait3A_32] : memref<10240x128xf32, #tpu.memory_space<vmem_shared>> -> memref<640x128xf32, #tpu.memory_space<vmem_shared>>
      tpu.wait_dma2 semaphore(%run_scoped3A : memref<!tpu.dma_semaphore, #tpu.memory_space<semaphore_mem>>) src(%dma_wait3A_33 : memref<640x128xf32, #tpu.memory_space<vmem_shared>>) dst(%dma_wait3A_31 : memref<640x128xf32, #tpu.memory_space<hbm>>)
      tpu.yield
    }) : () -> ()
    return
  }
}

module attributes {stable_mosaic.version = 14 : i64} {
  func.func @_tca_body(%arg0: i32, %arg1: memref<1024x128xf32, #tpu.memory_space<vmem>>, %arg2: memref<2x1024xf32, #tpu.memory_space<vmem>>, %arg3: memref<1024x128xf32, #tpu.memory_space<vmem>>, %arg4: memref<1024x1xf32, #tpu.memory_space<vmem>>) attributes {dimension_semantics = [#tpu.dimension_semantics<arbitrary>], iteration_bounds = array<i64: 10>, scalar_prefetch = 0 : i64, scratch_operands = 0 : i64, tpu.core_type = #tpu.core_type<tc>, window_params = [{transform_indices = @transform_0, window_bounds = array<i64: 1024, 128>}, {transform_indices = @transform_1, window_bounds = array<i64: 2, 1024>}, {transform_indices = @transform_2, window_bounds = array<i64: 1024, 128>}, {transform_indices = @transform_3, window_bounds = array<i64: 1024, 1>}]} {
    %get3A = arith.constant 0 : index
    %get3A_0 = arith.constant 0 : index
    %get3A_1 = vector.load %arg2[%get3A, %get3A_0] : memref<2x1024xf32, #tpu.memory_space<vmem>>, vector<1x1024xf32>
    %get3A_2 = vector.shape_cast %get3A_1 : vector<1x1024xf32> to vector<1024xf32>
    %add3A = arith.constant 1.000000e+00 : f32
    %add3A_3 = vector.broadcast %add3A : f32 to vector<1024xf32>
    %add3A_4 = arith.addf %add3A_3, %get3A_2 : vector<1024xf32>
    %get3A_5 = arith.constant 1 : index
    %get3A_6 = arith.constant 0 : index
    %get3A_7 = vector.load %arg2[%get3A_5, %get3A_6] : memref<2x1024xf32, #tpu.memory_space<vmem>>, vector<1x1024xf32>
    %get3A_8 = vector.shape_cast %get3A_7 : vector<1x1024xf32> to vector<1024xf32>
    %add3A_9 = arith.addf %add3A_4, %get3A_8 : vector<1024xf32>
    %rsqrt3A = math.rsqrt %add3A_9 : vector<1024xf32>
    %get3A_10 = arith.constant 0 : index
    %get3A_11 = arith.constant 0 : index
    %get3A_12 = vector.load %arg1[%get3A_10, %get3A_11] : memref<1024x128xf32, #tpu.memory_space<vmem>>, vector<1024x128xf32>
    %broadcast_in_dim3A = vector.shape_cast %rsqrt3A : vector<1024xf32> to vector<1024x1xf32>
    %mul3A = vector.broadcast %broadcast_in_dim3A : vector<1024x1xf32> to vector<1024x128xf32>
    %mul3A_13 = arith.mulf %get3A_12, %mul3A : vector<1024x128xf32>
    %swap3A = arith.constant 0 : index
    %swap3A_14 = arith.constant 0 : index
    %swap3A_15 = vector.load %arg3[%swap3A, %swap3A_14] : memref<1024x128xf32, #tpu.memory_space<vmem>>, vector<1024x128xf32>
    tpu.vector_store %arg3[%swap3A, %swap3A_14], %mul3A_13 {strides = array<i32>} : memref<1024x128xf32, #tpu.memory_space<vmem>>, vector<1024x128xf32>,
    %broadcast_in_dim3A_16 = vector.shape_cast %rsqrt3A : vector<1024xf32> to vector<1024x1xf32>
    %swap3A_17 = arith.constant 0 : index
    %swap3A_18 = arith.constant 0 : index
    %swap3A_19 = vector.load %arg4[%swap3A_17, %swap3A_18] : memref<1024x1xf32, #tpu.memory_space<vmem>>, vector<1024x1xf32>
    tpu.vector_store %arg4[%swap3A_17, %swap3A_18], %broadcast_in_dim3A_16 {strides = array<i32>} : memref<1024x1xf32, #tpu.memory_space<vmem>>, vector<1024x1xf32>,
    return
  }
  func.func @transform_0(%arg0: i32) -> (i32, i32) {
    %c0_i32 = arith.constant 0 : i32
    %c0_i32_0 = arith.constant 0 : i32
    return %arg0, %c0_i32 : i32, i32
  }
  func.func @transform_1(%arg0: i32) -> (i32, i32) {
    %c0_i32 = arith.constant 0 : i32
    %c0_i32_0 = arith.constant 0 : i32
    return %c0_i32, %arg0 : i32, i32
  }
  func.func @transform_2(%arg0: i32) -> (i32, i32) {
    %c0_i32 = arith.constant 0 : i32
    %c0_i32_0 = arith.constant 0 : i32
    return %arg0, %c0_i32 : i32, i32
  }
  func.func @transform_3(%arg0: i32) -> (i32, i32) {
    %c0_i32 = arith.constant 0 : i32
    %c0_i32_0 = arith.constant 0 : i32
    return %arg0, %c0_i32 : i32, i32
  }
}

module attributes {stable_mosaic.version = 14 : i64} {
  func.func @_tcb_body(%arg0: i32, %arg1: memref<2x1024x128xf32, #tpu.memory_space<vmem>>, %arg2: memref<1024x128xf32, #tpu.memory_space<vmem>>, %arg3: memref<1024x1xf32, #tpu.memory_space<vmem>>, %arg4: memref<1x256xf32, #tpu.memory_space<vmem>>, %arg5: memref<1x256xf32, #tpu.memory_space<vmem>>, %arg6: memref<128x256xf32, #tpu.memory_space<vmem>>, %arg7: memref<256x128xf32, #tpu.memory_space<vmem>>, %arg8: memref<1024x128xf32, #tpu.memory_space<vmem>>) attributes {dimension_semantics = [#tpu.dimension_semantics<arbitrary>], iteration_bounds = array<i64: 10>, scalar_prefetch = 0 : i64, scratch_operands = 0 : i64, tpu.core_type = #tpu.core_type<tc>, window_params = [{transform_indices = @transform_0, window_bounds = array<i64: 2, 1024, 128>}, {transform_indices = @transform_1, window_bounds = array<i64: 1024, 128>}, {transform_indices = @transform_2, window_bounds = array<i64: 1024, 1>}, {pipeline_mode = #tpu.pipeline_mode<synchronous>, transform_indices = @transform_3, window_bounds = array<i64: 1, 256>}, {pipeline_mode = #tpu.pipeline_mode<synchronous>, transform_indices = @transform_4, window_bounds = array<i64: 1, 256>}, {pipeline_mode = #tpu.pipeline_mode<synchronous>, transform_indices = @transform_5, window_bounds = array<i64: 128, 256>}, {pipeline_mode = #tpu.pipeline_mode<synchronous>, transform_indices = @transform_6, window_bounds = array<i64: 256, 128>}, {transform_indices = @transform_7, window_bounds = array<i64: 1024, 128>}]} {
    %get3A = arith.constant 0 : index
    %get3A_0 = arith.constant 0 : index
    %get3A_1 = vector.load %arg3[%get3A, %get3A_0] : memref<1024x1xf32, #tpu.memory_space<vmem>>, vector<1024x1xf32>
    %get3A_2 = arith.constant 0 : index
    %get3A_3 = arith.constant 0 : index
    %get3A_4 = arith.constant 0 : index
    %get3A_5 = vector.load %arg1[%get3A_2, %get3A_3, %get3A_4] : memref<2x1024x128xf32, #tpu.memory_space<vmem>>, vector<1x1024x128xf32>
    %get3A_6 = vector.shape_cast %get3A_5 : vector<1x1024x128xf32> to vector<1024x128xf32>
    %get3A_7 = arith.constant 1 : index
    %get3A_8 = arith.constant 0 : index
    %get3A_9 = arith.constant 0 : index
    %get3A_10 = vector.load %arg1[%get3A_7, %get3A_8, %get3A_9] : memref<2x1024x128xf32, #tpu.memory_space<vmem>>, vector<1x1024x128xf32>
    %get3A_11 = vector.shape_cast %get3A_10 : vector<1x1024x128xf32> to vector<1024x128xf32>
    %add3A = arith.addf %get3A_6, %get3A_11 : vector<1024x128xf32>
    %get3A_12 = arith.constant 0 : index
    %get3A_13 = arith.constant 0 : index
    %get3A_14 = vector.load %arg2[%get3A_12, %get3A_13] : memref<1024x128xf32, #tpu.memory_space<vmem>>, vector<1024x128xf32>
    %sub3A = arith.subf %add3A, %get3A_14 : vector<1024x128xf32>
    %mul3A = vector.broadcast %get3A_1 : vector<1024x1xf32> to vector<1024x128xf32>
    %mul3A_15 = arith.mulf %sub3A, %mul3A : vector<1024x128xf32>
    %get3A_16 = arith.constant 0 : index
    %get3A_17 = arith.constant 0 : index
    %get3A_18 = vector.load %arg6[%get3A_16, %get3A_17] : memref<128x256xf32, #tpu.memory_space<vmem>>, vector<128x256xf32>
    %dot_general3A = arith.constant dense<0.000000e+00> : vector<1024x256xf32>
    %dot_general3A_19 = tpu.matmul %mul3A_15, %get3A_18, %dot_general3A {dimension_numbers = #tpu.dot_dimension_numbers<[1], [0], [0], [1], [0, 0, 1, 1], [], []>, transpose_lhs_hint = false} : vector<1024x128xf32>, vector<128x256xf32>, vector<1024x256xf32> -> vector<1024x256xf32>
    %get3A_20 = arith.constant 0 : index
    %get3A_21 = arith.constant 0 : index
    %get3A_22 = vector.load %arg4[%get3A_20, %get3A_21] : memref<1x256xf32, #tpu.memory_space<vmem>>, vector<1x256xf32>
    %mul3A_23 = vector.broadcast %get3A_22 : vector<1x256xf32> to vector<1024x256xf32>
    %mul3A_24 = arith.mulf %dot_general3A_19, %mul3A_23 : vector<1024x256xf32>
    %get3A_25 = arith.constant 0 : index
    %get3A_26 = arith.constant 0 : index
    %get3A_27 = vector.load %arg5[%get3A_25, %get3A_26] : memref<1x256xf32, #tpu.memory_space<vmem>>, vector<1x256xf32>
    %add3A_28 = vector.broadcast %get3A_27 : vector<1x256xf32> to vector<1024x256xf32>
    %add3A_29 = arith.addf %mul3A_24, %add3A_28 : vector<1024x256xf32>
    %max3A = arith.constant 0.000000e+00 : f32
    %max3A_30 = vector.broadcast %max3A : f32 to vector<1024x256xf32>
    %max3A_31 = arith.maximumf %add3A_29, %max3A_30 : vector<1024x256xf32>
    %get3A_32 = arith.constant 0 : index
    %get3A_33 = arith.constant 0 : index
    %get3A_34 = vector.load %arg7[%get3A_32, %get3A_33] : memref<256x128xf32, #tpu.memory_space<vmem>>, vector<256x128xf32>
    %dot_general3A_35 = arith.constant dense<0.000000e+00> : vector<1024x128xf32>
    %dot_general3A_36 = tpu.matmul %max3A_31, %get3A_34, %dot_general3A_35 {dimension_numbers = #tpu.dot_dimension_numbers<[1], [0], [0], [1], [0, 0, 1, 1], [], []>, transpose_lhs_hint = false} : vector<1024x256xf32>, vector<256x128xf32>, vector<1024x128xf32> -> vector<1024x128xf32>
    %mul3A_37 = vector.broadcast %get3A_1 : vector<1024x1xf32> to vector<1024x128xf32>
    %mul3A_38 = arith.mulf %dot_general3A_36, %mul3A_37 : vector<1024x128xf32>
    %swap3A = arith.constant 0 : index
    %swap3A_39 = arith.constant 0 : index
    %swap3A_40 = vector.load %arg8[%swap3A, %swap3A_39] : memref<1024x128xf32, #tpu.memory_space<vmem>>, vector<1024x128xf32>
    tpu.vector_store %arg8[%swap3A, %swap3A_39], %mul3A_38 {strides = array<i32>} : memref<1024x128xf32, #tpu.memory_space<vmem>>, vector<1024x128xf32>,
    return
  }
  func.func @transform_0(%arg0: i32) -> (i32, i32, i32) {
    %c0_i32 = arith.constant 0 : i32
    %c0_i32_0 = arith.constant 0 : i32
    %c0_i32_1 = arith.constant 0 : i32
    return %c0_i32, %arg0, %c0_i32_0 : i32, i32, i32
  }
  func.func @transform_1(%arg0: i32) -> (i32, i32) {
    %c0_i32 = arith.constant 0 : i32
    %c0_i32_0 = arith.constant 0 : i32
    return %arg0, %c0_i32 : i32, i32
  }
  func.func @transform_2(%arg0: i32) -> (i32, i32) {
    %c0_i32 = arith.constant 0 : i32
    %c0_i32_0 = arith.constant 0 : i32
    return %arg0, %c0_i32 : i32, i32
  }
  func.func @transform_3(%arg0: i32) -> (i32, i32) {
    %c0_i32 = arith.constant 0 : i32
    %c0_i32_0 = arith.constant 0 : i32
    %c0_i32_1 = arith.constant 0 : i32
    return %c0_i32, %c0_i32_0 : i32, i32
  }
  func.func @transform_4(%arg0: i32) -> (i32, i32) {
    %c0_i32 = arith.constant 0 : i32
    %c0_i32_0 = arith.constant 0 : i32
    %c0_i32_1 = arith.constant 0 : i32
    return %c0_i32, %c0_i32_0 : i32, i32
  }
  func.func @transform_5(%arg0: i32) -> (i32, i32) {
    %c0_i32 = arith.constant 0 : i32
    %c0_i32_0 = arith.constant 0 : i32
    %c0_i32_1 = arith.constant 0 : i32
    return %c0_i32, %c0_i32_0 : i32, i32
  }
  func.func @transform_6(%arg0: i32) -> (i32, i32) {
    %c0_i32 = arith.constant 0 : i32
    %c0_i32_0 = arith.constant 0 : i32
    %c0_i32_1 = arith.constant 0 : i32
    return %c0_i32, %c0_i32_0 : i32, i32
  }
  func.func @transform_7(%arg0: i32) -> (i32, i32) {
    %c0_i32 = arith.constant 0 : i32
    %c0_i32_0 = arith.constant 0 : i32
    return %arg0, %c0_i32 : i32, i32
  }
}

module attributes {stable_mosaic.version = 14 : i64} {
  func.func @_tcc_body(%arg0: i32, %arg1: memref<2x2000x128xf32, #tpu.memory_space<vmem>>, %arg2: memref<2000x128xf32, #tpu.memory_space<vmem>>, %arg3: memref<2000x1xf32, #tpu.memory_space<vmem>>, %arg4: memref<1x40xf32, #tpu.memory_space<vmem>>, %arg5: memref<2000x40xf32, #tpu.memory_space<vmem>>) attributes {dimension_semantics = [#tpu.dimension_semantics<arbitrary>], iteration_bounds = array<i64: 5>, scalar_prefetch = 0 : i64, scratch_operands = 0 : i64, tpu.core_type = #tpu.core_type<tc>, window_params = [{transform_indices = @transform_0, window_bounds = array<i64: 2, 2000, 128>}, {transform_indices = @transform_1, window_bounds = array<i64: 2000, 128>}, {transform_indices = @transform_2, window_bounds = array<i64: 2000, 1>}, {pipeline_mode = #tpu.pipeline_mode<synchronous>, transform_indices = @transform_3, window_bounds = array<i64: 1, 40>}, {transform_indices = @transform_4, window_bounds = array<i64: 2000, 40>}]} {
    %get3A = arith.constant 0 : index
    %get3A_0 = arith.constant 0 : index
    %get3A_1 = vector.load %arg3[%get3A, %get3A_0] : memref<2000x1xf32, #tpu.memory_space<vmem>>, vector<2000x1xf32>
    %get3A_2 = arith.constant 0 : index
    %get3A_3 = arith.constant 0 : index
    %get3A_4 = arith.constant 0 : index
    %get3A_5 = vector.load %arg1[%get3A_2, %get3A_3, %get3A_4] : memref<2x2000x128xf32, #tpu.memory_space<vmem>>, vector<2x2000x128xf32>
    %slice3A = vector.extract_strided_slice %get3A_5 {offsets = [0, 0, 0], sizes = [1, 2000, 128], strides = [1, 1, 1]} : vector<2x2000x128xf32> to vector<1x2000x128xf32>
    %squeeze3A = vector.shape_cast %slice3A : vector<1x2000x128xf32> to vector<2000x128xf32>
    %slice3A_6 = vector.extract_strided_slice %get3A_5 {offsets = [1, 0, 0], sizes = [1, 2000, 128], strides = [1, 1, 1]} : vector<2x2000x128xf32> to vector<1x2000x128xf32>
    %squeeze3A_7 = vector.shape_cast %slice3A_6 : vector<1x2000x128xf32> to vector<2000x128xf32>
    %add3A = arith.addf %squeeze3A, %squeeze3A_7 : vector<2000x128xf32>
    %get3A_8 = arith.constant 0 : index
    %get3A_9 = arith.constant 0 : index
    %get3A_10 = vector.load %arg2[%get3A_8, %get3A_9] : memref<2000x128xf32, #tpu.memory_space<vmem>>, vector<2000x128xf32>
    %sub3A = arith.subf %add3A, %get3A_10 : vector<2000x128xf32>
    %slice3A_11 = vector.extract_strided_slice %sub3A {offsets = [0, 0], sizes = [2000, 40], strides = [1, 1]} : vector<2000x128xf32> to vector<2000x40xf32>
    %mul3A = vector.broadcast %get3A_1 : vector<2000x1xf32> to vector<2000x40xf32>
    %mul3A_12 = arith.mulf %slice3A_11, %mul3A : vector<2000x40xf32>
    %get3A_13 = arith.constant 0 : index
    %get3A_14 = arith.constant 0 : index
    %get3A_15 = vector.load %arg4[%get3A_13, %get3A_14] : memref<1x40xf32, #tpu.memory_space<vmem>>, vector<1x40xf32>
    %add3A_16 = vector.broadcast %get3A_15 : vector<1x40xf32> to vector<2000x40xf32>
    %add3A_17 = arith.addf %mul3A_12, %add3A_16 : vector<2000x40xf32>
    %reduce_max3A = arith.constant dense<0xFF800000> : vector<2000xf32>
    %reduce_max3A_18 = vector.multi_reduction <maximumf>, %add3A_17, %reduce_max3A [1] : vector<2000x40xf32> to vector<2000xf32>
    %broadcast_in_dim3A = vector.shape_cast %reduce_max3A_18 : vector<2000xf32> to vector<2000x1xf32>
    %sub3A_19 = vector.broadcast %broadcast_in_dim3A : vector<2000x1xf32> to vector<2000x40xf32>
    %sub3A_20 = arith.subf %add3A_17, %sub3A_19 : vector<2000x40xf32>
    %exp3A = math.exp %sub3A_20 : vector<2000x40xf32>
    %reduce_sum3A = arith.constant dense<0.000000e+00> : vector<2000xf32>
    %reduce_sum3A_21 = vector.multi_reduction <add>, %exp3A, %reduce_sum3A [1] : vector<2000x40xf32> to vector<2000xf32>
    %broadcast_in_dim3A_22 = vector.shape_cast %reduce_sum3A_21 : vector<2000xf32> to vector<2000x1xf32>
    %log3A = math.log %broadcast_in_dim3A_22 : vector<2000x1xf32>
    %sub3A_23 = vector.broadcast %log3A : vector<2000x1xf32> to vector<2000x40xf32>
    %sub3A_24 = arith.subf %sub3A_20, %sub3A_23 : vector<2000x40xf32>
    %swap3A = arith.constant 0 : index
    %swap3A_25 = arith.constant 0 : index
    %swap3A_26 = vector.load %arg5[%swap3A, %swap3A_25] : memref<2000x40xf32, #tpu.memory_space<vmem>>, vector<2000x40xf32>
    tpu.vector_store %arg5[%swap3A, %swap3A_25], %sub3A_24 {strides = array<i32>} : memref<2000x40xf32, #tpu.memory_space<vmem>>, vector<2000x40xf32>,
    return
  }
  func.func @transform_0(%arg0: i32) -> (i32, i32, i32) {
    %c0_i32 = arith.constant 0 : i32
    %c0_i32_0 = arith.constant 0 : i32
    %c0_i32_1 = arith.constant 0 : i32
    return %c0_i32, %arg0, %c0_i32_0 : i32, i32, i32
  }
  func.func @transform_1(%arg0: i32) -> (i32, i32) {
    %c0_i32 = arith.constant 0 : i32
    %c0_i32_0 = arith.constant 0 : i32
    return %arg0, %c0_i32 : i32, i32
  }
  func.func @transform_2(%arg0: i32) -> (i32, i32) {
    %c0_i32 = arith.constant 0 : i32
    %c0_i32_0 = arith.constant 0 : i32
    return %arg0, %c0_i32 : i32, i32
  }
  func.func @transform_3(%arg0: i32) -> (i32, i32) {
    %c0_i32 = arith.constant 0 : i32
    %c0_i32_0 = arith.constant 0 : i32
    %c0_i32_1 = arith.constant 0 : i32
    return %c0_i32, %c0_i32_0 : i32, i32
  }
  func.func @transform_4(%arg0: i32) -> (i32, i32) {
    %c0_i32 = arith.constant 0 : i32
    %c0_i32_0 = arith.constant 0 : i32
    return %arg0, %c0_i32 : i32, i32
  }
}

</mosaic_0001>

<sc_bundles>
// kernel: kernel.11.cloned.1.call-start
scs
__scs_entry_jumppad:
0x0: {  	(pc) =	sbr.rel $0x88, $3  }
0x1: {  	(tag) =	ssettag $0x0;
	lr =	simm.s32 $0x1  }
0x2: {  	[smem:$0x3F97] =	sst lr;
	_ =	strace $0xD0000000  }
0x3: {  	_ = 	snop  }
0x4: {  	_ = 	snop  }
0x5: {  	_ = 	snop  }
0x6: {  	_ = 	snop  }
0x7: {  	_ = 	snop  }
__scs_overlays_trampoline_lowered:
0x8: {  	[smem:$0x3FA6] =	sst s0  }
0x9: {  	[smem:$0x3FA7] =	sst s1  }
0xa: {  	[smem:$0x3FA8] =	sst s2  }
0xb: {  	[smem:$0x3FA9] =	sst s3  }
0xc: {  	[smem:$0x3FAA] =	sst s4  }
0xd: {  	[smem:$0x3FAB] =	sst s5  }
0xe: {  	[smem:$0x3FAC] =	sst s6  }
0xf: {  	[smem:$0x3FAD] =	sst s7  }
0x10: {  	[smem:$0x3FAE] =	sst s8  }
0x11: {  	[smem:$0x3FAF] =	sst s9;
	s0 =	simm.s32 @!p0 $0x0  }
0x12: {  	s1 =	sld [smem:$0x3F95];
	s0 =	simm.s32 @p0 $0x1  }
0x13: {  	[smem:$0x3FB0] =	sst s0;
	s0 =	simm.s32 @!p1 $0x0  }
0x14: {  	s2 =	sld [smem:$0x3F94];
	s0 =	simm.s32 @p1 $0x1  }
0x15: {  	[smem:$0x3FB1] =	sst s0;
	s0 =	simm.s32 @!p2 $0x0  }
0x16: {  	s3 =	sld [smem:$0x3FDB];
	s0 =	simm.s32 @p2 $0x1  }
0x17: {  	s4 =	simm.s32 $0x1BF5;
	[smem:$0x3FB3] =	sst s0  }
0x18: {  	s0 =	sld [smem:$0x3F96];
	_ =	swait.ge [sflag:s4], $0x0  }
0x19: {  	s7 =	sld [smem:$0x3F97]  }
0x1a: {  	s8 =	sadd.s32 $0xFFFFE003, lr  }
0x1b: {  	s9 =	sadd.s32 $0xFFFFFEF7, lr;
	s5 =	simm.s32 $0xFFFFFFFF;
	p2 =	slt.u32 s8, $0xFFFFF086  }
0x1c: {  	p1 =	slt.u32 s9, $0xF7A;
	s5 =	simm.s32 @!p2 $0x0  }
0x1d: {  	s5 =	simm.s32 @p1 $0x1;
	p0 =	seq.s32 s7, s2  }
0x1e: {  	s7 =	smul.u32 @!p0 $0xF7A, s2;
	p2 =	seq.s32 @!p0 s5, $0x0  }
0x1f: {  	s9 =	smul.u32 $0xF7A, s1;
	s8 =	simm.s32 @!p0 $0x1BF5;
	p2 =	por !p2, p0  }
0x20: {  	[sflag:s8] =	ssyncset.s32 @!p0 $0xFFFFF086;
	s6 =	sadd.s32 @!p0 s3, s7;
	s7 =	simm.s32 @!p0 $0x108  }
0x21: {  	s3 =	sadd.s32 s3, s9;
	s6 =	sadd.s32 @!p0 $0x88, s6;
	s7 =	simm.s32 @p2 $0x1082  }
0x22: {  	[simem:s7], [sflag:s8] =	dma.local @!p0 [hbm:s6], $0xF7A  }
0x23: {  	s9 =	sor.u32 $0xD0000000, s2;
	s6 =	simm.s32 $0x108;
	_ =	swait.ge @!p0 [sflag:s8], $0x0  }
0x24: {  	s3 =	sadd.s32 $0x88, s3;
	s6 =	simm.s32 @!p1 $0x1082;
	[sflag:s4] =	ssyncset.s32 $0xFFFFF086  }
0x25: {  	[simem:s6], [sflag:s4] =	dma.local [hbm:s3], $0xF7A  }
0x26: {  	[smem:$0x3F97] =	sst s1;
	(tag) =	ssettag s2;
	_ =	strace s9  }
0x27: {  	s1 =	sld [smem:$0x3FA7]  }
0x28: {  	s2 =	sld [smem:$0x3FA8]  }
0x29: {  	s4 =	sld [smem:$0x3FAA]  }
0x2a: {  	p0 =	seq.s32 s5, $0x0;
	s5 =	sld [smem:$0x3FAB]  }
0x2b: {  	s6 =	sld [smem:$0x3FAC]  }
0x2c: {  	s7 =	sld [smem:$0x3FAD]  }
0x2d: {  	s3 =	simm.s32 $0x108;
	s8 =	sld [smem:$0x3FAE]  }
0x2e: {  	s3 =	simm.s32 @!p0 $0x1082;
	s9 =	sld [smem:$0x3FAF]  }
0x2f: {  	lr =	sadd.s32 s0, s3;
	s0 =	sld [smem:$0x3FA6]  }
0x30: {  	s3 =	sld [smem:$0x3FA9]  }
0x31: {  	[smem:$0x3FB2] =	sst s10  }
0x32: {  	s10 =	sld [smem:$0x3FB0];
	_ =	sdelay $0x3  }
0x33: {  	p0 =	seq.s32 s10, $0x1;
	s10 =	sld [smem:$0x3FB2];
	_ =	sdelay $0x3  }
0x34: {  	[smem:$0x3FB2] =	sst s10  }
0x35: {  	s10 =	sld [smem:$0x3FB1];
	_ =	sdelay $0x3  }
0x36: {  	p1 =	seq.s32 s10, $0x1;
	s10 =	sld [smem:$0x3FB2];
	_ =	sdelay $0x3  }
0x37: {  	[smem:$0x3FB2] =	sst s10  }
0x38: {  	s10 =	sld [smem:$0x3FB3]  }
0x39: {  	_ = 	snop;
	(pc) =	sbr.ind lr, $3  }
0x3a: {  	_ = 	snop  }
0x3b: {  	_ = 	snop  }
0x3c: {  	p2 =	seq.s32 s10, $0x1;
	s10 =	sld [smem:$0x3FB2]  }
0x3d: {  	_ =	shalt  }
0x3e: {  	_ =	shalt  }
0x3f: {  	_ =	shalt  }
0x40: {  	_ =	shalt  }
0x41: {  	_ =	shalt  }
0x42: {  	_ =	shalt  }
0x43: {  	_ =	shalt  }
0x44: {  	_ =	shalt  }
0x45: {  	_ =	shalt  }
0x46: {  	_ =	shalt  }
0x47: {  	_ =	shalt  }
0x48: {  	_ =	shalt  }
0x49: {  	_ =	shalt  }
0x4a: {  	_ =	shalt  }
0x4b: {  	_ =	shalt  }
0x4c: {  	_ =	shalt  }
0x4d: {  	_ =	shalt  }
0x4e: {  	_ =	shalt  }
0x4f: {  	_ =	shalt  }
0x50: {  	_ =	shalt  }
0x51: {  	_ =	shalt  }
0x52: {  	_ =	shalt  }
0x53: {  	_ =	shalt  }
0x54: {  	_ =	shalt  }
0x55: {  	_ =	shalt  }
0x56: {  	_ =	shalt  }
0x57: {  	_ =	shalt  }
0x58: {  	_ =	shalt  }
0x59: {  	_ =	shalt  }
0x5a: {  	_ =	shalt  }
0x5b: {  	_ =	shalt  }
0x5c: {  	_ =	shalt  }
0x5d: {  	_ =	shalt  }
0x5e: {  	_ =	shalt  }
0x5f: {  	_ =	shalt  }
0x60: {  	_ =	shalt  }
0x61: {  	_ =	shalt  }
0x62: {  	_ =	shalt  }
0x63: {  	_ =	shalt  }
0x64: {  	_ =	shalt  }
0x65: {  	_ =	shalt  }
0x66: {  	_ =	shalt  }
0x67: {  	_ =	shalt  }
0x68: {  	_ =	shalt  }
0x69: {  	_ =	shalt  }
0x6a: {  	_ =	shalt  }
0x6b: {  	_ =	shalt  }
0x6c: {  	_ =	shalt  }
0x6d: {  	_ =	shalt  }
0x6e: {  	_ =	shalt  }
0x6f: {  	_ =	shalt  }
0x70: {  	_ =	shalt  }
0x71: {  	_ =	shalt  }
0x72: {  	_ =	shalt  }
0x73: {  	_ =	shalt  }
0x74: {  	_ =	shalt  }
0x75: {  	_ =	shalt  }
0x76: {  	_ =	shalt  }
0x77: {  	_ =	shalt  }
0x78: {  	_ =	shalt  }
0x79: {  	_ =	shalt  }
0x7a: {  	_ =	shalt  }
0x7b: {  	_ =	shalt  }
0x7c: {  	_ =	shalt  }
0x7d: {  	_ =	shalt  }
0x7e: {  	_ =	shalt  }
0x7f: {  	_ =	shalt  }
0x80: {  	_ =	shalt  }
0x81: {  	_ =	shalt  }
0x82: {  	_ =	shalt  }
0x83: {  	_ =	shalt  }
0x84: {  	_ =	shalt  }
0x85: {  	_ =	shalt  }
0x86: {  	_ =	shalt  }
0x87: {  	_ =	shalt  }
.Lfunc_end0:
.L_simem_size_0:
called_computation.1_lowered:
.L_overlay_start_0:
0x88: {  	s2 =	sld [smem:$0x3FD9]  }
0x89: {  	s3 =	sld [smem:$0x3FFE];
	_ =	sdelay $0x1  }
0x8a: {  	s1 =	srdreg.scid  }
0x8b: {  	s0 =	sand.u32 $0x1, s1  }
0x8c: {  	s16 =	sshll.u32 s0, $0xA;
	s2 =	sadd.s32 s3, s2  }
0x8d: {  	s2 =	sadd.s32 s2, s16  }
0x8e: {  	[smem:$0x3FBE] =	sst s2  }
0x8f: {  	_ = 	snop  }
0x90: {  	(tm) =	ssettm $0x1  }
0x91: {  	s17 =	sld [smem:$0x3FFB];
	_ =	sdelay $0x3  }
0x92: {  	_ =	strace s17  }
0x93: {  	s2 =	sld [smem:$0x3FFC];
	_ =	sdelay $0x3  }
0x94: {  	_ =	strace s2  }
0x95: {  	s2 =	sld [smem:$0x3FFD];
	_ =	sdelay $0x3  }
0x96: {  	_ =	strace s2  }
0x97: {  	_ =	strace $0x8FFFFFFF  }
0x98: {  	s18 =	sld [smem:$0x3FDB];
	_ =	sdelay $0x1  }
0x99: {  	s19 =	simm.s32 $_scs_section_size  }
0x9a: {  	s4 =	simm.s32 $_size__tile_overlayer_lowered;
	s5 =	simm.s32 $_tile_overlayer_lowered  }
0x9b: {  	s22 =	simm.s32 $0x1BFF;
	s21 =	sshll.u32 s5, $0x1;
	s2 =	sadd.s32 s19, s18  }
0x9c: {  	s6 =	simm.s32 $0x0;
	s20 =	sshll.u32 s4, $0x1;
	s4 =	sadd.s32 s21, s2  }
0x9d: {  	[timem:s6], [sflag:s22] =	dma.local [hbm:s4], s20  }
0x9e: {  	_ =	swait.ge [sflag:s22], s20  }
0x9f: {  	s3 =	ssub.s32 $0x0, s20;
	[sflag:s22] =	ssyncset.done $0x0  }
0xa0: {  	[sflag:s22] =	ssyncadd.s32 s3;
	_ =	sdelay $0x1  }
0xa1: {  	s23 =	simm.s32 $0x1B8B  }
0xa2: {  	_ =	swait.ge [sflag:s23], $0x1  }
0xa3: {  	[sflag:s23] =	ssyncset.done $0x0  }
0xa4: {  	s25 =	simm.s32 $0x1B8E;
	s24 =	sld [smem:$0x3FFE];
	[sflag:s23] =	ssyncadd.s32 $0xFFFFFFFF  }
0xa5: {  	s26 =	simm.s32 $execute0_lowered;
	[smem:$0x3FD2] =	sst s25  }
0xa6: {  	s4 =	sshll.u32 s26, $0x1;
	_ =	strace $0x80000049;
	[dreg:$0x1] =	wrdreg $0xFFFFFFFF  }
0xa7: {  	s28 =	simm.s32 $_size_execute0_lowered;
	s2 =	sadd.s32 s2, s4;
	[dreg:$0x0] =	wrdreg $0x0  }
0xa8: {  	s4 =	sshll.u32 s28, $0x1;
	[dreg:$0x2] =	wrdreg s2  }
0xa9: {  	[dreg:$0x3] =	wrdreg s4  }
0xaa: {  	[dreg:$0x4] =	wrdreg $0xC0  }
0xab: {  	_ =	task [dreg:s6], $0x5FFFF  }
0xac: {  	[dreg:$0x1] =	wrdreg $0xFFFFFFFF  }
0xad: {  	[dreg:$0x0] =	wrdreg $0x60  }
0xae: {  	[dreg:$0x2] =	wrdreg s24  }
0xaf: {  	[dreg:$0x3] =	wrdreg $0x0  }
0xb0: {  	[dreg:$0x4] =	wrdreg $0x9  }
0xb1: {  	_ =	task.clear_ibuf [dreg:s6], $0x5FFFF;
	_ =	strace $0x90000049  }
0xb2: {  	s29 =	simm.s32 $0x9;
	_ =	strace $0x8000004B  }
0xb3: {  	_ =	swait.ge [sflag:s29], $0x1  }
0xb4: {  	[sflag:s29] =	ssyncadd.s32 $0xFFFFFFFF  }
0xb5: {  	_ =	strace $0x9000004B  }
0xb6: {  	_ =	sfence  }
0xb7: {  	s30 =	sld [smem:$0x0];
	_ =	sdelay $0x2  }
0xb8: {  	s31 =	sshll.u32 s1, $0xD;
	s1 =	sshrl.u32 s1, $0x2  }
0xb9: {  	s3 =	sand.u32 $0x4000, s31;
	s1 =	sadd.s32 s1, s30  }
0xba: {  	s0 =	sor.u32 s3, s0;
	s1 =	sshll.u32 s1, $0x11  }
0xbb: {  	s0 =	sor.u32 s1, s0  }
0xbc: {  	s0 =	sadd.s32 $0x8F2B, s0  }
0xbd: {  	[sflag:s0] =	ssyncadd.remote.s32 $0x1  }
0xbe: {  	_ =	sfence.sel $0xFFFF  }
0xbf: {  	[dreg:$0x0] =	wrdreg $0xFFFFFFFF;
	(pc) =	sbr.abs _section_cstart, $3  }
0xc0: {  	[dreg:$0x1] =	wrdreg $0xFFFFFFFF  }
0xc1: {  	_ =	task.clear_ibuf [dreg:s6], $0x2FFFF;
	_ =	strace $0x9FFFFFFF  }
0xc2: {  	(tm) =	ssettm $0x7FFFFFFF  }
0xc3: {  	_ =	shalt  }
tec
execute0_lowered:
.L_overlay_start_1:
0x0: {  	(tag) =	ssettag $0x1  }
0x1: {  	s0 =	rddreg [dreg:$0x0]  }
0x2: {  	s2 =	rddreg [dreg:$0x1]  }
0x3: {  	s1 =	srdreg.scid;
	s10 =	stileid.u32  }
0x4: {  	s4 =	simm.s32 $0x0;
	s17 =	simm.s32 $0x5;
	s18 =	simm.s32 $0x14000  }
0x5: {  	s19 =	simm.s32 $0x15400;
	s20 =	simm.s32 $0x40;
	s21 =	simm.s32 $0x16800  }
0x6: {  	s28 =	simm.s32 $0x1C800;
	s29 =	simm.s32 $0x1;
	s30 =	simm.s32 $0x2  }
0x7: {  	s31 =	simm.s32 $0x3;
	s12 =	simm.s32 $0x0;
	s1 =	sand.u32 $0x1, s1  }
0x8: {  	s3 =	smul.u32 $0x14000, s10;
	[smem:$0x7FF] =	sst s4;
	s4 =	sadd.s32 $0x16E00, s0  }
0x9: {  	s5 =	sadd.s32 $0x3200, s0;
	s8 =	smul.u32 $0x50000, s10;
	s9 =	sadd.s32 $0x16C00, s0  }
0xa: {  	s23 =	sshll.u32 s10, $0x6;
	s24 =	sadd.s32 $0xCD00, s0;
	s25 =	sadd.s32 $0x16980, s0  }
0xb: {  	s6 =	smul.u32 $0x140000, s1;
	_ =	strace $0x8000004A;
	[dreg:$0x3] =	wrdreg s9  }
0xc: {  	s7 =	ssub.s32 $0x2, s1;
	s1 =	sshll.u32 s1, $0x4;
	[dreg:$0x5] =	wrdreg s24  }
0xd: {  	[dreg:$0x6] =	wrdreg s25;
	s24 =	simm.s32 $0x14080;
	s25 =	simm.s32 $0x1A800  }
0xe: {  	s22 =	sshrl.u32 s7, $0x1;
	s8 =	sshrl.u32 s8, $0x2;
	s1 =	sor.u32 s10, s1  }
0xf: {  	s10 =	sadd.s32 $0xCE80, s0;
	s6 =	sadd.s32 s3, s6;
	s7 =	ssub.s32 s7, s22  }
0x10: {  	s11 =	sadd.s32 s8, s2;
	s3 =	sshrl.u32 s3, $0x3;
	s8 =	sor.u32 $0x1C05, s23  }
0x11: {  	s9 =	smul.u32 $0x50, s1;
	p0 =	seq.s32 s1, $0x1F;
	s22 =	simm.s32 $0x14040  }
0x12: {  	s23 =	simm.s32 $0x18800;
	s1 =	simm.s32 $0x16700;
	s6 =	sshrl.u32 s6, $0x3  }
.Ltmp0:
0x13: {  	s3 =	sadd.s32 s4, s3;
	s15 =	smax.u32 s7, $0x1;
	(pc) =	sbr.rel .LBB2_1-.Ltmp0, $4  }
0x14: {  	s16 =	sshrl.u32 s11, $0x3;
	s11 =	simm.s32 $0x167C0;
	s6 =	sadd.s32 s6, s0  }
0x15: {  	[dreg:$0x4] =	wrdreg s3;
	s0 =	sadd.s32 $0x16C40, s0;
	s3 =	simm.s32 $0x16740  }
0x16: {  	[dreg:$0x7] =	wrdreg s0;
	s26 =	sadd.s32 $0x3EE00, s6;
	s0 =	simm.s32 $0x4  }
0x17: {  	s6 =	simm.s32 $0x16780;
	[dreg:$0x8] =	wrdreg s26;
	s26 =	simm.s32 $0x140C0  }
.LBB2_8:
0x18: {  	s12 =	sadd.s32 $0x1, s12  }
0x19: {  	[bflag:$0x0] =	sbarrier.arrive $0xFFFF;
	p1 =	sne.s32 s12, s15  }
.Ltmp1:
0x1a: {  	s7 =	rddreg [dreg:$0x8];
	(pc) =	sbr.rel @!p1 .LBB2_9-.Ltmp1, $4  }
0x1b: {  	[hbm:s7], [sflag:s8] =	dma.local [spmem:s16], $0x2800  }
0x1c: {  	_ =	swait.ge [sflag:s17], $0x2800  }
0x1d: {  	[sflag:s17] =	ssyncset.done $0x0  }
0x1e: {  	[sflag:s17] =	ssyncadd.s32 $0xFFFFD800  }
.LBB2_1:
0x1f: {  	s7 =	rddreg [dreg:$0x4]  }
0x20: {  	[spmem:s16], [sflag:s8] =	dma.local [hbm:s7], $0x2800  }
.Ltmp2:
0x21: {  	_ =	swait.ge [sflag:s17], $0x2800;
	(pc) =	sbr.rel @!p0 .LBB2_2-.Ltmp2, $4  }
0x22: {  	[sflag:s17] =	ssyncset.done $0x0  }
0x23: {  	[sflag:s17] =	ssyncadd.s32 $0xFFFFD800  }
0x24: {  	[bflag:$0x0] =	sbarrier.arrive $0xFFFF  }
0x25: {  	p2 =	por $0x1, $0x1;
	s7 =	simm.s32 $0x0  }
0x26: {  	s7 =	simm.s32 $0x0;
	s13 =	rddreg [dreg:$0x5]  }
0x27: {  	[tilespmem:s18], [sflag:$0x5] =	stream.linear.gather [hbm4b:s13+s7], $0x800, $0x38;
	[tilespmem:$0x1E800] =	vst v63  }
0x28: {  	_ =	swait.ge [sflag:s17], $0x800  }
0x29: {  	[sflag:s17] =	ssyncset.done $0x0  }
0x2a: {  	s14 =	rddreg [dreg:$0x6];
	[sflag:s17] =	ssyncadd.s32 $0xFFFFF800  }
0x2b: {  	[tilespmem:s19], [sflag:$0x5] =	stream.linear.gather [hbm4b:s14+s7], $0x800, $0x38;
	[tilespmem:$0x1E800] =	vst v63  }
0x2c: {  	_ =	swait.ge [sflag:s17], $0x800  }
0x2d: {  	[sflag:s17] =	ssyncset.done $0x0  }
0x2e: {  	[sflag:s17] =	ssyncadd.s32 $0xFFFFF800  }
0x2f: {  	[tilespmem:s21], [sflag:$0x1] =	stream.indirect.gather [hbm4b:s4+s20], $0x80, s18, s20, $0xb8;
	[tilespmem:$0x1E800] =	vst v63  }
0x30: {  	_ = 	snop  }
0x31: {  	[tilespmem:s23], [sflag:$0x2] =	stream.indirect.gather [hbm4b:s4+s20], $0x80, s22, s20, $0xb8;
	[tilespmem:$0x1E800] =	vst v63  }
0x32: {  	_ = 	snop  }
0x33: {  	[tilespmem:s25], [sflag:$0x3] =	stream.indirect.gather [hbm4b:s4+s20], $0x80, s24, s20, $0xb8;
	[tilespmem:$0x1E800] =	vst v63  }
0x34: {  	_ = 	snop  }
0x35: {  	[tilespmem:s28], [sflag:$0x4] =	stream.indirect.gather [hbm4b:s4+s20], $0x80, s26, s20, $0xb8;
	[tilespmem:$0x1E800] =	vst v63  }
0x36: {  	_ =	swait.ge [sflag:s29], $0x2000  }
0x37: {  	[sflag:s29] =	ssyncset.done $0x0  }
0x38: {  	s14 =	simm.s32 $0x15400;
	[sflag:s29] =	ssyncadd.s32 $0xFFFFE000  }
0x39: {  	[spmem:s2] =	stream.indirect.scatter.add.f32 [tilespmem:s21], [sflag:$0x5], $0x80, s14, s20, $0xb8;
	[tilespmem:$0x1E800] =	vst v63  }
0x3a: {  	_ =	swait.ge [sflag:s17], $0x2000  }
0x3b: {  	[sflag:s17] =	ssyncset.done $0x0  }
0x3c: {  	s13 =	simm.s32 $0x14100;
	[sflag:s17] =	ssyncadd.s32 $0xFFFFE000  }
0x3d: {  	[tilespmem:s21], [sflag:$0x1] =	stream.indirect.gather [hbm4b:s4+s20], $0x80, s13, s20, $0xb8;
	[tilespmem:$0x1E800] =	vst v63  }
0x3e: {  	_ =	swait.ge [sflag:s30], $0x2000  }
0x3f: {  	[sflag:s30] =	ssyncset.done $0x0  }
0x40: {  	s14 =	simm.s32 $0x15440;
	[sflag:s30] =	ssyncadd.s32 $0xFFFFE000  }
0x41: {  	[spmem:s2] =	stream.indirect.scatter.add.f32 [tilespmem:s23], [sflag:$0x5], $0x80, s14, s20, $0xb8;
	[tilespmem:$0x1E800] =	vst v63  }
0x42: {  	_ =	swait.ge [sflag:s17], $0x2000  }
0x43: {  	[sflag:s17] =	ssyncset.done $0x0  }
0x44: {  	s13 =	simm.s32 $0x14140;
	[sflag:s17] =	ssyncadd.s32 $0xFFFFE000  }
0x45: {  	[tilespmem:s23], [sflag:$0x2] =	stream.indirect.gather [hbm4b:s4+s20], $0x80, s13, s20, $0xb8;
	[tilespmem:$0x1E800] =	vst v63  }
0x46: {  	_ =	swait.ge [sflag:s31], $0x2000  }
0x47: {  	[sflag:s31] =	ssyncset.done $0x0  }
0x48: {  	s14 =	simm.s32 $0x15480;
	[sflag:s31] =	ssyncadd.s32 $0xFFFFE000  }
0x49: {  	[spmem:s2] =	stream.indirect.scatter.add.f32 [tilespmem:s25], [sflag:$0x5], $0x80, s14, s20, $0xb8;
	[tilespmem:$0x1E800] =	vst v63  }
0x4a: {  	_ =	swait.ge [sflag:s17], $0x2000  }
0x4b: {  	[sflag:s17] =	ssyncset.done $0x0  }
0x4c: {  	s13 =	simm.s32 $0x14180;
	[sflag:s17] =	ssyncadd.s32 $0xFFFFE000  }
0x4d: {  	[tilespmem:s25], [sflag:$0x3] =	stream.indirect.gather [hbm4b:s4+s20], $0x80, s13, s20, $0xb8;
	[tilespmem:$0x1E800] =	vst v63  }
0x4e: {  	_ =	swait.ge [sflag:s0], $0x2000  }
0x4f: {  	[sflag:s0] =	ssyncset.done $0x0  }
0x50: {  	s14 =	simm.s32 $0x154C0;
	[sflag:s0] =	ssyncadd.s32 $0xFFFFE000  }
0x51: {  	[spmem:s2] =	stream.indirect.scatter.add.f32 [tilespmem:s28], [sflag:$0x5], $0x80, s14, s20, $0xb8;
	[tilespmem:$0x1E800] =	vst v63  }
0x52: {  	_ =	swait.ge [sflag:s17], $0x2000  }
0x53: {  	[sflag:s17] =	ssyncset.done $0x0  }
0x54: {  	s7 =	simm.s32 $0x141C0;
	s13 =	simm.s32 $0x400;
	[sflag:s17] =	ssyncadd.s32 $0xFFFFE000  }
.LBB2_6:
0x55: {  	[tilespmem:s28], [sflag:$0x4] =	stream.indirect.gather [hbm4b:s4+s20], $0x80, s7, s20, $0xb8;
	[tilespmem:$0x1E800] =	vst v63  }
0x56: {  	s7 =	smov.u32 s13  }
0x57: {  	p1 =	sne.s32 s13, $0x1800;
	s13 =	sadd.s32 $0x400, s13;
	_ =	swait.ge [sflag:s29], $0x2000  }
0x58: {  	s7 =	sshra.s32 s7, $0x2;
	[sflag:s29] =	ssyncset.done $0x0  }
0x59: {  	s14 =	sadd.s32 $0x15400, s7;
	[sflag:s29] =	ssyncadd.s32 $0xFFFFE000  }
0x5a: {  	[spmem:s2] =	stream.indirect.scatter.add.f32 [tilespmem:s21], [sflag:$0x5], $0x80, s14, s20, $0xb8;
	[tilespmem:$0x1E800] =	vst v63  }
0x5b: {  	_ =	swait.ge [sflag:s17], $0x2000  }
0x5c: {  	[sflag:s17] =	ssyncset.done $0x0  }
0x5d: {  	s14 =	sadd.s32 $0x14100, s7;
	[sflag:s17] =	ssyncadd.s32 $0xFFFFE000  }
0x5e: {  	[tilespmem:s21], [sflag:$0x1] =	stream.indirect.gather [hbm4b:s4+s20], $0x80, s14, s20, $0xb8;
	[tilespmem:$0x1E800] =	vst v63  }
0x5f: {  	_ =	swait.ge [sflag:s30], $0x2000  }
0x60: {  	[sflag:s30] =	ssyncset.done $0x0  }
0x61: {  	s14 =	sadd.s32 $0x15440, s7;
	[sflag:s30] =	ssyncadd.s32 $0xFFFFE000  }
0x62: {  	[spmem:s2] =	stream.indirect.scatter.add.f32 [tilespmem:s23], [sflag:$0x5], $0x80, s14, s20, $0xb8;
	[tilespmem:$0x1E800] =	vst v63  }
0x63: {  	_ =	swait.ge [sflag:s17], $0x2000  }
0x64: {  	[sflag:s17] =	ssyncset.done $0x0  }
0x65: {  	s14 =	sadd.s32 $0x14140, s7;
	[sflag:s17] =	ssyncadd.s32 $0xFFFFE000  }
0x66: {  	[tilespmem:s23], [sflag:$0x2] =	stream.indirect.gather [hbm4b:s4+s20], $0x80, s14, s20, $0xb8;
	[tilespmem:$0x1E800] =	vst v63  }
0x67: {  	_ =	swait.ge [sflag:s31], $0x2000  }
0x68: {  	[sflag:s31] =	ssyncset.done $0x0  }
0x69: {  	s14 =	sadd.s32 $0x15480, s7;
	[sflag:s31] =	ssyncadd.s32 $0xFFFFE000  }
0x6a: {  	[spmem:s2] =	stream.indirect.scatter.add.f32 [tilespmem:s25], [sflag:$0x5], $0x80, s14, s20, $0xb8;
	[tilespmem:$0x1E800] =	vst v63  }
0x6b: {  	_ =	swait.ge [sflag:s17], $0x2000  }
0x6c: {  	[sflag:s17] =	ssyncset.done $0x0  }
0x6d: {  	s14 =	sadd.s32 $0x14180, s7;
	[sflag:s17] =	ssyncadd.s32 $0xFFFFE000  }
0x6e: {  	[tilespmem:s25], [sflag:$0x3] =	stream.indirect.gather [hbm4b:s4+s20], $0x80, s14, s20, $0xb8;
	[tilespmem:$0x1E800] =	vst v63  }
0x6f: {  	_ =	swait.ge [sflag:s0], $0x2000  }
0x70: {  	[sflag:s0] =	ssyncset.done $0x0  }
.Ltmp3:
0x71: {  	s14 =	sadd.s32 $0x154C0, s7;
	[sflag:s0] =	ssyncadd.s32 $0xFFFFE000;
	(pc) =	sbr.rel @p1 .LBB2_6-.Ltmp3, $4  }
0x72: {  	[spmem:s2] =	stream.indirect.scatter.add.f32 [tilespmem:s28], [sflag:$0x5], $0x80, s14, s20, $0xb8;
	[tilespmem:$0x1E800] =	vst v63  }
0x73: {  	_ =	swait.ge [sflag:s17], $0x2000  }
0x74: {  	[sflag:s17] =	ssyncset.done $0x0  }
0x75: {  	s7 =	sadd.s32 $0x141C0, s7;
	[sflag:s17] =	ssyncadd.s32 $0xFFFFE000  }
0x76: {  	[tilespmem:s28], [sflag:$0x4] =	stream.indirect.gather [hbm4b:s4+s20], $0x80, s7, s20, $0xb8;
	[tilespmem:$0x1E800] =	vst v63  }
0x77: {  	_ =	swait.ge [sflag:s29], $0x2000  }
0x78: {  	[sflag:s29] =	ssyncset.done $0x0  }
0x79: {  	s14 =	simm.s32 $0x15B00;
	[sflag:s29] =	ssyncadd.s32 $0xFFFFE000  }
0x7a: {  	[spmem:s2] =	stream.indirect.scatter.add.f32 [tilespmem:s21], [sflag:$0x5], $0x80, s14, s20, $0xb8;
	[tilespmem:$0x1E800] =	vst v63  }
0x7b: {  	_ =	swait.ge [sflag:s17], $0x2000  }
0x7c: {  	[sflag:s17] =	ssyncset.done $0x0  }
0x7d: {  	[sflag:s17] =	ssyncadd.s32 $0xFFFFE000  }
0x7e: {  	_ =	swait.ge [sflag:s30], $0x2000  }
0x7f: {  	[sflag:s30] =	ssyncset.done $0x0  }
0x80: {  	s13 =	simm.s32 $0x15B40;
	[sflag:s30] =	ssyncadd.s32 $0xFFFFE000  }
0x81: {  	[spmem:s2] =	stream.indirect.scatter.add.f32 [tilespmem:s23], [sflag:$0x5], $0x80, s13, s20, $0xb8;
	[tilespmem:$0x1E800] =	vst v63  }
0x82: {  	_ =	swait.ge [sflag:s17], $0x2000  }
0x83: {  	[sflag:s17] =	ssyncset.done $0x0  }
0x84: {  	[sflag:s17] =	ssyncadd.s32 $0xFFFFE000  }
0x85: {  	_ =	swait.ge [sflag:s31], $0x2000  }
0x86: {  	[sflag:s31] =	ssyncset.done $0x0  }
0x87: {  	s14 =	simm.s32 $0x15B80;
	[sflag:s31] =	ssyncadd.s32 $0xFFFFE000  }
0x88: {  	[spmem:s2] =	stream.indirect.scatter.add.f32 [tilespmem:s25], [sflag:$0x5], $0x80, s14, s20, $0xb8;
	[tilespmem:$0x1E800] =	vst v63  }
0x89: {  	_ =	swait.ge [sflag:s17], $0x2000  }
0x8a: {  	[sflag:s17] =	ssyncset.done $0x0  }
0x8b: {  	[sflag:s17] =	ssyncadd.s32 $0xFFFFE000  }
0x8c: {  	_ =	swait.ge [sflag:s0], $0x2000  }
0x8d: {  	[sflag:s0] =	ssyncset.done $0x0  }
0x8e: {  	s13 =	simm.s32 $0x15BC0;
	[sflag:s0] =	ssyncadd.s32 $0xFFFFE000  }
0x8f: {  	[spmem:s2] =	stream.indirect.scatter.add.f32 [tilespmem:s28], [sflag:$0x5], $0x80, s13, s20, $0xb8;
	[tilespmem:$0x1E800] =	vst v63  }
0x90: {  	_ =	swait.ge [sflag:s17], $0x2000  }
0x91: {  	[sflag:s17] =	ssyncset.done $0x0  }
0x92: {  	s7 =	simm.s32 $0x0;
	s13 =	rddreg [dreg:$0x3];
	[sflag:s17] =	ssyncadd.s32 $0xFFFFE000  }
0x93: {  	[tilespmem:s18], [sflag:$0x5] =	stream.linear.gather [hbm4b:s13+s7], $0x200, $0x38;
	[tilespmem:$0x1E800] =	vst v63  }
0x94: {  	_ =	swait.ge [sflag:s17], $0x200  }
0x95: {  	[sflag:s17] =	ssyncset.done $0x0  }
0x96: {  	s14 =	rddreg [dreg:$0x7];
	[sflag:s17] =	ssyncadd.s32 $0xFFFFFE00  }
0x97: {  	[tilespmem:s19], [sflag:$0x5] =	stream.linear.gather [hbm4b:s14+s7], $0x200, $0x38;
	[tilespmem:$0x1E800] =	vst v63  }
0x98: {  	_ =	swait.ge [sflag:s17], $0x200  }
0x99: {  	[sflag:s17] =	ssyncset.done $0x0  }
0x9a: {  	[sflag:s17] =	ssyncadd.s32 $0xFFFFFE00  }
0x9b: {  	[tilespmem:s21], [sflag:$0x1] =	stream.indirect.gather [hbm4b:s4+s20], $0x80, s18, s20, $0xb8;
	[tilespmem:$0x1E800] =	vst v63  }
0x9c: {  	_ = 	snop  }
0x9d: {  	[tilespmem:s23], [sflag:$0x2] =	stream.indirect.gather [hbm4b:s4+s20], $0x80, s22, s20, $0xb8;
	[tilespmem:$0x1E800] =	vst v63  }
0x9e: {  	_ = 	snop  }
0x9f: {  	[tilespmem:s25], [sflag:$0x3] =	stream.indirect.gather [hbm4b:s4+s20], $0x80, s24, s20, $0xb8;
	[tilespmem:$0x1E800] =	vst v63  }
0xa0: {  	_ = 	snop  }
0xa1: {  	[tilespmem:s28], [sflag:$0x4] =	stream.indirect.gather [hbm4b:s4+s20], $0x80, s26, s20, $0xb8;
	[tilespmem:$0x1E800] =	vst v63  }
0xa2: {  	_ =	swait.ge [sflag:s29], $0x2000  }
0xa3: {  	[sflag:s29] =	ssyncset.done $0x0  }
0xa4: {  	[sflag:s29] =	ssyncadd.s32 $0xFFFFE000  }
0xa5: {  	[spmem:s2] =	stream.indirect.scatter.add.f32 [tilespmem:s21], [sflag:$0x5], $0x80, s19, s20, $0xb8;
	[tilespmem:$0x1E800] =	vst v63  }
0xa6: {  	_ =	swait.ge [sflag:s17], $0x2000  }
0xa7: {  	[sflag:s17] =	ssyncset.done $0x0  }
0xa8: {  	s14 =	simm.s32 $0x14100;
	[sflag:s17] =	ssyncadd.s32 $0xFFFFE000  }
0xa9: {  	[tilespmem:s21], [sflag:$0x1] =	stream.indirect.gather [hbm4b:s4+s20], $0x80, s14, s20, $0xb8;
	[tilespmem:$0x1E800] =	vst v63  }
0xaa: {  	_ =	swait.ge [sflag:s30], $0x2000  }
0xab: {  	[sflag:s30] =	ssyncset.done $0x0  }
0xac: {  	s13 =	simm.s32 $0x15440;
	[sflag:s30] =	ssyncadd.s32 $0xFFFFE000  }
0xad: {  	[spmem:s2] =	stream.indirect.scatter.add.f32 [tilespmem:s23], [sflag:$0x5], $0x80, s13, s20, $0xb8;
	[tilespmem:$0x1E800] =	vst v63  }
0xae: {  	_ =	swait.ge [sflag:s17], $0x2000  }
0xaf: {  	[sflag:s17] =	ssyncset.done $0x0  }
0xb0: {  	s14 =	simm.s32 $0x14140;
	[sflag:s17] =	ssyncadd.s32 $0xFFFFE000  }
0xb1: {  	[tilespmem:s23], [sflag:$0x2] =	stream.indirect.gather [hbm4b:s4+s20], $0x80, s14, s20, $0xb8;
	[tilespmem:$0x1E800] =	vst v63  }
0xb2: {  	_ =	swait.ge [sflag:s31], $0x2000  }
0xb3: {  	[sflag:s31] =	ssyncset.done $0x0  }
0xb4: {  	s13 =	simm.s32 $0x15480;
	[sflag:s31] =	ssyncadd.s32 $0xFFFFE000  }
0xb5: {  	[spmem:s2] =	stream.indirect.scatter.add.f32 [tilespmem:s25], [sflag:$0x5], $0x80, s13, s20, $0xb8;
	[tilespmem:$0x1E800] =	vst v63  }
0xb6: {  	_ =	swait.ge [sflag:s17], $0x2000  }
0xb7: {  	[sflag:s17] =	ssyncset.done $0x0  }
0xb8: {  	s14 =	simm.s32 $0x14180;
	[sflag:s17] =	ssyncadd.s32 $0xFFFFE000  }
0xb9: {  	[tilespmem:s25], [sflag:$0x3] =	stream.indirect.gather [hbm4b:s4+s20], $0x80, s14, s20, $0xb8;
	[tilespmem:$0x1E800] =	vst v63  }
0xba: {  	_ =	swait.ge [sflag:s0], $0x2000  }
0xbb: {  	[sflag:s0] =	ssyncset.done $0x0  }
0xbc: {  	s13 =	simm.s32 $0x154C0;
	[sflag:s0] =	ssyncadd.s32 $0xFFFFE000  }
0xbd: {  	[spmem:s2] =	stream.indirect.scatter.add.f32 [tilespmem:s28], [sflag:$0x5], $0x80, s13, s20, $0xb8;
	[tilespmem:$0x1E800] =	vst v63  }
0xbe: {  	_ =	swait.ge [sflag:s17], $0x2000  }
0xbf: {  	[sflag:s17] =	ssyncset.done $0x0  }
0xc0: {  	s14 =	simm.s32 $0x141C0;
	[sflag:s17] =	ssyncadd.s32 $0xFFFFE000  }
0xc1: {  	[tilespmem:s28], [sflag:$0x4] =	stream.indirect.gather [hbm4b:s4+s20], $0x80, s14, s20, $0xb8;
	[tilespmem:$0x1E800] =	vst v63  }
0xc2: {  	_ =	swait.ge [sflag:s29], $0x2000  }
0xc3: {  	[sflag:s29] =	ssyncset.done $0x0  }
0xc4: {  	s13 =	simm.s32 $0x15500;
	[sflag:s29] =	ssyncadd.s32 $0xFFFFE000  }
0xc5: {  	[spmem:s2] =	stream.indirect.scatter.add.f32 [tilespmem:s21], [sflag:$0x5], $0x80, s13, s20, $0xb8;
	[tilespmem:$0x1E800] =	vst v63  }
0xc6: {  	_ =	swait.ge [sflag:s17], $0x2000  }
0xc7: {  	[sflag:s17] =	ssyncset.done $0x0  }
0xc8: {  	[sflag:s17] =	ssyncadd.s32 $0xFFFFE000  }
0xc9: {  	_ =	swait.ge [sflag:s30], $0x2000  }
0xca: {  	[sflag:s30] =	ssyncset.done $0x0  }
0xcb: {  	s14 =	simm.s32 $0x15540;
	[sflag:s30] =	ssyncadd.s32 $0xFFFFE000  }
0xcc: {  	[spmem:s2] =	stream.indirect.scatter.add.f32 [tilespmem:s23], [sflag:$0x5], $0x80, s14, s20, $0xb8;
	[tilespmem:$0x1E800] =	vst v63  }
0xcd: {  	_ =	swait.ge [sflag:s17], $0x2000  }
0xce: {  	[sflag:s17] =	ssyncset.done $0x0  }
0xcf: {  	[sflag:s17] =	ssyncadd.s32 $0xFFFFE000  }
0xd0: {  	_ =	swait.ge [sflag:s31], $0x2000  }
0xd1: {  	[sflag:s31] =	ssyncset.done $0x0  }
0xd2: {  	s13 =	simm.s32 $0x15580;
	[sflag:s31] =	ssyncadd.s32 $0xFFFFE000  }
0xd3: {  	[spmem:s2] =	stream.indirect.scatter.add.f32 [tilespmem:s25], [sflag:$0x5], $0x80, s13, s20, $0xb8;
	[tilespmem:$0x1E800] =	vst v63  }
0xd4: {  	_ =	swait.ge [sflag:s17], $0x2000  }
0xd5: {  	[sflag:s17] =	ssyncset.done $0x0  }
0xd6: {  	[sflag:s17] =	ssyncadd.s32 $0xFFFFE000  }
0xd7: {  	_ =	swait.ge [sflag:s0], $0x2000  }
0xd8: {  	[sflag:s0] =	ssyncset.done $0x0  }
.Ltmp4:
0xd9: {  	s14 =	simm.s32 $0x155C0;
	[sflag:s0] =	ssyncadd.s32 $0xFFFFE000;
	(pc) =	sbr.rel .LBB2_8-.Ltmp4, $4  }
0xda: {  	[spmem:s2] =	stream.indirect.scatter.add.f32 [tilespmem:s28], [sflag:$0x5], $0x80, s14, s20, $0xb8;
	[tilespmem:$0x1E800] =	vst v63  }
0xdb: {  	_ =	swait.ge [sflag:s17], $0x2000  }
0xdc: {  	[sflag:s17] =	ssyncset.done $0x0  }
0xdd: {  	[sflag:s17] =	ssyncadd.s32 $0xFFFFE000  }
.LBB2_2:
0xde: {  	s7 =	sadd.s32 s9, s7  }
0xdf: {  	s7 =	sshll.u32 s7, $0x4  }
0xe0: {  	s14 =	simm.s32 $0x0;
	s13 =	sadd.s32 s5, s7  }
0xe1: {  	[tilespmem:s18], [sflag:$0x5] =	stream.linear.gather [hbm4b:s13+s14], $0x1400, $0x38;
	[tilespmem:$0x1E800] =	vst v63  }
0xe2: {  	_ =	swait.ge [sflag:s17], $0x1400  }
0xe3: {  	[sflag:s17] =	ssyncset.done $0x0  }
0xe4: {  	s7 =	sadd.s32 s7, s10;
	[sflag:s17] =	ssyncadd.s32 $0xFFFFEC00  }
0xe5: {  	[tilespmem:s19], [sflag:$0x5] =	stream.linear.gather [hbm4b:s7+s14], $0x1400, $0x38;
	[tilespmem:$0x1E800] =	vst v63  }
0xe6: {  	_ =	swait.ge [sflag:s17], $0x1400  }
0xe7: {  	[sflag:s17] =	ssyncset.done $0x0  }
0xe8: {  	[sflag:s17] =	ssyncadd.s32 $0xFFFFEC00  }
0xe9: {  	[tilespmem:s21], [sflag:$0x1] =	stream.indirect.gather [hbm4b:s4+s20], $0x80, s18, s20, $0xb8;
	[tilespmem:$0x1E800] =	vst v63  }
0xea: {  	_ = 	snop  }
0xeb: {  	[tilespmem:s23], [sflag:$0x2] =	stream.indirect.gather [hbm4b:s4+s20], $0x80, s22, s20, $0xb8;
	[tilespmem:$0x1E800] =	vst v63  }
0xec: {  	_ = 	snop  }
0xed: {  	[tilespmem:s25], [sflag:$0x3] =	stream.indirect.gather [hbm4b:s4+s20], $0x80, s24, s20, $0xb8;
	[tilespmem:$0x1E800] =	vst v63  }
0xee: {  	_ = 	snop  }
0xef: {  	[tilespmem:s28], [sflag:$0x4] =	stream.indirect.gather [hbm4b:s4+s20], $0x80, s26, s20, $0xb8;
	[tilespmem:$0x1E800] =	vst v63  }
0xf0: {  	_ =	swait.ge [sflag:s29], $0x2000  }
0xf1: {  	[sflag:s29] =	ssyncset.done $0x0  }
0xf2: {  	s14 =	simm.s32 $0x15400;
	[sflag:s29] =	ssyncadd.s32 $0xFFFFE000  }
0xf3: {  	[spmem:s2] =	stream.indirect.scatter.add.f32 [tilespmem:s21], [sflag:$0x5], $0x80, s14, s20, $0xb8;
	[tilespmem:$0x1E800] =	vst v63  }
0xf4: {  	_ =	swait.ge [sflag:s17], $0x2000  }
0xf5: {  	[sflag:s17] =	ssyncset.done $0x0  }
0xf6: {  	s13 =	simm.s32 $0x14100;
	[sflag:s17] =	ssyncadd.s32 $0xFFFFE000  }
0xf7: {  	[tilespmem:s21], [sflag:$0x1] =	stream.indirect.gather [hbm4b:s4+s20], $0x80, s13, s20, $0xb8;
	[tilespmem:$0x1E800] =	vst v63  }
0xf8: {  	_ =	swait.ge [sflag:s30], $0x2000  }
0xf9: {  	[sflag:s30] =	ssyncset.done $0x0  }
0xfa: {  	s14 =	simm.s32 $0x15440;
	[sflag:s30] =	ssyncadd.s32 $0xFFFFE000  }
0xfb: {  	[spmem:s2] =	stream.indirect.scatter.add.f32 [tilespmem:s23], [sflag:$0x5], $0x80, s14, s20, $0xb8;
	[tilespmem:$0x1E800] =	vst v63  }
0xfc: {  	_ =	swait.ge [sflag:s17], $0x2000  }
0xfd: {  	[sflag:s17] =	ssyncset.done $0x0  }
0xfe: {  	s13 =	simm.s32 $0x14140;
	[sflag:s17] =	ssyncadd.s32 $0xFFFFE000  }
0xff: {  	[tilespmem:s23], [sflag:$0x2] =	stream.indirect.gather [hbm4b:s4+s20], $0x80, s13, s20, $0xb8;
	[tilespmem:$0x1E800] =	vst v63  }
0x100: {  	_ =	swait.ge [sflag:s31], $0x2000  }
0x101: {  	[sflag:s31] =	ssyncset.done $0x0  }
0x102: {  	s14 =	simm.s32 $0x15480;
	[sflag:s31] =	ssyncadd.s32 $0xFFFFE000  }
0x103: {  	[spmem:s2] =	stream.indirect.scatter.add.f32 [tilespmem:s25], [sflag:$0x5], $0x80, s14, s20, $0xb8;
	[tilespmem:$0x1E800] =	vst v63  }
0x104: {  	_ =	swait.ge [sflag:s17], $0x2000  }
0x105: {  	[sflag:s17] =	ssyncset.done $0x0  }
0x106: {  	s13 =	simm.s32 $0x14180;
	[sflag:s17] =	ssyncadd.s32 $0xFFFFE000  }
0x107: {  	[tilespmem:s25], [sflag:$0x3] =	stream.indirect.gather [hbm4b:s4+s20], $0x80, s13, s20, $0xb8;
	[tilespmem:$0x1E800] =	vst v63  }
0x108: {  	_ =	swait.ge [sflag:s0], $0x2000  }
0x109: {  	[sflag:s0] =	ssyncset.done $0x0  }
0x10a: {  	s14 =	simm.s32 $0x154C0;
	[sflag:s0] =	ssyncadd.s32 $0xFFFFE000  }
0x10b: {  	[spmem:s2] =	stream.indirect.scatter.add.f32 [tilespmem:s28], [sflag:$0x5], $0x80, s14, s20, $0xb8;
	[tilespmem:$0x1E800] =	vst v63  }
0x10c: {  	_ =	swait.ge [sflag:s17], $0x2000  }
0x10d: {  	p1 =	por p2, p2;
	[sflag:s17] =	ssyncset.done $0x0  }
0x10e: {  	s7 =	simm.s32 $0x141C0;
	s13 =	simm.s32 $0x400;
	[sflag:s17] =	ssyncadd.s32 $0xFFFFE000  }
.LBB2_3:
0x10f: {  	[tilespmem:s28], [sflag:$0x4] =	stream.indirect.gather [hbm4b:s4+s20], $0x80, s7, s20, $0xb8;
	[tilespmem:$0x1E800] =	vst v63  }
0x110: {  	s7 =	smov.u32 s13  }
0x111: {  	p2 =	sne.s32 s13, $0x4800;
	s13 =	sadd.s32 $0x400, s13;
	_ =	swait.ge [sflag:s29], $0x2000  }
0x112: {  	s7 =	sshra.s32 s7, $0x2;
	[sflag:s29] =	ssyncset.done $0x0  }
0x113: {  	s14 =	sadd.s32 $0x15400, s7;
	[sflag:s29] =	ssyncadd.s32 $0xFFFFE000  }
0x114: {  	[spmem:s2] =	stream.indirect.scatter.add.f32 [tilespmem:s21], [sflag:$0x5], $0x80, s14, s20, $0xb8;
	[tilespmem:$0x1E800] =	vst v63  }
0x115: {  	_ =	swait.ge [sflag:s17], $0x2000  }
0x116: {  	[sflag:s17] =	ssyncset.done $0x0  }
0x117: {  	s14 =	sadd.s32 $0x14100, s7;
	[sflag:s17] =	ssyncadd.s32 $0xFFFFE000  }
0x118: {  	[tilespmem:s21], [sflag:$0x1] =	stream.indirect.gather [hbm4b:s4+s20], $0x80, s14, s20, $0xb8;
	[tilespmem:$0x1E800] =	vst v63  }
0x119: {  	_ =	swait.ge [sflag:s30], $0x2000  }
0x11a: {  	[sflag:s30] =	ssyncset.done $0x0  }
0x11b: {  	s14 =	sadd.s32 $0x15440, s7;
	[sflag:s30] =	ssyncadd.s32 $0xFFFFE000  }
0x11c: {  	[spmem:s2] =	stream.indirect.scatter.add.f32 [tilespmem:s23], [sflag:$0x5], $0x80, s14, s20, $0xb8;
	[tilespmem:$0x1E800] =	vst v63  }
0x11d: {  	_ =	swait.ge [sflag:s17], $0x2000  }
0x11e: {  	[sflag:s17] =	ssyncset.done $0x0  }
0x11f: {  	s14 =	sadd.s32 $0x14140, s7;
	[sflag:s17] =	ssyncadd.s32 $0xFFFFE000  }
0x120: {  	[tilespmem:s23], [sflag:$0x2] =	stream.indirect.gather [hbm4b:s4+s20], $0x80, s14, s20, $0xb8;
	[tilespmem:$0x1E800] =	vst v63  }
0x121: {  	_ =	swait.ge [sflag:s31], $0x2000  }
0x122: {  	[sflag:s31] =	ssyncset.done $0x0  }
0x123: {  	s14 =	sadd.s32 $0x15480, s7;
	[sflag:s31] =	ssyncadd.s32 $0xFFFFE000  }
0x124: {  	[spmem:s2] =	stream.indirect.scatter.add.f32 [tilespmem:s25], [sflag:$0x5], $0x80, s14, s20, $0xb8;
	[tilespmem:$0x1E800] =	vst v63  }
0x125: {  	_ =	swait.ge [sflag:s17], $0x2000  }
0x126: {  	[sflag:s17] =	ssyncset.done $0x0  }
0x127: {  	s14 =	sadd.s32 $0x14180, s7;
	[sflag:s17] =	ssyncadd.s32 $0xFFFFE000  }
0x128: {  	[tilespmem:s25], [sflag:$0x3] =	stream.indirect.gather [hbm4b:s4+s20], $0x80, s14, s20, $0xb8;
	[tilespmem:$0x1E800] =	vst v63  }
0x129: {  	_ =	swait.ge [sflag:s0], $0x2000  }
0x12a: {  	[sflag:s0] =	ssyncset.done $0x0  }
.Ltmp5:
0x12b: {  	s14 =	sadd.s32 $0x154C0, s7;
	[sflag:s0] =	ssyncadd.s32 $0xFFFFE000;
	(pc) =	sbr.rel @p2 .LBB2_3-.Ltmp5, $4  }
0x12c: {  	[spmem:s2] =	stream.indirect.scatter.add.f32 [tilespmem:s28], [sflag:$0x5], $0x80, s14, s20, $0xb8;
	[tilespmem:$0x1E800] =	vst v63  }
0x12d: {  	_ =	swait.ge [sflag:s17], $0x2000  }
0x12e: {  	[sflag:s17] =	ssyncset.done $0x0  }
0x12f: {  	s7 =	sadd.s32 $0x141C0, s7;
	[sflag:s17] =	ssyncadd.s32 $0xFFFFE000  }
0x130: {  	[tilespmem:s28], [sflag:$0x4] =	stream.indirect.gather [hbm4b:s4+s20], $0x80, s7, s20, $0xb8;
	[tilespmem:$0x1E800] =	vst v63  }
0x131: {  	_ =	swait.ge [sflag:s29], $0x2000  }
0x132: {  	[sflag:s29] =	ssyncset.done $0x0  }
0x133: {  	[sflag:s29] =	ssyncadd.s32 $0xFFFFE000  }
0x134: {  	[spmem:s2] =	stream.indirect.scatter.add.f32 [tilespmem:s21], [sflag:$0x5], $0x80, s1, s20, $0xb8;
	[tilespmem:$0x1E800] =	vst v63  }
0x135: {  	_ =	swait.ge [sflag:s17], $0x2000  }
0x136: {  	[sflag:s17] =	ssyncset.done $0x0  }
0x137: {  	[sflag:s17] =	ssyncadd.s32 $0xFFFFE000  }
0x138: {  	_ =	swait.ge [sflag:s30], $0x2000  }
0x139: {  	[sflag:s30] =	ssyncset.done $0x0  }
0x13a: {  	[sflag:s30] =	ssyncadd.s32 $0xFFFFE000  }
0x13b: {  	[spmem:s2] =	stream.indirect.scatter.add.f32 [tilespmem:s23], [sflag:$0x5], $0x80, s3, s20, $0xb8;
	[tilespmem:$0x1E800] =	vst v63  }
0x13c: {  	_ =	swait.ge [sflag:s17], $0x2000  }
0x13d: {  	[sflag:s17] =	ssyncset.done $0x0  }
0x13e: {  	[sflag:s17] =	ssyncadd.s32 $0xFFFFE000  }
0x13f: {  	_ =	swait.ge [sflag:s31], $0x2000  }
0x140: {  	[sflag:s31] =	ssyncset.done $0x0  }
0x141: {  	[sflag:s31] =	ssyncadd.s32 $0xFFFFE000  }
0x142: {  	[spmem:s2] =	stream.indirect.scatter.add.f32 [tilespmem:s25], [sflag:$0x5], $0x80, s6, s20, $0xb8;
	[tilespmem:$0x1E800] =	vst v63  }
0x143: {  	_ =	swait.ge [sflag:s17], $0x2000  }
0x144: {  	[sflag:s17] =	ssyncset.done $0x0  }
0x145: {  	[sflag:s17] =	ssyncadd.s32 $0xFFFFE000  }
0x146: {  	_ =	swait.ge [sflag:s0], $0x2000  }
0x147: {  	[sflag:s0] =	ssyncset.done $0x0  }
0x148: {  	[sflag:s0] =	ssyncadd.s32 $0xFFFFE000  }
0x149: {  	[spmem:s2] =	stream.indirect.scatter.add.f32 [tilespmem:s28], [sflag:$0x5], $0x80, s11, s20, $0xb8;
	[tilespmem:$0x1E800] =	vst v63  }
.Ltmp6:
0x14a: {  	_ = 	snop;
	(pc) =	sbr.rel @p1 .LBB2_2-.Ltmp6, $4  }
.Ltmp7:
0x14b: {  	_ = 	snop;
	(pc) =	sbr.rel @!p1 .LBB2_8-.Ltmp7, $4  }
0x14c: {  	_ =	swait.ge [sflag:s17], $0x2000  }
0x14d: {  	[sflag:s17] =	ssyncset.done $0x0  }
0x14e: {  	s7 =	simm.s32 $0x28;
	p2 =	por $0x0, $0x0;
	[sflag:s17] =	ssyncadd.s32 $0xFFFFE000  }
0x14f: {  	_ = 	snop  }
.LBB2_9:
0x150: {  	_ =	sfence.sel $0x180000  }
0x151: {  	[bflag:$0x0] =	sbarrier.arrive $0xFFFF  }
0x152: {  	_ =	strace $0x9000004A  }
0x153: {  	s0 =	stileid.u32;
	[bflag:$0x2] =	sbarrier.arrive $0xFFFF  }
0x154: {  	p0 =	sne.s32 s0, $0x0;
	s0 =	rddreg [dreg:$0x2]  }
0x155: {  	s0 =	sadd.s32 @!p0 $0x100000, s0  }
0x156: {  	[sflag:s0] =	ssyncadd.tile.s32 @!p0 $0x1;
	_ =	shalt  }
.Lfunc_end2:
_tile_overlayer_lowered:
.L_overlay_start_2:
0x157: {  	(tag) =	ssettag $0x2  }
0x158: {  	s0 =	rddreg [dreg:$0x0];
	s2 =	stileid.u32  }
0x159: {  	s1 =	rddreg [dreg:$0x1];
	p0 =	sne.s32 s2, $0x0  }
0x15a: {  	s3 =	rddreg [dreg:$0x2];
	[bflag:$0x3] =	sbarrier.arrive $0xFFFF;
	s2 =	simm.s32 @!p0 $0x1C05  }
0x15b: {  	[timem:s3], [sflag:s2] =	dma.local @!p0 [hbm:s0], s1  }
0x15c: {  	s0 =	simm.s32 @!p0 $0x5  }
0x15d: {  	_ =	swait.ge @!p0 [sflag:s0], s1  }
0x15e: {  	s1 =	ssub.s32 @!p0 $0x0, s1;
	[sflag:s0] =	ssyncset.done @!p0 $0x0  }
0x15f: {  	[sflag:s0] =	ssyncadd.s32 @!p0 s1  }
0x160: {  	[bflag:$0x3] =	sbarrier.arrive $0xFFFF  }
0x161: {  	_ =	shalt  }

// kernel: kernel.14.cloned.1.call-start
scs
__scs_entry_jumppad:
0x0: {  	(pc) =	sbr.rel $0x88, $3  }
0x1: {  	(tag) =	ssettag $0x0;
	lr =	simm.s32 $0x1  }
0x2: {  	[smem:$0x3F97] =	sst lr;
	_ =	strace $0xD0000000  }
0x3: {  	_ = 	snop  }
0x4: {  	_ = 	snop  }
0x5: {  	_ = 	snop  }
0x6: {  	_ = 	snop  }
0x7: {  	_ = 	snop  }
__scs_overlays_trampoline_lowered:
0x8: {  	[smem:$0x3FA6] =	sst s0  }
0x9: {  	[smem:$0x3FA7] =	sst s1  }
0xa: {  	[smem:$0x3FA8] =	sst s2  }
0xb: {  	[smem:$0x3FA9] =	sst s3  }
0xc: {  	[smem:$0x3FAA] =	sst s4  }
0xd: {  	[smem:$0x3FAB] =	sst s5  }
0xe: {  	[smem:$0x3FAC] =	sst s6  }
0xf: {  	[smem:$0x3FAD] =	sst s7  }
0x10: {  	[smem:$0x3FAE] =	sst s8  }
0x11: {  	[smem:$0x3FAF] =	sst s9;
	s0 =	simm.s32 @!p0 $0x0  }
0x12: {  	s1 =	sld [smem:$0x3F95];
	s0 =	simm.s32 @p0 $0x1  }
0x13: {  	[smem:$0x3FB0] =	sst s0;
	s0 =	simm.s32 @!p1 $0x0  }
0x14: {  	s2 =	sld [smem:$0x3F94];
	s0 =	simm.s32 @p1 $0x1  }
0x15: {  	[smem:$0x3FB1] =	sst s0;
	s0 =	simm.s32 @!p2 $0x0  }
0x16: {  	s3 =	sld [smem:$0x3FDB];
	s0 =	simm.s32 @p2 $0x1  }
0x17: {  	s4 =	simm.s32 $0x1BF5;
	[smem:$0x3FB3] =	sst s0  }
0x18: {  	s0 =	sld [smem:$0x3F96];
	_ =	swait.ge [sflag:s4], $0x0  }
0x19: {  	s7 =	sld [smem:$0x3F97]  }
0x1a: {  	s8 =	sadd.s32 $0xFFFFE003, lr  }
0x1b: {  	s9 =	sadd.s32 $0xFFFFFEF7, lr;
	s5 =	simm.s32 $0xFFFFFFFF;
	p2 =	slt.u32 s8, $0xFFFFF086  }
0x1c: {  	p1 =	slt.u32 s9, $0xF7A;
	s5 =	simm.s32 @!p2 $0x0  }
0x1d: {  	s5 =	simm.s32 @p1 $0x1;
	p0 =	seq.s32 s7, s2  }
0x1e: {  	s7 =	smul.u32 @!p0 $0xF7A, s2;
	p2 =	seq.s32 @!p0 s5, $0x0  }
0x1f: {  	s9 =	smul.u32 $0xF7A, s1;
	s8 =	simm.s32 @!p0 $0x1BF5;
	p2 =	por !p2, p0  }
0x20: {  	[sflag:s8] =	ssyncset.s32 @!p0 $0xFFFFF086;
	s6 =	sadd.s32 @!p0 s3, s7;
	s7 =	simm.s32 @!p0 $0x108  }
0x21: {  	s3 =	sadd.s32 s3, s9;
	s6 =	sadd.s32 @!p0 $0x88, s6;
	s7 =	simm.s32 @p2 $0x1082  }
0x22: {  	[simem:s7], [sflag:s8] =	dma.local @!p0 [hbm:s6], $0xF7A  }
0x23: {  	s9 =	sor.u32 $0xD0000000, s2;
	s6 =	simm.s32 $0x108;
	_ =	swait.ge @!p0 [sflag:s8], $0x0  }
0x24: {  	s3 =	sadd.s32 $0x88, s3;
	s6 =	simm.s32 @!p1 $0x1082;
	[sflag:s4] =	ssyncset.s32 $0xFFFFF086  }
0x25: {  	[simem:s6], [sflag:s4] =	dma.local [hbm:s3], $0xF7A  }
0x26: {  	[smem:$0x3F97] =	sst s1;
	(tag) =	ssettag s2;
	_ =	strace s9  }
0x27: {  	s1 =	sld [smem:$0x3FA7]  }
0x28: {  	s2 =	sld [smem:$0x3FA8]  }
0x29: {  	s4 =	sld [smem:$0x3FAA]  }
0x2a: {  	p0 =	seq.s32 s5, $0x0;
	s5 =	sld [smem:$0x3FAB]  }
0x2b: {  	s6 =	sld [smem:$0x3FAC]  }
0x2c: {  	s7 =	sld [smem:$0x3FAD]  }
0x2d: {  	s3 =	simm.s32 $0x108;
	s8 =	sld [smem:$0x3FAE]  }
0x2e: {  	s3 =	simm.s32 @!p0 $0x1082;
	s9 =	sld [smem:$0x3FAF]  }
0x2f: {  	lr =	sadd.s32 s0, s3;
	s0 =	sld [smem:$0x3FA6]  }
0x30: {  	s3 =	sld [smem:$0x3FA9]  }
0x31: {  	[smem:$0x3FB2] =	sst s10  }
0x32: {  	s10 =	sld [smem:$0x3FB0];
	_ =	sdelay $0x3  }
0x33: {  	p0 =	seq.s32 s10, $0x1;
	s10 =	sld [smem:$0x3FB2];
	_ =	sdelay $0x3  }
0x34: {  	[smem:$0x3FB2] =	sst s10  }
0x35: {  	s10 =	sld [smem:$0x3FB1];
	_ =	sdelay $0x3  }
0x36: {  	p1 =	seq.s32 s10, $0x1;
	s10 =	sld [smem:$0x3FB2];
	_ =	sdelay $0x3  }
0x37: {  	[smem:$0x3FB2] =	sst s10  }
0x38: {  	s10 =	sld [smem:$0x3FB3]  }
0x39: {  	_ = 	snop;
	(pc) =	sbr.ind lr, $3  }
0x3a: {  	_ = 	snop  }
0x3b: {  	_ = 	snop  }
0x3c: {  	p2 =	seq.s32 s10, $0x1;
	s10 =	sld [smem:$0x3FB2]  }
0x3d: {  	_ =	shalt  }
0x3e: {  	_ =	shalt  }
0x3f: {  	_ =	shalt  }
0x40: {  	_ =	shalt  }
0x41: {  	_ =	shalt  }
0x42: {  	_ =	shalt  }
0x43: {  	_ =	shalt  }
0x44: {  	_ =	shalt  }
0x45: {  	_ =	shalt  }
0x46: {  	_ =	shalt  }
0x47: {  	_ =	shalt  }
0x48: {  	_ =	shalt  }
0x49: {  	_ =	shalt  }
0x4a: {  	_ =	shalt  }
0x4b: {  	_ =	shalt  }
0x4c: {  	_ =	shalt  }
0x4d: {  	_ =	shalt  }
0x4e: {  	_ =	shalt  }
0x4f: {  	_ =	shalt  }
0x50: {  	_ =	shalt  }
0x51: {  	_ =	shalt  }
0x52: {  	_ =	shalt  }
0x53: {  	_ =	shalt  }
0x54: {  	_ =	shalt  }
0x55: {  	_ =	shalt  }
0x56: {  	_ =	shalt  }
0x57: {  	_ =	shalt  }
0x58: {  	_ =	shalt  }
0x59: {  	_ =	shalt  }
0x5a: {  	_ =	shalt  }
0x5b: {  	_ =	shalt  }
0x5c: {  	_ =	shalt  }
0x5d: {  	_ =	shalt  }
0x5e: {  	_ =	shalt  }
0x5f: {  	_ =	shalt  }
0x60: {  	_ =	shalt  }
0x61: {  	_ =	shalt  }
0x62: {  	_ =	shalt  }
0x63: {  	_ =	shalt  }
0x64: {  	_ =	shalt  }
0x65: {  	_ =	shalt  }
0x66: {  	_ =	shalt  }
0x67: {  	_ =	shalt  }
0x68: {  	_ =	shalt  }
0x69: {  	_ =	shalt  }
0x6a: {  	_ =	shalt  }
0x6b: {  	_ =	shalt  }
0x6c: {  	_ =	shalt  }
0x6d: {  	_ =	shalt  }
0x6e: {  	_ =	shalt  }
0x6f: {  	_ =	shalt  }
0x70: {  	_ =	shalt  }
0x71: {  	_ =	shalt  }
0x72: {  	_ =	shalt  }
0x73: {  	_ =	shalt  }
0x74: {  	_ =	shalt  }
0x75: {  	_ =	shalt  }
0x76: {  	_ =	shalt  }
0x77: {  	_ =	shalt  }
0x78: {  	_ =	shalt  }
0x79: {  	_ =	shalt  }
0x7a: {  	_ =	shalt  }
0x7b: {  	_ =	shalt  }
0x7c: {  	_ =	shalt  }
0x7d: {  	_ =	shalt  }
0x7e: {  	_ =	shalt  }
0x7f: {  	_ =	shalt  }
0x80: {  	_ =	shalt  }
0x81: {  	_ =	shalt  }
0x82: {  	_ =	shalt  }
0x83: {  	_ =	shalt  }
0x84: {  	_ =	shalt  }
0x85: {  	_ =	shalt  }
0x86: {  	_ =	shalt  }
0x87: {  	_ =	shalt  }
.Lfunc_end0:
.L_simem_size_0:
called_computation.2_lowered:
.L_overlay_start_0:
0x88: {  	s2 =	sld [smem:$0x3FD9]  }
0x89: {  	s3 =	sld [smem:$0x3FFE];
	_ =	sdelay $0x1  }
0x8a: {  	s1 =	srdreg.scid  }
0x8b: {  	s0 =	sand.u32 $0x1, s1  }
0x8c: {  	s16 =	sshll.u32 s0, $0xA;
	s2 =	sadd.s32 s3, s2  }
0x8d: {  	s2 =	sadd.s32 s2, s16  }
0x8e: {  	[smem:$0x3FBE] =	sst s2  }
0x8f: {  	_ = 	snop  }
0x90: {  	(tm) =	ssettm $0x1  }
0x91: {  	s17 =	sld [smem:$0x3FFB];
	_ =	sdelay $0x3  }
0x92: {  	_ =	strace s17  }
0x93: {  	s2 =	sld [smem:$0x3FFC];
	_ =	sdelay $0x3  }
0x94: {  	_ =	strace s2  }
0x95: {  	s2 =	sld [smem:$0x3FFD];
	_ =	sdelay $0x3  }
0x96: {  	_ =	strace s2  }
0x97: {  	_ =	strace $0x8FFFFFFF  }
0x98: {  	s18 =	sld [smem:$0x3FDB];
	_ =	sdelay $0x1  }
0x99: {  	s19 =	simm.s32 $_scs_section_size  }
0x9a: {  	s4 =	simm.s32 $_size__tile_overlayer_lowered;
	s5 =	simm.s32 $_tile_overlayer_lowered  }
0x9b: {  	s22 =	simm.s32 $0x1BFF;
	s21 =	sshll.u32 s5, $0x1;
	s2 =	sadd.s32 s19, s18  }
0x9c: {  	s6 =	simm.s32 $0x0;
	s20 =	sshll.u32 s4, $0x1;
	s4 =	sadd.s32 s21, s2  }
0x9d: {  	[timem:s6], [sflag:s22] =	dma.local [hbm:s4], s20  }
0x9e: {  	_ =	swait.ge [sflag:s22], s20  }
0x9f: {  	s3 =	ssub.s32 $0x0, s20;
	[sflag:s22] =	ssyncset.done $0x0  }
0xa0: {  	[sflag:s22] =	ssyncadd.s32 s3;
	_ =	sdelay $0x1  }
0xa1: {  	s23 =	simm.s32 $0x1B8B  }
0xa2: {  	_ =	swait.ge [sflag:s23], $0x1  }
0xa3: {  	[sflag:s23] =	ssyncset.done $0x0  }
0xa4: {  	s25 =	simm.s32 $0x1B8E;
	s24 =	sld [smem:$0x3FFE];
	[sflag:s23] =	ssyncadd.s32 $0xFFFFFFFF  }
0xa5: {  	s26 =	simm.s32 $execute0_lowered;
	[smem:$0x3FD2] =	sst s25  }
0xa6: {  	s4 =	sshll.u32 s26, $0x1;
	_ =	strace $0x8000004C;
	[dreg:$0x1] =	wrdreg $0xFFFFFFFF  }
0xa7: {  	s28 =	simm.s32 $_size_execute0_lowered;
	s2 =	sadd.s32 s2, s4;
	[dreg:$0x0] =	wrdreg $0x0  }
0xa8: {  	s4 =	sshll.u32 s28, $0x1;
	[dreg:$0x2] =	wrdreg s2  }
0xa9: {  	[dreg:$0x3] =	wrdreg s4  }
0xaa: {  	[dreg:$0x4] =	wrdreg $0xC0  }
0xab: {  	_ =	task [dreg:s6], $0x5FFFF  }
0xac: {  	[dreg:$0x1] =	wrdreg $0xFFFFFFFF  }
0xad: {  	[dreg:$0x0] =	wrdreg $0x60  }
0xae: {  	[dreg:$0x2] =	wrdreg s24  }
0xaf: {  	[dreg:$0x3] =	wrdreg $0x0  }
0xb0: {  	[dreg:$0x4] =	wrdreg $0x9  }
0xb1: {  	_ =	task.clear_ibuf [dreg:s6], $0x5FFFF;
	_ =	strace $0x9000004C  }
0xb2: {  	s29 =	simm.s32 $0x9;
	_ =	strace $0x8000004E  }
0xb3: {  	_ =	swait.ge [sflag:s29], $0x1  }
0xb4: {  	[sflag:s29] =	ssyncadd.s32 $0xFFFFFFFF  }
0xb5: {  	_ =	strace $0x9000004E  }
0xb6: {  	_ =	sfence  }
0xb7: {  	s30 =	sld [smem:$0x0];
	_ =	sdelay $0x2  }
0xb8: {  	s31 =	sshll.u32 s1, $0xD;
	s1 =	sshrl.u32 s1, $0x2  }
0xb9: {  	s3 =	sand.u32 $0x4000, s31;
	s1 =	sadd.s32 s1, s30  }
0xba: {  	s0 =	sor.u32 s3, s0;
	s1 =	sshll.u32 s1, $0x11  }
0xbb: {  	s0 =	sor.u32 s1, s0  }
0xbc: {  	s0 =	sadd.s32 $0x8F2B, s0  }
0xbd: {  	[sflag:s0] =	ssyncadd.remote.s32 $0x1  }
0xbe: {  	_ =	sfence.sel $0xFFFF  }
0xbf: {  	[dreg:$0x0] =	wrdreg $0xFFFFFFFF;
	(pc) =	sbr.abs _section_cstart, $3  }
0xc0: {  	[dreg:$0x1] =	wrdreg $0xFFFFFFFF  }
0xc1: {  	_ =	task.clear_ibuf [dreg:s6], $0x2FFFF;
	_ =	strace $0x9FFFFFFF  }
0xc2: {  	(tm) =	ssettm $0x7FFFFFFF  }
0xc3: {  	_ =	shalt  }
tec
execute0_lowered:
.L_overlay_start_1:
0x0: {  	(tag) =	ssettag $0x1  }
0x1: {  	s0 =	rddreg [dreg:$0x0]  }
0x2: {  	s2 =	rddreg [dreg:$0x1]  }
0x3: {  	s1 =	srdreg.scid;
	s10 =	stileid.u32  }
0x4: {  	s4 =	simm.s32 $0x0;
	s17 =	simm.s32 $0x5;
	s18 =	simm.s32 $0x14000  }
0x5: {  	s19 =	simm.s32 $0x15400;
	s20 =	simm.s32 $0x40;
	s21 =	simm.s32 $0x16800  }
0x6: {  	s28 =	simm.s32 $0x1C800;
	s29 =	simm.s32 $0x1;
	s30 =	simm.s32 $0x2  }
0x7: {  	s31 =	simm.s32 $0x3;
	s12 =	simm.s32 $0x0;
	s1 =	sand.u32 $0x1, s1  }
0x8: {  	s3 =	smul.u32 $0x14000, s10;
	[smem:$0x7FF] =	sst s4;
	s4 =	sadd.s32 $0x16E00, s0  }
0x9: {  	s5 =	sadd.s32 $0x3200, s0;
	s8 =	smul.u32 $0x50000, s10;
	s9 =	sadd.s32 $0x16C00, s0  }
0xa: {  	s23 =	sshll.u32 s10, $0x6;
	s24 =	sadd.s32 $0xCD00, s0;
	s25 =	sadd.s32 $0x16980, s0  }
0xb: {  	s6 =	smul.u32 $0x140000, s1;
	_ =	strace $0x8000004D;
	[dreg:$0x3] =	wrdreg s9  }
0xc: {  	s7 =	ssub.s32 $0x2, s1;
	s1 =	sshll.u32 s1, $0x4;
	[dreg:$0x5] =	wrdreg s24  }
0xd: {  	[dreg:$0x6] =	wrdreg s25;
	s24 =	simm.s32 $0x14080;
	s25 =	simm.s32 $0x1A800  }
0xe: {  	s22 =	sshrl.u32 s7, $0x1;
	s8 =	sshrl.u32 s8, $0x2;
	s1 =	sor.u32 s10, s1  }
0xf: {  	s10 =	sadd.s32 $0xCE80, s0;
	s6 =	sadd.s32 s3, s6;
	s7 =	ssub.s32 s7, s22  }
0x10: {  	s11 =	sadd.s32 s8, s2;
	s3 =	sshrl.u32 s3, $0x3;
	s8 =	sor.u32 $0x1C05, s23  }
0x11: {  	s9 =	smul.u32 $0x50, s1;
	p0 =	seq.s32 s1, $0x1F;
	s22 =	simm.s32 $0x14040  }
0x12: {  	s23 =	simm.s32 $0x18800;
	s1 =	simm.s32 $0x16700;
	s6 =	sshrl.u32 s6, $0x3  }
.Ltmp0:
0x13: {  	s3 =	sadd.s32 s4, s3;
	s15 =	smax.u32 s7, $0x1;
	(pc) =	sbr.rel .LBB2_1-.Ltmp0, $4  }
0x14: {  	s16 =	sshrl.u32 s11, $0x3;
	s11 =	simm.s32 $0x167C0;
	s6 =	sadd.s32 s6, s0  }
0x15: {  	[dreg:$0x4] =	wrdreg s3;
	s0 =	sadd.s32 $0x16C40, s0;
	s3 =	simm.s32 $0x16740  }
0x16: {  	[dreg:$0x7] =	wrdreg s0;
	s26 =	sadd.s32 $0x3EE00, s6;
	s0 =	simm.s32 $0x4  }
0x17: {  	s6 =	simm.s32 $0x16780;
	[dreg:$0x8] =	wrdreg s26;
	s26 =	simm.s32 $0x140C0  }
.LBB2_8:
0x18: {  	s12 =	sadd.s32 $0x1, s12  }
0x19: {  	[bflag:$0x0] =	sbarrier.arrive $0xFFFF;
	p1 =	sne.s32 s12, s15  }
.Ltmp1:
0x1a: {  	s7 =	rddreg [dreg:$0x8];
	(pc) =	sbr.rel @!p1 .LBB2_9-.Ltmp1, $4  }
0x1b: {  	[hbm:s7], [sflag:s8] =	dma.local [spmem:s16], $0x2800  }
0x1c: {  	_ =	swait.ge [sflag:s17], $0x2800  }
0x1d: {  	[sflag:s17] =	ssyncset.done $0x0  }
0x1e: {  	[sflag:s17] =	ssyncadd.s32 $0xFFFFD800  }
.LBB2_1:
0x1f: {  	s7 =	rddreg [dreg:$0x4]  }
0x20: {  	[spmem:s16], [sflag:s8] =	dma.local [hbm:s7], $0x2800  }
.Ltmp2:
0x21: {  	_ =	swait.ge [sflag:s17], $0x2800;
	(pc) =	sbr.rel @!p0 .LBB2_2-.Ltmp2, $4  }
0x22: {  	[sflag:s17] =	ssyncset.done $0x0  }
0x23: {  	[sflag:s17] =	ssyncadd.s32 $0xFFFFD800  }
0x24: {  	[bflag:$0x0] =	sbarrier.arrive $0xFFFF  }
0x25: {  	p2 =	por $0x1, $0x1;
	s7 =	simm.s32 $0x0  }
0x26: {  	s7 =	simm.s32 $0x0;
	s13 =	rddreg [dreg:$0x5]  }
0x27: {  	[tilespmem:s18], [sflag:$0x5] =	stream.linear.gather [hbm4b:s13+s7], $0x800, $0x38;
	[tilespmem:$0x1E800] =	vst v63  }
0x28: {  	_ =	swait.ge [sflag:s17], $0x800  }
0x29: {  	[sflag:s17] =	ssyncset.done $0x0  }
0x2a: {  	s14 =	rddreg [dreg:$0x6];
	[sflag:s17] =	ssyncadd.s32 $0xFFFFF800  }
0x2b: {  	[tilespmem:s19], [sflag:$0x5] =	stream.linear.gather [hbm4b:s14+s7], $0x800, $0x38;
	[tilespmem:$0x1E800] =	vst v63  }
0x2c: {  	_ =	swait.ge [sflag:s17], $0x800  }
0x2d: {  	[sflag:s17] =	ssyncset.done $0x0  }
0x2e: {  	[sflag:s17] =	ssyncadd.s32 $0xFFFFF800  }
0x2f: {  	[tilespmem:s21], [sflag:$0x1] =	stream.indirect.gather [hbm4b:s4+s20], $0x80, s18, s20, $0xb8;
	[tilespmem:$0x1E800] =	vst v63  }
0x30: {  	_ = 	snop  }
0x31: {  	[tilespmem:s23], [sflag:$0x2] =	stream.indirect.gather [hbm4b:s4+s20], $0x80, s22, s20, $0xb8;
	[tilespmem:$0x1E800] =	vst v63  }
0x32: {  	_ = 	snop  }
0x33: {  	[tilespmem:s25], [sflag:$0x3] =	stream.indirect.gather [hbm4b:s4+s20], $0x80, s24, s20, $0xb8;
	[tilespmem:$0x1E800] =	vst v63  }
0x34: {  	_ = 	snop  }
0x35: {  	[tilespmem:s28], [sflag:$0x4] =	stream.indirect.gather [hbm4b:s4+s20], $0x80, s26, s20, $0xb8;
	[tilespmem:$0x1E800] =	vst v63  }
0x36: {  	_ =	swait.ge [sflag:s29], $0x2000  }
0x37: {  	[sflag:s29] =	ssyncset.done $0x0  }
0x38: {  	s14 =	simm.s32 $0x15400;
	[sflag:s29] =	ssyncadd.s32 $0xFFFFE000  }
0x39: {  	[spmem:s2] =	stream.indirect.scatter.add.f32 [tilespmem:s21], [sflag:$0x5], $0x80, s14, s20, $0xb8;
	[tilespmem:$0x1E800] =	vst v63  }
0x3a: {  	_ =	swait.ge [sflag:s17], $0x2000  }
0x3b: {  	[sflag:s17] =	ssyncset.done $0x0  }
0x3c: {  	s13 =	simm.s32 $0x14100;
	[sflag:s17] =	ssyncadd.s32 $0xFFFFE000  }
0x3d: {  	[tilespmem:s21], [sflag:$0x1] =	stream.indirect.gather [hbm4b:s4+s20], $0x80, s13, s20, $0xb8;
	[tilespmem:$0x1E800] =	vst v63  }
0x3e: {  	_ =	swait.ge [sflag:s30], $0x2000  }
0x3f: {  	[sflag:s30] =	ssyncset.done $0x0  }
0x40: {  	s14 =	simm.s32 $0x15440;
	[sflag:s30] =	ssyncadd.s32 $0xFFFFE000  }
0x41: {  	[spmem:s2] =	stream.indirect.scatter.add.f32 [tilespmem:s23], [sflag:$0x5], $0x80, s14, s20, $0xb8;
	[tilespmem:$0x1E800] =	vst v63  }
0x42: {  	_ =	swait.ge [sflag:s17], $0x2000  }
0x43: {  	[sflag:s17] =	ssyncset.done $0x0  }
0x44: {  	s13 =	simm.s32 $0x14140;
	[sflag:s17] =	ssyncadd.s32 $0xFFFFE000  }
0x45: {  	[tilespmem:s23], [sflag:$0x2] =	stream.indirect.gather [hbm4b:s4+s20], $0x80, s13, s20, $0xb8;
	[tilespmem:$0x1E800] =	vst v63  }
0x46: {  	_ =	swait.ge [sflag:s31], $0x2000  }
0x47: {  	[sflag:s31] =	ssyncset.done $0x0  }
0x48: {  	s14 =	simm.s32 $0x15480;
	[sflag:s31] =	ssyncadd.s32 $0xFFFFE000  }
0x49: {  	[spmem:s2] =	stream.indirect.scatter.add.f32 [tilespmem:s25], [sflag:$0x5], $0x80, s14, s20, $0xb8;
	[tilespmem:$0x1E800] =	vst v63  }
0x4a: {  	_ =	swait.ge [sflag:s17], $0x2000  }
0x4b: {  	[sflag:s17] =	ssyncset.done $0x0  }
0x4c: {  	s13 =	simm.s32 $0x14180;
	[sflag:s17] =	ssyncadd.s32 $0xFFFFE000  }
0x4d: {  	[tilespmem:s25], [sflag:$0x3] =	stream.indirect.gather [hbm4b:s4+s20], $0x80, s13, s20, $0xb8;
	[tilespmem:$0x1E800] =	vst v63  }
0x4e: {  	_ =	swait.ge [sflag:s0], $0x2000  }
0x4f: {  	[sflag:s0] =	ssyncset.done $0x0  }
0x50: {  	s14 =	simm.s32 $0x154C0;
	[sflag:s0] =	ssyncadd.s32 $0xFFFFE000  }
0x51: {  	[spmem:s2] =	stream.indirect.scatter.add.f32 [tilespmem:s28], [sflag:$0x5], $0x80, s14, s20, $0xb8;
	[tilespmem:$0x1E800] =	vst v63  }
0x52: {  	_ =	swait.ge [sflag:s17], $0x2000  }
0x53: {  	[sflag:s17] =	ssyncset.done $0x0  }
0x54: {  	s7 =	simm.s32 $0x141C0;
	s13 =	simm.s32 $0x400;
	[sflag:s17] =	ssyncadd.s32 $0xFFFFE000  }
.LBB2_6:
0x55: {  	[tilespmem:s28], [sflag:$0x4] =	stream.indirect.gather [hbm4b:s4+s20], $0x80, s7, s20, $0xb8;
	[tilespmem:$0x1E800] =	vst v63  }
0x56: {  	s7 =	smov.u32 s13  }
0x57: {  	p1 =	sne.s32 s13, $0x1800;
	s13 =	sadd.s32 $0x400, s13;
	_ =	swait.ge [sflag:s29], $0x2000  }
0x58: {  	s7 =	sshra.s32 s7, $0x2;
	[sflag:s29] =	ssyncset.done $0x0  }
0x59: {  	s14 =	sadd.s32 $0x15400, s7;
	[sflag:s29] =	ssyncadd.s32 $0xFFFFE000  }
0x5a: {  	[spmem:s2] =	stream.indirect.scatter.add.f32 [tilespmem:s21], [sflag:$0x5], $0x80, s14, s20, $0xb8;
	[tilespmem:$0x1E800] =	vst v63  }
0x5b: {  	_ =	swait.ge [sflag:s17], $0x2000  }
0x5c: {  	[sflag:s17] =	ssyncset.done $0x0  }
0x5d: {  	s14 =	sadd.s32 $0x14100, s7;
	[sflag:s17] =	ssyncadd.s32 $0xFFFFE000  }
0x5e: {  	[tilespmem:s21], [sflag:$0x1] =	stream.indirect.gather [hbm4b:s4+s20], $0x80, s14, s20, $0xb8;
	[tilespmem:$0x1E800] =	vst v63  }
0x5f: {  	_ =	swait.ge [sflag:s30], $0x2000  }
0x60: {  	[sflag:s30] =	ssyncset.done $0x0  }
0x61: {  	s14 =	sadd.s32 $0x15440, s7;
	[sflag:s30] =	ssyncadd.s32 $0xFFFFE000  }
0x62: {  	[spmem:s2] =	stream.indirect.scatter.add.f32 [tilespmem:s23], [sflag:$0x5], $0x80, s14, s20, $0xb8;
	[tilespmem:$0x1E800] =	vst v63  }
0x63: {  	_ =	swait.ge [sflag:s17], $0x2000  }
0x64: {  	[sflag:s17] =	ssyncset.done $0x0  }
0x65: {  	s14 =	sadd.s32 $0x14140, s7;
	[sflag:s17] =	ssyncadd.s32 $0xFFFFE000  }
0x66: {  	[tilespmem:s23], [sflag:$0x2] =	stream.indirect.gather [hbm4b:s4+s20], $0x80, s14, s20, $0xb8;
	[tilespmem:$0x1E800] =	vst v63  }
0x67: {  	_ =	swait.ge [sflag:s31], $0x2000  }
0x68: {  	[sflag:s31] =	ssyncset.done $0x0  }
0x69: {  	s14 =	sadd.s32 $0x15480, s7;
	[sflag:s31] =	ssyncadd.s32 $0xFFFFE000  }
0x6a: {  	[spmem:s2] =	stream.indirect.scatter.add.f32 [tilespmem:s25], [sflag:$0x5], $0x80, s14, s20, $0xb8;
	[tilespmem:$0x1E800] =	vst v63  }
0x6b: {  	_ =	swait.ge [sflag:s17], $0x2000  }
0x6c: {  	[sflag:s17] =	ssyncset.done $0x0  }
0x6d: {  	s14 =	sadd.s32 $0x14180, s7;
	[sflag:s17] =	ssyncadd.s32 $0xFFFFE000  }
0x6e: {  	[tilespmem:s25], [sflag:$0x3] =	stream.indirect.gather [hbm4b:s4+s20], $0x80, s14, s20, $0xb8;
	[tilespmem:$0x1E800] =	vst v63  }
0x6f: {  	_ =	swait.ge [sflag:s0], $0x2000  }
0x70: {  	[sflag:s0] =	ssyncset.done $0x0  }
.Ltmp3:
0x71: {  	s14 =	sadd.s32 $0x154C0, s7;
	[sflag:s0] =	ssyncadd.s32 $0xFFFFE000;
	(pc) =	sbr.rel @p1 .LBB2_6-.Ltmp3, $4  }
0x72: {  	[spmem:s2] =	stream.indirect.scatter.add.f32 [tilespmem:s28], [sflag:$0x5], $0x80, s14, s20, $0xb8;
	[tilespmem:$0x1E800] =	vst v63  }
0x73: {  	_ =	swait.ge [sflag:s17], $0x2000  }
0x74: {  	[sflag:s17] =	ssyncset.done $0x0  }
0x75: {  	s7 =	sadd.s32 $0x141C0, s7;
	[sflag:s17] =	ssyncadd.s32 $0xFFFFE000  }
0x76: {  	[tilespmem:s28], [sflag:$0x4] =	stream.indirect.gather [hbm4b:s4+s20], $0x80, s7, s20, $0xb8;
	[tilespmem:$0x1E800] =	vst v63  }
0x77: {  	_ =	swait.ge [sflag:s29], $0x2000  }
0x78: {  	[sflag:s29] =	ssyncset.done $0x0  }
0x79: {  	s14 =	simm.s32 $0x15B00;
	[sflag:s29] =	ssyncadd.s32 $0xFFFFE000  }
0x7a: {  	[spmem:s2] =	stream.indirect.scatter.add.f32 [tilespmem:s21], [sflag:$0x5], $0x80, s14, s20, $0xb8;
	[tilespmem:$0x1E800] =	vst v63  }
0x7b: {  	_ =	swait.ge [sflag:s17], $0x2000  }
0x7c: {  	[sflag:s17] =	ssyncset.done $0x0  }
0x7d: {  	[sflag:s17] =	ssyncadd.s32 $0xFFFFE000  }
0x7e: {  	_ =	swait.ge [sflag:s30], $0x2000  }
0x7f: {  	[sflag:s30] =	ssyncset.done $0x0  }
0x80: {  	s13 =	simm.s32 $0x15B40;
	[sflag:s30] =	ssyncadd.s32 $0xFFFFE000  }
0x81: {  	[spmem:s2] =	stream.indirect.scatter.add.f32 [tilespmem:s23], [sflag:$0x5], $0x80, s13, s20, $0xb8;
	[tilespmem:$0x1E800] =	vst v63  }
0x82: {  	_ =	swait.ge [sflag:s17], $0x2000  }
0x83: {  	[sflag:s17] =	ssyncset.done $0x0  }
0x84: {  	[sflag:s17] =	ssyncadd.s32 $0xFFFFE000  }
0x85: {  	_ =	swait.ge [sflag:s31], $0x2000  }
0x86: {  	[sflag:s31] =	ssyncset.done $0x0  }
0x87: {  	s14 =	simm.s32 $0x15B80;
	[sflag:s31] =	ssyncadd.s32 $0xFFFFE000  }
0x88: {  	[spmem:s2] =	stream.indirect.scatter.add.f32 [tilespmem:s25], [sflag:$0x5], $0x80, s14, s20, $0xb8;
	[tilespmem:$0x1E800] =	vst v63  }
0x89: {  	_ =	swait.ge [sflag:s17], $0x2000  }
0x8a: {  	[sflag:s17] =	ssyncset.done $0x0  }
0x8b: {  	[sflag:s17] =	ssyncadd.s32 $0xFFFFE000  }
0x8c: {  	_ =	swait.ge [sflag:s0], $0x2000  }
0x8d: {  	[sflag:s0] =	ssyncset.done $0x0  }
0x8e: {  	s13 =	simm.s32 $0x15BC0;
	[sflag:s0] =	ssyncadd.s32 $0xFFFFE000  }
0x8f: {  	[spmem:s2] =	stream.indirect.scatter.add.f32 [tilespmem:s28], [sflag:$0x5], $0x80, s13, s20, $0xb8;
	[tilespmem:$0x1E800] =	vst v63  }
0x90: {  	_ =	swait.ge [sflag:s17], $0x2000  }
0x91: {  	[sflag:s17] =	ssyncset.done $0x0  }
0x92: {  	s7 =	simm.s32 $0x0;
	s13 =	rddreg [dreg:$0x3];
	[sflag:s17] =	ssyncadd.s32 $0xFFFFE000  }
0x93: {  	[tilespmem:s18], [sflag:$0x5] =	stream.linear.gather [hbm4b:s13+s7], $0x200, $0x38;
	[tilespmem:$0x1E800] =	vst v63  }
0x94: {  	_ =	swait.ge [sflag:s17], $0x200  }
0x95: {  	[sflag:s17] =	ssyncset.done $0x0  }
0x96: {  	s14 =	rddreg [dreg:$0x7];
	[sflag:s17] =	ssyncadd.s32 $0xFFFFFE00  }
0x97: {  	[tilespmem:s19], [sflag:$0x5] =	stream.linear.gather [hbm4b:s14+s7], $0x200, $0x38;
	[tilespmem:$0x1E800] =	vst v63  }
0x98: {  	_ =	swait.ge [sflag:s17], $0x200  }
0x99: {  	[sflag:s17] =	ssyncset.done $0x0  }
0x9a: {  	[sflag:s17] =	ssyncadd.s32 $0xFFFFFE00  }
0x9b: {  	[tilespmem:s21], [sflag:$0x1] =	stream.indirect.gather [hbm4b:s4+s20], $0x80, s18, s20, $0xb8;
	[tilespmem:$0x1E800] =	vst v63  }
0x9c: {  	_ = 	snop  }
0x9d: {  	[tilespmem:s23], [sflag:$0x2] =	stream.indirect.gather [hbm4b:s4+s20], $0x80, s22, s20, $0xb8;
	[tilespmem:$0x1E800] =	vst v63  }
0x9e: {  	_ = 	snop  }
0x9f: {  	[tilespmem:s25], [sflag:$0x3] =	stream.indirect.gather [hbm4b:s4+s20], $0x80, s24, s20, $0xb8;
	[tilespmem:$0x1E800] =	vst v63  }
0xa0: {  	_ = 	snop  }
0xa1: {  	[tilespmem:s28], [sflag:$0x4] =	stream.indirect.gather [hbm4b:s4+s20], $0x80, s26, s20, $0xb8;
	[tilespmem:$0x1E800] =	vst v63  }
0xa2: {  	_ =	swait.ge [sflag:s29], $0x2000  }
0xa3: {  	[sflag:s29] =	ssyncset.done $0x0  }
0xa4: {  	[sflag:s29] =	ssyncadd.s32 $0xFFFFE000  }
0xa5: {  	[spmem:s2] =	stream.indirect.scatter.add.f32 [tilespmem:s21], [sflag:$0x5], $0x80, s19, s20, $0xb8;
	[tilespmem:$0x1E800] =	vst v63  }
0xa6: {  	_ =	swait.ge [sflag:s17], $0x2000  }
0xa7: {  	[sflag:s17] =	ssyncset.done $0x0  }
0xa8: {  	s14 =	simm.s32 $0x14100;
	[sflag:s17] =	ssyncadd.s32 $0xFFFFE000  }
0xa9: {  	[tilespmem:s21], [sflag:$0x1] =	stream.indirect.gather [hbm4b:s4+s20], $0x80, s14, s20, $0xb8;
	[tilespmem:$0x1E800] =	vst v63  }
0xaa: {  	_ =	swait.ge [sflag:s30], $0x2000  }
0xab: {  	[sflag:s30] =	ssyncset.done $0x0  }
0xac: {  	s13 =	simm.s32 $0x15440;
	[sflag:s30] =	ssyncadd.s32 $0xFFFFE000  }
0xad: {  	[spmem:s2] =	stream.indirect.scatter.add.f32 [tilespmem:s23], [sflag:$0x5], $0x80, s13, s20, $0xb8;
	[tilespmem:$0x1E800] =	vst v63  }
0xae: {  	_ =	swait.ge [sflag:s17], $0x2000  }
0xaf: {  	[sflag:s17] =	ssyncset.done $0x0  }
0xb0: {  	s14 =	simm.s32 $0x14140;
	[sflag:s17] =	ssyncadd.s32 $0xFFFFE000  }
0xb1: {  	[tilespmem:s23], [sflag:$0x2] =	stream.indirect.gather [hbm4b:s4+s20], $0x80, s14, s20, $0xb8;
	[tilespmem:$0x1E800] =	vst v63  }
0xb2: {  	_ =	swait.ge [sflag:s31], $0x2000  }
0xb3: {  	[sflag:s31] =	ssyncset.done $0x0  }
0xb4: {  	s13 =	simm.s32 $0x15480;
	[sflag:s31] =	ssyncadd.s32 $0xFFFFE000  }
0xb5: {  	[spmem:s2] =	stream.indirect.scatter.add.f32 [tilespmem:s25], [sflag:$0x5], $0x80, s13, s20, $0xb8;
	[tilespmem:$0x1E800] =	vst v63  }
0xb6: {  	_ =	swait.ge [sflag:s17], $0x2000  }
0xb7: {  	[sflag:s17] =	ssyncset.done $0x0  }
0xb8: {  	s14 =	simm.s32 $0x14180;
	[sflag:s17] =	ssyncadd.s32 $0xFFFFE000  }
0xb9: {  	[tilespmem:s25], [sflag:$0x3] =	stream.indirect.gather [hbm4b:s4+s20], $0x80, s14, s20, $0xb8;
	[tilespmem:$0x1E800] =	vst v63  }
0xba: {  	_ =	swait.ge [sflag:s0], $0x2000  }
0xbb: {  	[sflag:s0] =	ssyncset.done $0x0  }
0xbc: {  	s13 =	simm.s32 $0x154C0;
	[sflag:s0] =	ssyncadd.s32 $0xFFFFE000  }
0xbd: {  	[spmem:s2] =	stream.indirect.scatter.add.f32 [tilespmem:s28], [sflag:$0x5], $0x80, s13, s20, $0xb8;
	[tilespmem:$0x1E800] =	vst v63  }
0xbe: {  	_ =	swait.ge [sflag:s17], $0x2000  }
0xbf: {  	[sflag:s17] =	ssyncset.done $0x0  }
0xc0: {  	s14 =	simm.s32 $0x141C0;
	[sflag:s17] =	ssyncadd.s32 $0xFFFFE000  }
0xc1: {  	[tilespmem:s28], [sflag:$0x4] =	stream.indirect.gather [hbm4b:s4+s20], $0x80, s14, s20, $0xb8;
	[tilespmem:$0x1E800] =	vst v63  }
0xc2: {  	_ =	swait.ge [sflag:s29], $0x2000  }
0xc3: {  	[sflag:s29] =	ssyncset.done $0x0  }
0xc4: {  	s13 =	simm.s32 $0x15500;
	[sflag:s29] =	ssyncadd.s32 $0xFFFFE000  }
0xc5: {  	[spmem:s2] =	stream.indirect.scatter.add.f32 [tilespmem:s21], [sflag:$0x5], $0x80, s13, s20, $0xb8;
	[tilespmem:$0x1E800] =	vst v63  }
0xc6: {  	_ =	swait.ge [sflag:s17], $0x2000  }
0xc7: {  	[sflag:s17] =	ssyncset.done $0x0  }
0xc8: {  	[sflag:s17] =	ssyncadd.s32 $0xFFFFE000  }
0xc9: {  	_ =	swait.ge [sflag:s30], $0x2000  }
0xca: {  	[sflag:s30] =	ssyncset.done $0x0  }
0xcb: {  	s14 =	simm.s32 $0x15540;
	[sflag:s30] =	ssyncadd.s32 $0xFFFFE000  }
0xcc: {  	[spmem:s2] =	stream.indirect.scatter.add.f32 [tilespmem:s23], [sflag:$0x5], $0x80, s14, s20, $0xb8;
	[tilespmem:$0x1E800] =	vst v63  }
0xcd: {  	_ =	swait.ge [sflag:s17], $0x2000  }
0xce: {  	[sflag:s17] =	ssyncset.done $0x0  }
0xcf: {  	[sflag:s17] =	ssyncadd.s32 $0xFFFFE000  }
0xd0: {  	_ =	swait.ge [sflag:s31], $0x2000  }
0xd1: {  	[sflag:s31] =	ssyncset.done $0x0  }
0xd2: {  	s13 =	simm.s32 $0x15580;
	[sflag:s31] =	ssyncadd.s32 $0xFFFFE000  }
0xd3: {  	[spmem:s2] =	stream.indirect.scatter.add.f32 [tilespmem:s25], [sflag:$0x5], $0x80, s13, s20, $0xb8;
	[tilespmem:$0x1E800] =	vst v63  }
0xd4: {  	_ =	swait.ge [sflag:s17], $0x2000  }
0xd5: {  	[sflag:s17] =	ssyncset.done $0x0  }
0xd6: {  	[sflag:s17] =	ssyncadd.s32 $0xFFFFE000  }
0xd7: {  	_ =	swait.ge [sflag:s0], $0x2000  }
0xd8: {  	[sflag:s0] =	ssyncset.done $0x0  }
.Ltmp4:
0xd9: {  	s14 =	simm.s32 $0x155C0;
	[sflag:s0] =	ssyncadd.s32 $0xFFFFE000;
	(pc) =	sbr.rel .LBB2_8-.Ltmp4, $4  }
0xda: {  	[spmem:s2] =	stream.indirect.scatter.add.f32 [tilespmem:s28], [sflag:$0x5], $0x80, s14, s20, $0xb8;
	[tilespmem:$0x1E800] =	vst v63  }
0xdb: {  	_ =	swait.ge [sflag:s17], $0x2000  }
0xdc: {  	[sflag:s17] =	ssyncset.done $0x0  }
0xdd: {  	[sflag:s17] =	ssyncadd.s32 $0xFFFFE000  }
.LBB2_2:
0xde: {  	s7 =	sadd.s32 s9, s7  }
0xdf: {  	s7 =	sshll.u32 s7, $0x4  }
0xe0: {  	s14 =	simm.s32 $0x0;
	s13 =	sadd.s32 s5, s7  }
0xe1: {  	[tilespmem:s18], [sflag:$0x5] =	stream.linear.gather [hbm4b:s13+s14], $0x1400, $0x38;
	[tilespmem:$0x1E800] =	vst v63  }
0xe2: {  	_ =	swait.ge [sflag:s17], $0x1400  }
0xe3: {  	[sflag:s17] =	ssyncset.done $0x0  }
0xe4: {  	s7 =	sadd.s32 s7, s10;
	[sflag:s17] =	ssyncadd.s32 $0xFFFFEC00  }
0xe5: {  	[tilespmem:s19], [sflag:$0x5] =	stream.linear.gather [hbm4b:s7+s14], $0x1400, $0x38;
	[tilespmem:$0x1E800] =	vst v63  }
0xe6: {  	_ =	swait.ge [sflag:s17], $0x1400  }
0xe7: {  	[sflag:s17] =	ssyncset.done $0x0  }
0xe8: {  	[sflag:s17] =	ssyncadd.s32 $0xFFFFEC00  }
0xe9: {  	[tilespmem:s21], [sflag:$0x1] =	stream.indirect.gather [hbm4b:s4+s20], $0x80, s18, s20, $0xb8;
	[tilespmem:$0x1E800] =	vst v63  }
0xea: {  	_ = 	snop  }
0xeb: {  	[tilespmem:s23], [sflag:$0x2] =	stream.indirect.gather [hbm4b:s4+s20], $0x80, s22, s20, $0xb8;
	[tilespmem:$0x1E800] =	vst v63  }
0xec: {  	_ = 	snop  }
0xed: {  	[tilespmem:s25], [sflag:$0x3] =	stream.indirect.gather [hbm4b:s4+s20], $0x80, s24, s20, $0xb8;
	[tilespmem:$0x1E800] =	vst v63  }
0xee: {  	_ = 	snop  }
0xef: {  	[tilespmem:s28], [sflag:$0x4] =	stream.indirect.gather [hbm4b:s4+s20], $0x80, s26, s20, $0xb8;
	[tilespmem:$0x1E800] =	vst v63  }
0xf0: {  	_ =	swait.ge [sflag:s29], $0x2000  }
0xf1: {  	[sflag:s29] =	ssyncset.done $0x0  }
0xf2: {  	s14 =	simm.s32 $0x15400;
	[sflag:s29] =	ssyncadd.s32 $0xFFFFE000  }
0xf3: {  	[spmem:s2] =	stream.indirect.scatter.add.f32 [tilespmem:s21], [sflag:$0x5], $0x80, s14, s20, $0xb8;
	[tilespmem:$0x1E800] =	vst v63  }
0xf4: {  	_ =	swait.ge [sflag:s17], $0x2000  }
0xf5: {  	[sflag:s17] =	ssyncset.done $0x0  }
0xf6: {  	s13 =	simm.s32 $0x14100;
	[sflag:s17] =	ssyncadd.s32 $0xFFFFE000  }
0xf7: {  	[tilespmem:s21], [sflag:$0x1] =	stream.indirect.gather [hbm4b:s4+s20], $0x80, s13, s20, $0xb8;
	[tilespmem:$0x1E800] =	vst v63  }
0xf8: {  	_ =	swait.ge [sflag:s30], $0x2000  }
0xf9: {  	[sflag:s30] =	ssyncset.done $0x0  }
0xfa: {  	s14 =	simm.s32 $0x15440;
	[sflag:s30] =	ssyncadd.s32 $0xFFFFE000  }
0xfb: {  	[spmem:s2] =	stream.indirect.scatter.add.f32 [tilespmem:s23], [sflag:$0x5], $0x80, s14, s20, $0xb8;
	[tilespmem:$0x1E800] =	vst v63  }
0xfc: {  	_ =	swait.ge [sflag:s17], $0x2000  }
0xfd: {  	[sflag:s17] =	ssyncset.done $0x0  }
0xfe: {  	s13 =	simm.s32 $0x14140;
	[sflag:s17] =	ssyncadd.s32 $0xFFFFE000  }
0xff: {  	[tilespmem:s23], [sflag:$0x2] =	stream.indirect.gather [hbm4b:s4+s20], $0x80, s13, s20, $0xb8;
	[tilespmem:$0x1E800] =	vst v63  }
0x100: {  	_ =	swait.ge [sflag:s31], $0x2000  }
0x101: {  	[sflag:s31] =	ssyncset.done $0x0  }
0x102: {  	s14 =	simm.s32 $0x15480;
	[sflag:s31] =	ssyncadd.s32 $0xFFFFE000  }
0x103: {  	[spmem:s2] =	stream.indirect.scatter.add.f32 [tilespmem:s25], [sflag:$0x5], $0x80, s14, s20, $0xb8;
	[tilespmem:$0x1E800] =	vst v63  }
0x104: {  	_ =	swait.ge [sflag:s17], $0x2000  }
0x105: {  	[sflag:s17] =	ssyncset.done $0x0  }
0x106: {  	s13 =	simm.s32 $0x14180;
	[sflag:s17] =	ssyncadd.s32 $0xFFFFE000  }
0x107: {  	[tilespmem:s25], [sflag:$0x3] =	stream.indirect.gather [hbm4b:s4+s20], $0x80, s13, s20, $0xb8;
	[tilespmem:$0x1E800] =	vst v63  }
0x108: {  	_ =	swait.ge [sflag:s0], $0x2000  }
0x109: {  	[sflag:s0] =	ssyncset.done $0x0  }
0x10a: {  	s14 =	simm.s32 $0x154C0;
	[sflag:s0] =	ssyncadd.s32 $0xFFFFE000  }
0x10b: {  	[spmem:s2] =	stream.indirect.scatter.add.f32 [tilespmem:s28], [sflag:$0x5], $0x80, s14, s20, $0xb8;
	[tilespmem:$0x1E800] =	vst v63  }
0x10c: {  	_ =	swait.ge [sflag:s17], $0x2000  }
0x10d: {  	p1 =	por p2, p2;
	[sflag:s17] =	ssyncset.done $0x0  }
0x10e: {  	s7 =	simm.s32 $0x141C0;
	s13 =	simm.s32 $0x400;
	[sflag:s17] =	ssyncadd.s32 $0xFFFFE000  }
.LBB2_3:
0x10f: {  	[tilespmem:s28], [sflag:$0x4] =	stream.indirect.gather [hbm4b:s4+s20], $0x80, s7, s20, $0xb8;
	[tilespmem:$0x1E800] =	vst v63  }
0x110: {  	s7 =	smov.u32 s13  }
0x111: {  	p2 =	sne.s32 s13, $0x4800;
	s13 =	sadd.s32 $0x400, s13;
	_ =	swait.ge [sflag:s29], $0x2000  }
0x112: {  	s7 =	sshra.s32 s7, $0x2;
	[sflag:s29] =	ssyncset.done $0x0  }
0x113: {  	s14 =	sadd.s32 $0x15400, s7;
	[sflag:s29] =	ssyncadd.s32 $0xFFFFE000  }
0x114: {  	[spmem:s2] =	stream.indirect.scatter.add.f32 [tilespmem:s21], [sflag:$0x5], $0x80, s14, s20, $0xb8;
	[tilespmem:$0x1E800] =	vst v63  }
0x115: {  	_ =	swait.ge [sflag:s17], $0x2000  }
0x116: {  	[sflag:s17] =	ssyncset.done $0x0  }
0x117: {  	s14 =	sadd.s32 $0x14100, s7;
	[sflag:s17] =	ssyncadd.s32 $0xFFFFE000  }
0x118: {  	[tilespmem:s21], [sflag:$0x1] =	stream.indirect.gather [hbm4b:s4+s20], $0x80, s14, s20, $0xb8;
	[tilespmem:$0x1E800] =	vst v63  }
0x119: {  	_ =	swait.ge [sflag:s30], $0x2000  }
0x11a: {  	[sflag:s30] =	ssyncset.done $0x0  }
0x11b: {  	s14 =	sadd.s32 $0x15440, s7;
	[sflag:s30] =	ssyncadd.s32 $0xFFFFE000  }
0x11c: {  	[spmem:s2] =	stream.indirect.scatter.add.f32 [tilespmem:s23], [sflag:$0x5], $0x80, s14, s20, $0xb8;
	[tilespmem:$0x1E800] =	vst v63  }
0x11d: {  	_ =	swait.ge [sflag:s17], $0x2000  }
0x11e: {  	[sflag:s17] =	ssyncset.done $0x0  }
0x11f: {  	s14 =	sadd.s32 $0x14140, s7;
	[sflag:s17] =	ssyncadd.s32 $0xFFFFE000  }
0x120: {  	[tilespmem:s23], [sflag:$0x2] =	stream.indirect.gather [hbm4b:s4+s20], $0x80, s14, s20, $0xb8;
	[tilespmem:$0x1E800] =	vst v63  }
0x121: {  	_ =	swait.ge [sflag:s31], $0x2000  }
0x122: {  	[sflag:s31] =	ssyncset.done $0x0  }
0x123: {  	s14 =	sadd.s32 $0x15480, s7;
	[sflag:s31] =	ssyncadd.s32 $0xFFFFE000  }
0x124: {  	[spmem:s2] =	stream.indirect.scatter.add.f32 [tilespmem:s25], [sflag:$0x5], $0x80, s14, s20, $0xb8;
	[tilespmem:$0x1E800] =	vst v63  }
0x125: {  	_ =	swait.ge [sflag:s17], $0x2000  }
0x126: {  	[sflag:s17] =	ssyncset.done $0x0  }
0x127: {  	s14 =	sadd.s32 $0x14180, s7;
	[sflag:s17] =	ssyncadd.s32 $0xFFFFE000  }
0x128: {  	[tilespmem:s25], [sflag:$0x3] =	stream.indirect.gather [hbm4b:s4+s20], $0x80, s14, s20, $0xb8;
	[tilespmem:$0x1E800] =	vst v63  }
0x129: {  	_ =	swait.ge [sflag:s0], $0x2000  }
0x12a: {  	[sflag:s0] =	ssyncset.done $0x0  }
.Ltmp5:
0x12b: {  	s14 =	sadd.s32 $0x154C0, s7;
	[sflag:s0] =	ssyncadd.s32 $0xFFFFE000;
	(pc) =	sbr.rel @p2 .LBB2_3-.Ltmp5, $4  }
0x12c: {  	[spmem:s2] =	stream.indirect.scatter.add.f32 [tilespmem:s28], [sflag:$0x5], $0x80, s14, s20, $0xb8;
	[tilespmem:$0x1E800] =	vst v63  }
0x12d: {  	_ =	swait.ge [sflag:s17], $0x2000  }
0x12e: {  	[sflag:s17] =	ssyncset.done $0x0  }
0x12f: {  	s7 =	sadd.s32 $0x141C0, s7;
	[sflag:s17] =	ssyncadd.s32 $0xFFFFE000  }
0x130: {  	[tilespmem:s28], [sflag:$0x4] =	stream.indirect.gather [hbm4b:s4+s20], $0x80, s7, s20, $0xb8;
	[tilespmem:$0x1E800] =	vst v63  }
0x131: {  	_ =	swait.ge [sflag:s29], $0x2000  }
0x132: {  	[sflag:s29] =	ssyncset.done $0x0  }
0x133: {  	[sflag:s29] =	ssyncadd.s32 $0xFFFFE000  }
0x134: {  	[spmem:s2] =	stream.indirect.scatter.add.f32 [tilespmem:s21], [sflag:$0x5], $0x80, s1, s20, $0xb8;
	[tilespmem:$0x1E800] =	vst v63  }
0x135: {  	_ =	swait.ge [sflag:s17], $0x2000  }
0x136: {  	[sflag:s17] =	ssyncset.done $0x0  }
0x137: {  	[sflag:s17] =	ssyncadd.s32 $0xFFFFE000  }
0x138: {  	_ =	swait.ge [sflag:s30], $0x2000  }
0x139: {  	[sflag:s30] =	ssyncset.done $0x0  }
0x13a: {  	[sflag:s30] =	ssyncadd.s32 $0xFFFFE000  }
0x13b: {  	[spmem:s2] =	stream.indirect.scatter.add.f32 [tilespmem:s23], [sflag:$0x5], $0x80, s3, s20, $0xb8;
	[tilespmem:$0x1E800] =	vst v63  }
0x13c: {  	_ =	swait.ge [sflag:s17], $0x2000  }
0x13d: {  	[sflag:s17] =	ssyncset.done $0x0  }
0x13e: {  	[sflag:s17] =	ssyncadd.s32 $0xFFFFE000  }
0x13f: {  	_ =	swait.ge [sflag:s31], $0x2000  }
0x140: {  	[sflag:s31] =	ssyncset.done $0x0  }
0x141: {  	[sflag:s31] =	ssyncadd.s32 $0xFFFFE000  }
0x142: {  	[spmem:s2] =	stream.indirect.scatter.add.f32 [tilespmem:s25], [sflag:$0x5], $0x80, s6, s20, $0xb8;
	[tilespmem:$0x1E800] =	vst v63  }
0x143: {  	_ =	swait.ge [sflag:s17], $0x2000  }
0x144: {  	[sflag:s17] =	ssyncset.done $0x0  }
0x145: {  	[sflag:s17] =	ssyncadd.s32 $0xFFFFE000  }
0x146: {  	_ =	swait.ge [sflag:s0], $0x2000  }
0x147: {  	[sflag:s0] =	ssyncset.done $0x0  }
0x148: {  	[sflag:s0] =	ssyncadd.s32 $0xFFFFE000  }
0x149: {  	[spmem:s2] =	stream.indirect.scatter.add.f32 [tilespmem:s28], [sflag:$0x5], $0x80, s11, s20, $0xb8;
	[tilespmem:$0x1E800] =	vst v63  }
.Ltmp6:
0x14a: {  	_ = 	snop;
	(pc) =	sbr.rel @p1 .LBB2_2-.Ltmp6, $4  }
.Ltmp7:
0x14b: {  	_ = 	snop;
	(pc) =	sbr.rel @!p1 .LBB2_8-.Ltmp7, $4  }
0x14c: {  	_ =	swait.ge [sflag:s17], $0x2000  }
0x14d: {  	[sflag:s17] =	ssyncset.done $0x0  }
0x14e: {  	s7 =	simm.s32 $0x28;
	p2 =	por $0x0, $0x0;
	[sflag:s17] =	ssyncadd.s32 $0xFFFFE000  }
0x14f: {  	_ = 	snop  }
.LBB2_9:
0x150: {  	_ =	sfence.sel $0x180000  }
0x151: {  	[bflag:$0x0] =	sbarrier.arrive $0xFFFF  }
0x152: {  	_ =	strace $0x9000004D  }
0x153: {  	s0 =	stileid.u32;
	[bflag:$0x2] =	sbarrier.arrive $0xFFFF  }
0x154: {  	p0 =	sne.s32 s0, $0x0;
	s0 =	rddreg [dreg:$0x2]  }
0x155: {  	s0 =	sadd.s32 @!p0 $0x100000, s0  }
0x156: {  	[sflag:s0] =	ssyncadd.tile.s32 @!p0 $0x1;
	_ =	shalt  }
.Lfunc_end2:
_tile_overlayer_lowered:
.L_overlay_start_2:
0x157: {  	(tag) =	ssettag $0x2  }
0x158: {  	s0 =	rddreg [dreg:$0x0];
	s2 =	stileid.u32  }
0x159: {  	s1 =	rddreg [dreg:$0x1];
	p0 =	sne.s32 s2, $0x0  }
0x15a: {  	s3 =	rddreg [dreg:$0x2];
	[bflag:$0x3] =	sbarrier.arrive $0xFFFF;
	s2 =	simm.s32 @!p0 $0x1C05  }
0x15b: {  	[timem:s3], [sflag:s2] =	dma.local @!p0 [hbm:s0], s1  }
0x15c: {  	s0 =	simm.s32 @!p0 $0x5  }
0x15d: {  	_ =	swait.ge @!p0 [sflag:s0], s1  }
0x15e: {  	s1 =	ssub.s32 @!p0 $0x0, s1;
	[sflag:s0] =	ssyncset.done @!p0 $0x0  }
0x15f: {  	[sflag:s0] =	ssyncadd.s32 @!p0 s1  }
0x160: {  	[bflag:$0x3] =	sbarrier.arrive $0xFFFF  }
0x161: {  	_ =	shalt  }

// kernel: kernel.8.cloned.1.call-start
scs
__scs_entry_jumppad:
0x0: {  	(pc) =	sbr.rel $0x88, $3  }
0x1: {  	(tag) =	ssettag $0x0;
	lr =	simm.s32 $0x1  }
0x2: {  	[smem:$0x3F97] =	sst lr;
	_ =	strace $0xD0000000  }
0x3: {  	_ = 	snop  }
0x4: {  	_ = 	snop  }
0x5: {  	_ = 	snop  }
0x6: {  	_ = 	snop  }
0x7: {  	_ = 	snop  }
__scs_overlays_trampoline_lowered:
0x8: {  	[smem:$0x3FA6] =	sst s0  }
0x9: {  	[smem:$0x3FA7] =	sst s1  }
0xa: {  	[smem:$0x3FA8] =	sst s2  }
0xb: {  	[smem:$0x3FA9] =	sst s3  }
0xc: {  	[smem:$0x3FAA] =	sst s4  }
0xd: {  	[smem:$0x3FAB] =	sst s5  }
0xe: {  	[smem:$0x3FAC] =	sst s6  }
0xf: {  	[smem:$0x3FAD] =	sst s7  }
0x10: {  	[smem:$0x3FAE] =	sst s8  }
0x11: {  	[smem:$0x3FAF] =	sst s9;
	s0 =	simm.s32 @!p0 $0x0  }
0x12: {  	s1 =	sld [smem:$0x3F95];
	s0 =	simm.s32 @p0 $0x1  }
0x13: {  	[smem:$0x3FB0] =	sst s0;
	s0 =	simm.s32 @!p1 $0x0  }
0x14: {  	s2 =	sld [smem:$0x3F94];
	s0 =	simm.s32 @p1 $0x1  }
0x15: {  	[smem:$0x3FB1] =	sst s0;
	s0 =	simm.s32 @!p2 $0x0  }
0x16: {  	s3 =	sld [smem:$0x3FDB];
	s0 =	simm.s32 @p2 $0x1  }
0x17: {  	s4 =	simm.s32 $0x1BF5;
	[smem:$0x3FB3] =	sst s0  }
0x18: {  	s0 =	sld [smem:$0x3F96];
	_ =	swait.ge [sflag:s4], $0x0  }
0x19: {  	s7 =	sld [smem:$0x3F97]  }
0x1a: {  	s8 =	sadd.s32 $0xFFFFE003, lr  }
0x1b: {  	s9 =	sadd.s32 $0xFFFFFEF7, lr;
	s5 =	simm.s32 $0xFFFFFFFF;
	p2 =	slt.u32 s8, $0xFFFFF086  }
0x1c: {  	p1 =	slt.u32 s9, $0xF7A;
	s5 =	simm.s32 @!p2 $0x0  }
0x1d: {  	s5 =	simm.s32 @p1 $0x1;
	p0 =	seq.s32 s7, s2  }
0x1e: {  	s7 =	smul.u32 @!p0 $0xF7A, s2;
	p2 =	seq.s32 @!p0 s5, $0x0  }
0x1f: {  	s9 =	smul.u32 $0xF7A, s1;
	s8 =	simm.s32 @!p0 $0x1BF5;
	p2 =	por !p2, p0  }
0x20: {  	[sflag:s8] =	ssyncset.s32 @!p0 $0xFFFFF086;
	s6 =	sadd.s32 @!p0 s3, s7;
	s7 =	simm.s32 @!p0 $0x108  }
0x21: {  	s3 =	sadd.s32 s3, s9;
	s6 =	sadd.s32 @!p0 $0x88, s6;
	s7 =	simm.s32 @p2 $0x1082  }
0x22: {  	[simem:s7], [sflag:s8] =	dma.local @!p0 [hbm:s6], $0xF7A  }
0x23: {  	s9 =	sor.u32 $0xD0000000, s2;
	s6 =	simm.s32 $0x108;
	_ =	swait.ge @!p0 [sflag:s8], $0x0  }
0x24: {  	s3 =	sadd.s32 $0x88, s3;
	s6 =	simm.s32 @!p1 $0x1082;
	[sflag:s4] =	ssyncset.s32 $0xFFFFF086  }
0x25: {  	[simem:s6], [sflag:s4] =	dma.local [hbm:s3], $0xF7A  }
0x26: {  	[smem:$0x3F97] =	sst s1;
	(tag) =	ssettag s2;
	_ =	strace s9  }
0x27: {  	s1 =	sld [smem:$0x3FA7]  }
0x28: {  	s2 =	sld [smem:$0x3FA8]  }
0x29: {  	s4 =	sld [smem:$0x3FAA]  }
0x2a: {  	p0 =	seq.s32 s5, $0x0;
	s5 =	sld [smem:$0x3FAB]  }
0x2b: {  	s6 =	sld [smem:$0x3FAC]  }
0x2c: {  	s7 =	sld [smem:$0x3FAD]  }
0x2d: {  	s3 =	simm.s32 $0x108;
	s8 =	sld [smem:$0x3FAE]  }
0x2e: {  	s3 =	simm.s32 @!p0 $0x1082;
	s9 =	sld [smem:$0x3FAF]  }
0x2f: {  	lr =	sadd.s32 s0, s3;
	s0 =	sld [smem:$0x3FA6]  }
0x30: {  	s3 =	sld [smem:$0x3FA9]  }
0x31: {  	[smem:$0x3FB2] =	sst s10  }
0x32: {  	s10 =	sld [smem:$0x3FB0];
	_ =	sdelay $0x3  }
0x33: {  	p0 =	seq.s32 s10, $0x1;
	s10 =	sld [smem:$0x3FB2];
	_ =	sdelay $0x3  }
0x34: {  	[smem:$0x3FB2] =	sst s10  }
0x35: {  	s10 =	sld [smem:$0x3FB1];
	_ =	sdelay $0x3  }
0x36: {  	p1 =	seq.s32 s10, $0x1;
	s10 =	sld [smem:$0x3FB2];
	_ =	sdelay $0x3  }
0x37: {  	[smem:$0x3FB2] =	sst s10  }
0x38: {  	s10 =	sld [smem:$0x3FB3]  }
0x39: {  	_ = 	snop;
	(pc) =	sbr.ind lr, $3  }
0x3a: {  	_ = 	snop  }
0x3b: {  	_ = 	snop  }
0x3c: {  	p2 =	seq.s32 s10, $0x1;
	s10 =	sld [smem:$0x3FB2]  }
0x3d: {  	_ =	shalt  }
0x3e: {  	_ =	shalt  }
0x3f: {  	_ =	shalt  }
0x40: {  	_ =	shalt  }
0x41: {  	_ =	shalt  }
0x42: {  	_ =	shalt  }
0x43: {  	_ =	shalt  }
0x44: {  	_ =	shalt  }
0x45: {  	_ =	shalt  }
0x46: {  	_ =	shalt  }
0x47: {  	_ =	shalt  }
0x48: {  	_ =	shalt  }
0x49: {  	_ =	shalt  }
0x4a: {  	_ =	shalt  }
0x4b: {  	_ =	shalt  }
0x4c: {  	_ =	shalt  }
0x4d: {  	_ =	shalt  }
0x4e: {  	_ =	shalt  }
0x4f: {  	_ =	shalt  }
0x50: {  	_ =	shalt  }
0x51: {  	_ =	shalt  }
0x52: {  	_ =	shalt  }
0x53: {  	_ =	shalt  }
0x54: {  	_ =	shalt  }
0x55: {  	_ =	shalt  }
0x56: {  	_ =	shalt  }
0x57: {  	_ =	shalt  }
0x58: {  	_ =	shalt  }
0x59: {  	_ =	shalt  }
0x5a: {  	_ =	shalt  }
0x5b: {  	_ =	shalt  }
0x5c: {  	_ =	shalt  }
0x5d: {  	_ =	shalt  }
0x5e: {  	_ =	shalt  }
0x5f: {  	_ =	shalt  }
0x60: {  	_ =	shalt  }
0x61: {  	_ =	shalt  }
0x62: {  	_ =	shalt  }
0x63: {  	_ =	shalt  }
0x64: {  	_ =	shalt  }
0x65: {  	_ =	shalt  }
0x66: {  	_ =	shalt  }
0x67: {  	_ =	shalt  }
0x68: {  	_ =	shalt  }
0x69: {  	_ =	shalt  }
0x6a: {  	_ =	shalt  }
0x6b: {  	_ =	shalt  }
0x6c: {  	_ =	shalt  }
0x6d: {  	_ =	shalt  }
0x6e: {  	_ =	shalt  }
0x6f: {  	_ =	shalt  }
0x70: {  	_ =	shalt  }
0x71: {  	_ =	shalt  }
0x72: {  	_ =	shalt  }
0x73: {  	_ =	shalt  }
0x74: {  	_ =	shalt  }
0x75: {  	_ =	shalt  }
0x76: {  	_ =	shalt  }
0x77: {  	_ =	shalt  }
0x78: {  	_ =	shalt  }
0x79: {  	_ =	shalt  }
0x7a: {  	_ =	shalt  }
0x7b: {  	_ =	shalt  }
0x7c: {  	_ =	shalt  }
0x7d: {  	_ =	shalt  }
0x7e: {  	_ =	shalt  }
0x7f: {  	_ =	shalt  }
0x80: {  	_ =	shalt  }
0x81: {  	_ =	shalt  }
0x82: {  	_ =	shalt  }
0x83: {  	_ =	shalt  }
0x84: {  	_ =	shalt  }
0x85: {  	_ =	shalt  }
0x86: {  	_ =	shalt  }
0x87: {  	_ =	shalt  }
.Lfunc_end0:
.L_simem_size_0:
called_computation_lowered:
.L_overlay_start_0:
0x88: {  	s2 =	sld [smem:$0x3FD9]  }
0x89: {  	s3 =	sld [smem:$0x3FFE];
	_ =	sdelay $0x1  }
0x8a: {  	s1 =	srdreg.scid  }
0x8b: {  	s0 =	sand.u32 $0x1, s1  }
0x8c: {  	s17 =	sshll.u32 s0, $0xA;
	s2 =	sadd.s32 s3, s2  }
0x8d: {  	s2 =	sadd.s32 s2, s17  }
0x8e: {  	[smem:$0x3FBE] =	sst s2  }
0x8f: {  	_ = 	snop  }
0x90: {  	s2 =	sld [smem:$0x3FD0];
	(tm) =	ssettm $0x1  }
0x91: {  	s18 =	sld [smem:$0x3FFB];
	_ =	sdelay $0x3  }
0x92: {  	_ =	strace s18  }
0x93: {  	s3 =	sld [smem:$0x3FFC];
	_ =	sdelay $0x3  }
0x94: {  	_ =	strace s3  }
0x95: {  	s3 =	sld [smem:$0x3FFD];
	_ =	sdelay $0x3  }
0x96: {  	_ =	strace s3  }
0x97: {  	_ =	strace $0x8FFFFFFF  }
0x98: {  	s19 =	sld [smem:$0x3FDB];
	_ =	sdelay $0x1  }
0x99: {  	s4 =	simm.s32 $_scs_section_size  }
0x9a: {  	s5 =	simm.s32 $_size__tile_overlayer_lowered;
	s6 =	simm.s32 $_tile_overlayer_lowered  }
0x9b: {  	s22 =	simm.s32 $0x1BFF;
	s21 =	sshll.u32 s6, $0x1;
	s3 =	sadd.s32 s4, s19  }
0x9c: {  	s7 =	simm.s32 $0x0;
	s20 =	sshll.u32 s5, $0x1;
	s5 =	sadd.s32 s21, s3  }
0x9d: {  	[timem:s7], [sflag:s22] =	dma.local [hbm:s5], s20  }
0x9e: {  	_ =	swait.ge [sflag:s22], s20  }
0x9f: {  	s4 =	ssub.s32 $0x0, s20;
	[sflag:s22] =	ssyncset.done $0x0  }
0xa0: {  	[sflag:s22] =	ssyncadd.s32 s4;
	_ =	sdelay $0x1  }
0xa1: {  	s23 =	simm.s32 $0x1B8B  }
0xa2: {  	_ =	swait.ge [sflag:s23], $0x1  }
0xa3: {  	[sflag:s23] =	ssyncset.done $0x0  }
0xa4: {  	s25 =	simm.s32 $0x1B8E;
	s24 =	sld [smem:$0x3FFE];
	[sflag:s23] =	ssyncadd.s32 $0xFFFFFFFF  }
0xa5: {  	s26 =	simm.s32 $execute0_lowered;
	[smem:$0x3FD2] =	sst s25  }
0xa6: {  	s5 =	sshll.u32 s26, $0x1;
	_ =	strace $0x80000046;
	[dreg:$0x1] =	wrdreg $0xFFFFFFFF  }
0xa7: {  	s28 =	simm.s32 $_size_execute0_lowered;
	s3 =	sadd.s32 s3, s5;
	[dreg:$0x0] =	wrdreg $0x0  }
0xa8: {  	s5 =	sshll.u32 s28, $0x1;
	[dreg:$0x2] =	wrdreg s3  }
0xa9: {  	[dreg:$0x3] =	wrdreg s5  }
0xaa: {  	[dreg:$0x4] =	wrdreg $0xC0  }
0xab: {  	_ =	task [dreg:s7], $0x5FFFF  }
0xac: {  	[dreg:$0x1] =	wrdreg $0xFFFFFFFF  }
0xad: {  	[dreg:$0x0] =	wrdreg $0x60  }
0xae: {  	[dreg:$0x2] =	wrdreg s24  }
0xaf: {  	[dreg:$0x3] =	wrdreg s2  }
0xb0: {  	[dreg:$0x4] =	wrdreg $0x0  }
0xb1: {  	[dreg:$0x5] =	wrdreg $0x9  }
0xb2: {  	_ =	task.clear_ibuf [dreg:s7], $0x6FFFF;
	_ =	strace $0x90000046  }
0xb3: {  	s29 =	simm.s32 $0x9;
	_ =	strace $0x80000048  }
0xb4: {  	_ =	swait.ge [sflag:s29], $0x1  }
0xb5: {  	[sflag:s29] =	ssyncadd.s32 $0xFFFFFFFF  }
0xb6: {  	_ =	strace $0x90000048  }
0xb7: {  	_ =	sfence  }
0xb8: {  	s30 =	sld [smem:$0x0];
	_ =	sdelay $0x2  }
0xb9: {  	s31 =	sshll.u32 s1, $0xD;
	s1 =	sshrl.u32 s1, $0x2  }
0xba: {  	s3 =	sand.u32 $0x4000, s31;
	s1 =	sadd.s32 s1, s30  }
0xbb: {  	s0 =	sor.u32 s3, s0;
	s1 =	sshll.u32 s1, $0x11  }
0xbc: {  	s0 =	sor.u32 s1, s0  }
0xbd: {  	s0 =	sadd.s32 $0x8F2B, s0  }
0xbe: {  	[sflag:s0] =	ssyncadd.remote.s32 $0x1  }
0xbf: {  	_ =	sfence.sel $0xFFFF  }
0xc0: {  	[dreg:$0x0] =	wrdreg $0xFFFFFFFF;
	(pc) =	sbr.abs _section_cstart, $3  }
0xc1: {  	[dreg:$0x1] =	wrdreg $0xFFFFFFFF  }
0xc2: {  	_ =	task.clear_ibuf [dreg:s7], $0x2FFFF;
	_ =	strace $0x9FFFFFFF  }
0xc3: {  	(tm) =	ssettm $0x7FFFFFFF  }
tec
execute0_lowered:
.L_overlay_start_1:
0x0: {  	(tag) =	ssettag $0x1  }
0x1: {  	s1 =	rddreg [dreg:$0x0]  }
0x2: {  	s0 =	srdreg.scid;
	s6 =	rddreg [dreg:$0x1]  }
0x3: {  	s13 =	stileid.u32;
	s2 =	rddreg [dreg:$0x2]  }
0x4: {  	s14 =	simm.s32 $0x280;
	s15 =	simm.s32 $0x80;
	s16 =	simm.s32 $0x1680  }
0x5: {  	s17 =	simm.s32 $0x300;
	s18 =	simm.s32 $0x380;
	s19 =	simm.s32 $0x400  }
0x6: {  	s20 =	simm.s32 $0x480;
	s21 =	simm.s32 $0x500;
	s28 =	simm.s32 $0x800  }
0x7: {  	s29 =	simm.s32 $0x880;
	s30 =	simm.s32 $0x900;
	s5 =	smul.u32 $0x280, s13  }
0x8: {  	s31 =	simm.s32 $0x980;
	s0 =	sand.u32 $0x1, s0;
	s11 =	smul.u32 $0x500, s13  }
0x9: {  	s23 =	sshll.u32 s13, $0x6;
	s24 =	sadd.s32 $0x16980, s1;
	s3 =	sshll.u32 s0, $0x4  }
0xa: {  	s8 =	ssub.s32 $0x2, s0;
	s0 =	sshll.u32 s0, $0x7;
	s7 =	sor.u32 s13, s3  }
0xb: {  	s3 =	simm.s32 $0x0;
	s22 =	sshrl.u32 s5, $0x3;
	s9 =	sshrl.u32 s8, $0x1  }
0xc: {  	s12 =	sadd.s32 s5, s2;
	s0 =	sor.u32 s0, s11;
	s5 =	sor.u32 $0x1C02, s23  }
0xd: {  	s13 =	simm.s32 $0x2;
	s23 =	simm.s32 $0x600;
	s4 =	smul.u32 $0x500, s7  }
0xe: {  	[smem:$0x7FF] =	sst s3;
	s9 =	ssub.s32 s8, s9;
	s0 =	sshrl.u32 s0, $0x3  }
0xf: {  	p0 =	seq.s32 s7, $0x1F;
	s12 =	sshrl.u32 s12, $0x3;
	s7 =	simm.s32 $0x1600  }
0x10: {  	_ =	strace $0x80000047;
	[dreg:$0x4] =	wrdreg s24;
	s8 =	sadd.s32 s6, s0  }
0x11: {  	s9 =	smax.u32 s9, $0x1;
	s24 =	simm.s32 $0x680;
	s0 =	simm.s32 $0x1  }
.Ltmp0:
0x12: {  	s10 =	sadd.s32 s4, s1;
	s4 =	sadd.s32 s22, s1;
	(pc) =	sbr.rel .LBB2_1-.Ltmp0, $4  }
0x13: {  	s1 =	sadd.s32 $0x16C40, s1;
	s22 =	simm.s32 $0x580;
	s4 =	sadd.s32 $0x16E00, s4  }
0x14: {  	[dreg:$0x5] =	wrdreg s1;
	s25 =	sadd.s32 $0xCE80, s10;
	s26 =	sadd.s32 $0xD100, s10  }
0x15: {  	s1 =	simm.s32 $0xA00;
	s10 =	simm.s32 $0x0;
	[dreg:$0x6] =	wrdreg s25  }
0x16: {  	v0 =	vimm.f32 $1.000000000e+00;
	[dreg:$0x7] =	wrdreg s26;
	s25 =	simm.s32 $0x700;
	s26 =	simm.s32 $0x780  }
.LBB2_7:
0x17: {  	s11 =	rddreg [dreg:$0x4]  }
0x18: {  	[tilespmem:s14], [sflag:$0x2] =	stream.linear.gather [hbm4b:s11+s3], $0x800, $0x38;
	[tilespmem:$0x1700] =	vst v63  }
0x19: {  	_ =	swait.ge [sflag:s13], $0x800  }
0x1a: {  	[sflag:s13] =	ssyncset.done $0x0  }
0x1b: {  	[sflag:s13] =	ssyncadd.s32 $0xFFFFF800  }
0x1c: {  	[spmem:s2] =	stream.indirect.scatter.add.f32 [tilespmem:s16], [sflag:$0x1], $0x1, s14, s15, $0xb8;
	[tilespmem:$0x1700] =	vst v63  }
0x1d: {  	_ = 	snop  }
0x1e: {  	[spmem:s2] =	stream.indirect.scatter.add.f32 [tilespmem:s16], [sflag:$0x1], $0x1, s17, s15, $0xb8;
	[tilespmem:$0x1700] =	vst v63  }
0x1f: {  	_ = 	snop  }
0x20: {  	[spmem:s2] =	stream.indirect.scatter.add.f32 [tilespmem:s16], [sflag:$0x1], $0x1, s18, s15, $0xb8;
	[tilespmem:$0x1700] =	vst v63  }
0x21: {  	_ = 	snop  }
0x22: {  	[spmem:s2] =	stream.indirect.scatter.add.f32 [tilespmem:s16], [sflag:$0x1], $0x1, s19, s15, $0xb8;
	[tilespmem:$0x1700] =	vst v63  }
0x23: {  	_ = 	snop  }
0x24: {  	[spmem:s2] =	stream.indirect.scatter.add.f32 [tilespmem:s16], [sflag:$0x1], $0x1, s20, s15, $0xb8;
	[tilespmem:$0x1700] =	vst v63  }
0x25: {  	_ = 	snop  }
0x26: {  	[spmem:s2] =	stream.indirect.scatter.add.f32 [tilespmem:s16], [sflag:$0x1], $0x1, s21, s15, $0xb8;
	[tilespmem:$0x1700] =	vst v63  }
0x27: {  	_ = 	snop  }
0x28: {  	[spmem:s2] =	stream.indirect.scatter.add.f32 [tilespmem:s16], [sflag:$0x1], $0x1, s22, s15, $0xb8;
	[tilespmem:$0x1700] =	vst v63  }
0x29: {  	_ = 	snop  }
0x2a: {  	[spmem:s2] =	stream.indirect.scatter.add.f32 [tilespmem:s16], [sflag:$0x1], $0x1, s23, s15, $0xb8;
	[tilespmem:$0x1700] =	vst v63  }
0x2b: {  	_ = 	snop  }
0x2c: {  	[spmem:s2] =	stream.indirect.scatter.add.f32 [tilespmem:s16], [sflag:$0x1], $0x1, s24, s15, $0xb8;
	[tilespmem:$0x1700] =	vst v63  }
0x2d: {  	_ = 	snop  }
0x2e: {  	[spmem:s2] =	stream.indirect.scatter.add.f32 [tilespmem:s16], [sflag:$0x1], $0x1, s25, s15, $0xb8;
	[tilespmem:$0x1700] =	vst v63  }
0x2f: {  	_ = 	snop  }
0x30: {  	[spmem:s2] =	stream.indirect.scatter.add.f32 [tilespmem:s16], [sflag:$0x1], $0x1, s26, s15, $0xb8;
	[tilespmem:$0x1700] =	vst v63  }
0x31: {  	_ = 	snop  }
0x32: {  	[spmem:s2] =	stream.indirect.scatter.add.f32 [tilespmem:s16], [sflag:$0x1], $0x1, s28, s15, $0xb8;
	[tilespmem:$0x1700] =	vst v63  }
0x33: {  	_ = 	snop  }
0x34: {  	[spmem:s2] =	stream.indirect.scatter.add.f32 [tilespmem:s16], [sflag:$0x1], $0x1, s29, s15, $0xb8;
	[tilespmem:$0x1700] =	vst v63  }
0x35: {  	_ = 	snop  }
0x36: {  	[spmem:s2] =	stream.indirect.scatter.add.f32 [tilespmem:s16], [sflag:$0x1], $0x1, s30, s15, $0xb8;
	[tilespmem:$0x1700] =	vst v63  }
0x37: {  	_ = 	snop  }
0x38: {  	[spmem:s2] =	stream.indirect.scatter.add.f32 [tilespmem:s16], [sflag:$0x1], $0x1, s31, s15, $0xb8;
	[tilespmem:$0x1700] =	vst v63  }
0x39: {  	_ = 	snop  }
0x3a: {  	[spmem:s2] =	stream.indirect.scatter.add.f32 [tilespmem:s16], [sflag:$0x1], $0x1, s1, s15, $0xb8;
	[tilespmem:$0x1700] =	vst v63  }
0x3b: {  	_ =	swait.ge [sflag:s0], $0x80  }
0x3c: {  	[sflag:s0] =	ssyncset.done $0x0  }
0x3d: {  	[sflag:s0] =	ssyncadd.s32 $0xFFFFFF80  }
0x3e: {  	_ =	swait.ge [sflag:s0], $0x80  }
0x3f: {  	[sflag:s0] =	ssyncset.done $0x0  }
0x40: {  	[sflag:s0] =	ssyncadd.s32 $0xFFFFFF80  }
0x41: {  	_ =	swait.ge [sflag:s0], $0x80  }
0x42: {  	[sflag:s0] =	ssyncset.done $0x0  }
0x43: {  	[sflag:s0] =	ssyncadd.s32 $0xFFFFFF80  }
0x44: {  	_ =	swait.ge [sflag:s0], $0x80  }
0x45: {  	[sflag:s0] =	ssyncset.done $0x0  }
0x46: {  	[sflag:s0] =	ssyncadd.s32 $0xFFFFFF80  }
0x47: {  	_ =	swait.ge [sflag:s0], $0x80  }
0x48: {  	[sflag:s0] =	ssyncset.done $0x0  }
0x49: {  	[sflag:s0] =	ssyncadd.s32 $0xFFFFFF80  }
0x4a: {  	_ =	swait.ge [sflag:s0], $0x80  }
0x4b: {  	[sflag:s0] =	ssyncset.done $0x0  }
0x4c: {  	[sflag:s0] =	ssyncadd.s32 $0xFFFFFF80  }
0x4d: {  	_ =	swait.ge [sflag:s0], $0x80  }
0x4e: {  	[sflag:s0] =	ssyncset.done $0x0  }
0x4f: {  	[sflag:s0] =	ssyncadd.s32 $0xFFFFFF80  }
0x50: {  	_ =	swait.ge [sflag:s0], $0x80  }
0x51: {  	[sflag:s0] =	ssyncset.done $0x0  }
0x52: {  	[sflag:s0] =	ssyncadd.s32 $0xFFFFFF80  }
0x53: {  	_ =	swait.ge [sflag:s0], $0x80  }
0x54: {  	[sflag:s0] =	ssyncset.done $0x0  }
0x55: {  	[sflag:s0] =	ssyncadd.s32 $0xFFFFFF80  }
0x56: {  	_ =	swait.ge [sflag:s0], $0x80  }
0x57: {  	[sflag:s0] =	ssyncset.done $0x0  }
0x58: {  	[sflag:s0] =	ssyncadd.s32 $0xFFFFFF80  }
0x59: {  	_ =	swait.ge [sflag:s0], $0x80  }
0x5a: {  	[sflag:s0] =	ssyncset.done $0x0  }
0x5b: {  	[sflag:s0] =	ssyncadd.s32 $0xFFFFFF80  }
0x5c: {  	_ =	swait.ge [sflag:s0], $0x80  }
0x5d: {  	[sflag:s0] =	ssyncset.done $0x0  }
0x5e: {  	[sflag:s0] =	ssyncadd.s32 $0xFFFFFF80  }
0x5f: {  	_ =	swait.ge [sflag:s0], $0x80  }
0x60: {  	[sflag:s0] =	ssyncset.done $0x0  }
0x61: {  	[sflag:s0] =	ssyncadd.s32 $0xFFFFFF80  }
0x62: {  	_ =	swait.ge [sflag:s0], $0x80  }
0x63: {  	[sflag:s0] =	ssyncset.done $0x0  }
0x64: {  	[sflag:s0] =	ssyncadd.s32 $0xFFFFFF80  }
0x65: {  	_ =	swait.ge [sflag:s0], $0x80  }
0x66: {  	[sflag:s0] =	ssyncset.done $0x0  }
0x67: {  	[sflag:s0] =	ssyncadd.s32 $0xFFFFFF80  }
0x68: {  	_ =	swait.ge [sflag:s0], $0x80  }
0x69: {  	[sflag:s0] =	ssyncset.done $0x0  }
0x6a: {  	s6 =	rddreg [dreg:$0x5];
	[sflag:s0] =	ssyncadd.s32 $0xFFFFFF80  }
0x6b: {  	[tilespmem:s14], [sflag:$0x2] =	stream.linear.gather [hbm4b:s6+s3], $0x200, $0x38;
	[tilespmem:$0x1700] =	vst v63  }
0x6c: {  	_ =	swait.ge [sflag:s13], $0x200  }
0x6d: {  	[sflag:s13] =	ssyncset.done $0x0  }
0x6e: {  	[sflag:s13] =	ssyncadd.s32 $0xFFFFFE00  }
0x6f: {  	[spmem:s2] =	stream.indirect.scatter.add.f32 [tilespmem:s16], [sflag:$0x1], $0x1, s14, s15, $0xb8;
	[tilespmem:$0x1700] =	vst v63  }
0x70: {  	_ = 	snop  }
0x71: {  	[spmem:s2] =	stream.indirect.scatter.add.f32 [tilespmem:s16], [sflag:$0x1], $0x1, s17, s15, $0xb8;
	[tilespmem:$0x1700] =	vst v63  }
0x72: {  	_ = 	snop  }
0x73: {  	[spmem:s2] =	stream.indirect.scatter.add.f32 [tilespmem:s16], [sflag:$0x1], $0x1, s18, s15, $0xb8;
	[tilespmem:$0x1700] =	vst v63  }
0x74: {  	_ = 	snop  }
0x75: {  	[spmem:s2] =	stream.indirect.scatter.add.f32 [tilespmem:s16], [sflag:$0x1], $0x1, s19, s15, $0xb8;
	[tilespmem:$0x1700] =	vst v63  }
0x76: {  	_ =	swait.ge [sflag:s0], $0x80  }
0x77: {  	[sflag:s0] =	ssyncset.done $0x0  }
0x78: {  	[sflag:s0] =	ssyncadd.s32 $0xFFFFFF80  }
0x79: {  	_ =	swait.ge [sflag:s0], $0x80  }
0x7a: {  	[sflag:s0] =	ssyncset.done $0x0  }
0x7b: {  	[sflag:s0] =	ssyncadd.s32 $0xFFFFFF80  }
0x7c: {  	_ =	swait.ge [sflag:s0], $0x80  }
0x7d: {  	[sflag:s0] =	ssyncset.done $0x0  }
0x7e: {  	[sflag:s0] =	ssyncadd.s32 $0xFFFFFF80  }
0x7f: {  	_ =	swait.ge [sflag:s0], $0x80  }
0x80: {  	[sflag:s0] =	ssyncset.done $0x0  }
0x81: {  	[sflag:s0] =	ssyncadd.s32 $0xFFFFFF80  }
.LBB2_8:
0x82: {  	s10 =	sadd.s32 $0x1, s10  }
0x83: {  	[bflag:$0x0] =	sbarrier.arrive $0xFFFF;
	p1 =	sne.s32 s10, s9  }
.Ltmp1:
0x84: {  	s11 =	simm.s32 $0x20;
	s6 =	simm.s32 $0x10;
	(pc) =	sbr.rel @!p1 .LBB2_9-.Ltmp1, $4  }
0x85: {  	[hbm:s8@s11], [sflag:s5] =	dma.strided [spmem:s12@s6], $0x50, s0, $0x10   }
0x86: {  	_ =	swait.ge [sflag:s13], $0x50  }
0x87: {  	[sflag:s13] =	ssyncset.done $0x0  }
0x88: {  	[sflag:s13] =	ssyncadd.s32 $0xFFFFFFB0  }
.LBB2_1:
0x89: {  	[spmem:s12], [sflag:s5] =	dma.local [hbm:s4], $0x50  }
0x8a: {  	_ =	swait.ge [sflag:s13], $0x50  }
0x8b: {  	[sflag:s13] =	ssyncset.done $0x0  }
0x8c: {  	[sflag:s13] =	ssyncadd.s32 $0xFFFFFFB0  }
0x8d: {  	[tilespmem:$0x1680] =	vst v0  }
0x8e: {  	[tilespmem:$0x1690] =	vst v0  }
0x8f: {  	[tilespmem:$0x16A0] =	vst v0  }
0x90: {  	[tilespmem:$0x16B0] =	vst v0  }
0x91: {  	[tilespmem:$0x16C0] =	vst v0  }
.Ltmp2:
0x92: {  	[tilespmem:$0x16D0] =	vst v0;
	(pc) =	sbr.rel @p0 .LBB2_7-.Ltmp2, $3  }
0x93: {  	[tilespmem:$0x16E0] =	vst v0  }
0x94: {  	[tilespmem:$0x16F0] =	vst v0  }
0x95: {  	[bflag:$0x0] =	sbarrier.arrive $0xFFFF;
	_ =	sdelay $0x1  }
0x96: {  	s11 =	rddreg [dreg:$0x6]  }
0x97: {  	[tilespmem:s14], [sflag:$0x2] =	stream.linear.gather [hbm4b:s11+s3], $0x1400, $0x38;
	[tilespmem:$0x1700] =	vst v63  }
0x98: {  	_ =	swait.ge [sflag:s13], $0x1400  }
0x99: {  	[sflag:s13] =	ssyncset.done $0x0  }
0x9a: {  	[sflag:s13] =	ssyncadd.s32 $0xFFFFEC00  }
0x9b: {  	[spmem:s2] =	stream.indirect.scatter.add.f32 [tilespmem:s16], [sflag:$0x1], $0x1, s14, s15, $0xb8;
	[tilespmem:$0x1700] =	vst v63  }
0x9c: {  	_ = 	snop  }
0x9d: {  	[spmem:s2] =	stream.indirect.scatter.add.f32 [tilespmem:s16], [sflag:$0x1], $0x1, s17, s15, $0xb8;
	[tilespmem:$0x1700] =	vst v63  }
0x9e: {  	_ = 	snop  }
0x9f: {  	[spmem:s2] =	stream.indirect.scatter.add.f32 [tilespmem:s16], [sflag:$0x1], $0x1, s18, s15, $0xb8;
	[tilespmem:$0x1700] =	vst v63  }
0xa0: {  	_ = 	snop  }
0xa1: {  	[spmem:s2] =	stream.indirect.scatter.add.f32 [tilespmem:s16], [sflag:$0x1], $0x1, s19, s15, $0xb8;
	[tilespmem:$0x1700] =	vst v63  }
0xa2: {  	_ = 	snop  }
0xa3: {  	[spmem:s2] =	stream.indirect.scatter.add.f32 [tilespmem:s16], [sflag:$0x1], $0x1, s20, s15, $0xb8;
	[tilespmem:$0x1700] =	vst v63  }
0xa4: {  	_ = 	snop  }
0xa5: {  	[spmem:s2] =	stream.indirect.scatter.add.f32 [tilespmem:s16], [sflag:$0x1], $0x1, s21, s15, $0xb8;
	[tilespmem:$0x1700] =	vst v63  }
0xa6: {  	_ = 	snop  }
0xa7: {  	[spmem:s2] =	stream.indirect.scatter.add.f32 [tilespmem:s16], [sflag:$0x1], $0x1, s22, s15, $0xb8;
	[tilespmem:$0x1700] =	vst v63  }
0xa8: {  	_ = 	snop  }
0xa9: {  	[spmem:s2] =	stream.indirect.scatter.add.f32 [tilespmem:s16], [sflag:$0x1], $0x1, s23, s15, $0xb8;
	[tilespmem:$0x1700] =	vst v63  }
0xaa: {  	_ = 	snop  }
0xab: {  	[spmem:s2] =	stream.indirect.scatter.add.f32 [tilespmem:s16], [sflag:$0x1], $0x1, s24, s15, $0xb8;
	[tilespmem:$0x1700] =	vst v63  }
0xac: {  	_ = 	snop  }
0xad: {  	[spmem:s2] =	stream.indirect.scatter.add.f32 [tilespmem:s16], [sflag:$0x1], $0x1, s25, s15, $0xb8;
	[tilespmem:$0x1700] =	vst v63  }
0xae: {  	_ = 	snop  }
0xaf: {  	[spmem:s2] =	stream.indirect.scatter.add.f32 [tilespmem:s16], [sflag:$0x1], $0x1, s26, s15, $0xb8;
	[tilespmem:$0x1700] =	vst v63  }
0xb0: {  	_ = 	snop  }
0xb1: {  	[spmem:s2] =	stream.indirect.scatter.add.f32 [tilespmem:s16], [sflag:$0x1], $0x1, s28, s15, $0xb8;
	[tilespmem:$0x1700] =	vst v63  }
0xb2: {  	_ = 	snop  }
0xb3: {  	[spmem:s2] =	stream.indirect.scatter.add.f32 [tilespmem:s16], [sflag:$0x1], $0x1, s29, s15, $0xb8;
	[tilespmem:$0x1700] =	vst v63  }
0xb4: {  	_ = 	snop  }
0xb5: {  	[spmem:s2] =	stream.indirect.scatter.add.f32 [tilespmem:s16], [sflag:$0x1], $0x1, s30, s15, $0xb8;
	[tilespmem:$0x1700] =	vst v63  }
0xb6: {  	_ = 	snop  }
0xb7: {  	[spmem:s2] =	stream.indirect.scatter.add.f32 [tilespmem:s16], [sflag:$0x1], $0x1, s31, s15, $0xb8;
	[tilespmem:$0x1700] =	vst v63  }
0xb8: {  	_ = 	snop  }
0xb9: {  	[spmem:s2] =	stream.indirect.scatter.add.f32 [tilespmem:s16], [sflag:$0x1], $0x1, s1, s15, $0xb8;
	[tilespmem:$0x1700] =	vst v63  }
0xba: {  	s6 =	simm.s32 $0xA80  }
0xbb: {  	[spmem:s2] =	stream.indirect.scatter.add.f32 [tilespmem:s16], [sflag:$0x1], $0x1, s6, s15, $0xb8;
	[tilespmem:$0x1700] =	vst v63  }
0xbc: {  	s11 =	simm.s32 $0xB00  }
0xbd: {  	[spmem:s2] =	stream.indirect.scatter.add.f32 [tilespmem:s16], [sflag:$0x1], $0x1, s11, s15, $0xb8;
	[tilespmem:$0x1700] =	vst v63  }
0xbe: {  	s11 =	simm.s32 $0xB80  }
0xbf: {  	[spmem:s2] =	stream.indirect.scatter.add.f32 [tilespmem:s16], [sflag:$0x1], $0x1, s11, s15, $0xb8;
	[tilespmem:$0x1700] =	vst v63  }
0xc0: {  	s11 =	simm.s32 $0xC00  }
0xc1: {  	[spmem:s2] =	stream.indirect.scatter.add.f32 [tilespmem:s16], [sflag:$0x1], $0x1, s11, s15, $0xb8;
	[tilespmem:$0x1700] =	vst v63  }
0xc2: {  	s11 =	simm.s32 $0xC80  }
0xc3: {  	[spmem:s2] =	stream.indirect.scatter.add.f32 [tilespmem:s16], [sflag:$0x1], $0x1, s11, s15, $0xb8;
	[tilespmem:$0x1700] =	vst v63  }
0xc4: {  	s11 =	simm.s32 $0xD00  }
0xc5: {  	[spmem:s2] =	stream.indirect.scatter.add.f32 [tilespmem:s16], [sflag:$0x1], $0x1, s11, s15, $0xb8;
	[tilespmem:$0x1700] =	vst v63  }
0xc6: {  	s11 =	simm.s32 $0xD80  }
0xc7: {  	[spmem:s2] =	stream.indirect.scatter.add.f32 [tilespmem:s16], [sflag:$0x1], $0x1, s11, s15, $0xb8;
	[tilespmem:$0x1700] =	vst v63  }
0xc8: {  	s11 =	simm.s32 $0xE00  }
0xc9: {  	[spmem:s2] =	stream.indirect.scatter.add.f32 [tilespmem:s16], [sflag:$0x1], $0x1, s11, s15, $0xb8;
	[tilespmem:$0x1700] =	vst v63  }
0xca: {  	s11 =	simm.s32 $0xE80  }
0xcb: {  	[spmem:s2] =	stream.indirect.scatter.add.f32 [tilespmem:s16], [sflag:$0x1], $0x1, s11, s15, $0xb8;
	[tilespmem:$0x1700] =	vst v63  }
0xcc: {  	s11 =	simm.s32 $0xF00  }
0xcd: {  	[spmem:s2] =	stream.indirect.scatter.add.f32 [tilespmem:s16], [sflag:$0x1], $0x1, s11, s15, $0xb8;
	[tilespmem:$0x1700] =	vst v63  }
0xce: {  	s11 =	simm.s32 $0xF80  }
0xcf: {  	[spmem:s2] =	stream.indirect.scatter.add.f32 [tilespmem:s16], [sflag:$0x1], $0x1, s11, s15, $0xb8;
	[tilespmem:$0x1700] =	vst v63  }
0xd0: {  	s11 =	simm.s32 $0x1000  }
0xd1: {  	[spmem:s2] =	stream.indirect.scatter.add.f32 [tilespmem:s16], [sflag:$0x1], $0x1, s11, s15, $0xb8;
	[tilespmem:$0x1700] =	vst v63  }
0xd2: {  	s11 =	simm.s32 $0x1080  }
0xd3: {  	[spmem:s2] =	stream.indirect.scatter.add.f32 [tilespmem:s16], [sflag:$0x1], $0x1, s11, s15, $0xb8;
	[tilespmem:$0x1700] =	vst v63  }
0xd4: {  	s11 =	simm.s32 $0x1100  }
0xd5: {  	[spmem:s2] =	stream.indirect.scatter.add.f32 [tilespmem:s16], [sflag:$0x1], $0x1, s11, s15, $0xb8;
	[tilespmem:$0x1700] =	vst v63  }
0xd6: {  	s11 =	simm.s32 $0x1180  }
0xd7: {  	[spmem:s2] =	stream.indirect.scatter.add.f32 [tilespmem:s16], [sflag:$0x1], $0x1, s11, s15, $0xb8;
	[tilespmem:$0x1700] =	vst v63  }
0xd8: {  	s11 =	simm.s32 $0x1200  }
0xd9: {  	[spmem:s2] =	stream.indirect.scatter.add.f32 [tilespmem:s16], [sflag:$0x1], $0x1, s11, s15, $0xb8;
	[tilespmem:$0x1700] =	vst v63  }
0xda: {  	s11 =	simm.s32 $0x1280  }
0xdb: {  	[spmem:s2] =	stream.indirect.scatter.add.f32 [tilespmem:s16], [sflag:$0x1], $0x1, s11, s15, $0xb8;
	[tilespmem:$0x1700] =	vst v63  }
0xdc: {  	s11 =	simm.s32 $0x1300  }
0xdd: {  	[spmem:s2] =	stream.indirect.scatter.add.f32 [tilespmem:s16], [sflag:$0x1], $0x1, s11, s15, $0xb8;
	[tilespmem:$0x1700] =	vst v63  }
0xde: {  	s11 =	simm.s32 $0x1380  }
0xdf: {  	[spmem:s2] =	stream.indirect.scatter.add.f32 [tilespmem:s16], [sflag:$0x1], $0x1, s11, s15, $0xb8;
	[tilespmem:$0x1700] =	vst v63  }
0xe0: {  	s11 =	simm.s32 $0x1400  }
0xe1: {  	[spmem:s2] =	stream.indirect.scatter.add.f32 [tilespmem:s16], [sflag:$0x1], $0x1, s11, s15, $0xb8;
	[tilespmem:$0x1700] =	vst v63  }
0xe2: {  	s11 =	simm.s32 $0x1480  }
0xe3: {  	[spmem:s2] =	stream.indirect.scatter.add.f32 [tilespmem:s16], [sflag:$0x1], $0x1, s11, s15, $0xb8;
	[tilespmem:$0x1700] =	vst v63  }
0xe4: {  	s11 =	simm.s32 $0x1500  }
0xe5: {  	[spmem:s2] =	stream.indirect.scatter.add.f32 [tilespmem:s16], [sflag:$0x1], $0x1, s11, s15, $0xb8;
	[tilespmem:$0x1700] =	vst v63  }
0xe6: {  	s11 =	simm.s32 $0x1580  }
0xe7: {  	[spmem:s2] =	stream.indirect.scatter.add.f32 [tilespmem:s16], [sflag:$0x1], $0x1, s11, s15, $0xb8;
	[tilespmem:$0x1700] =	vst v63  }
0xe8: {  	_ = 	snop  }
0xe9: {  	[spmem:s2] =	stream.indirect.scatter.add.f32 [tilespmem:s16], [sflag:$0x1], $0x1, s7, s15, $0xb8;
	[tilespmem:$0x1700] =	vst v63  }
0xea: {  	_ =	swait.ge [sflag:s0], $0x80  }
0xeb: {  	s11 =	simm.s32 $0x27;
	[sflag:s0] =	ssyncset.done $0x0  }
.LBB2_3:
0xec: {  	p1 =	sne.s32 s11, $0x1;
	s11 =	sadd.s32 $0xFFFFFFFF, s11;
	[sflag:s0] =	ssyncadd.s32 $0xFFFFFF80  }
.Ltmp3:
0xed: {  	(pc) =	sbr.rel @p1 .LBB2_3-.Ltmp3, $3  }
0xee: {  	_ =	sdelay $0x1  }
0xef: {  	_ =	swait.ge [sflag:s0], $0x80  }
0xf0: {  	[sflag:s0] =	ssyncset.done $0x0  }
0xf1: {  	[sflag:s0] =	ssyncadd.s32 $0xFFFFFF80;
	s11 =	rddreg [dreg:$0x7]  }
0xf2: {  	[tilespmem:s14], [sflag:$0x2] =	stream.linear.gather [hbm4b:s11+s3], $0x1400, $0x38;
	[tilespmem:$0x1700] =	vst v63  }
0xf3: {  	_ =	swait.ge [sflag:s13], $0x1400  }
0xf4: {  	[sflag:s13] =	ssyncset.done $0x0  }
0xf5: {  	[sflag:s13] =	ssyncadd.s32 $0xFFFFEC00  }
0xf6: {  	[spmem:s2] =	stream.indirect.scatter.add.f32 [tilespmem:s16], [sflag:$0x1], $0x1, s14, s15, $0xb8;
	[tilespmem:$0x1700] =	vst v63  }
0xf7: {  	_ = 	snop  }
0xf8: {  	[spmem:s2] =	stream.indirect.scatter.add.f32 [tilespmem:s16], [sflag:$0x1], $0x1, s17, s15, $0xb8;
	[tilespmem:$0x1700] =	vst v63  }
0xf9: {  	_ = 	snop  }
0xfa: {  	[spmem:s2] =	stream.indirect.scatter.add.f32 [tilespmem:s16], [sflag:$0x1], $0x1, s18, s15, $0xb8;
	[tilespmem:$0x1700] =	vst v63  }
0xfb: {  	_ = 	snop  }
0xfc: {  	[spmem:s2] =	stream.indirect.scatter.add.f32 [tilespmem:s16], [sflag:$0x1], $0x1, s19, s15, $0xb8;
	[tilespmem:$0x1700] =	vst v63  }
0xfd: {  	_ = 	snop  }
0xfe: {  	[spmem:s2] =	stream.indirect.scatter.add.f32 [tilespmem:s16], [sflag:$0x1], $0x1, s20, s15, $0xb8;
	[tilespmem:$0x1700] =	vst v63  }
0xff: {  	_ = 	snop  }
0x100: {  	[spmem:s2] =	stream.indirect.scatter.add.f32 [tilespmem:s16], [sflag:$0x1], $0x1, s21, s15, $0xb8;
	[tilespmem:$0x1700] =	vst v63  }
0x101: {  	_ = 	snop  }
0x102: {  	[spmem:s2] =	stream.indirect.scatter.add.f32 [tilespmem:s16], [sflag:$0x1], $0x1, s22, s15, $0xb8;
	[tilespmem:$0x1700] =	vst v63  }
0x103: {  	_ = 	snop  }
0x104: {  	[spmem:s2] =	stream.indirect.scatter.add.f32 [tilespmem:s16], [sflag:$0x1], $0x1, s23, s15, $0xb8;
	[tilespmem:$0x1700] =	vst v63  }
0x105: {  	_ = 	snop  }
0x106: {  	[spmem:s2] =	stream.indirect.scatter.add.f32 [tilespmem:s16], [sflag:$0x1], $0x1, s24, s15, $0xb8;
	[tilespmem:$0x1700] =	vst v63  }
0x107: {  	_ = 	snop  }
0x108: {  	[spmem:s2] =	stream.indirect.scatter.add.f32 [tilespmem:s16], [sflag:$0x1], $0x1, s25, s15, $0xb8;
	[tilespmem:$0x1700] =	vst v63  }
0x109: {  	_ = 	snop  }
0x10a: {  	[spmem:s2] =	stream.indirect.scatter.add.f32 [tilespmem:s16], [sflag:$0x1], $0x1, s26, s15, $0xb8;
	[tilespmem:$0x1700] =	vst v63  }
0x10b: {  	_ = 	snop  }
0x10c: {  	[spmem:s2] =	stream.indirect.scatter.add.f32 [tilespmem:s16], [sflag:$0x1], $0x1, s28, s15, $0xb8;
	[tilespmem:$0x1700] =	vst v63  }
0x10d: {  	_ = 	snop  }
0x10e: {  	[spmem:s2] =	stream.indirect.scatter.add.f32 [tilespmem:s16], [sflag:$0x1], $0x1, s29, s15, $0xb8;
	[tilespmem:$0x1700] =	vst v63  }
0x10f: {  	_ = 	snop  }
0x110: {  	[spmem:s2] =	stream.indirect.scatter.add.f32 [tilespmem:s16], [sflag:$0x1], $0x1, s30, s15, $0xb8;
	[tilespmem:$0x1700] =	vst v63  }
0x111: {  	_ = 	snop  }
0x112: {  	[spmem:s2] =	stream.indirect.scatter.add.f32 [tilespmem:s16], [sflag:$0x1], $0x1, s31, s15, $0xb8;
	[tilespmem:$0x1700] =	vst v63  }
0x113: {  	_ = 	snop  }
0x114: {  	[spmem:s2] =	stream.indirect.scatter.add.f32 [tilespmem:s16], [sflag:$0x1], $0x1, s1, s15, $0xb8;
	[tilespmem:$0x1700] =	vst v63  }
0x115: {  	s6 =	simm.s32 $0xA80  }
0x116: {  	[spmem:s2] =	stream.indirect.scatter.add.f32 [tilespmem:s16], [sflag:$0x1], $0x1, s6, s15, $0xb8;
	[tilespmem:$0x1700] =	vst v63  }
0x117: {  	s11 =	simm.s32 $0xB00  }
0x118: {  	[spmem:s2] =	stream.indirect.scatter.add.f32 [tilespmem:s16], [sflag:$0x1], $0x1, s11, s15, $0xb8;
	[tilespmem:$0x1700] =	vst v63  }
0x119: {  	s11 =	simm.s32 $0xB80  }
0x11a: {  	[spmem:s2] =	stream.indirect.scatter.add.f32 [tilespmem:s16], [sflag:$0x1], $0x1, s11, s15, $0xb8;
	[tilespmem:$0x1700] =	vst v63  }
0x11b: {  	s11 =	simm.s32 $0xC00  }
0x11c: {  	[spmem:s2] =	stream.indirect.scatter.add.f32 [tilespmem:s16], [sflag:$0x1], $0x1, s11, s15, $0xb8;
	[tilespmem:$0x1700] =	vst v63  }
0x11d: {  	s11 =	simm.s32 $0xC80  }
0x11e: {  	[spmem:s2] =	stream.indirect.scatter.add.f32 [tilespmem:s16], [sflag:$0x1], $0x1, s11, s15, $0xb8;
	[tilespmem:$0x1700] =	vst v63  }
0x11f: {  	s11 =	simm.s32 $0xD00  }
0x120: {  	[spmem:s2] =	stream.indirect.scatter.add.f32 [tilespmem:s16], [sflag:$0x1], $0x1, s11, s15, $0xb8;
	[tilespmem:$0x1700] =	vst v63  }
0x121: {  	s11 =	simm.s32 $0xD80  }
0x122: {  	[spmem:s2] =	stream.indirect.scatter.add.f32 [tilespmem:s16], [sflag:$0x1], $0x1, s11, s15, $0xb8;
	[tilespmem:$0x1700] =	vst v63  }
0x123: {  	s11 =	simm.s32 $0xE00  }
0x124: {  	[spmem:s2] =	stream.indirect.scatter.add.f32 [tilespmem:s16], [sflag:$0x1], $0x1, s11, s15, $0xb8;
	[tilespmem:$0x1700] =	vst v63  }
0x125: {  	s11 =	simm.s32 $0xE80  }
0x126: {  	[spmem:s2] =	stream.indirect.scatter.add.f32 [tilespmem:s16], [sflag:$0x1], $0x1, s11, s15, $0xb8;
	[tilespmem:$0x1700] =	vst v63  }
0x127: {  	s11 =	simm.s32 $0xF00  }
0x128: {  	[spmem:s2] =	stream.indirect.scatter.add.f32 [tilespmem:s16], [sflag:$0x1], $0x1, s11, s15, $0xb8;
	[tilespmem:$0x1700] =	vst v63  }
0x129: {  	s11 =	simm.s32 $0xF80  }
0x12a: {  	[spmem:s2] =	stream.indirect.scatter.add.f32 [tilespmem:s16], [sflag:$0x1], $0x1, s11, s15, $0xb8;
	[tilespmem:$0x1700] =	vst v63  }
0x12b: {  	s11 =	simm.s32 $0x1000  }
0x12c: {  	[spmem:s2] =	stream.indirect.scatter.add.f32 [tilespmem:s16], [sflag:$0x1], $0x1, s11, s15, $0xb8;
	[tilespmem:$0x1700] =	vst v63  }
0x12d: {  	s11 =	simm.s32 $0x1080  }
0x12e: {  	[spmem:s2] =	stream.indirect.scatter.add.f32 [tilespmem:s16], [sflag:$0x1], $0x1, s11, s15, $0xb8;
	[tilespmem:$0x1700] =	vst v63  }
0x12f: {  	s11 =	simm.s32 $0x1100  }
0x130: {  	[spmem:s2] =	stream.indirect.scatter.add.f32 [tilespmem:s16], [sflag:$0x1], $0x1, s11, s15, $0xb8;
	[tilespmem:$0x1700] =	vst v63  }
0x131: {  	s11 =	simm.s32 $0x1180  }
0x132: {  	[spmem:s2] =	stream.indirect.scatter.add.f32 [tilespmem:s16], [sflag:$0x1], $0x1, s11, s15, $0xb8;
	[tilespmem:$0x1700] =	vst v63  }
0x133: {  	s11 =	simm.s32 $0x1200  }
0x134: {  	[spmem:s2] =	stream.indirect.scatter.add.f32 [tilespmem:s16], [sflag:$0x1], $0x1, s11, s15, $0xb8;
	[tilespmem:$0x1700] =	vst v63  }
0x135: {  	s11 =	simm.s32 $0x1280  }
0x136: {  	[spmem:s2] =	stream.indirect.scatter.add.f32 [tilespmem:s16], [sflag:$0x1], $0x1, s11, s15, $0xb8;
	[tilespmem:$0x1700] =	vst v63  }
0x137: {  	s11 =	simm.s32 $0x1300  }
0x138: {  	[spmem:s2] =	stream.indirect.scatter.add.f32 [tilespmem:s16], [sflag:$0x1], $0x1, s11, s15, $0xb8;
	[tilespmem:$0x1700] =	vst v63  }
0x139: {  	s11 =	simm.s32 $0x1380  }
0x13a: {  	[spmem:s2] =	stream.indirect.scatter.add.f32 [tilespmem:s16], [sflag:$0x1], $0x1, s11, s15, $0xb8;
	[tilespmem:$0x1700] =	vst v63  }
0x13b: {  	s11 =	simm.s32 $0x1400  }
0x13c: {  	[spmem:s2] =	stream.indirect.scatter.add.f32 [tilespmem:s16], [sflag:$0x1], $0x1, s11, s15, $0xb8;
	[tilespmem:$0x1700] =	vst v63  }
0x13d: {  	s11 =	simm.s32 $0x1480  }
0x13e: {  	[spmem:s2] =	stream.indirect.scatter.add.f32 [tilespmem:s16], [sflag:$0x1], $0x1, s11, s15, $0xb8;
	[tilespmem:$0x1700] =	vst v63  }
0x13f: {  	s11 =	simm.s32 $0x1500  }
0x140: {  	[spmem:s2] =	stream.indirect.scatter.add.f32 [tilespmem:s16], [sflag:$0x1], $0x1, s11, s15, $0xb8;
	[tilespmem:$0x1700] =	vst v63  }
0x141: {  	s11 =	simm.s32 $0x1580  }
0x142: {  	[spmem:s2] =	stream.indirect.scatter.add.f32 [tilespmem:s16], [sflag:$0x1], $0x1, s11, s15, $0xb8;
	[tilespmem:$0x1700] =	vst v63  }
0x143: {  	_ = 	snop  }
0x144: {  	[spmem:s2] =	stream.indirect.scatter.add.f32 [tilespmem:s16], [sflag:$0x1], $0x1, s7, s15, $0xb8;
	[tilespmem:$0x1700] =	vst v63  }
0x145: {  	_ =	swait.ge [sflag:s0], $0x80  }
0x146: {  	s11 =	simm.s32 $0x27;
	[sflag:s0] =	ssyncset.done $0x0  }
.LBB2_5:
0x147: {  	p1 =	seq.s32 s11, $0x1;
	s11 =	sadd.s32 $0xFFFFFFFF, s11;
	[sflag:s0] =	ssyncadd.s32 $0xFFFFFF80  }
.Ltmp4:
0x148: {  	(pc) =	sbr.rel @!p1 .LBB2_5-.Ltmp4, $3  }
0x149: {  	_ =	sdelay $0x1  }
0x14a: {  	_ =	swait.ge [sflag:s0], $0x80  }
0x14b: {  	[sflag:s0] =	ssyncset.done $0x0  }
.Ltmp5:
0x14c: {  	(pc) =	sbr.rel .LBB2_8-.Ltmp5, $2  }
0x14d: {  	_ =	sdelay $0x2  }
0x14e: {  	[sflag:s0] =	ssyncadd.s32 $0xFFFFFF80  }
.LBB2_9:
0x14f: {  	_ =	sfence.sel $0x180000  }
0x150: {  	[bflag:$0x0] =	sbarrier.arrive $0xFFFF  }
0x151: {  	_ =	strace $0x90000047  }
0x152: {  	s0 =	stileid.u32;
	[bflag:$0x2] =	sbarrier.arrive $0xFFFF  }
0x153: {  	p0 =	sne.s32 s0, $0x0;
	s0 =	rddreg [dreg:$0x3]  }
0x154: {  	s0 =	sadd.s32 @!p0 $0x100000, s0  }
0x155: {  	[sflag:s0] =	ssyncadd.tile.s32 @!p0 $0x1;
	_ =	shalt  }
.Lfunc_end2:
_tile_overlayer_lowered:
.L_overlay_start_2:
0x156: {  	(tag) =	ssettag $0x2  }
0x157: {  	s0 =	rddreg [dreg:$0x0];
	s2 =	stileid.u32  }
0x158: {  	s1 =	rddreg [dreg:$0x1];
	p0 =	sne.s32 s2, $0x0  }
0x159: {  	s3 =	rddreg [dreg:$0x2];
	[bflag:$0x3] =	sbarrier.arrive $0xFFFF;
	s2 =	simm.s32 @!p0 $0x1C02  }
0x15a: {  	[timem:s3], [sflag:s2] =	dma.local @!p0 [hbm:s0], s1  }
0x15b: {  	s0 =	simm.s32 @!p0 $0x2  }
0x15c: {  	_ =	swait.ge @!p0 [sflag:s0], s1  }
0x15d: {  	s1 =	ssub.s32 @!p0 $0x0, s1;
	[sflag:s0] =	ssyncset.done @!p0 $0x0  }
0x15e: {  	[sflag:s0] =	ssyncadd.s32 @!p0 s1  }
0x15f: {  	[bflag:$0x3] =	sbarrier.arrive $0xFFFF  }
0x160: {  	_ =	shalt  }

</sc_bundles>
